<compile_context>
chip_gen: v7x
topology: tpu7x:2x2x1
jax: 0.10.2.dev20260603
libtpu: 0.0.44.dev20260713+nightly
codegen_flags: <defaults>
</compile_context>

<pallas_src>
import jax
import jax.numpy as jnp
from jax import lax
from jax.experimental import pallas as pl
from jax.experimental.pallas import tpu as pltpu
from jax.experimental.pallas import tpu_sc as plsc

_N = 10000
_NP = 10240
_E = 320000
_D = 128
_C = 16
_G = 16

_NC = 2
_NS = 16
_NW = _NC * _NS
_L = 16

_EA = 19968
_EAT = _EA + 128
_EREM = _NS * _EA
_EB = _EA // 2
_EV = 625
_NPT = _NP // _NS
_SLOTS = 648
_ROWS = _SLOTS // 8
_COEFF = _G * _NP
_PIPE = 8

_mesh = plsc.VectorSubcoreMesh(
    core_axis_name="c", subcore_axis_name="s", num_cores=_NC, num_subcores=_NS
)
_sc_params = pltpu.CompilerParams(
    needs_layout_passes=False, use_tc_tiling_on_sc=True
)


def _rsqrt16(x):
    magic = jnp.full((_L,), 0x5F3759DF, jnp.int32)
    y = plsc.bitcast(magic - (plsc.bitcast(x, jnp.int32) >> 1), jnp.float32)
    for _ in range(3):
        y = y * (1.5 - 0.5 * x * y * y)
    return y


def _gcn_body(ei_hbm, w_hbm, batch_hbm, out_hbm,
              dstv, wv, srcv, pb, dinv_t, dinv_v, batch_t, idx_st, val_st,
              degv, dinv_sp, coeff_sp, sem_in, sem_sc):
    c = lax.axis_index("c")
    s = lax.axis_index("s")
    wid = c * _NS + s
    abase = s * _EA
    rem = _EREM + jnp.minimum(s, _NS // 4 - 1) * 128
    nbase = s * _NPT
    bbase = c * _EB
    rbase = _EA + c * 64

    cps = [
        pltpu.async_copy(ei_hbm.at[1, pl.ds(abase, _EA)],
                         dstv.at[pl.ds(0, _EA)], sem_in),
        pltpu.async_copy(w_hbm.at[pl.ds(abase, _EA)],
                         wv.at[pl.ds(0, _EA)], sem_in),
        pltpu.async_copy(ei_hbm.at[1, pl.ds(rem, 128)],
                         dstv.at[pl.ds(_EA, 128)], sem_in),
        pltpu.async_copy(w_hbm.at[pl.ds(rem, 128)],
                         wv.at[pl.ds(_EA, 128)], sem_in),
        pltpu.async_copy(ei_hbm.at[0, pl.ds(abase + bbase, _EB)],
                         srcv.at[pl.ds(0, _EB)], sem_in),
        pltpu.async_copy(ei_hbm.at[0, pl.ds(rem, 128)],
                         srcv.at[pl.ds(_EB, 128)], sem_in),
        pltpu.async_copy(
            batch_hbm.at[pl.ds(jnp.minimum(nbase, _N - _NPT), _NPT)],
            batch_t, sem_in),
    ]
    bshift = nbase - jnp.minimum(nbase, _N - _NPT)

    zeros = jnp.zeros((_L,), jnp.float32)

    def zb(i, carry):
        for u in range(8):
            degv[pl.ds(i * 128 + u * _L, _L)] = zeros
        return carry

    lax.fori_loop(0, _NP // 128, zb, 0)
    for cp in cps[:4]:
        cp.wait()

    tmask = jnp.where(s < _NS // 4, 1.0, 0.0)
    for u in range(128 // _L):
        off = _EA + u * _L
        wv[pl.ds(off, _L)] = wv[pl.ds(off, _L)] * tmask

    def eb(i, carry):
        for u in range(8):
            off = i * 128 + u * _L
            d = dstv[pl.ds(off, _L)]
            w16 = wv[pl.ds(off, _L)]
            plsc.addupdate_scatter(degv, [d], w16)
        return carry

    lax.fori_loop(0, _EAT // 128, eb, 0)
    pltpu.sync_copy(degv, coeff_sp.at[pl.ds(s * _NP, _NP)])

    lax.fori_loop(0, _NP // 128, zb, 0)
    plsc.subcore_barrier()

    pbs = [
        pltpu.async_copy(coeff_sp.at[pl.ds(p * _NP + nbase, _NPT)],
                         pb.at[p], sem_in)
        for p in range(_NS)
    ]
    for cp in pbs:
        cp.wait()
    for cp in cps[4:]:
        cp.wait()
    plsc.subcore_barrier()

    def pk(k, carry):
        col = pl.ds(k * _L, _L)
        acc = pb[0, col]
        for p in range(1, _NS):
            acc = acc + pb[p, col]
        y = plsc.bitcast(_rsqrt16(acc + 1.0), jnp.int32)
        b16 = batch_t[pl.ds(jnp.minimum(k * _L + bshift, _NPT - _L), _L)]
        dinv_t[col] = plsc.bitcast((y & ~15) | b16, jnp.float32)
        return carry

    lax.fori_loop(0, _NPT // _L, pk, 0)
    pltpu.sync_copy(dinv_t, dinv_sp.at[pl.ds(nbase, _NPT)])
    pltpu.sync_copy(degv, coeff_sp.at[pl.ds(s * _NP, _NP)])
    plsc.subcore_barrier()
    pltpu.sync_copy(dinv_sp, dinv_v)

    def fire(r):
        return pltpu.async_copy(
            val_st.at[r], coeff_sp.at[idx_st.at[r]], sem_sc, add=True
        )

    def drain(r):
        pltpu.make_async_copy(
            val_st.at[r], coeff_sp.at[idx_st.at[r]], sem_sc
        ).wait()

    def edge_slot(r, u, soff, dwoff):
        sv = srcv[pl.ds(soff, _L)]
        dv = dstv[pl.ds(dwoff, _L)]
        w16 = wv[pl.ds(dwoff, _L)]
        ps = plsc.bitcast(plsc.load_gather(dinv_v, [sv]), jnp.int32)
        pd = plsc.bitcast(plsc.load_gather(dinv_v, [dv]), jnp.int32)
        dis = plsc.bitcast(ps & ~15, jnp.float32)
        did = plsc.bitcast(pd & ~15, jnp.float32)
        idx_st[r, pl.ds(u * _L, _L)] = (pd & 15) * _NP + sv
        val_st[r, pl.ds(u * _L, _L)] = dis * w16 * did

    def rb(r, carry):
        for u in range(8):
            off = r * 128 + u * _L
            edge_slot(r, u, off, bbase + off)
        fire(r)

        @pl.when(r >= _PIPE)
        def _():
            drain(r - _PIPE)

        return carry

    lax.fori_loop(0, 78, rb, 0)

    for u in range(4):
        edge_slot(78, u, _EB + c * 64 + u * _L, rbase + u * _L)
    iota16 = lax.iota(jnp.int32, _L)
    for j in range(20):
        q = 628 + j
        r, u = q // 8, q % 8
        v = wid + 32 * j
        n0 = jnp.minimum(v, _EV - 1) * _L
        pk16 = plsc.bitcast(dinv_v[pl.ds(n0, _L)], jnp.int32)
        y = plsc.bitcast(pk16 & ~15, jnp.float32)
        val = y * y
        if j == 19:
            val = val * jnp.where(v < _EV, 1.0, 0.0)
        idx_st[r, pl.ds(u * _L, _L)] = (pk16 & 15) * _NP + n0 + iota16
        val_st[r, pl.ds(u * _L, _L)] = val
    for r in (78, 79, 80):
        fire(r)
    for r in range(78 - _PIPE, _ROWS):
        drain(r)

    plsc.subcore_barrier()
    wo = [
        pltpu.async_copy(coeff_sp.at[pl.ds(g * _NP + nbase, _NPT)],
                         out_hbm.at[c, g, pl.ds(nbase, _NPT)], sem_in)
        for g in range(_G)
    ]
    for cp in wo:
        cp.wait()


_gcn_kernel = pl.kernel(
    _gcn_body,
    out_type=jax.ShapeDtypeStruct((_NC, _G, _NP), jnp.float32),
    mesh=_mesh,
    compiler_params=_sc_params,
    scratch_types=[
        pltpu.VMEM((_EAT,), jnp.int32),
        pltpu.VMEM((_EAT,), jnp.float32),
        pltpu.VMEM((_EB + 128,), jnp.int32),
        pltpu.VMEM((_NS, _NPT), jnp.float32),
        pltpu.VMEM((_NPT,), jnp.float32),
        pltpu.VMEM((_NP,), jnp.float32),
        pltpu.VMEM((_NPT,), jnp.int32),
        pltpu.VMEM((_ROWS, 128), jnp.int32),
        pltpu.VMEM((_ROWS, 128), jnp.float32),
        pltpu.VMEM((_NP,), jnp.float32),
        pltpu.VMEM_SHARED((_NP,), jnp.float32),
        pltpu.VMEM_SHARED((_COEFF,), jnp.float32),
        pltpu.SemaphoreType.DMA,
        pltpu.SemaphoreType.DMA,
    ],
)


def _pool_body(c_ref, x_ref, w_ref, bb_ref, batch_ref, out_ref):
    bb = jnp.reshape(bb_ref[...], (1, _C))
    bv = jnp.broadcast_to(jnp.reshape(batch_ref[...], (1, _N)), (_G, _N))
    gi = lax.broadcasted_iota(jnp.int32, (_G, _N), 0)
    cnt = jnp.sum((bv == gi).astype(jnp.float32), axis=1, keepdims=True)
    pos = cnt > 0.0
    invc = jnp.where(pos, 1.0 / jnp.maximum(cnt, 1.0), 0.0)
    bmask = jnp.where(pos, 1.0, 0.0)
    c2 = (c_ref[0] + c_ref[1])[:, :_N]
    s = lax.dot_general(c2, x_ref[...], (((1,), (0,)), ((), ())),
                        preferred_element_type=jnp.float32)
    p = lax.dot_general(s, w_ref[...], (((1,), (0,)), ((), ())),
                        preferred_element_type=jnp.float32)
    out_ref[...] = p * invc + bb * bmask


_pool_kernel = pl.pallas_call(
    _pool_body,
    out_shape=jax.ShapeDtypeStruct((_G, _C), jnp.float32),
)


def kernel(x, edge_index, edge_weights, batch, W, b):
    ei = edge_index.astype(jnp.int32)
    batch32 = batch.astype(jnp.int32)
    w = edge_weights.astype(jnp.float32)

    coeffp = _gcn_kernel(ei, w, batch32)
    return _pool_kernel(coeffp, x, W, b, batch32)

# --- scband reference (transcript-rebuilt; emitter-appended) ---
"""Pipeline reference for scband-simplest-gcn-72533407695322 (READ-ONLY COPY).

The authoritative reference and input builder live on the scoring server;
editing this copy changes nothing except your own understanding.
"""

import jax, jax.numpy as jnp
import numpy as np

N_NODES = 10000
N_EDGES = 320000
D_FEAT = 128
N_CLASSES = 16
N_GRAPHS = 16

def setup_inputs(seed: int = 0) -> dict:
    key = jax.random.key(seed)
    k1, k2, k3, k4, k5, k6 = jax.random.split(key, 6)
    x = jax.random.normal(k1, (N_NODES, D_FEAT), dtype=jnp.float32)
    edge_index = jax.random.randint(k2, (2, N_EDGES), 0, N_NODES, dtype=jnp.int64)
    edge_weights = jax.random.uniform(k3, (N_EDGES,), dtype=jnp.float32)
    batch = jnp.sort(jax.random.randint(k4, (N_NODES,), 0, N_GRAPHS, dtype=jnp.int64))
    # GCNConv parameters: linear weight (no bias in lin) + separate bias added post-aggregation
    W = jax.random.normal(k5, (D_FEAT, N_CLASSES), dtype=jnp.float32) * (1.0 / np.sqrt(D_FEAT))
    b = jnp.zeros((N_CLASSES,), dtype=jnp.float32)
    return {"x": x, "edge_index": edge_index, "edge_weights": edge_weights, "batch": batch, "W": W, "b": b}

def reference(x, edge_index, edge_weights, batch, W, b):
    N = x.shape[0]
    src = edge_index[0]
    dst = edge_index[1]
    # add self loops with fill_value=1.0 (PyG GCNConv default)
    loop = jnp.arange(N, dtype=edge_index.dtype)
    src = jnp.concatenate([src, loop])
    dst = jnp.concatenate([dst, loop])
    w = jnp.concatenate([edge_weights, jnp.ones((N,), dtype=x.dtype)])
    # symmetric normalization D^{-1/2} (A+I) D^{-1/2}
    deg = jnp.zeros((N,), dtype=x.dtype).at[dst].add(w)
    deg_inv_sqrt = jnp.where(deg > 0, deg ** -0.5, 0.0)
    norm = deg_inv_sqrt[src] * w * deg_inv_sqrt[dst]
    # linear transform first (PyG applies lin before propagate)
    h = x @ W
    # gather messages from src, scale, scatter-add to dst
    msg = h[src] * norm[:, None]
    out = jnp.zeros((N, h.shape[1]), dtype=x.dtype).at[dst].add(msg)
    out = out + b
    # global_mean_pool over batch assignment
    sums = jax.ops.segment_sum(out, batch, num_segments=N_GRAPHS)
    counts = jax.ops.segment_sum(jnp.ones((N,), dtype=x.dtype), batch, num_segments=N_GRAPHS)
    pooled = sums / jnp.clip(counts, 1.0)[:, None]
    return pooled

if __name__ == "__main__":
    import jax
    _d = setup_inputs()
    print(jax.jit(kernel)(*tuple(_d.values())))

</pallas_src>

<mosaic_0001>
#map = affine_map<(d0, d1) -> (0, 0)>
#map1 = affine_map<(d0, d1) -> (0)>
#map2 = affine_map<(d0, d1) -> (0, 0, 0)>
module attributes {stable_mosaic.version = 14 : i64} {
  func.func @_gcn_body(%arg0: i32, %arg1: i32, %arg2: memref<2x320000xi32, #tpu.memory_space<hbm>>, %arg3: memref<320000xf32, #tpu.memory_space<hbm>>, %arg4: memref<10000xi32, #tpu.memory_space<hbm>>, %arg5: memref<2x16x10240xf32, #tpu.memory_space<hbm>>, %arg6: memref<20096xi32, #tpu.memory_space<vmem>>, %arg7: memref<20096xf32, #tpu.memory_space<vmem>>, %arg8: memref<10112xi32, #tpu.memory_space<vmem>>, %arg9: memref<16x640xf32, #tpu.memory_space<vmem>>, %arg10: memref<640xf32, #tpu.memory_space<vmem>>, %arg11: memref<10240xf32, #tpu.memory_space<vmem>>, %arg12: memref<640xi32, #tpu.memory_space<vmem>>, %arg13: memref<81x128xi32, #tpu.memory_space<vmem>>, %arg14: memref<81x128xf32, #tpu.memory_space<vmem>>, %arg15: memref<10240xf32, #tpu.memory_space<vmem>>, %arg16: memref<10240xf32, #tpu.memory_space<vmem_shared>>, %arg17: memref<163840xf32, #tpu.memory_space<vmem_shared>>, %arg18: memref<!tpu.dma_semaphore, #tpu.memory_space<semaphore_mem>>, %arg19: memref<!tpu.dma_semaphore, #tpu.memory_space<semaphore_mem>>) attributes {dimension_semantics = [#tpu.dimension_semantics<core_parallel>, #tpu.dimension_semantics<subcore_parallel>], iteration_bounds = array<i64: 2, 16>, scalar_prefetch = 0 : i64, scratch_operands = 14 : i64, tpu.core_type = #tpu.core_type<sc_vector_subcore>, window_params = [{transform_indices = #map}, {transform_indices = #map1}, {transform_indices = #map1}, {transform_indices = #map2}]} {
    %mul3A = arith.constant 16 : i32
    %mul3A_0 = arith.muli %arg0, %mul3A : i32
    %add3A = arith.addi %mul3A_0, %arg1 : i32
    %mul3A_1 = arith.constant 19968 : i32
    %mul3A_2 = arith.muli %arg1, %mul3A_1 : i32
    %min3A = arith.constant 3 : i32
    %min3A_3 = arith.minsi %arg1, %min3A : i32
    %mul3A_4 = arith.constant 128 : i32
    %mul3A_5 = arith.muli %min3A_3, %mul3A_4 : i32
    %add3A_6 = arith.constant 319488 : i32
    %add3A_7 = arith.addi %add3A_6, %mul3A_5 : i32
    %mul3A_8 = arith.constant 640 : i32
    %mul3A_9 = arith.muli %arg1, %mul3A_8 : i32
    %mul3A_10 = arith.constant 9984 : i32
    %mul3A_11 = arith.muli %arg0, %mul3A_10 : i32
    %mul3A_12 = arith.constant 64 : i32
    %mul3A_13 = arith.muli %arg0, %mul3A_12 : i32
    %add3A_14 = arith.constant 19968 : i32
    %add3A_15 = arith.addi %add3A_14, %mul3A_13 : i32
    %dma_start3A = arith.constant 1 : i32
    %dma_start3A_16 = arith.constant 0 : i32
    %dma_start3A_17 = tpu.memref_slice %arg6[%dma_start3A_16] : memref<20096xi32, #tpu.memory_space<vmem>> -> memref<19968xi32, #tpu.memory_space<vmem>>
    %dma_start3A_18 = tpu.memref_slice %arg2[%dma_start3A, %mul3A_2] : memref<2x320000xi32, #tpu.memory_space<hbm>> -> memref<1x19968xi32, #tpu.memory_space<hbm>>
    %dma_start3A_19 = tpu.memref_squeeze %dma_start3A_18 : memref<1x19968xi32, #tpu.memory_space<hbm>> -> memref<19968xi32, #tpu.memory_space<hbm>>
    %dma_start3A_20 = arith.constant 0 : i32
    %dma_start3A_21 = tpu.memref_slice %arg6[%dma_start3A_20] : memref<20096xi32, #tpu.memory_space<vmem>> -> memref<19968xi32, #tpu.memory_space<vmem>>
    %dma_start3A_22 = tpu.memref_slice %arg2[%dma_start3A, %mul3A_2] : memref<2x320000xi32, #tpu.memory_space<hbm>> -> memref<1x19968xi32, #tpu.memory_space<hbm>>
    %dma_start3A_23 = tpu.memref_squeeze %dma_start3A_22 : memref<1x19968xi32, #tpu.memory_space<hbm>> -> memref<19968xi32, #tpu.memory_space<hbm>>
    tpu.enqueue_dma source(%dma_start3A_23 : memref<19968xi32, #tpu.memory_space<hbm>>) target(%dma_start3A_21 : memref<19968xi32, #tpu.memory_space<vmem>>) target_semaphore(%arg18 : memref<!tpu.dma_semaphore, #tpu.memory_space<semaphore_mem>>)
    %dma_start3A_24 = arith.constant 0 : i32
    %dma_start3A_25 = tpu.memref_slice %arg7[%dma_start3A_24] : memref<20096xf32, #tpu.memory_space<vmem>> -> memref<19968xf32, #tpu.memory_space<vmem>>
    %dma_start3A_26 = tpu.memref_slice %arg3[%mul3A_2] : memref<320000xf32, #tpu.memory_space<hbm>> -> memref<19968xf32, #tpu.memory_space<hbm>>
    %dma_start3A_27 = arith.constant 0 : i32
    %dma_start3A_28 = tpu.memref_slice %arg7[%dma_start3A_27] : memref<20096xf32, #tpu.memory_space<vmem>> -> memref<19968xf32, #tpu.memory_space<vmem>>
    %dma_start3A_29 = tpu.memref_slice %arg3[%mul3A_2] : memref<320000xf32, #tpu.memory_space<hbm>> -> memref<19968xf32, #tpu.memory_space<hbm>>
    tpu.enqueue_dma source(%dma_start3A_29 : memref<19968xf32, #tpu.memory_space<hbm>>) target(%dma_start3A_28 : memref<19968xf32, #tpu.memory_space<vmem>>) target_semaphore(%arg18 : memref<!tpu.dma_semaphore, #tpu.memory_space<semaphore_mem>>)
    %dma_start3A_30 = arith.constant 1 : i32
    %dma_start3A_31 = arith.constant 19968 : i32
    %dma_start3A_32 = tpu.memref_slice %arg6[%dma_start3A_31] : memref<20096xi32, #tpu.memory_space<vmem>> -> memref<128xi32, #tpu.memory_space<vmem>>
    %dma_start3A_33 = tpu.memref_slice %arg2[%dma_start3A_30, %add3A_7] : memref<2x320000xi32, #tpu.memory_space<hbm>> -> memref<1x128xi32, #tpu.memory_space<hbm>>
    %dma_start3A_34 = tpu.memref_squeeze %dma_start3A_33 : memref<1x128xi32, #tpu.memory_space<hbm>> -> memref<128xi32, #tpu.memory_space<hbm>>
    %dma_start3A_35 = arith.constant 19968 : i32
    %dma_start3A_36 = tpu.memref_slice %arg6[%dma_start3A_35] : memref<20096xi32, #tpu.memory_space<vmem>> -> memref<128xi32, #tpu.memory_space<vmem>>
    %dma_start3A_37 = tpu.memref_slice %arg2[%dma_start3A_30, %add3A_7] : memref<2x320000xi32, #tpu.memory_space<hbm>> -> memref<1x128xi32, #tpu.memory_space<hbm>>
    %dma_start3A_38 = tpu.memref_squeeze %dma_start3A_37 : memref<1x128xi32, #tpu.memory_space<hbm>> -> memref<128xi32, #tpu.memory_space<hbm>>
    tpu.enqueue_dma source(%dma_start3A_38 : memref<128xi32, #tpu.memory_space<hbm>>) target(%dma_start3A_36 : memref<128xi32, #tpu.memory_space<vmem>>) target_semaphore(%arg18 : memref<!tpu.dma_semaphore, #tpu.memory_space<semaphore_mem>>)
    %dma_start3A_39 = arith.constant 19968 : i32
    %dma_start3A_40 = tpu.memref_slice %arg7[%dma_start3A_39] : memref<20096xf32, #tpu.memory_space<vmem>> -> memref<128xf32, #tpu.memory_space<vmem>>
    %dma_start3A_41 = tpu.memref_slice %arg3[%add3A_7] : memref<320000xf32, #tpu.memory_space<hbm>> -> memref<128xf32, #tpu.memory_space<hbm>>
    %dma_start3A_42 = arith.constant 19968 : i32
    %dma_start3A_43 = tpu.memref_slice %arg7[%dma_start3A_42] : memref<20096xf32, #tpu.memory_space<vmem>> -> memref<128xf32, #tpu.memory_space<vmem>>
    %dma_start3A_44 = tpu.memref_slice %arg3[%add3A_7] : memref<320000xf32, #tpu.memory_space<hbm>> -> memref<128xf32, #tpu.memory_space<hbm>>
    tpu.enqueue_dma source(%dma_start3A_44 : memref<128xf32, #tpu.memory_space<hbm>>) target(%dma_start3A_43 : memref<128xf32, #tpu.memory_space<vmem>>) target_semaphore(%arg18 : memref<!tpu.dma_semaphore, #tpu.memory_space<semaphore_mem>>)
    %add3A_45 = arith.addi %mul3A_2, %mul3A_11 : i32
    %dma_start3A_46 = arith.constant 0 : i32
    %dma_start3A_47 = arith.constant 0 : i32
    %dma_start3A_48 = tpu.memref_slice %arg8[%dma_start3A_47] : memref<10112xi32, #tpu.memory_space<vmem>> -> memref<9984xi32, #tpu.memory_space<vmem>>
    %dma_start3A_49 = tpu.memref_slice %arg2[%dma_start3A_46, %add3A_45] : memref<2x320000xi32, #tpu.memory_space<hbm>> -> memref<1x9984xi32, #tpu.memory_space<hbm>>
    %dma_start3A_50 = tpu.memref_squeeze %dma_start3A_49 : memref<1x9984xi32, #tpu.memory_space<hbm>> -> memref<9984xi32, #tpu.memory_space<hbm>>
    %dma_start3A_51 = arith.constant 0 : i32
    %dma_start3A_52 = tpu.memref_slice %arg8[%dma_start3A_51] : memref<10112xi32, #tpu.memory_space<vmem>> -> memref<9984xi32, #tpu.memory_space<vmem>>
    %dma_start3A_53 = tpu.memref_slice %arg2[%dma_start3A_46, %add3A_45] : memref<2x320000xi32, #tpu.memory_space<hbm>> -> memref<1x9984xi32, #tpu.memory_space<hbm>>
    %dma_start3A_54 = tpu.memref_squeeze %dma_start3A_53 : memref<1x9984xi32, #tpu.memory_space<hbm>> -> memref<9984xi32, #tpu.memory_space<hbm>>
    tpu.enqueue_dma source(%dma_start3A_54 : memref<9984xi32, #tpu.memory_space<hbm>>) target(%dma_start3A_52 : memref<9984xi32, #tpu.memory_space<vmem>>) target_semaphore(%arg18 : memref<!tpu.dma_semaphore, #tpu.memory_space<semaphore_mem>>)
    %dma_start3A_55 = arith.constant 0 : i32
    %dma_start3A_56 = arith.constant 9984 : i32
    %dma_start3A_57 = tpu.memref_slice %arg8[%dma_start3A_56] : memref<10112xi32, #tpu.memory_space<vmem>> -> memref<128xi32, #tpu.memory_space<vmem>>
    %dma_start3A_58 = tpu.memref_slice %arg2[%dma_start3A_55, %add3A_7] : memref<2x320000xi32, #tpu.memory_space<hbm>> -> memref<1x128xi32, #tpu.memory_space<hbm>>
    %dma_start3A_59 = tpu.memref_squeeze %dma_start3A_58 : memref<1x128xi32, #tpu.memory_space<hbm>> -> memref<128xi32, #tpu.memory_space<hbm>>
    %dma_start3A_60 = arith.constant 9984 : i32
    %dma_start3A_61 = tpu.memref_slice %arg8[%dma_start3A_60] : memref<10112xi32, #tpu.memory_space<vmem>> -> memref<128xi32, #tpu.memory_space<vmem>>
    %dma_start3A_62 = tpu.memref_slice %arg2[%dma_start3A_55, %add3A_7] : memref<2x320000xi32, #tpu.memory_space<hbm>> -> memref<1x128xi32, #tpu.memory_space<hbm>>
    %dma_start3A_63 = tpu.memref_squeeze %dma_start3A_62 : memref<1x128xi32, #tpu.memory_space<hbm>> -> memref<128xi32, #tpu.memory_space<hbm>>
    tpu.enqueue_dma source(%dma_start3A_63 : memref<128xi32, #tpu.memory_space<hbm>>) target(%dma_start3A_61 : memref<128xi32, #tpu.memory_space<vmem>>) target_semaphore(%arg18 : memref<!tpu.dma_semaphore, #tpu.memory_space<semaphore_mem>>)
    %min3A_64 = arith.constant 9360 : i32
    %min3A_65 = arith.minsi %mul3A_9, %min3A_64 : i32
    %dma_start3A_66 = tpu.memref_slice %arg4[%min3A_65] : memref<10000xi32, #tpu.memory_space<hbm>> -> memref<640xi32, #tpu.memory_space<hbm>>
    %dma_start3A_67 = tpu.memref_slice %arg4[%min3A_65] : memref<10000xi32, #tpu.memory_space<hbm>> -> memref<640xi32, #tpu.memory_space<hbm>>
    tpu.enqueue_dma source(%dma_start3A_67 : memref<640xi32, #tpu.memory_space<hbm>>) target(%arg12 : memref<640xi32, #tpu.memory_space<vmem>>) target_semaphore(%arg18 : memref<!tpu.dma_semaphore, #tpu.memory_space<semaphore_mem>>)
    %min3A_68 = arith.constant 9360 : i32
    %min3A_69 = arith.minsi %mul3A_9, %min3A_68 : i32
    %sub3A = arith.subi %mul3A_9, %min3A_69 : i32
    %broadcast_in_dim3A = arith.constant 0.000000e+00 : f32
    %broadcast_in_dim3A_70 = vector.broadcast %broadcast_in_dim3A : f32 to vector<16xf32>
    %scan3A = arith.constant 0 : i32
    %scan3A_71 = arith.constant 0 : i32
    %scan3A_72 = arith.constant 80 : i32
    %scan3A_73 = arith.addi %scan3A_71, %scan3A_72 : i32
    %scan3A_74 = arith.constant 1 : i32
    scf.for %scan3A_1620 = %scan3A_71 to %scan3A_73 step %scan3A_74  : i32 {
      %mul3A_1621 = arith.constant 128 : i32
      %mul3A_1622 = arith.muli %scan3A_1620, %mul3A_1621 : i32
      %add3A_1623 = arith.constant 0 : i32
      %add3A_1624 = arith.addi %mul3A_1622, %add3A_1623 : i32
      %swap3A_1625 = arith.index_cast %add3A_1624 : i32 to index
      %swap3A_1626 = tpu.vector_load %arg15[%swap3A_1625] {strides = array<i32>} : memref<10240xf32, #tpu.memory_space<vmem>>, vector<16xf32>,
      tpu.vector_store %arg15[%swap3A_1625], %broadcast_in_dim3A_70 {strides = array<i32>} : memref<10240xf32, #tpu.memory_space<vmem>>, vector<16xf32>,
      %mul3A_1627 = arith.constant 128 : i32
      %mul3A_1628 = arith.muli %scan3A_1620, %mul3A_1627 : i32
      %add3A_1629 = arith.constant 16 : i32
      %add3A_1630 = arith.addi %mul3A_1628, %add3A_1629 : i32
      %swap3A_1631 = arith.index_cast %add3A_1630 : i32 to index
      %swap3A_1632 = tpu.vector_load %arg15[%swap3A_1631] {strides = array<i32>} : memref<10240xf32, #tpu.memory_space<vmem>>, vector<16xf32>,
      tpu.vector_store %arg15[%swap3A_1631], %broadcast_in_dim3A_70 {strides = array<i32>} : memref<10240xf32, #tpu.memory_space<vmem>>, vector<16xf32>,
      %mul3A_1633 = arith.constant 128 : i32
      %mul3A_1634 = arith.muli %scan3A_1620, %mul3A_1633 : i32
      %add3A_1635 = arith.constant 32 : i32
      %add3A_1636 = arith.addi %mul3A_1634, %add3A_1635 : i32
      %swap3A_1637 = arith.index_cast %add3A_1636 : i32 to index
      %swap3A_1638 = tpu.vector_load %arg15[%swap3A_1637] {strides = array<i32>} : memref<10240xf32, #tpu.memory_space<vmem>>, vector<16xf32>,
      tpu.vector_store %arg15[%swap3A_1637], %broadcast_in_dim3A_70 {strides = array<i32>} : memref<10240xf32, #tpu.memory_space<vmem>>, vector<16xf32>,
      %mul3A_1639 = arith.constant 128 : i32
      %mul3A_1640 = arith.muli %scan3A_1620, %mul3A_1639 : i32
      %add3A_1641 = arith.constant 48 : i32
      %add3A_1642 = arith.addi %mul3A_1640, %add3A_1641 : i32
      %swap3A_1643 = arith.index_cast %add3A_1642 : i32 to index
      %swap3A_1644 = tpu.vector_load %arg15[%swap3A_1643] {strides = array<i32>} : memref<10240xf32, #tpu.memory_space<vmem>>, vector<16xf32>,
      tpu.vector_store %arg15[%swap3A_1643], %broadcast_in_dim3A_70 {strides = array<i32>} : memref<10240xf32, #tpu.memory_space<vmem>>, vector<16xf32>,
      %mul3A_1645 = arith.constant 128 : i32
      %mul3A_1646 = arith.muli %scan3A_1620, %mul3A_1645 : i32
      %add3A_1647 = arith.constant 64 : i32
      %add3A_1648 = arith.addi %mul3A_1646, %add3A_1647 : i32
      %swap3A_1649 = arith.index_cast %add3A_1648 : i32 to index
      %swap3A_1650 = tpu.vector_load %arg15[%swap3A_1649] {strides = array<i32>} : memref<10240xf32, #tpu.memory_space<vmem>>, vector<16xf32>,
      tpu.vector_store %arg15[%swap3A_1649], %broadcast_in_dim3A_70 {strides = array<i32>} : memref<10240xf32, #tpu.memory_space<vmem>>, vector<16xf32>,
      %mul3A_1651 = arith.constant 128 : i32
      %mul3A_1652 = arith.muli %scan3A_1620, %mul3A_1651 : i32
      %add3A_1653 = arith.constant 80 : i32
      %add3A_1654 = arith.addi %mul3A_1652, %add3A_1653 : i32
      %swap3A_1655 = arith.index_cast %add3A_1654 : i32 to index
      %swap3A_1656 = tpu.vector_load %arg15[%swap3A_1655] {strides = array<i32>} : memref<10240xf32, #tpu.memory_space<vmem>>, vector<16xf32>,
      tpu.vector_store %arg15[%swap3A_1655], %broadcast_in_dim3A_70 {strides = array<i32>} : memref<10240xf32, #tpu.memory_space<vmem>>, vector<16xf32>,
      %mul3A_1657 = arith.constant 128 : i32
      %mul3A_1658 = arith.muli %scan3A_1620, %mul3A_1657 : i32
      %add3A_1659 = arith.constant 96 : i32
      %add3A_1660 = arith.addi %mul3A_1658, %add3A_1659 : i32
      %swap3A_1661 = arith.index_cast %add3A_1660 : i32 to index
      %swap3A_1662 = tpu.vector_load %arg15[%swap3A_1661] {strides = array<i32>} : memref<10240xf32, #tpu.memory_space<vmem>>, vector<16xf32>,
      tpu.vector_store %arg15[%swap3A_1661], %broadcast_in_dim3A_70 {strides = array<i32>} : memref<10240xf32, #tpu.memory_space<vmem>>, vector<16xf32>,
      %mul3A_1663 = arith.constant 128 : i32
      %mul3A_1664 = arith.muli %scan3A_1620, %mul3A_1663 : i32
      %add3A_1665 = arith.constant 112 : i32
      %add3A_1666 = arith.addi %mul3A_1664, %add3A_1665 : i32
      %swap3A_1667 = arith.index_cast %add3A_1666 : i32 to index
      %swap3A_1668 = tpu.vector_load %arg15[%swap3A_1667] {strides = array<i32>} : memref<10240xf32, #tpu.memory_space<vmem>>, vector<16xf32>,
      tpu.vector_store %arg15[%swap3A_1667], %broadcast_in_dim3A_70 {strides = array<i32>} : memref<10240xf32, #tpu.memory_space<vmem>>, vector<16xf32>,
    }
    %scan3A_75 = arith.constant 80 : i32
    %dma_wait3A = arith.constant 1 : i32
    %dma_wait3A_76 = arith.constant 0 : i32
    %dma_wait3A_77 = tpu.memref_slice %arg6[%dma_wait3A_76] : memref<20096xi32, #tpu.memory_space<vmem>> -> memref<19968xi32, #tpu.memory_space<vmem>>
    %dma_wait3A_78 = tpu.memref_slice %arg2[%dma_wait3A, %mul3A_2] : memref<2x320000xi32, #tpu.memory_space<hbm>> -> memref<1x19968xi32, #tpu.memory_space<hbm>>
    %dma_wait3A_79 = tpu.memref_squeeze %dma_wait3A_78 : memref<1x19968xi32, #tpu.memory_space<hbm>> -> memref<19968xi32, #tpu.memory_space<hbm>>
    %dma_wait3A_80 = arith.constant 0 : i32
    %dma_wait3A_81 = tpu.memref_slice %arg6[%dma_wait3A_80] : memref<20096xi32, #tpu.memory_space<vmem>> -> memref<19968xi32, #tpu.memory_space<vmem>>
    %dma_wait3A_82 = tpu.memref_slice %arg2[%dma_wait3A, %mul3A_2] : memref<2x320000xi32, #tpu.memory_space<hbm>> -> memref<1x19968xi32, #tpu.memory_space<hbm>>
    %dma_wait3A_83 = tpu.memref_squeeze %dma_wait3A_82 : memref<1x19968xi32, #tpu.memory_space<hbm>> -> memref<19968xi32, #tpu.memory_space<hbm>>
    tpu.wait_dma2 semaphore(%arg18 : memref<!tpu.dma_semaphore, #tpu.memory_space<semaphore_mem>>) src(%dma_wait3A_83 : memref<19968xi32, #tpu.memory_space<hbm>>) dst(%dma_wait3A_81 : memref<19968xi32, #tpu.memory_space<vmem>>)
    %dma_wait3A_84 = arith.constant 0 : i32
    %dma_wait3A_85 = tpu.memref_slice %arg7[%dma_wait3A_84] : memref<20096xf32, #tpu.memory_space<vmem>> -> memref<19968xf32, #tpu.memory_space<vmem>>
    %dma_wait3A_86 = tpu.memref_slice %arg3[%mul3A_2] : memref<320000xf32, #tpu.memory_space<hbm>> -> memref<19968xf32, #tpu.memory_space<hbm>>
    %dma_wait3A_87 = arith.constant 0 : i32
    %dma_wait3A_88 = tpu.memref_slice %arg7[%dma_wait3A_87] : memref<20096xf32, #tpu.memory_space<vmem>> -> memref<19968xf32, #tpu.memory_space<vmem>>
    %dma_wait3A_89 = tpu.memref_slice %arg3[%mul3A_2] : memref<320000xf32, #tpu.memory_space<hbm>> -> memref<19968xf32, #tpu.memory_space<hbm>>
    tpu.wait_dma2 semaphore(%arg18 : memref<!tpu.dma_semaphore, #tpu.memory_space<semaphore_mem>>) src(%dma_wait3A_89 : memref<19968xf32, #tpu.memory_space<hbm>>) dst(%dma_wait3A_88 : memref<19968xf32, #tpu.memory_space<vmem>>)
    %dma_wait3A_90 = arith.constant 1 : i32
    %dma_wait3A_91 = arith.constant 19968 : i32
    %dma_wait3A_92 = tpu.memref_slice %arg6[%dma_wait3A_91] : memref<20096xi32, #tpu.memory_space<vmem>> -> memref<128xi32, #tpu.memory_space<vmem>>
    %dma_wait3A_93 = tpu.memref_slice %arg2[%dma_wait3A_90, %add3A_7] : memref<2x320000xi32, #tpu.memory_space<hbm>> -> memref<1x128xi32, #tpu.memory_space<hbm>>
    %dma_wait3A_94 = tpu.memref_squeeze %dma_wait3A_93 : memref<1x128xi32, #tpu.memory_space<hbm>> -> memref<128xi32, #tpu.memory_space<hbm>>
    %dma_wait3A_95 = arith.constant 19968 : i32
    %dma_wait3A_96 = tpu.memref_slice %arg6[%dma_wait3A_95] : memref<20096xi32, #tpu.memory_space<vmem>> -> memref<128xi32, #tpu.memory_space<vmem>>
    %dma_wait3A_97 = tpu.memref_slice %arg2[%dma_wait3A_90, %add3A_7] : memref<2x320000xi32, #tpu.memory_space<hbm>> -> memref<1x128xi32, #tpu.memory_space<hbm>>
    %dma_wait3A_98 = tpu.memref_squeeze %dma_wait3A_97 : memref<1x128xi32, #tpu.memory_space<hbm>> -> memref<128xi32, #tpu.memory_space<hbm>>
    tpu.wait_dma2 semaphore(%arg18 : memref<!tpu.dma_semaphore, #tpu.memory_space<semaphore_mem>>) src(%dma_wait3A_98 : memref<128xi32, #tpu.memory_space<hbm>>) dst(%dma_wait3A_96 : memref<128xi32, #tpu.memory_space<vmem>>)
    %dma_wait3A_99 = arith.constant 19968 : i32
    %dma_wait3A_100 = tpu.memref_slice %arg7[%dma_wait3A_99] : memref<20096xf32, #tpu.memory_space<vmem>> -> memref<128xf32, #tpu.memory_space<vmem>>
    %dma_wait3A_101 = tpu.memref_slice %arg3[%add3A_7] : memref<320000xf32, #tpu.memory_space<hbm>> -> memref<128xf32, #tpu.memory_space<hbm>>
    %dma_wait3A_102 = arith.constant 19968 : i32
    %dma_wait3A_103 = tpu.memref_slice %arg7[%dma_wait3A_102] : memref<20096xf32, #tpu.memory_space<vmem>> -> memref<128xf32, #tpu.memory_space<vmem>>
    %dma_wait3A_104 = tpu.memref_slice %arg3[%add3A_7] : memref<320000xf32, #tpu.memory_space<hbm>> -> memref<128xf32, #tpu.memory_space<hbm>>
    tpu.wait_dma2 semaphore(%arg18 : memref<!tpu.dma_semaphore, #tpu.memory_space<semaphore_mem>>) src(%dma_wait3A_104 : memref<128xf32, #tpu.memory_space<hbm>>) dst(%dma_wait3A_103 : memref<128xf32, #tpu.memory_space<vmem>>)
    %lt3A = arith.constant 4 : i32
    %lt3A_105 = arith.cmpi slt, %arg1, %lt3A : i32
    %jit3A = arith.constant 1.000000e+00 : f32
    %jit3A_106 = arith.constant 0.000000e+00 : f32
    %select_n3A = arith.select %lt3A_105, %jit3A, %jit3A_106 : f32
    %get3A = arith.constant 19968 : index
    %get3A_107 = tpu.vector_load %arg7[%get3A] {strides = array<i32>} : memref<20096xf32, #tpu.memory_space<vmem>>, vector<16xf32>,
    %mul3A_108 = vector.broadcast %select_n3A : f32 to vector<16xf32>
    %mul3A_109 = arith.mulf %get3A_107, %mul3A_108 : vector<16xf32>
    %swap3A = arith.constant 19968 : index
    %swap3A_110 = tpu.vector_load %arg7[%swap3A] {strides = array<i32>} : memref<20096xf32, #tpu.memory_space<vmem>>, vector<16xf32>,
    tpu.vector_store %arg7[%swap3A], %mul3A_109 {strides = array<i32>} : memref<20096xf32, #tpu.memory_space<vmem>>, vector<16xf32>,
    %get3A_111 = arith.constant 19984 : index
    %get3A_112 = tpu.vector_load %arg7[%get3A_111] {strides = array<i32>} : memref<20096xf32, #tpu.memory_space<vmem>>, vector<16xf32>,
    %mul3A_113 = vector.broadcast %select_n3A : f32 to vector<16xf32>
    %mul3A_114 = arith.mulf %get3A_112, %mul3A_113 : vector<16xf32>
    %swap3A_115 = arith.constant 19984 : index
    %swap3A_116 = tpu.vector_load %arg7[%swap3A_115] {strides = array<i32>} : memref<20096xf32, #tpu.memory_space<vmem>>, vector<16xf32>,
    tpu.vector_store %arg7[%swap3A_115], %mul3A_114 {strides = array<i32>} : memref<20096xf32, #tpu.memory_space<vmem>>, vector<16xf32>,
    %get3A_117 = arith.constant 20000 : index
    %get3A_118 = tpu.vector_load %arg7[%get3A_117] {strides = array<i32>} : memref<20096xf32, #tpu.memory_space<vmem>>, vector<16xf32>,
    %mul3A_119 = vector.broadcast %select_n3A : f32 to vector<16xf32>
    %mul3A_120 = arith.mulf %get3A_118, %mul3A_119 : vector<16xf32>
    %swap3A_121 = arith.constant 20000 : index
    %swap3A_122 = tpu.vector_load %arg7[%swap3A_121] {strides = array<i32>} : memref<20096xf32, #tpu.memory_space<vmem>>, vector<16xf32>,
    tpu.vector_store %arg7[%swap3A_121], %mul3A_120 {strides = array<i32>} : memref<20096xf32, #tpu.memory_space<vmem>>, vector<16xf32>,
    %get3A_123 = arith.constant 20016 : index
    %get3A_124 = tpu.vector_load %arg7[%get3A_123] {strides = array<i32>} : memref<20096xf32, #tpu.memory_space<vmem>>, vector<16xf32>,
    %mul3A_125 = vector.broadcast %select_n3A : f32 to vector<16xf32>
    %mul3A_126 = arith.mulf %get3A_124, %mul3A_125 : vector<16xf32>
    %swap3A_127 = arith.constant 20016 : index
    %swap3A_128 = tpu.vector_load %arg7[%swap3A_127] {strides = array<i32>} : memref<20096xf32, #tpu.memory_space<vmem>>, vector<16xf32>,
    tpu.vector_store %arg7[%swap3A_127], %mul3A_126 {strides = array<i32>} : memref<20096xf32, #tpu.memory_space<vmem>>, vector<16xf32>,
    %get3A_129 = arith.constant 20032 : index
    %get3A_130 = tpu.vector_load %arg7[%get3A_129] {strides = array<i32>} : memref<20096xf32, #tpu.memory_space<vmem>>, vector<16xf32>,
    %mul3A_131 = vector.broadcast %select_n3A : f32 to vector<16xf32>
    %mul3A_132 = arith.mulf %get3A_130, %mul3A_131 : vector<16xf32>
    %swap3A_133 = arith.constant 20032 : index
    %swap3A_134 = tpu.vector_load %arg7[%swap3A_133] {strides = array<i32>} : memref<20096xf32, #tpu.memory_space<vmem>>, vector<16xf32>,
    tpu.vector_store %arg7[%swap3A_133], %mul3A_132 {strides = array<i32>} : memref<20096xf32, #tpu.memory_space<vmem>>, vector<16xf32>,
    %get3A_135 = arith.constant 20048 : index
    %get3A_136 = tpu.vector_load %arg7[%get3A_135] {strides = array<i32>} : memref<20096xf32, #tpu.memory_space<vmem>>, vector<16xf32>,
    %mul3A_137 = vector.broadcast %select_n3A : f32 to vector<16xf32>
    %mul3A_138 = arith.mulf %get3A_136, %mul3A_137 : vector<16xf32>
    %swap3A_139 = arith.constant 20048 : index
    %swap3A_140 = tpu.vector_load %arg7[%swap3A_139] {strides = array<i32>} : memref<20096xf32, #tpu.memory_space<vmem>>, vector<16xf32>,
    tpu.vector_store %arg7[%swap3A_139], %mul3A_138 {strides = array<i32>} : memref<20096xf32, #tpu.memory_space<vmem>>, vector<16xf32>,
    %get3A_141 = arith.constant 20064 : index
    %get3A_142 = tpu.vector_load %arg7[%get3A_141] {strides = array<i32>} : memref<20096xf32, #tpu.memory_space<vmem>>, vector<16xf32>,
    %mul3A_143 = vector.broadcast %select_n3A : f32 to vector<16xf32>
    %mul3A_144 = arith.mulf %get3A_142, %mul3A_143 : vector<16xf32>
    %swap3A_145 = arith.constant 20064 : index
    %swap3A_146 = tpu.vector_load %arg7[%swap3A_145] {strides = array<i32>} : memref<20096xf32, #tpu.memory_space<vmem>>, vector<16xf32>,
    tpu.vector_store %arg7[%swap3A_145], %mul3A_144 {strides = array<i32>} : memref<20096xf32, #tpu.memory_space<vmem>>, vector<16xf32>,
    %get3A_147 = arith.constant 20080 : index
    %get3A_148 = tpu.vector_load %arg7[%get3A_147] {strides = array<i32>} : memref<20096xf32, #tpu.memory_space<vmem>>, vector<16xf32>,
    %mul3A_149 = vector.broadcast %select_n3A : f32 to vector<16xf32>
    %mul3A_150 = arith.mulf %get3A_148, %mul3A_149 : vector<16xf32>
    %swap3A_151 = arith.constant 20080 : index
    %swap3A_152 = tpu.vector_load %arg7[%swap3A_151] {strides = array<i32>} : memref<20096xf32, #tpu.memory_space<vmem>>, vector<16xf32>,
    tpu.vector_store %arg7[%swap3A_151], %mul3A_150 {strides = array<i32>} : memref<20096xf32, #tpu.memory_space<vmem>>, vector<16xf32>,
    %scan3A_153 = arith.constant 0 : i32
    %scan3A_154 = arith.constant 0 : i32
    %scan3A_155 = arith.constant 157 : i32
    %scan3A_156 = arith.addi %scan3A_154, %scan3A_155 : i32
    %scan3A_157 = arith.constant 1 : i32
    scf.for %scan3A_1620 = %scan3A_154 to %scan3A_156 step %scan3A_157  : i32 {
      %mul3A_1621 = arith.constant 128 : i32
      %mul3A_1622 = arith.muli %scan3A_1620, %mul3A_1621 : i32
      %add3A_1623 = arith.constant 0 : i32
      %add3A_1624 = arith.addi %mul3A_1622, %add3A_1623 : i32
      %get3A_1625 = arith.index_cast %add3A_1624 : i32 to index
      %get3A_1626 = tpu.vector_load %arg6[%get3A_1625] {strides = array<i32>} : memref<20096xi32, #tpu.memory_space<vmem>>, vector<16xi32>,
      %get3A_1627 = arith.index_cast %add3A_1624 : i32 to index
      %get3A_1628 = tpu.vector_load %arg7[%get3A_1627] {strides = array<i32>} : memref<20096xf32, #tpu.memory_space<vmem>>, vector<16xf32>,
      tpu.vector_store_idx %arg15[%get3A_1626], %get3A_1628 {add = true} : memref<10240xf32, #tpu.memory_space<vmem>>[vector<16xi32>], vector<16xf32>,
      %mul3A_1629 = arith.constant 128 : i32
      %mul3A_1630 = arith.muli %scan3A_1620, %mul3A_1629 : i32
      %add3A_1631 = arith.constant 16 : i32
      %add3A_1632 = arith.addi %mul3A_1630, %add3A_1631 : i32
      %get3A_1633 = arith.index_cast %add3A_1632 : i32 to index
      %get3A_1634 = tpu.vector_load %arg6[%get3A_1633] {strides = array<i32>} : memref<20096xi32, #tpu.memory_space<vmem>>, vector<16xi32>,
      %get3A_1635 = arith.index_cast %add3A_1632 : i32 to index
      %get3A_1636 = tpu.vector_load %arg7[%get3A_1635] {strides = array<i32>} : memref<20096xf32, #tpu.memory_space<vmem>>, vector<16xf32>,
      tpu.vector_store_idx %arg15[%get3A_1634], %get3A_1636 {add = true} : memref<10240xf32, #tpu.memory_space<vmem>>[vector<16xi32>], vector<16xf32>,
      %mul3A_1637 = arith.constant 128 : i32
      %mul3A_1638 = arith.muli %scan3A_1620, %mul3A_1637 : i32
      %add3A_1639 = arith.constant 32 : i32
      %add3A_1640 = arith.addi %mul3A_1638, %add3A_1639 : i32
      %get3A_1641 = arith.index_cast %add3A_1640 : i32 to index
      %get3A_1642 = tpu.vector_load %arg6[%get3A_1641] {strides = array<i32>} : memref<20096xi32, #tpu.memory_space<vmem>>, vector<16xi32>,
      %get3A_1643 = arith.index_cast %add3A_1640 : i32 to index
      %get3A_1644 = tpu.vector_load %arg7[%get3A_1643] {strides = array<i32>} : memref<20096xf32, #tpu.memory_space<vmem>>, vector<16xf32>,
      tpu.vector_store_idx %arg15[%get3A_1642], %get3A_1644 {add = true} : memref<10240xf32, #tpu.memory_space<vmem>>[vector<16xi32>], vector<16xf32>,
      %mul3A_1645 = arith.constant 128 : i32
      %mul3A_1646 = arith.muli %scan3A_1620, %mul3A_1645 : i32
      %add3A_1647 = arith.constant 48 : i32
      %add3A_1648 = arith.addi %mul3A_1646, %add3A_1647 : i32
      %get3A_1649 = arith.index_cast %add3A_1648 : i32 to index
      %get3A_1650 = tpu.vector_load %arg6[%get3A_1649] {strides = array<i32>} : memref<20096xi32, #tpu.memory_space<vmem>>, vector<16xi32>,
      %get3A_1651 = arith.index_cast %add3A_1648 : i32 to index
      %get3A_1652 = tpu.vector_load %arg7[%get3A_1651] {strides = array<i32>} : memref<20096xf32, #tpu.memory_space<vmem>>, vector<16xf32>,
      tpu.vector_store_idx %arg15[%get3A_1650], %get3A_1652 {add = true} : memref<10240xf32, #tpu.memory_space<vmem>>[vector<16xi32>], vector<16xf32>,
      %mul3A_1653 = arith.constant 128 : i32
      %mul3A_1654 = arith.muli %scan3A_1620, %mul3A_1653 : i32
      %add3A_1655 = arith.constant 64 : i32
      %add3A_1656 = arith.addi %mul3A_1654, %add3A_1655 : i32
      %get3A_1657 = arith.index_cast %add3A_1656 : i32 to index
      %get3A_1658 = tpu.vector_load %arg6[%get3A_1657] {strides = array<i32>} : memref<20096xi32, #tpu.memory_space<vmem>>, vector<16xi32>,
      %get3A_1659 = arith.index_cast %add3A_1656 : i32 to index
      %get3A_1660 = tpu.vector_load %arg7[%get3A_1659] {strides = array<i32>} : memref<20096xf32, #tpu.memory_space<vmem>>, vector<16xf32>,
      tpu.vector_store_idx %arg15[%get3A_1658], %get3A_1660 {add = true} : memref<10240xf32, #tpu.memory_space<vmem>>[vector<16xi32>], vector<16xf32>,
      %mul3A_1661 = arith.constant 128 : i32
      %mul3A_1662 = arith.muli %scan3A_1620, %mul3A_1661 : i32
      %add3A_1663 = arith.constant 80 : i32
      %add3A_1664 = arith.addi %mul3A_1662, %add3A_1663 : i32
      %get3A_1665 = arith.index_cast %add3A_1664 : i32 to index
      %get3A_1666 = tpu.vector_load %arg6[%get3A_1665] {strides = array<i32>} : memref<20096xi32, #tpu.memory_space<vmem>>, vector<16xi32>,
      %get3A_1667 = arith.index_cast %add3A_1664 : i32 to index
      %get3A_1668 = tpu.vector_load %arg7[%get3A_1667] {strides = array<i32>} : memref<20096xf32, #tpu.memory_space<vmem>>, vector<16xf32>,
      tpu.vector_store_idx %arg15[%get3A_1666], %get3A_1668 {add = true} : memref<10240xf32, #tpu.memory_space<vmem>>[vector<16xi32>], vector<16xf32>,
      %mul3A_1669 = arith.constant 128 : i32
      %mul3A_1670 = arith.muli %scan3A_1620, %mul3A_1669 : i32
      %add3A_1671 = arith.constant 96 : i32
      %add3A_1672 = arith.addi %mul3A_1670, %add3A_1671 : i32
      %get3A_1673 = arith.index_cast %add3A_1672 : i32 to index
      %get3A_1674 = tpu.vector_load %arg6[%get3A_1673] {strides = array<i32>} : memref<20096xi32, #tpu.memory_space<vmem>>, vector<16xi32>,
      %get3A_1675 = arith.index_cast %add3A_1672 : i32 to index
      %get3A_1676 = tpu.vector_load %arg7[%get3A_1675] {strides = array<i32>} : memref<20096xf32, #tpu.memory_space<vmem>>, vector<16xf32>,
      tpu.vector_store_idx %arg15[%get3A_1674], %get3A_1676 {add = true} : memref<10240xf32, #tpu.memory_space<vmem>>[vector<16xi32>], vector<16xf32>,
      %mul3A_1677 = arith.constant 128 : i32
      %mul3A_1678 = arith.muli %scan3A_1620, %mul3A_1677 : i32
      %add3A_1679 = arith.constant 112 : i32
      %add3A_1680 = arith.addi %mul3A_1678, %add3A_1679 : i32
      %get3A_1681 = arith.index_cast %add3A_1680 : i32 to index
      %get3A_1682 = tpu.vector_load %arg6[%get3A_1681] {strides = array<i32>} : memref<20096xi32, #tpu.memory_space<vmem>>, vector<16xi32>,
      %get3A_1683 = arith.index_cast %add3A_1680 : i32 to index
      %get3A_1684 = tpu.vector_load %arg7[%get3A_1683] {strides = array<i32>} : memref<20096xf32, #tpu.memory_space<vmem>>, vector<16xf32>,
      tpu.vector_store_idx %arg15[%get3A_1682], %get3A_1684 {add = true} : memref<10240xf32, #tpu.memory_space<vmem>>[vector<16xi32>], vector<16xf32>,
    }
    %scan3A_158 = arith.constant 157 : i32
    %mul3A_159 = arith.constant 10240 : i32
    %mul3A_160 = arith.muli %arg1, %mul3A_159 : i32
    "tpu.region"() ({
      %run_scoped3A = tpu.sem_alloc : memref<!tpu.dma_semaphore, #tpu.memory_space<semaphore_mem>>
      %dma_start3A_1620 = tpu.memref_slice %arg17[%mul3A_160] : memref<163840xf32, #tpu.memory_space<vmem_shared>> -> memref<10240xf32, #tpu.memory_space<vmem_shared>>
      %dma_start3A_1621 = tpu.memref_slice %arg17[%mul3A_160] : memref<163840xf32, #tpu.memory_space<vmem_shared>> -> memref<10240xf32, #tpu.memory_space<vmem_shared>>
      tpu.enqueue_dma source(%arg15 : memref<10240xf32, #tpu.memory_space<vmem>>) target(%dma_start3A_1621 : memref<10240xf32, #tpu.memory_space<vmem_shared>>) target_semaphore(%run_scoped3A : memref<!tpu.dma_semaphore, #tpu.memory_space<semaphore_mem>>)
      %dma_wait3A_1622 = tpu.memref_slice %arg17[%mul3A_160] : memref<163840xf32, #tpu.memory_space<vmem_shared>> -> memref<10240xf32, #tpu.memory_space<vmem_shared>>
      %dma_wait3A_1623 = tpu.memref_slice %arg17[%mul3A_160] : memref<163840xf32, #tpu.memory_space<vmem_shared>> -> memref<10240xf32, #tpu.memory_space<vmem_shared>>
      tpu.wait_dma2 semaphore(%run_scoped3A : memref<!tpu.dma_semaphore, #tpu.memory_space<semaphore_mem>>) src(%arg15 : memref<10240xf32, #tpu.memory_space<vmem>>) dst(%dma_wait3A_1623 : memref<10240xf32, #tpu.memory_space<vmem_shared>>)
      tpu.yield
    }) : () -> ()
    %scan3A_161 = arith.constant 0 : i32
    %scan3A_162 = arith.constant 0 : i32
    %scan3A_163 = arith.constant 80 : i32
    %scan3A_164 = arith.addi %scan3A_162, %scan3A_163 : i32
    %scan3A_165 = arith.constant 1 : i32
    scf.for %scan3A_1620 = %scan3A_162 to %scan3A_164 step %scan3A_165  : i32 {
      %mul3A_1621 = arith.constant 128 : i32
      %mul3A_1622 = arith.muli %scan3A_1620, %mul3A_1621 : i32
      %add3A_1623 = arith.constant 0 : i32
      %add3A_1624 = arith.addi %mul3A_1622, %add3A_1623 : i32
      %swap3A_1625 = arith.index_cast %add3A_1624 : i32 to index
      %swap3A_1626 = tpu.vector_load %arg15[%swap3A_1625] {strides = array<i32>} : memref<10240xf32, #tpu.memory_space<vmem>>, vector<16xf32>,
      tpu.vector_store %arg15[%swap3A_1625], %broadcast_in_dim3A_70 {strides = array<i32>} : memref<10240xf32, #tpu.memory_space<vmem>>, vector<16xf32>,
      %mul3A_1627 = arith.constant 128 : i32
      %mul3A_1628 = arith.muli %scan3A_1620, %mul3A_1627 : i32
      %add3A_1629 = arith.constant 16 : i32
      %add3A_1630 = arith.addi %mul3A_1628, %add3A_1629 : i32
      %swap3A_1631 = arith.index_cast %add3A_1630 : i32 to index
      %swap3A_1632 = tpu.vector_load %arg15[%swap3A_1631] {strides = array<i32>} : memref<10240xf32, #tpu.memory_space<vmem>>, vector<16xf32>,
      tpu.vector_store %arg15[%swap3A_1631], %broadcast_in_dim3A_70 {strides = array<i32>} : memref<10240xf32, #tpu.memory_space<vmem>>, vector<16xf32>,
      %mul3A_1633 = arith.constant 128 : i32
      %mul3A_1634 = arith.muli %scan3A_1620, %mul3A_1633 : i32
      %add3A_1635 = arith.constant 32 : i32
      %add3A_1636 = arith.addi %mul3A_1634, %add3A_1635 : i32
      %swap3A_1637 = arith.index_cast %add3A_1636 : i32 to index
      %swap3A_1638 = tpu.vector_load %arg15[%swap3A_1637] {strides = array<i32>} : memref<10240xf32, #tpu.memory_space<vmem>>, vector<16xf32>,
      tpu.vector_store %arg15[%swap3A_1637], %broadcast_in_dim3A_70 {strides = array<i32>} : memref<10240xf32, #tpu.memory_space<vmem>>, vector<16xf32>,
      %mul3A_1639 = arith.constant 128 : i32
      %mul3A_1640 = arith.muli %scan3A_1620, %mul3A_1639 : i32
      %add3A_1641 = arith.constant 48 : i32
      %add3A_1642 = arith.addi %mul3A_1640, %add3A_1641 : i32
      %swap3A_1643 = arith.index_cast %add3A_1642 : i32 to index
      %swap3A_1644 = tpu.vector_load %arg15[%swap3A_1643] {strides = array<i32>} : memref<10240xf32, #tpu.memory_space<vmem>>, vector<16xf32>,
      tpu.vector_store %arg15[%swap3A_1643], %broadcast_in_dim3A_70 {strides = array<i32>} : memref<10240xf32, #tpu.memory_space<vmem>>, vector<16xf32>,
      %mul3A_1645 = arith.constant 128 : i32
      %mul3A_1646 = arith.muli %scan3A_1620, %mul3A_1645 : i32
      %add3A_1647 = arith.constant 64 : i32
      %add3A_1648 = arith.addi %mul3A_1646, %add3A_1647 : i32
      %swap3A_1649 = arith.index_cast %add3A_1648 : i32 to index
      %swap3A_1650 = tpu.vector_load %arg15[%swap3A_1649] {strides = array<i32>} : memref<10240xf32, #tpu.memory_space<vmem>>, vector<16xf32>,
      tpu.vector_store %arg15[%swap3A_1649], %broadcast_in_dim3A_70 {strides = array<i32>} : memref<10240xf32, #tpu.memory_space<vmem>>, vector<16xf32>,
      %mul3A_1651 = arith.constant 128 : i32
      %mul3A_1652 = arith.muli %scan3A_1620, %mul3A_1651 : i32
      %add3A_1653 = arith.constant 80 : i32
      %add3A_1654 = arith.addi %mul3A_1652, %add3A_1653 : i32
      %swap3A_1655 = arith.index_cast %add3A_1654 : i32 to index
      %swap3A_1656 = tpu.vector_load %arg15[%swap3A_1655] {strides = array<i32>} : memref<10240xf32, #tpu.memory_space<vmem>>, vector<16xf32>,
      tpu.vector_store %arg15[%swap3A_1655], %broadcast_in_dim3A_70 {strides = array<i32>} : memref<10240xf32, #tpu.memory_space<vmem>>, vector<16xf32>,
      %mul3A_1657 = arith.constant 128 : i32
      %mul3A_1658 = arith.muli %scan3A_1620, %mul3A_1657 : i32
      %add3A_1659 = arith.constant 96 : i32
      %add3A_1660 = arith.addi %mul3A_1658, %add3A_1659 : i32
      %swap3A_1661 = arith.index_cast %add3A_1660 : i32 to index
      %swap3A_1662 = tpu.vector_load %arg15[%swap3A_1661] {strides = array<i32>} : memref<10240xf32, #tpu.memory_space<vmem>>, vector<16xf32>,
      tpu.vector_store %arg15[%swap3A_1661], %broadcast_in_dim3A_70 {strides = array<i32>} : memref<10240xf32, #tpu.memory_space<vmem>>, vector<16xf32>,
      %mul3A_1663 = arith.constant 128 : i32
      %mul3A_1664 = arith.muli %scan3A_1620, %mul3A_1663 : i32
      %add3A_1665 = arith.constant 112 : i32
      %add3A_1666 = arith.addi %mul3A_1664, %add3A_1665 : i32
      %swap3A_1667 = arith.index_cast %add3A_1666 : i32 to index
      %swap3A_1668 = tpu.vector_load %arg15[%swap3A_1667] {strides = array<i32>} : memref<10240xf32, #tpu.memory_space<vmem>>, vector<16xf32>,
      tpu.vector_store %arg15[%swap3A_1667], %broadcast_in_dim3A_70 {strides = array<i32>} : memref<10240xf32, #tpu.memory_space<vmem>>, vector<16xf32>,
    }
    %scan3A_166 = arith.constant 80 : i32
    %barrier3A = arith.constant 0 : index
    tpu.barrier barrier_id(%barrier3A)
    %add3A_167 = arith.constant 0 : i32
    %add3A_168 = arith.addi %add3A_167, %mul3A_9 : i32
    %dma_start3A_169 = arith.constant 0 : i32
    %dma_start3A_170 = arith.constant 0 : i32
    %dma_start3A_171 = tpu.memref_slice %arg9[%dma_start3A_169, %dma_start3A_170] : memref<16x640xf32, #tpu.memory_space<vmem>> -> memref<1x640xf32, #tpu.memory_space<vmem>>
    %dma_start3A_172 = tpu.memref_squeeze %dma_start3A_171 : memref<1x640xf32, #tpu.memory_space<vmem>> -> memref<640xf32, #tpu.memory_space<vmem>>
    %dma_start3A_173 = tpu.memref_slice %arg17[%add3A_168] : memref<163840xf32, #tpu.memory_space<vmem_shared>> -> memref<640xf32, #tpu.memory_space<vmem_shared>>
    %dma_start3A_174 = arith.constant 0 : i32
    %dma_start3A_175 = tpu.memref_slice %arg9[%dma_start3A_169, %dma_start3A_174] : memref<16x640xf32, #tpu.memory_space<vmem>> -> memref<1x640xf32, #tpu.memory_space<vmem>>
    %dma_start3A_176 = tpu.memref_squeeze %dma_start3A_175 : memref<1x640xf32, #tpu.memory_space<vmem>> -> memref<640xf32, #tpu.memory_space<vmem>>
    %dma_start3A_177 = tpu.memref_slice %arg17[%add3A_168] : memref<163840xf32, #tpu.memory_space<vmem_shared>> -> memref<640xf32, #tpu.memory_space<vmem_shared>>
    tpu.enqueue_dma source(%dma_start3A_177 : memref<640xf32, #tpu.memory_space<vmem_shared>>) target(%dma_start3A_176 : memref<640xf32, #tpu.memory_space<vmem>>) target_semaphore(%arg18 : memref<!tpu.dma_semaphore, #tpu.memory_space<semaphore_mem>>)
    %add3A_178 = arith.constant 10240 : i32
    %add3A_179 = arith.addi %add3A_178, %mul3A_9 : i32
    %dma_start3A_180 = arith.constant 1 : i32
    %dma_start3A_181 = arith.constant 0 : i32
    %dma_start3A_182 = tpu.memref_slice %arg9[%dma_start3A_180, %dma_start3A_181] : memref<16x640xf32, #tpu.memory_space<vmem>> -> memref<1x640xf32, #tpu.memory_space<vmem>>
    %dma_start3A_183 = tpu.memref_squeeze %dma_start3A_182 : memref<1x640xf32, #tpu.memory_space<vmem>> -> memref<640xf32, #tpu.memory_space<vmem>>
    %dma_start3A_184 = tpu.memref_slice %arg17[%add3A_179] : memref<163840xf32, #tpu.memory_space<vmem_shared>> -> memref<640xf32, #tpu.memory_space<vmem_shared>>
    %dma_start3A_185 = arith.constant 0 : i32
    %dma_start3A_186 = tpu.memref_slice %arg9[%dma_start3A_180, %dma_start3A_185] : memref<16x640xf32, #tpu.memory_space<vmem>> -> memref<1x640xf32, #tpu.memory_space<vmem>>
    %dma_start3A_187 = tpu.memref_squeeze %dma_start3A_186 : memref<1x640xf32, #tpu.memory_space<vmem>> -> memref<640xf32, #tpu.memory_space<vmem>>
    %dma_start3A_188 = tpu.memref_slice %arg17[%add3A_179] : memref<163840xf32, #tpu.memory_space<vmem_shared>> -> memref<640xf32, #tpu.memory_space<vmem_shared>>
    tpu.enqueue_dma source(%dma_start3A_188 : memref<640xf32, #tpu.memory_space<vmem_shared>>) target(%dma_start3A_187 : memref<640xf32, #tpu.memory_space<vmem>>) target_semaphore(%arg18 : memref<!tpu.dma_semaphore, #tpu.memory_space<semaphore_mem>>)
    %add3A_189 = arith.constant 20480 : i32
    %add3A_190 = arith.addi %add3A_189, %mul3A_9 : i32
    %dma_start3A_191 = arith.constant 2 : i32
    %dma_start3A_192 = arith.constant 0 : i32
    %dma_start3A_193 = tpu.memref_slice %arg9[%dma_start3A_191, %dma_start3A_192] : memref<16x640xf32, #tpu.memory_space<vmem>> -> memref<1x640xf32, #tpu.memory_space<vmem>>
    %dma_start3A_194 = tpu.memref_squeeze %dma_start3A_193 : memref<1x640xf32, #tpu.memory_space<vmem>> -> memref<640xf32, #tpu.memory_space<vmem>>
    %dma_start3A_195 = tpu.memref_slice %arg17[%add3A_190] : memref<163840xf32, #tpu.memory_space<vmem_shared>> -> memref<640xf32, #tpu.memory_space<vmem_shared>>
    %dma_start3A_196 = arith.constant 0 : i32
    %dma_start3A_197 = tpu.memref_slice %arg9[%dma_start3A_191, %dma_start3A_196] : memref<16x640xf32, #tpu.memory_space<vmem>> -> memref<1x640xf32, #tpu.memory_space<vmem>>
    %dma_start3A_198 = tpu.memref_squeeze %dma_start3A_197 : memref<1x640xf32, #tpu.memory_space<vmem>> -> memref<640xf32, #tpu.memory_space<vmem>>
    %dma_start3A_199 = tpu.memref_slice %arg17[%add3A_190] : memref<163840xf32, #tpu.memory_space<vmem_shared>> -> memref<640xf32, #tpu.memory_space<vmem_shared>>
    tpu.enqueue_dma source(%dma_start3A_199 : memref<640xf32, #tpu.memory_space<vmem_shared>>) target(%dma_start3A_198 : memref<640xf32, #tpu.memory_space<vmem>>) target_semaphore(%arg18 : memref<!tpu.dma_semaphore, #tpu.memory_space<semaphore_mem>>)
    %add3A_200 = arith.constant 30720 : i32
    %add3A_201 = arith.addi %add3A_200, %mul3A_9 : i32
    %dma_start3A_202 = arith.constant 3 : i32
    %dma_start3A_203 = arith.constant 0 : i32
    %dma_start3A_204 = tpu.memref_slice %arg9[%dma_start3A_202, %dma_start3A_203] : memref<16x640xf32, #tpu.memory_space<vmem>> -> memref<1x640xf32, #tpu.memory_space<vmem>>
    %dma_start3A_205 = tpu.memref_squeeze %dma_start3A_204 : memref<1x640xf32, #tpu.memory_space<vmem>> -> memref<640xf32, #tpu.memory_space<vmem>>
    %dma_start3A_206 = tpu.memref_slice %arg17[%add3A_201] : memref<163840xf32, #tpu.memory_space<vmem_shared>> -> memref<640xf32, #tpu.memory_space<vmem_shared>>
    %dma_start3A_207 = arith.constant 0 : i32
    %dma_start3A_208 = tpu.memref_slice %arg9[%dma_start3A_202, %dma_start3A_207] : memref<16x640xf32, #tpu.memory_space<vmem>> -> memref<1x640xf32, #tpu.memory_space<vmem>>
    %dma_start3A_209 = tpu.memref_squeeze %dma_start3A_208 : memref<1x640xf32, #tpu.memory_space<vmem>> -> memref<640xf32, #tpu.memory_space<vmem>>
    %dma_start3A_210 = tpu.memref_slice %arg17[%add3A_201] : memref<163840xf32, #tpu.memory_space<vmem_shared>> -> memref<640xf32, #tpu.memory_space<vmem_shared>>
    tpu.enqueue_dma source(%dma_start3A_210 : memref<640xf32, #tpu.memory_space<vmem_shared>>) target(%dma_start3A_209 : memref<640xf32, #tpu.memory_space<vmem>>) target_semaphore(%arg18 : memref<!tpu.dma_semaphore, #tpu.memory_space<semaphore_mem>>)
    %add3A_211 = arith.constant 40960 : i32
    %add3A_212 = arith.addi %add3A_211, %mul3A_9 : i32
    %dma_start3A_213 = arith.constant 4 : i32
    %dma_start3A_214 = arith.constant 0 : i32
    %dma_start3A_215 = tpu.memref_slice %arg9[%dma_start3A_213, %dma_start3A_214] : memref<16x640xf32, #tpu.memory_space<vmem>> -> memref<1x640xf32, #tpu.memory_space<vmem>>
    %dma_start3A_216 = tpu.memref_squeeze %dma_start3A_215 : memref<1x640xf32, #tpu.memory_space<vmem>> -> memref<640xf32, #tpu.memory_space<vmem>>
    %dma_start3A_217 = tpu.memref_slice %arg17[%add3A_212] : memref<163840xf32, #tpu.memory_space<vmem_shared>> -> memref<640xf32, #tpu.memory_space<vmem_shared>>
    %dma_start3A_218 = arith.constant 0 : i32
    %dma_start3A_219 = tpu.memref_slice %arg9[%dma_start3A_213, %dma_start3A_218] : memref<16x640xf32, #tpu.memory_space<vmem>> -> memref<1x640xf32, #tpu.memory_space<vmem>>
    %dma_start3A_220 = tpu.memref_squeeze %dma_start3A_219 : memref<1x640xf32, #tpu.memory_space<vmem>> -> memref<640xf32, #tpu.memory_space<vmem>>
    %dma_start3A_221 = tpu.memref_slice %arg17[%add3A_212] : memref<163840xf32, #tpu.memory_space<vmem_shared>> -> memref<640xf32, #tpu.memory_space<vmem_shared>>
    tpu.enqueue_dma source(%dma_start3A_221 : memref<640xf32, #tpu.memory_space<vmem_shared>>) target(%dma_start3A_220 : memref<640xf32, #tpu.memory_space<vmem>>) target_semaphore(%arg18 : memref<!tpu.dma_semaphore, #tpu.memory_space<semaphore_mem>>)
    %add3A_222 = arith.constant 51200 : i32
    %add3A_223 = arith.addi %add3A_222, %mul3A_9 : i32
    %dma_start3A_224 = arith.constant 5 : i32
    %dma_start3A_225 = arith.constant 0 : i32
    %dma_start3A_226 = tpu.memref_slice %arg9[%dma_start3A_224, %dma_start3A_225] : memref<16x640xf32, #tpu.memory_space<vmem>> -> memref<1x640xf32, #tpu.memory_space<vmem>>
    %dma_start3A_227 = tpu.memref_squeeze %dma_start3A_226 : memref<1x640xf32, #tpu.memory_space<vmem>> -> memref<640xf32, #tpu.memory_space<vmem>>
    %dma_start3A_228 = tpu.memref_slice %arg17[%add3A_223] : memref<163840xf32, #tpu.memory_space<vmem_shared>> -> memref<640xf32, #tpu.memory_space<vmem_shared>>
    %dma_start3A_229 = arith.constant 0 : i32
    %dma_start3A_230 = tpu.memref_slice %arg9[%dma_start3A_224, %dma_start3A_229] : memref<16x640xf32, #tpu.memory_space<vmem>> -> memref<1x640xf32, #tpu.memory_space<vmem>>
    %dma_start3A_231 = tpu.memref_squeeze %dma_start3A_230 : memref<1x640xf32, #tpu.memory_space<vmem>> -> memref<640xf32, #tpu.memory_space<vmem>>
    %dma_start3A_232 = tpu.memref_slice %arg17[%add3A_223] : memref<163840xf32, #tpu.memory_space<vmem_shared>> -> memref<640xf32, #tpu.memory_space<vmem_shared>>
    tpu.enqueue_dma source(%dma_start3A_232 : memref<640xf32, #tpu.memory_space<vmem_shared>>) target(%dma_start3A_231 : memref<640xf32, #tpu.memory_space<vmem>>) target_semaphore(%arg18 : memref<!tpu.dma_semaphore, #tpu.memory_space<semaphore_mem>>)
    %add3A_233 = arith.constant 61440 : i32
    %add3A_234 = arith.addi %add3A_233, %mul3A_9 : i32
    %dma_start3A_235 = arith.constant 6 : i32
    %dma_start3A_236 = arith.constant 0 : i32
    %dma_start3A_237 = tpu.memref_slice %arg9[%dma_start3A_235, %dma_start3A_236] : memref<16x640xf32, #tpu.memory_space<vmem>> -> memref<1x640xf32, #tpu.memory_space<vmem>>
    %dma_start3A_238 = tpu.memref_squeeze %dma_start3A_237 : memref<1x640xf32, #tpu.memory_space<vmem>> -> memref<640xf32, #tpu.memory_space<vmem>>
    %dma_start3A_239 = tpu.memref_slice %arg17[%add3A_234] : memref<163840xf32, #tpu.memory_space<vmem_shared>> -> memref<640xf32, #tpu.memory_space<vmem_shared>>
    %dma_start3A_240 = arith.constant 0 : i32
    %dma_start3A_241 = tpu.memref_slice %arg9[%dma_start3A_235, %dma_start3A_240] : memref<16x640xf32, #tpu.memory_space<vmem>> -> memref<1x640xf32, #tpu.memory_space<vmem>>
    %dma_start3A_242 = tpu.memref_squeeze %dma_start3A_241 : memref<1x640xf32, #tpu.memory_space<vmem>> -> memref<640xf32, #tpu.memory_space<vmem>>
    %dma_start3A_243 = tpu.memref_slice %arg17[%add3A_234] : memref<163840xf32, #tpu.memory_space<vmem_shared>> -> memref<640xf32, #tpu.memory_space<vmem_shared>>
    tpu.enqueue_dma source(%dma_start3A_243 : memref<640xf32, #tpu.memory_space<vmem_shared>>) target(%dma_start3A_242 : memref<640xf32, #tpu.memory_space<vmem>>) target_semaphore(%arg18 : memref<!tpu.dma_semaphore, #tpu.memory_space<semaphore_mem>>)
    %add3A_244 = arith.constant 71680 : i32
    %add3A_245 = arith.addi %add3A_244, %mul3A_9 : i32
    %dma_start3A_246 = arith.constant 7 : i32
    %dma_start3A_247 = arith.constant 0 : i32
    %dma_start3A_248 = tpu.memref_slice %arg9[%dma_start3A_246, %dma_start3A_247] : memref<16x640xf32, #tpu.memory_space<vmem>> -> memref<1x640xf32, #tpu.memory_space<vmem>>
    %dma_start3A_249 = tpu.memref_squeeze %dma_start3A_248 : memref<1x640xf32, #tpu.memory_space<vmem>> -> memref<640xf32, #tpu.memory_space<vmem>>
    %dma_start3A_250 = tpu.memref_slice %arg17[%add3A_245] : memref<163840xf32, #tpu.memory_space<vmem_shared>> -> memref<640xf32, #tpu.memory_space<vmem_shared>>
    %dma_start3A_251 = arith.constant 0 : i32
    %dma_start3A_252 = tpu.memref_slice %arg9[%dma_start3A_246, %dma_start3A_251] : memref<16x640xf32, #tpu.memory_space<vmem>> -> memref<1x640xf32, #tpu.memory_space<vmem>>
    %dma_start3A_253 = tpu.memref_squeeze %dma_start3A_252 : memref<1x640xf32, #tpu.memory_space<vmem>> -> memref<640xf32, #tpu.memory_space<vmem>>
    %dma_start3A_254 = tpu.memref_slice %arg17[%add3A_245] : memref<163840xf32, #tpu.memory_space<vmem_shared>> -> memref<640xf32, #tpu.memory_space<vmem_shared>>
    tpu.enqueue_dma source(%dma_start3A_254 : memref<640xf32, #tpu.memory_space<vmem_shared>>) target(%dma_start3A_253 : memref<640xf32, #tpu.memory_space<vmem>>) target_semaphore(%arg18 : memref<!tpu.dma_semaphore, #tpu.memory_space<semaphore_mem>>)
    %add3A_255 = arith.constant 81920 : i32
    %add3A_256 = arith.addi %add3A_255, %mul3A_9 : i32
    %dma_start3A_257 = arith.constant 8 : i32
    %dma_start3A_258 = arith.constant 0 : i32
    %dma_start3A_259 = tpu.memref_slice %arg9[%dma_start3A_257, %dma_start3A_258] : memref<16x640xf32, #tpu.memory_space<vmem>> -> memref<1x640xf32, #tpu.memory_space<vmem>>
    %dma_start3A_260 = tpu.memref_squeeze %dma_start3A_259 : memref<1x640xf32, #tpu.memory_space<vmem>> -> memref<640xf32, #tpu.memory_space<vmem>>
    %dma_start3A_261 = tpu.memref_slice %arg17[%add3A_256] : memref<163840xf32, #tpu.memory_space<vmem_shared>> -> memref<640xf32, #tpu.memory_space<vmem_shared>>
    %dma_start3A_262 = arith.constant 0 : i32
    %dma_start3A_263 = tpu.memref_slice %arg9[%dma_start3A_257, %dma_start3A_262] : memref<16x640xf32, #tpu.memory_space<vmem>> -> memref<1x640xf32, #tpu.memory_space<vmem>>
    %dma_start3A_264 = tpu.memref_squeeze %dma_start3A_263 : memref<1x640xf32, #tpu.memory_space<vmem>> -> memref<640xf32, #tpu.memory_space<vmem>>
    %dma_start3A_265 = tpu.memref_slice %arg17[%add3A_256] : memref<163840xf32, #tpu.memory_space<vmem_shared>> -> memref<640xf32, #tpu.memory_space<vmem_shared>>
    tpu.enqueue_dma source(%dma_start3A_265 : memref<640xf32, #tpu.memory_space<vmem_shared>>) target(%dma_start3A_264 : memref<640xf32, #tpu.memory_space<vmem>>) target_semaphore(%arg18 : memref<!tpu.dma_semaphore, #tpu.memory_space<semaphore_mem>>)
    %add3A_266 = arith.constant 92160 : i32
    %add3A_267 = arith.addi %add3A_266, %mul3A_9 : i32
    %dma_start3A_268 = arith.constant 9 : i32
    %dma_start3A_269 = arith.constant 0 : i32
    %dma_start3A_270 = tpu.memref_slice %arg9[%dma_start3A_268, %dma_start3A_269] : memref<16x640xf32, #tpu.memory_space<vmem>> -> memref<1x640xf32, #tpu.memory_space<vmem>>
    %dma_start3A_271 = tpu.memref_squeeze %dma_start3A_270 : memref<1x640xf32, #tpu.memory_space<vmem>> -> memref<640xf32, #tpu.memory_space<vmem>>
    %dma_start3A_272 = tpu.memref_slice %arg17[%add3A_267] : memref<163840xf32, #tpu.memory_space<vmem_shared>> -> memref<640xf32, #tpu.memory_space<vmem_shared>>
    %dma_start3A_273 = arith.constant 0 : i32
    %dma_start3A_274 = tpu.memref_slice %arg9[%dma_start3A_268, %dma_start3A_273] : memref<16x640xf32, #tpu.memory_space<vmem>> -> memref<1x640xf32, #tpu.memory_space<vmem>>
    %dma_start3A_275 = tpu.memref_squeeze %dma_start3A_274 : memref<1x640xf32, #tpu.memory_space<vmem>> -> memref<640xf32, #tpu.memory_space<vmem>>
    %dma_start3A_276 = tpu.memref_slice %arg17[%add3A_267] : memref<163840xf32, #tpu.memory_space<vmem_shared>> -> memref<640xf32, #tpu.memory_space<vmem_shared>>
    tpu.enqueue_dma source(%dma_start3A_276 : memref<640xf32, #tpu.memory_space<vmem_shared>>) target(%dma_start3A_275 : memref<640xf32, #tpu.memory_space<vmem>>) target_semaphore(%arg18 : memref<!tpu.dma_semaphore, #tpu.memory_space<semaphore_mem>>)
    %add3A_277 = arith.constant 102400 : i32
    %add3A_278 = arith.addi %add3A_277, %mul3A_9 : i32
    %dma_start3A_279 = arith.constant 10 : i32
    %dma_start3A_280 = arith.constant 0 : i32
    %dma_start3A_281 = tpu.memref_slice %arg9[%dma_start3A_279, %dma_start3A_280] : memref<16x640xf32, #tpu.memory_space<vmem>> -> memref<1x640xf32, #tpu.memory_space<vmem>>
    %dma_start3A_282 = tpu.memref_squeeze %dma_start3A_281 : memref<1x640xf32, #tpu.memory_space<vmem>> -> memref<640xf32, #tpu.memory_space<vmem>>
    %dma_start3A_283 = tpu.memref_slice %arg17[%add3A_278] : memref<163840xf32, #tpu.memory_space<vmem_shared>> -> memref<640xf32, #tpu.memory_space<vmem_shared>>
    %dma_start3A_284 = arith.constant 0 : i32
    %dma_start3A_285 = tpu.memref_slice %arg9[%dma_start3A_279, %dma_start3A_284] : memref<16x640xf32, #tpu.memory_space<vmem>> -> memref<1x640xf32, #tpu.memory_space<vmem>>
    %dma_start3A_286 = tpu.memref_squeeze %dma_start3A_285 : memref<1x640xf32, #tpu.memory_space<vmem>> -> memref<640xf32, #tpu.memory_space<vmem>>
    %dma_start3A_287 = tpu.memref_slice %arg17[%add3A_278] : memref<163840xf32, #tpu.memory_space<vmem_shared>> -> memref<640xf32, #tpu.memory_space<vmem_shared>>
    tpu.enqueue_dma source(%dma_start3A_287 : memref<640xf32, #tpu.memory_space<vmem_shared>>) target(%dma_start3A_286 : memref<640xf32, #tpu.memory_space<vmem>>) target_semaphore(%arg18 : memref<!tpu.dma_semaphore, #tpu.memory_space<semaphore_mem>>)
    %add3A_288 = arith.constant 112640 : i32
    %add3A_289 = arith.addi %add3A_288, %mul3A_9 : i32
    %dma_start3A_290 = arith.constant 11 : i32
    %dma_start3A_291 = arith.constant 0 : i32
    %dma_start3A_292 = tpu.memref_slice %arg9[%dma_start3A_290, %dma_start3A_291] : memref<16x640xf32, #tpu.memory_space<vmem>> -> memref<1x640xf32, #tpu.memory_space<vmem>>
    %dma_start3A_293 = tpu.memref_squeeze %dma_start3A_292 : memref<1x640xf32, #tpu.memory_space<vmem>> -> memref<640xf32, #tpu.memory_space<vmem>>
    %dma_start3A_294 = tpu.memref_slice %arg17[%add3A_289] : memref<163840xf32, #tpu.memory_space<vmem_shared>> -> memref<640xf32, #tpu.memory_space<vmem_shared>>
    %dma_start3A_295 = arith.constant 0 : i32
    %dma_start3A_296 = tpu.memref_slice %arg9[%dma_start3A_290, %dma_start3A_295] : memref<16x640xf32, #tpu.memory_space<vmem>> -> memref<1x640xf32, #tpu.memory_space<vmem>>
    %dma_start3A_297 = tpu.memref_squeeze %dma_start3A_296 : memref<1x640xf32, #tpu.memory_space<vmem>> -> memref<640xf32, #tpu.memory_space<vmem>>
    %dma_start3A_298 = tpu.memref_slice %arg17[%add3A_289] : memref<163840xf32, #tpu.memory_space<vmem_shared>> -> memref<640xf32, #tpu.memory_space<vmem_shared>>
    tpu.enqueue_dma source(%dma_start3A_298 : memref<640xf32, #tpu.memory_space<vmem_shared>>) target(%dma_start3A_297 : memref<640xf32, #tpu.memory_space<vmem>>) target_semaphore(%arg18 : memref<!tpu.dma_semaphore, #tpu.memory_space<semaphore_mem>>)
    %add3A_299 = arith.constant 122880 : i32
    %add3A_300 = arith.addi %add3A_299, %mul3A_9 : i32
    %dma_start3A_301 = arith.constant 12 : i32
    %dma_start3A_302 = arith.constant 0 : i32
    %dma_start3A_303 = tpu.memref_slice %arg9[%dma_start3A_301, %dma_start3A_302] : memref<16x640xf32, #tpu.memory_space<vmem>> -> memref<1x640xf32, #tpu.memory_space<vmem>>
    %dma_start3A_304 = tpu.memref_squeeze %dma_start3A_303 : memref<1x640xf32, #tpu.memory_space<vmem>> -> memref<640xf32, #tpu.memory_space<vmem>>
    %dma_start3A_305 = tpu.memref_slice %arg17[%add3A_300] : memref<163840xf32, #tpu.memory_space<vmem_shared>> -> memref<640xf32, #tpu.memory_space<vmem_shared>>
    %dma_start3A_306 = arith.constant 0 : i32
    %dma_start3A_307 = tpu.memref_slice %arg9[%dma_start3A_301, %dma_start3A_306] : memref<16x640xf32, #tpu.memory_space<vmem>> -> memref<1x640xf32, #tpu.memory_space<vmem>>
    %dma_start3A_308 = tpu.memref_squeeze %dma_start3A_307 : memref<1x640xf32, #tpu.memory_space<vmem>> -> memref<640xf32, #tpu.memory_space<vmem>>
    %dma_start3A_309 = tpu.memref_slice %arg17[%add3A_300] : memref<163840xf32, #tpu.memory_space<vmem_shared>> -> memref<640xf32, #tpu.memory_space<vmem_shared>>
    tpu.enqueue_dma source(%dma_start3A_309 : memref<640xf32, #tpu.memory_space<vmem_shared>>) target(%dma_start3A_308 : memref<640xf32, #tpu.memory_space<vmem>>) target_semaphore(%arg18 : memref<!tpu.dma_semaphore, #tpu.memory_space<semaphore_mem>>)
    %add3A_310 = arith.constant 133120 : i32
    %add3A_311 = arith.addi %add3A_310, %mul3A_9 : i32
    %dma_start3A_312 = arith.constant 13 : i32
    %dma_start3A_313 = arith.constant 0 : i32
    %dma_start3A_314 = tpu.memref_slice %arg9[%dma_start3A_312, %dma_start3A_313] : memref<16x640xf32, #tpu.memory_space<vmem>> -> memref<1x640xf32, #tpu.memory_space<vmem>>
    %dma_start3A_315 = tpu.memref_squeeze %dma_start3A_314 : memref<1x640xf32, #tpu.memory_space<vmem>> -> memref<640xf32, #tpu.memory_space<vmem>>
    %dma_start3A_316 = tpu.memref_slice %arg17[%add3A_311] : memref<163840xf32, #tpu.memory_space<vmem_shared>> -> memref<640xf32, #tpu.memory_space<vmem_shared>>
    %dma_start3A_317 = arith.constant 0 : i32
    %dma_start3A_318 = tpu.memref_slice %arg9[%dma_start3A_312, %dma_start3A_317] : memref<16x640xf32, #tpu.memory_space<vmem>> -> memref<1x640xf32, #tpu.memory_space<vmem>>
    %dma_start3A_319 = tpu.memref_squeeze %dma_start3A_318 : memref<1x640xf32, #tpu.memory_space<vmem>> -> memref<640xf32, #tpu.memory_space<vmem>>
    %dma_start3A_320 = tpu.memref_slice %arg17[%add3A_311] : memref<163840xf32, #tpu.memory_space<vmem_shared>> -> memref<640xf32, #tpu.memory_space<vmem_shared>>
    tpu.enqueue_dma source(%dma_start3A_320 : memref<640xf32, #tpu.memory_space<vmem_shared>>) target(%dma_start3A_319 : memref<640xf32, #tpu.memory_space<vmem>>) target_semaphore(%arg18 : memref<!tpu.dma_semaphore, #tpu.memory_space<semaphore_mem>>)
    %add3A_321 = arith.constant 143360 : i32
    %add3A_322 = arith.addi %add3A_321, %mul3A_9 : i32
    %dma_start3A_323 = arith.constant 14 : i32
    %dma_start3A_324 = arith.constant 0 : i32
    %dma_start3A_325 = tpu.memref_slice %arg9[%dma_start3A_323, %dma_start3A_324] : memref<16x640xf32, #tpu.memory_space<vmem>> -> memref<1x640xf32, #tpu.memory_space<vmem>>
    %dma_start3A_326 = tpu.memref_squeeze %dma_start3A_325 : memref<1x640xf32, #tpu.memory_space<vmem>> -> memref<640xf32, #tpu.memory_space<vmem>>
    %dma_start3A_327 = tpu.memref_slice %arg17[%add3A_322] : memref<163840xf32, #tpu.memory_space<vmem_shared>> -> memref<640xf32, #tpu.memory_space<vmem_shared>>
    %dma_start3A_328 = arith.constant 0 : i32
    %dma_start3A_329 = tpu.memref_slice %arg9[%dma_start3A_323, %dma_start3A_328] : memref<16x640xf32, #tpu.memory_space<vmem>> -> memref<1x640xf32, #tpu.memory_space<vmem>>
    %dma_start3A_330 = tpu.memref_squeeze %dma_start3A_329 : memref<1x640xf32, #tpu.memory_space<vmem>> -> memref<640xf32, #tpu.memory_space<vmem>>
    %dma_start3A_331 = tpu.memref_slice %arg17[%add3A_322] : memref<163840xf32, #tpu.memory_space<vmem_shared>> -> memref<640xf32, #tpu.memory_space<vmem_shared>>
    tpu.enqueue_dma source(%dma_start3A_331 : memref<640xf32, #tpu.memory_space<vmem_shared>>) target(%dma_start3A_330 : memref<640xf32, #tpu.memory_space<vmem>>) target_semaphore(%arg18 : memref<!tpu.dma_semaphore, #tpu.memory_space<semaphore_mem>>)
    %add3A_332 = arith.constant 153600 : i32
    %add3A_333 = arith.addi %add3A_332, %mul3A_9 : i32
    %dma_start3A_334 = arith.constant 15 : i32
    %dma_start3A_335 = arith.constant 0 : i32
    %dma_start3A_336 = tpu.memref_slice %arg9[%dma_start3A_334, %dma_start3A_335] : memref<16x640xf32, #tpu.memory_space<vmem>> -> memref<1x640xf32, #tpu.memory_space<vmem>>
    %dma_start3A_337 = tpu.memref_squeeze %dma_start3A_336 : memref<1x640xf32, #tpu.memory_space<vmem>> -> memref<640xf32, #tpu.memory_space<vmem>>
    %dma_start3A_338 = tpu.memref_slice %arg17[%add3A_333] : memref<163840xf32, #tpu.memory_space<vmem_shared>> -> memref<640xf32, #tpu.memory_space<vmem_shared>>
    %dma_start3A_339 = arith.constant 0 : i32
    %dma_start3A_340 = tpu.memref_slice %arg9[%dma_start3A_334, %dma_start3A_339] : memref<16x640xf32, #tpu.memory_space<vmem>> -> memref<1x640xf32, #tpu.memory_space<vmem>>
    %dma_start3A_341 = tpu.memref_squeeze %dma_start3A_340 : memref<1x640xf32, #tpu.memory_space<vmem>> -> memref<640xf32, #tpu.memory_space<vmem>>
    %dma_start3A_342 = tpu.memref_slice %arg17[%add3A_333] : memref<163840xf32, #tpu.memory_space<vmem_shared>> -> memref<640xf32, #tpu.memory_space<vmem_shared>>
    tpu.enqueue_dma source(%dma_start3A_342 : memref<640xf32, #tpu.memory_space<vmem_shared>>) target(%dma_start3A_341 : memref<640xf32, #tpu.memory_space<vmem>>) target_semaphore(%arg18 : memref<!tpu.dma_semaphore, #tpu.memory_space<semaphore_mem>>)
    %dma_wait3A_343 = arith.constant 0 : i32
    %dma_wait3A_344 = arith.constant 0 : i32
    %dma_wait3A_345 = tpu.memref_slice %arg9[%dma_wait3A_343, %dma_wait3A_344] : memref<16x640xf32, #tpu.memory_space<vmem>> -> memref<1x640xf32, #tpu.memory_space<vmem>>
    %dma_wait3A_346 = tpu.memref_squeeze %dma_wait3A_345 : memref<1x640xf32, #tpu.memory_space<vmem>> -> memref<640xf32, #tpu.memory_space<vmem>>
    %dma_wait3A_347 = tpu.memref_slice %arg17[%add3A_168] : memref<163840xf32, #tpu.memory_space<vmem_shared>> -> memref<640xf32, #tpu.memory_space<vmem_shared>>
    %dma_wait3A_348 = arith.constant 0 : i32
    %dma_wait3A_349 = tpu.memref_slice %arg9[%dma_wait3A_343, %dma_wait3A_348] : memref<16x640xf32, #tpu.memory_space<vmem>> -> memref<1x640xf32, #tpu.memory_space<vmem>>
    %dma_wait3A_350 = tpu.memref_squeeze %dma_wait3A_349 : memref<1x640xf32, #tpu.memory_space<vmem>> -> memref<640xf32, #tpu.memory_space<vmem>>
    %dma_wait3A_351 = tpu.memref_slice %arg17[%add3A_168] : memref<163840xf32, #tpu.memory_space<vmem_shared>> -> memref<640xf32, #tpu.memory_space<vmem_shared>>
    tpu.wait_dma2 semaphore(%arg18 : memref<!tpu.dma_semaphore, #tpu.memory_space<semaphore_mem>>) src(%dma_wait3A_351 : memref<640xf32, #tpu.memory_space<vmem_shared>>) dst(%dma_wait3A_350 : memref<640xf32, #tpu.memory_space<vmem>>)
    %dma_wait3A_352 = arith.constant 1 : i32
    %dma_wait3A_353 = arith.constant 0 : i32
    %dma_wait3A_354 = tpu.memref_slice %arg9[%dma_wait3A_352, %dma_wait3A_353] : memref<16x640xf32, #tpu.memory_space<vmem>> -> memref<1x640xf32, #tpu.memory_space<vmem>>
    %dma_wait3A_355 = tpu.memref_squeeze %dma_wait3A_354 : memref<1x640xf32, #tpu.memory_space<vmem>> -> memref<640xf32, #tpu.memory_space<vmem>>
    %dma_wait3A_356 = tpu.memref_slice %arg17[%add3A_179] : memref<163840xf32, #tpu.memory_space<vmem_shared>> -> memref<640xf32, #tpu.memory_space<vmem_shared>>
    %dma_wait3A_357 = arith.constant 0 : i32
    %dma_wait3A_358 = tpu.memref_slice %arg9[%dma_wait3A_352, %dma_wait3A_357] : memref<16x640xf32, #tpu.memory_space<vmem>> -> memref<1x640xf32, #tpu.memory_space<vmem>>
    %dma_wait3A_359 = tpu.memref_squeeze %dma_wait3A_358 : memref<1x640xf32, #tpu.memory_space<vmem>> -> memref<640xf32, #tpu.memory_space<vmem>>
    %dma_wait3A_360 = tpu.memref_slice %arg17[%add3A_179] : memref<163840xf32, #tpu.memory_space<vmem_shared>> -> memref<640xf32, #tpu.memory_space<vmem_shared>>
    tpu.wait_dma2 semaphore(%arg18 : memref<!tpu.dma_semaphore, #tpu.memory_space<semaphore_mem>>) src(%dma_wait3A_360 : memref<640xf32, #tpu.memory_space<vmem_shared>>) dst(%dma_wait3A_359 : memref<640xf32, #tpu.memory_space<vmem>>)
    %dma_wait3A_361 = arith.constant 2 : i32
    %dma_wait3A_362 = arith.constant 0 : i32
    %dma_wait3A_363 = tpu.memref_slice %arg9[%dma_wait3A_361, %dma_wait3A_362] : memref<16x640xf32, #tpu.memory_space<vmem>> -> memref<1x640xf32, #tpu.memory_space<vmem>>
    %dma_wait3A_364 = tpu.memref_squeeze %dma_wait3A_363 : memref<1x640xf32, #tpu.memory_space<vmem>> -> memref<640xf32, #tpu.memory_space<vmem>>
    %dma_wait3A_365 = tpu.memref_slice %arg17[%add3A_190] : memref<163840xf32, #tpu.memory_space<vmem_shared>> -> memref<640xf32, #tpu.memory_space<vmem_shared>>
    %dma_wait3A_366 = arith.constant 0 : i32
    %dma_wait3A_367 = tpu.memref_slice %arg9[%dma_wait3A_361, %dma_wait3A_366] : memref<16x640xf32, #tpu.memory_space<vmem>> -> memref<1x640xf32, #tpu.memory_space<vmem>>
    %dma_wait3A_368 = tpu.memref_squeeze %dma_wait3A_367 : memref<1x640xf32, #tpu.memory_space<vmem>> -> memref<640xf32, #tpu.memory_space<vmem>>
    %dma_wait3A_369 = tpu.memref_slice %arg17[%add3A_190] : memref<163840xf32, #tpu.memory_space<vmem_shared>> -> memref<640xf32, #tpu.memory_space<vmem_shared>>
    tpu.wait_dma2 semaphore(%arg18 : memref<!tpu.dma_semaphore, #tpu.memory_space<semaphore_mem>>) src(%dma_wait3A_369 : memref<640xf32, #tpu.memory_space<vmem_shared>>) dst(%dma_wait3A_368 : memref<640xf32, #tpu.memory_space<vmem>>)
    %dma_wait3A_370 = arith.constant 3 : i32
    %dma_wait3A_371 = arith.constant 0 : i32
    %dma_wait3A_372 = tpu.memref_slice %arg9[%dma_wait3A_370, %dma_wait3A_371] : memref<16x640xf32, #tpu.memory_space<vmem>> -> memref<1x640xf32, #tpu.memory_space<vmem>>
    %dma_wait3A_373 = tpu.memref_squeeze %dma_wait3A_372 : memref<1x640xf32, #tpu.memory_space<vmem>> -> memref<640xf32, #tpu.memory_space<vmem>>
    %dma_wait3A_374 = tpu.memref_slice %arg17[%add3A_201] : memref<163840xf32, #tpu.memory_space<vmem_shared>> -> memref<640xf32, #tpu.memory_space<vmem_shared>>
    %dma_wait3A_375 = arith.constant 0 : i32
    %dma_wait3A_376 = tpu.memref_slice %arg9[%dma_wait3A_370, %dma_wait3A_375] : memref<16x640xf32, #tpu.memory_space<vmem>> -> memref<1x640xf32, #tpu.memory_space<vmem>>
    %dma_wait3A_377 = tpu.memref_squeeze %dma_wait3A_376 : memref<1x640xf32, #tpu.memory_space<vmem>> -> memref<640xf32, #tpu.memory_space<vmem>>
    %dma_wait3A_378 = tpu.memref_slice %arg17[%add3A_201] : memref<163840xf32, #tpu.memory_space<vmem_shared>> -> memref<640xf32, #tpu.memory_space<vmem_shared>>
    tpu.wait_dma2 semaphore(%arg18 : memref<!tpu.dma_semaphore, #tpu.memory_space<semaphore_mem>>) src(%dma_wait3A_378 : memref<640xf32, #tpu.memory_space<vmem_shared>>) dst(%dma_wait3A_377 : memref<640xf32, #tpu.memory_space<vmem>>)
    %dma_wait3A_379 = arith.constant 4 : i32
    %dma_wait3A_380 = arith.constant 0 : i32
    %dma_wait3A_381 = tpu.memref_slice %arg9[%dma_wait3A_379, %dma_wait3A_380] : memref<16x640xf32, #tpu.memory_space<vmem>> -> memref<1x640xf32, #tpu.memory_space<vmem>>
    %dma_wait3A_382 = tpu.memref_squeeze %dma_wait3A_381 : memref<1x640xf32, #tpu.memory_space<vmem>> -> memref<640xf32, #tpu.memory_space<vmem>>
    %dma_wait3A_383 = tpu.memref_slice %arg17[%add3A_212] : memref<163840xf32, #tpu.memory_space<vmem_shared>> -> memref<640xf32, #tpu.memory_space<vmem_shared>>
    %dma_wait3A_384 = arith.constant 0 : i32
    %dma_wait3A_385 = tpu.memref_slice %arg9[%dma_wait3A_379, %dma_wait3A_384] : memref<16x640xf32, #tpu.memory_space<vmem>> -> memref<1x640xf32, #tpu.memory_space<vmem>>
    %dma_wait3A_386 = tpu.memref_squeeze %dma_wait3A_385 : memref<1x640xf32, #tpu.memory_space<vmem>> -> memref<640xf32, #tpu.memory_space<vmem>>
    %dma_wait3A_387 = tpu.memref_slice %arg17[%add3A_212] : memref<163840xf32, #tpu.memory_space<vmem_shared>> -> memref<640xf32, #tpu.memory_space<vmem_shared>>
    tpu.wait_dma2 semaphore(%arg18 : memref<!tpu.dma_semaphore, #tpu.memory_space<semaphore_mem>>) src(%dma_wait3A_387 : memref<640xf32, #tpu.memory_space<vmem_shared>>) dst(%dma_wait3A_386 : memref<640xf32, #tpu.memory_space<vmem>>)
    %dma_wait3A_388 = arith.constant 5 : i32
    %dma_wait3A_389 = arith.constant 0 : i32
    %dma_wait3A_390 = tpu.memref_slice %arg9[%dma_wait3A_388, %dma_wait3A_389] : memref<16x640xf32, #tpu.memory_space<vmem>> -> memref<1x640xf32, #tpu.memory_space<vmem>>
    %dma_wait3A_391 = tpu.memref_squeeze %dma_wait3A_390 : memref<1x640xf32, #tpu.memory_space<vmem>> -> memref<640xf32, #tpu.memory_space<vmem>>
    %dma_wait3A_392 = tpu.memref_slice %arg17[%add3A_223] : memref<163840xf32, #tpu.memory_space<vmem_shared>> -> memref<640xf32, #tpu.memory_space<vmem_shared>>
    %dma_wait3A_393 = arith.constant 0 : i32
    %dma_wait3A_394 = tpu.memref_slice %arg9[%dma_wait3A_388, %dma_wait3A_393] : memref<16x640xf32, #tpu.memory_space<vmem>> -> memref<1x640xf32, #tpu.memory_space<vmem>>
    %dma_wait3A_395 = tpu.memref_squeeze %dma_wait3A_394 : memref<1x640xf32, #tpu.memory_space<vmem>> -> memref<640xf32, #tpu.memory_space<vmem>>
    %dma_wait3A_396 = tpu.memref_slice %arg17[%add3A_223] : memref<163840xf32, #tpu.memory_space<vmem_shared>> -> memref<640xf32, #tpu.memory_space<vmem_shared>>
    tpu.wait_dma2 semaphore(%arg18 : memref<!tpu.dma_semaphore, #tpu.memory_space<semaphore_mem>>) src(%dma_wait3A_396 : memref<640xf32, #tpu.memory_space<vmem_shared>>) dst(%dma_wait3A_395 : memref<640xf32, #tpu.memory_space<vmem>>)
    %dma_wait3A_397 = arith.constant 6 : i32
    %dma_wait3A_398 = arith.constant 0 : i32
    %dma_wait3A_399 = tpu.memref_slice %arg9[%dma_wait3A_397, %dma_wait3A_398] : memref<16x640xf32, #tpu.memory_space<vmem>> -> memref<1x640xf32, #tpu.memory_space<vmem>>
    %dma_wait3A_400 = tpu.memref_squeeze %dma_wait3A_399 : memref<1x640xf32, #tpu.memory_space<vmem>> -> memref<640xf32, #tpu.memory_space<vmem>>
    %dma_wait3A_401 = tpu.memref_slice %arg17[%add3A_234] : memref<163840xf32, #tpu.memory_space<vmem_shared>> -> memref<640xf32, #tpu.memory_space<vmem_shared>>
    %dma_wait3A_402 = arith.constant 0 : i32
    %dma_wait3A_403 = tpu.memref_slice %arg9[%dma_wait3A_397, %dma_wait3A_402] : memref<16x640xf32, #tpu.memory_space<vmem>> -> memref<1x640xf32, #tpu.memory_space<vmem>>
    %dma_wait3A_404 = tpu.memref_squeeze %dma_wait3A_403 : memref<1x640xf32, #tpu.memory_space<vmem>> -> memref<640xf32, #tpu.memory_space<vmem>>
    %dma_wait3A_405 = tpu.memref_slice %arg17[%add3A_234] : memref<163840xf32, #tpu.memory_space<vmem_shared>> -> memref<640xf32, #tpu.memory_space<vmem_shared>>
    tpu.wait_dma2 semaphore(%arg18 : memref<!tpu.dma_semaphore, #tpu.memory_space<semaphore_mem>>) src(%dma_wait3A_405 : memref<640xf32, #tpu.memory_space<vmem_shared>>) dst(%dma_wait3A_404 : memref<640xf32, #tpu.memory_space<vmem>>)
    %dma_wait3A_406 = arith.constant 7 : i32
    %dma_wait3A_407 = arith.constant 0 : i32
    %dma_wait3A_408 = tpu.memref_slice %arg9[%dma_wait3A_406, %dma_wait3A_407] : memref<16x640xf32, #tpu.memory_space<vmem>> -> memref<1x640xf32, #tpu.memory_space<vmem>>
    %dma_wait3A_409 = tpu.memref_squeeze %dma_wait3A_408 : memref<1x640xf32, #tpu.memory_space<vmem>> -> memref<640xf32, #tpu.memory_space<vmem>>
    %dma_wait3A_410 = tpu.memref_slice %arg17[%add3A_245] : memref<163840xf32, #tpu.memory_space<vmem_shared>> -> memref<640xf32, #tpu.memory_space<vmem_shared>>
    %dma_wait3A_411 = arith.constant 0 : i32
    %dma_wait3A_412 = tpu.memref_slice %arg9[%dma_wait3A_406, %dma_wait3A_411] : memref<16x640xf32, #tpu.memory_space<vmem>> -> memref<1x640xf32, #tpu.memory_space<vmem>>
    %dma_wait3A_413 = tpu.memref_squeeze %dma_wait3A_412 : memref<1x640xf32, #tpu.memory_space<vmem>> -> memref<640xf32, #tpu.memory_space<vmem>>
    %dma_wait3A_414 = tpu.memref_slice %arg17[%add3A_245] : memref<163840xf32, #tpu.memory_space<vmem_shared>> -> memref<640xf32, #tpu.memory_space<vmem_shared>>
    tpu.wait_dma2 semaphore(%arg18 : memref<!tpu.dma_semaphore, #tpu.memory_space<semaphore_mem>>) src(%dma_wait3A_414 : memref<640xf32, #tpu.memory_space<vmem_shared>>) dst(%dma_wait3A_413 : memref<640xf32, #tpu.memory_space<vmem>>)
    %dma_wait3A_415 = arith.constant 8 : i32
    %dma_wait3A_416 = arith.constant 0 : i32
    %dma_wait3A_417 = tpu.memref_slice %arg9[%dma_wait3A_415, %dma_wait3A_416] : memref<16x640xf32, #tpu.memory_space<vmem>> -> memref<1x640xf32, #tpu.memory_space<vmem>>
    %dma_wait3A_418 = tpu.memref_squeeze %dma_wait3A_417 : memref<1x640xf32, #tpu.memory_space<vmem>> -> memref<640xf32, #tpu.memory_space<vmem>>
    %dma_wait3A_419 = tpu.memref_slice %arg17[%add3A_256] : memref<163840xf32, #tpu.memory_space<vmem_shared>> -> memref<640xf32, #tpu.memory_space<vmem_shared>>
    %dma_wait3A_420 = arith.constant 0 : i32
    %dma_wait3A_421 = tpu.memref_slice %arg9[%dma_wait3A_415, %dma_wait3A_420] : memref<16x640xf32, #tpu.memory_space<vmem>> -> memref<1x640xf32, #tpu.memory_space<vmem>>
    %dma_wait3A_422 = tpu.memref_squeeze %dma_wait3A_421 : memref<1x640xf32, #tpu.memory_space<vmem>> -> memref<640xf32, #tpu.memory_space<vmem>>
    %dma_wait3A_423 = tpu.memref_slice %arg17[%add3A_256] : memref<163840xf32, #tpu.memory_space<vmem_shared>> -> memref<640xf32, #tpu.memory_space<vmem_shared>>
    tpu.wait_dma2 semaphore(%arg18 : memref<!tpu.dma_semaphore, #tpu.memory_space<semaphore_mem>>) src(%dma_wait3A_423 : memref<640xf32, #tpu.memory_space<vmem_shared>>) dst(%dma_wait3A_422 : memref<640xf32, #tpu.memory_space<vmem>>)
    %dma_wait3A_424 = arith.constant 9 : i32
    %dma_wait3A_425 = arith.constant 0 : i32
    %dma_wait3A_426 = tpu.memref_slice %arg9[%dma_wait3A_424, %dma_wait3A_425] : memref<16x640xf32, #tpu.memory_space<vmem>> -> memref<1x640xf32, #tpu.memory_space<vmem>>
    %dma_wait3A_427 = tpu.memref_squeeze %dma_wait3A_426 : memref<1x640xf32, #tpu.memory_space<vmem>> -> memref<640xf32, #tpu.memory_space<vmem>>
    %dma_wait3A_428 = tpu.memref_slice %arg17[%add3A_267] : memref<163840xf32, #tpu.memory_space<vmem_shared>> -> memref<640xf32, #tpu.memory_space<vmem_shared>>
    %dma_wait3A_429 = arith.constant 0 : i32
    %dma_wait3A_430 = tpu.memref_slice %arg9[%dma_wait3A_424, %dma_wait3A_429] : memref<16x640xf32, #tpu.memory_space<vmem>> -> memref<1x640xf32, #tpu.memory_space<vmem>>
    %dma_wait3A_431 = tpu.memref_squeeze %dma_wait3A_430 : memref<1x640xf32, #tpu.memory_space<vmem>> -> memref<640xf32, #tpu.memory_space<vmem>>
    %dma_wait3A_432 = tpu.memref_slice %arg17[%add3A_267] : memref<163840xf32, #tpu.memory_space<vmem_shared>> -> memref<640xf32, #tpu.memory_space<vmem_shared>>
    tpu.wait_dma2 semaphore(%arg18 : memref<!tpu.dma_semaphore, #tpu.memory_space<semaphore_mem>>) src(%dma_wait3A_432 : memref<640xf32, #tpu.memory_space<vmem_shared>>) dst(%dma_wait3A_431 : memref<640xf32, #tpu.memory_space<vmem>>)
    %dma_wait3A_433 = arith.constant 10 : i32
    %dma_wait3A_434 = arith.constant 0 : i32
    %dma_wait3A_435 = tpu.memref_slice %arg9[%dma_wait3A_433, %dma_wait3A_434] : memref<16x640xf32, #tpu.memory_space<vmem>> -> memref<1x640xf32, #tpu.memory_space<vmem>>
    %dma_wait3A_436 = tpu.memref_squeeze %dma_wait3A_435 : memref<1x640xf32, #tpu.memory_space<vmem>> -> memref<640xf32, #tpu.memory_space<vmem>>
    %dma_wait3A_437 = tpu.memref_slice %arg17[%add3A_278] : memref<163840xf32, #tpu.memory_space<vmem_shared>> -> memref<640xf32, #tpu.memory_space<vmem_shared>>
    %dma_wait3A_438 = arith.constant 0 : i32
    %dma_wait3A_439 = tpu.memref_slice %arg9[%dma_wait3A_433, %dma_wait3A_438] : memref<16x640xf32, #tpu.memory_space<vmem>> -> memref<1x640xf32, #tpu.memory_space<vmem>>
    %dma_wait3A_440 = tpu.memref_squeeze %dma_wait3A_439 : memref<1x640xf32, #tpu.memory_space<vmem>> -> memref<640xf32, #tpu.memory_space<vmem>>
    %dma_wait3A_441 = tpu.memref_slice %arg17[%add3A_278] : memref<163840xf32, #tpu.memory_space<vmem_shared>> -> memref<640xf32, #tpu.memory_space<vmem_shared>>
    tpu.wait_dma2 semaphore(%arg18 : memref<!tpu.dma_semaphore, #tpu.memory_space<semaphore_mem>>) src(%dma_wait3A_441 : memref<640xf32, #tpu.memory_space<vmem_shared>>) dst(%dma_wait3A_440 : memref<640xf32, #tpu.memory_space<vmem>>)
    %dma_wait3A_442 = arith.constant 11 : i32
    %dma_wait3A_443 = arith.constant 0 : i32
    %dma_wait3A_444 = tpu.memref_slice %arg9[%dma_wait3A_442, %dma_wait3A_443] : memref<16x640xf32, #tpu.memory_space<vmem>> -> memref<1x640xf32, #tpu.memory_space<vmem>>
    %dma_wait3A_445 = tpu.memref_squeeze %dma_wait3A_444 : memref<1x640xf32, #tpu.memory_space<vmem>> -> memref<640xf32, #tpu.memory_space<vmem>>
    %dma_wait3A_446 = tpu.memref_slice %arg17[%add3A_289] : memref<163840xf32, #tpu.memory_space<vmem_shared>> -> memref<640xf32, #tpu.memory_space<vmem_shared>>
    %dma_wait3A_447 = arith.constant 0 : i32
    %dma_wait3A_448 = tpu.memref_slice %arg9[%dma_wait3A_442, %dma_wait3A_447] : memref<16x640xf32, #tpu.memory_space<vmem>> -> memref<1x640xf32, #tpu.memory_space<vmem>>
    %dma_wait3A_449 = tpu.memref_squeeze %dma_wait3A_448 : memref<1x640xf32, #tpu.memory_space<vmem>> -> memref<640xf32, #tpu.memory_space<vmem>>
    %dma_wait3A_450 = tpu.memref_slice %arg17[%add3A_289] : memref<163840xf32, #tpu.memory_space<vmem_shared>> -> memref<640xf32, #tpu.memory_space<vmem_shared>>
    tpu.wait_dma2 semaphore(%arg18 : memref<!tpu.dma_semaphore, #tpu.memory_space<semaphore_mem>>) src(%dma_wait3A_450 : memref<640xf32, #tpu.memory_space<vmem_shared>>) dst(%dma_wait3A_449 : memref<640xf32, #tpu.memory_space<vmem>>)
    %dma_wait3A_451 = arith.constant 12 : i32
    %dma_wait3A_452 = arith.constant 0 : i32
    %dma_wait3A_453 = tpu.memref_slice %arg9[%dma_wait3A_451, %dma_wait3A_452] : memref<16x640xf32, #tpu.memory_space<vmem>> -> memref<1x640xf32, #tpu.memory_space<vmem>>
    %dma_wait3A_454 = tpu.memref_squeeze %dma_wait3A_453 : memref<1x640xf32, #tpu.memory_space<vmem>> -> memref<640xf32, #tpu.memory_space<vmem>>
    %dma_wait3A_455 = tpu.memref_slice %arg17[%add3A_300] : memref<163840xf32, #tpu.memory_space<vmem_shared>> -> memref<640xf32, #tpu.memory_space<vmem_shared>>
    %dma_wait3A_456 = arith.constant 0 : i32
    %dma_wait3A_457 = tpu.memref_slice %arg9[%dma_wait3A_451, %dma_wait3A_456] : memref<16x640xf32, #tpu.memory_space<vmem>> -> memref<1x640xf32, #tpu.memory_space<vmem>>
    %dma_wait3A_458 = tpu.memref_squeeze %dma_wait3A_457 : memref<1x640xf32, #tpu.memory_space<vmem>> -> memref<640xf32, #tpu.memory_space<vmem>>
    %dma_wait3A_459 = tpu.memref_slice %arg17[%add3A_300] : memref<163840xf32, #tpu.memory_space<vmem_shared>> -> memref<640xf32, #tpu.memory_space<vmem_shared>>
    tpu.wait_dma2 semaphore(%arg18 : memref<!tpu.dma_semaphore, #tpu.memory_space<semaphore_mem>>) src(%dma_wait3A_459 : memref<640xf32, #tpu.memory_space<vmem_shared>>) dst(%dma_wait3A_458 : memref<640xf32, #tpu.memory_space<vmem>>)
    %dma_wait3A_460 = arith.constant 13 : i32
    %dma_wait3A_461 = arith.constant 0 : i32
    %dma_wait3A_462 = tpu.memref_slice %arg9[%dma_wait3A_460, %dma_wait3A_461] : memref<16x640xf32, #tpu.memory_space<vmem>> -> memref<1x640xf32, #tpu.memory_space<vmem>>
    %dma_wait3A_463 = tpu.memref_squeeze %dma_wait3A_462 : memref<1x640xf32, #tpu.memory_space<vmem>> -> memref<640xf32, #tpu.memory_space<vmem>>
    %dma_wait3A_464 = tpu.memref_slice %arg17[%add3A_311] : memref<163840xf32, #tpu.memory_space<vmem_shared>> -> memref<640xf32, #tpu.memory_space<vmem_shared>>
    %dma_wait3A_465 = arith.constant 0 : i32
    %dma_wait3A_466 = tpu.memref_slice %arg9[%dma_wait3A_460, %dma_wait3A_465] : memref<16x640xf32, #tpu.memory_space<vmem>> -> memref<1x640xf32, #tpu.memory_space<vmem>>
    %dma_wait3A_467 = tpu.memref_squeeze %dma_wait3A_466 : memref<1x640xf32, #tpu.memory_space<vmem>> -> memref<640xf32, #tpu.memory_space<vmem>>
    %dma_wait3A_468 = tpu.memref_slice %arg17[%add3A_311] : memref<163840xf32, #tpu.memory_space<vmem_shared>> -> memref<640xf32, #tpu.memory_space<vmem_shared>>
    tpu.wait_dma2 semaphore(%arg18 : memref<!tpu.dma_semaphore, #tpu.memory_space<semaphore_mem>>) src(%dma_wait3A_468 : memref<640xf32, #tpu.memory_space<vmem_shared>>) dst(%dma_wait3A_467 : memref<640xf32, #tpu.memory_space<vmem>>)
    %dma_wait3A_469 = arith.constant 14 : i32
    %dma_wait3A_470 = arith.constant 0 : i32
    %dma_wait3A_471 = tpu.memref_slice %arg9[%dma_wait3A_469, %dma_wait3A_470] : memref<16x640xf32, #tpu.memory_space<vmem>> -> memref<1x640xf32, #tpu.memory_space<vmem>>
    %dma_wait3A_472 = tpu.memref_squeeze %dma_wait3A_471 : memref<1x640xf32, #tpu.memory_space<vmem>> -> memref<640xf32, #tpu.memory_space<vmem>>
    %dma_wait3A_473 = tpu.memref_slice %arg17[%add3A_322] : memref<163840xf32, #tpu.memory_space<vmem_shared>> -> memref<640xf32, #tpu.memory_space<vmem_shared>>
    %dma_wait3A_474 = arith.constant 0 : i32
    %dma_wait3A_475 = tpu.memref_slice %arg9[%dma_wait3A_469, %dma_wait3A_474] : memref<16x640xf32, #tpu.memory_space<vmem>> -> memref<1x640xf32, #tpu.memory_space<vmem>>
    %dma_wait3A_476 = tpu.memref_squeeze %dma_wait3A_475 : memref<1x640xf32, #tpu.memory_space<vmem>> -> memref<640xf32, #tpu.memory_space<vmem>>
    %dma_wait3A_477 = tpu.memref_slice %arg17[%add3A_322] : memref<163840xf32, #tpu.memory_space<vmem_shared>> -> memref<640xf32, #tpu.memory_space<vmem_shared>>
    tpu.wait_dma2 semaphore(%arg18 : memref<!tpu.dma_semaphore, #tpu.memory_space<semaphore_mem>>) src(%dma_wait3A_477 : memref<640xf32, #tpu.memory_space<vmem_shared>>) dst(%dma_wait3A_476 : memref<640xf32, #tpu.memory_space<vmem>>)
    %dma_wait3A_478 = arith.constant 15 : i32
    %dma_wait3A_479 = arith.constant 0 : i32
    %dma_wait3A_480 = tpu.memref_slice %arg9[%dma_wait3A_478, %dma_wait3A_479] : memref<16x640xf32, #tpu.memory_space<vmem>> -> memref<1x640xf32, #tpu.memory_space<vmem>>
    %dma_wait3A_481 = tpu.memref_squeeze %dma_wait3A_480 : memref<1x640xf32, #tpu.memory_space<vmem>> -> memref<640xf32, #tpu.memory_space<vmem>>
    %dma_wait3A_482 = tpu.memref_slice %arg17[%add3A_333] : memref<163840xf32, #tpu.memory_space<vmem_shared>> -> memref<640xf32, #tpu.memory_space<vmem_shared>>
    %dma_wait3A_483 = arith.constant 0 : i32
    %dma_wait3A_484 = tpu.memref_slice %arg9[%dma_wait3A_478, %dma_wait3A_483] : memref<16x640xf32, #tpu.memory_space<vmem>> -> memref<1x640xf32, #tpu.memory_space<vmem>>
    %dma_wait3A_485 = tpu.memref_squeeze %dma_wait3A_484 : memref<1x640xf32, #tpu.memory_space<vmem>> -> memref<640xf32, #tpu.memory_space<vmem>>
    %dma_wait3A_486 = tpu.memref_slice %arg17[%add3A_333] : memref<163840xf32, #tpu.memory_space<vmem_shared>> -> memref<640xf32, #tpu.memory_space<vmem_shared>>
    tpu.wait_dma2 semaphore(%arg18 : memref<!tpu.dma_semaphore, #tpu.memory_space<semaphore_mem>>) src(%dma_wait3A_486 : memref<640xf32, #tpu.memory_space<vmem_shared>>) dst(%dma_wait3A_485 : memref<640xf32, #tpu.memory_space<vmem>>)
    %dma_wait3A_487 = arith.constant 0 : i32
    %dma_wait3A_488 = arith.constant 0 : i32
    %dma_wait3A_489 = tpu.memref_slice %arg8[%dma_wait3A_488] : memref<10112xi32, #tpu.memory_space<vmem>> -> memref<9984xi32, #tpu.memory_space<vmem>>
    %dma_wait3A_490 = tpu.memref_slice %arg2[%dma_wait3A_487, %add3A_45] : memref<2x320000xi32, #tpu.memory_space<hbm>> -> memref<1x9984xi32, #tpu.memory_space<hbm>>
    %dma_wait3A_491 = tpu.memref_squeeze %dma_wait3A_490 : memref<1x9984xi32, #tpu.memory_space<hbm>> -> memref<9984xi32, #tpu.memory_space<hbm>>
    %dma_wait3A_492 = arith.constant 0 : i32
    %dma_wait3A_493 = tpu.memref_slice %arg8[%dma_wait3A_492] : memref<10112xi32, #tpu.memory_space<vmem>> -> memref<9984xi32, #tpu.memory_space<vmem>>
    %dma_wait3A_494 = tpu.memref_slice %arg2[%dma_wait3A_487, %add3A_45] : memref<2x320000xi32, #tpu.memory_space<hbm>> -> memref<1x9984xi32, #tpu.memory_space<hbm>>
    %dma_wait3A_495 = tpu.memref_squeeze %dma_wait3A_494 : memref<1x9984xi32, #tpu.memory_space<hbm>> -> memref<9984xi32, #tpu.memory_space<hbm>>
    tpu.wait_dma2 semaphore(%arg18 : memref<!tpu.dma_semaphore, #tpu.memory_space<semaphore_mem>>) src(%dma_wait3A_495 : memref<9984xi32, #tpu.memory_space<hbm>>) dst(%dma_wait3A_493 : memref<9984xi32, #tpu.memory_space<vmem>>)
    %dma_wait3A_496 = arith.constant 0 : i32
    %dma_wait3A_497 = arith.constant 9984 : i32
    %dma_wait3A_498 = tpu.memref_slice %arg8[%dma_wait3A_497] : memref<10112xi32, #tpu.memory_space<vmem>> -> memref<128xi32, #tpu.memory_space<vmem>>
    %dma_wait3A_499 = tpu.memref_slice %arg2[%dma_wait3A_496, %add3A_7] : memref<2x320000xi32, #tpu.memory_space<hbm>> -> memref<1x128xi32, #tpu.memory_space<hbm>>
    %dma_wait3A_500 = tpu.memref_squeeze %dma_wait3A_499 : memref<1x128xi32, #tpu.memory_space<hbm>> -> memref<128xi32, #tpu.memory_space<hbm>>
    %dma_wait3A_501 = arith.constant 9984 : i32
    %dma_wait3A_502 = tpu.memref_slice %arg8[%dma_wait3A_501] : memref<10112xi32, #tpu.memory_space<vmem>> -> memref<128xi32, #tpu.memory_space<vmem>>
    %dma_wait3A_503 = tpu.memref_slice %arg2[%dma_wait3A_496, %add3A_7] : memref<2x320000xi32, #tpu.memory_space<hbm>> -> memref<1x128xi32, #tpu.memory_space<hbm>>
    %dma_wait3A_504 = tpu.memref_squeeze %dma_wait3A_503 : memref<1x128xi32, #tpu.memory_space<hbm>> -> memref<128xi32, #tpu.memory_space<hbm>>
    tpu.wait_dma2 semaphore(%arg18 : memref<!tpu.dma_semaphore, #tpu.memory_space<semaphore_mem>>) src(%dma_wait3A_504 : memref<128xi32, #tpu.memory_space<hbm>>) dst(%dma_wait3A_502 : memref<128xi32, #tpu.memory_space<vmem>>)
    %dma_wait3A_505 = tpu.memref_slice %arg4[%min3A_65] : memref<10000xi32, #tpu.memory_space<hbm>> -> memref<640xi32, #tpu.memory_space<hbm>>
    %dma_wait3A_506 = tpu.memref_slice %arg4[%min3A_65] : memref<10000xi32, #tpu.memory_space<hbm>> -> memref<640xi32, #tpu.memory_space<hbm>>
    tpu.wait_dma2 semaphore(%arg18 : memref<!tpu.dma_semaphore, #tpu.memory_space<semaphore_mem>>) src(%dma_wait3A_506 : memref<640xi32, #tpu.memory_space<hbm>>) dst(%arg12 : memref<640xi32, #tpu.memory_space<vmem>>)
    %barrier3A_507 = arith.constant 0 : index
    tpu.barrier barrier_id(%barrier3A_507)
    %scan3A_508 = arith.constant 0 : i32
    %scan3A_509 = arith.constant 0 : i32
    %scan3A_510 = arith.constant 40 : i32
    %scan3A_511 = arith.addi %scan3A_509, %scan3A_510 : i32
    %scan3A_512 = arith.constant 1 : i32
    scf.for %scan3A_1620 = %scan3A_509 to %scan3A_511 step %scan3A_512  : i32 {
      %mul3A_1621 = arith.constant 16 : i32
      %mul3A_1622 = arith.muli %scan3A_1620, %mul3A_1621 : i32
      %get3A_1623 = arith.constant 0 : i32
      %get3A_1624 = arith.index_cast %get3A_1623 : i32 to index
      %get3A_1625 = arith.index_cast %mul3A_1622 : i32 to index
      %get3A_1626 = tpu.vector_load %arg9[%get3A_1624, %get3A_1625] {strides = array<i32>} : memref<16x640xf32, #tpu.memory_space<vmem>>, vector<16xf32>,
      %get3A_1627 = arith.constant 1 : i32
      %get3A_1628 = arith.index_cast %get3A_1627 : i32 to index
      %get3A_1629 = arith.index_cast %mul3A_1622 : i32 to index
      %get3A_1630 = tpu.vector_load %arg9[%get3A_1628, %get3A_1629] {strides = array<i32>} : memref<16x640xf32, #tpu.memory_space<vmem>>, vector<16xf32>,
      %add3A_1631 = arith.addf %get3A_1626, %get3A_1630 : vector<16xf32>
      %get3A_1632 = arith.constant 2 : i32
      %get3A_1633 = arith.index_cast %get3A_1632 : i32 to index
      %get3A_1634 = arith.index_cast %mul3A_1622 : i32 to index
      %get3A_1635 = tpu.vector_load %arg9[%get3A_1633, %get3A_1634] {strides = array<i32>} : memref<16x640xf32, #tpu.memory_space<vmem>>, vector<16xf32>,
      %add3A_1636 = arith.addf %add3A_1631, %get3A_1635 : vector<16xf32>
      %get3A_1637 = arith.constant 3 : i32
      %get3A_1638 = arith.index_cast %get3A_1637 : i32 to index
      %get3A_1639 = arith.index_cast %mul3A_1622 : i32 to index
      %get3A_1640 = tpu.vector_load %arg9[%get3A_1638, %get3A_1639] {strides = array<i32>} : memref<16x640xf32, #tpu.memory_space<vmem>>, vector<16xf32>,
      %add3A_1641 = arith.addf %add3A_1636, %get3A_1640 : vector<16xf32>
      %get3A_1642 = arith.constant 4 : i32
      %get3A_1643 = arith.index_cast %get3A_1642 : i32 to index
      %get3A_1644 = arith.index_cast %mul3A_1622 : i32 to index
      %get3A_1645 = tpu.vector_load %arg9[%get3A_1643, %get3A_1644] {strides = array<i32>} : memref<16x640xf32, #tpu.memory_space<vmem>>, vector<16xf32>,
      %add3A_1646 = arith.addf %add3A_1641, %get3A_1645 : vector<16xf32>
      %get3A_1647 = arith.constant 5 : i32
      %get3A_1648 = arith.index_cast %get3A_1647 : i32 to index
      %get3A_1649 = arith.index_cast %mul3A_1622 : i32 to index
      %get3A_1650 = tpu.vector_load %arg9[%get3A_1648, %get3A_1649] {strides = array<i32>} : memref<16x640xf32, #tpu.memory_space<vmem>>, vector<16xf32>,
      %add3A_1651 = arith.addf %add3A_1646, %get3A_1650 : vector<16xf32>
      %get3A_1652 = arith.constant 6 : i32
      %get3A_1653 = arith.index_cast %get3A_1652 : i32 to index
      %get3A_1654 = arith.index_cast %mul3A_1622 : i32 to index
      %get3A_1655 = tpu.vector_load %arg9[%get3A_1653, %get3A_1654] {strides = array<i32>} : memref<16x640xf32, #tpu.memory_space<vmem>>, vector<16xf32>,
      %add3A_1656 = arith.addf %add3A_1651, %get3A_1655 : vector<16xf32>
      %get3A_1657 = arith.constant 7 : i32
      %get3A_1658 = arith.index_cast %get3A_1657 : i32 to index
      %get3A_1659 = arith.index_cast %mul3A_1622 : i32 to index
      %get3A_1660 = tpu.vector_load %arg9[%get3A_1658, %get3A_1659] {strides = array<i32>} : memref<16x640xf32, #tpu.memory_space<vmem>>, vector<16xf32>,
      %add3A_1661 = arith.addf %add3A_1656, %get3A_1660 : vector<16xf32>
      %get3A_1662 = arith.constant 8 : i32
      %get3A_1663 = arith.index_cast %get3A_1662 : i32 to index
      %get3A_1664 = arith.index_cast %mul3A_1622 : i32 to index
      %get3A_1665 = tpu.vector_load %arg9[%get3A_1663, %get3A_1664] {strides = array<i32>} : memref<16x640xf32, #tpu.memory_space<vmem>>, vector<16xf32>,
      %add3A_1666 = arith.addf %add3A_1661, %get3A_1665 : vector<16xf32>
      %get3A_1667 = arith.constant 9 : i32
      %get3A_1668 = arith.index_cast %get3A_1667 : i32 to index
      %get3A_1669 = arith.index_cast %mul3A_1622 : i32 to index
      %get3A_1670 = tpu.vector_load %arg9[%get3A_1668, %get3A_1669] {strides = array<i32>} : memref<16x640xf32, #tpu.memory_space<vmem>>, vector<16xf32>,
      %add3A_1671 = arith.addf %add3A_1666, %get3A_1670 : vector<16xf32>
      %get3A_1672 = arith.constant 10 : i32
      %get3A_1673 = arith.index_cast %get3A_1672 : i32 to index
      %get3A_1674 = arith.index_cast %mul3A_1622 : i32 to index
      %get3A_1675 = tpu.vector_load %arg9[%get3A_1673, %get3A_1674] {strides = array<i32>} : memref<16x640xf32, #tpu.memory_space<vmem>>, vector<16xf32>,
      %add3A_1676 = arith.addf %add3A_1671, %get3A_1675 : vector<16xf32>
      %get3A_1677 = arith.constant 11 : i32
      %get3A_1678 = arith.index_cast %get3A_1677 : i32 to index
      %get3A_1679 = arith.index_cast %mul3A_1622 : i32 to index
      %get3A_1680 = tpu.vector_load %arg9[%get3A_1678, %get3A_1679] {strides = array<i32>} : memref<16x640xf32, #tpu.memory_space<vmem>>, vector<16xf32>,
      %add3A_1681 = arith.addf %add3A_1676, %get3A_1680 : vector<16xf32>
      %get3A_1682 = arith.constant 12 : i32
      %get3A_1683 = arith.index_cast %get3A_1682 : i32 to index
      %get3A_1684 = arith.index_cast %mul3A_1622 : i32 to index
      %get3A_1685 = tpu.vector_load %arg9[%get3A_1683, %get3A_1684] {strides = array<i32>} : memref<16x640xf32, #tpu.memory_space<vmem>>, vector<16xf32>,
      %add3A_1686 = arith.addf %add3A_1681, %get3A_1685 : vector<16xf32>
      %get3A_1687 = arith.constant 13 : i32
      %get3A_1688 = arith.index_cast %get3A_1687 : i32 to index
      %get3A_1689 = arith.index_cast %mul3A_1622 : i32 to index
      %get3A_1690 = tpu.vector_load %arg9[%get3A_1688, %get3A_1689] {strides = array<i32>} : memref<16x640xf32, #tpu.memory_space<vmem>>, vector<16xf32>,
      %add3A_1691 = arith.addf %add3A_1686, %get3A_1690 : vector<16xf32>
      %get3A_1692 = arith.constant 14 : i32
      %get3A_1693 = arith.index_cast %get3A_1692 : i32 to index
      %get3A_1694 = arith.index_cast %mul3A_1622 : i32 to index
      %get3A_1695 = tpu.vector_load %arg9[%get3A_1693, %get3A_1694] {strides = array<i32>} : memref<16x640xf32, #tpu.memory_space<vmem>>, vector<16xf32>,
      %add3A_1696 = arith.addf %add3A_1691, %get3A_1695 : vector<16xf32>
      %get3A_1697 = arith.constant 15 : i32
      %get3A_1698 = arith.index_cast %get3A_1697 : i32 to index
      %get3A_1699 = arith.index_cast %mul3A_1622 : i32 to index
      %get3A_1700 = tpu.vector_load %arg9[%get3A_1698, %get3A_1699] {strides = array<i32>} : memref<16x640xf32, #tpu.memory_space<vmem>>, vector<16xf32>,
      %add3A_1701 = arith.addf %add3A_1696, %get3A_1700 : vector<16xf32>
      %add3A_1702 = arith.constant 1.000000e+00 : f32
      %add3A_1703 = vector.broadcast %add3A_1702 : f32 to vector<16xf32>
      %add3A_1704 = arith.addf %add3A_1701, %add3A_1703 : vector<16xf32>
      %broadcast_in_dim3A_1705 = arith.constant 1597463007 : i32
      %broadcast_in_dim3A_1706 = vector.broadcast %broadcast_in_dim3A_1705 : i32 to vector<16xi32>
      %bitcast3A_1707 = vector.bitcast %add3A_1704 : vector<16xf32> to vector<16xi32>
      %shift_right_arithmetic3A = arith.constant 1 : i32
      %shift_right_arithmetic3A_1708 = vector.broadcast %shift_right_arithmetic3A : i32 to vector<16xi32>
      %shift_right_arithmetic3A_1709 = arith.shrsi %bitcast3A_1707, %shift_right_arithmetic3A_1708 : vector<16xi32>
      %sub3A_1710 = arith.subi %broadcast_in_dim3A_1706, %shift_right_arithmetic3A_1709 : vector<16xi32>
      %bitcast3A_1711 = vector.bitcast %sub3A_1710 : vector<16xi32> to vector<16xf32>
      %mul3A_1712 = arith.constant 5.000000e-01 : f32
      %mul3A_1713 = vector.broadcast %mul3A_1712 : f32 to vector<16xf32>
      %mul3A_1714 = arith.mulf %mul3A_1713, %add3A_1704 : vector<16xf32>
      %mul3A_1715 = arith.mulf %mul3A_1714, %bitcast3A_1711 : vector<16xf32>
      %mul3A_1716 = arith.mulf %mul3A_1715, %bitcast3A_1711 : vector<16xf32>
      %sub3A_1717 = arith.constant 1.500000e+00 : f32
      %sub3A_1718 = vector.broadcast %sub3A_1717 : f32 to vector<16xf32>
      %sub3A_1719 = arith.subf %sub3A_1718, %mul3A_1716 : vector<16xf32>
      %mul3A_1720 = arith.mulf %bitcast3A_1711, %sub3A_1719 : vector<16xf32>
      %mul3A_1721 = arith.constant 5.000000e-01 : f32
      %mul3A_1722 = vector.broadcast %mul3A_1721 : f32 to vector<16xf32>
      %mul3A_1723 = arith.mulf %mul3A_1722, %add3A_1704 : vector<16xf32>
      %mul3A_1724 = arith.mulf %mul3A_1723, %mul3A_1720 : vector<16xf32>
      %mul3A_1725 = arith.mulf %mul3A_1724, %mul3A_1720 : vector<16xf32>
      %sub3A_1726 = arith.constant 1.500000e+00 : f32
      %sub3A_1727 = vector.broadcast %sub3A_1726 : f32 to vector<16xf32>
      %sub3A_1728 = arith.subf %sub3A_1727, %mul3A_1725 : vector<16xf32>
      %mul3A_1729 = arith.mulf %mul3A_1720, %sub3A_1728 : vector<16xf32>
      %mul3A_1730 = arith.constant 5.000000e-01 : f32
      %mul3A_1731 = vector.broadcast %mul3A_1730 : f32 to vector<16xf32>
      %mul3A_1732 = arith.mulf %mul3A_1731, %add3A_1704 : vector<16xf32>
      %mul3A_1733 = arith.mulf %mul3A_1732, %mul3A_1729 : vector<16xf32>
      %mul3A_1734 = arith.mulf %mul3A_1733, %mul3A_1729 : vector<16xf32>
      %sub3A_1735 = arith.constant 1.500000e+00 : f32
      %sub3A_1736 = vector.broadcast %sub3A_1735 : f32 to vector<16xf32>
      %sub3A_1737 = arith.subf %sub3A_1736, %mul3A_1734 : vector<16xf32>
      %mul3A_1738 = arith.mulf %mul3A_1729, %sub3A_1737 : vector<16xf32>
      %bitcast3A_1739 = vector.bitcast %mul3A_1738 : vector<16xf32> to vector<16xi32>
      %mul3A_1740 = arith.constant 16 : i32
      %mul3A_1741 = arith.muli %scan3A_1620, %mul3A_1740 : i32
      %add3A_1742 = arith.addi %mul3A_1741, %sub3A : i32
      %min3A_1743 = arith.constant 624 : i32
      %min3A_1744 = arith.minsi %add3A_1742, %min3A_1743 : i32
      %get3A_1745 = arith.index_cast %min3A_1744 : i32 to index
      %get3A_1746 = tpu.vector_load %arg12[%get3A_1745] {strides = array<i32>} : memref<640xi32, #tpu.memory_space<vmem>>, vector<16xi32>,
      %and3A_1747 = arith.constant -16 : i32
      %and3A_1748 = vector.broadcast %and3A_1747 : i32 to vector<16xi32>
      %and3A_1749 = arith.andi %bitcast3A_1739, %and3A_1748 : vector<16xi32>
      %or3A = arith.ori %and3A_1749, %get3A_1746 : vector<16xi32>
      %bitcast3A_1750 = vector.bitcast %or3A : vector<16xi32> to vector<16xf32>
      %swap3A_1751 = arith.index_cast %mul3A_1622 : i32 to index
      %swap3A_1752 = tpu.vector_load %arg10[%swap3A_1751] {strides = array<i32>} : memref<640xf32, #tpu.memory_space<vmem>>, vector<16xf32>,
      tpu.vector_store %arg10[%swap3A_1751], %bitcast3A_1750 {strides = array<i32>} : memref<640xf32, #tpu.memory_space<vmem>>, vector<16xf32>,
    }
    %scan3A_513 = arith.constant 40 : i32
    "tpu.region"() ({
      %run_scoped3A = tpu.sem_alloc : memref<!tpu.dma_semaphore, #tpu.memory_space<semaphore_mem>>
      %dma_start3A_1620 = tpu.memref_slice %arg16[%mul3A_9] : memref<10240xf32, #tpu.memory_space<vmem_shared>> -> memref<640xf32, #tpu.memory_space<vmem_shared>>
      %dma_start3A_1621 = tpu.memref_slice %arg16[%mul3A_9] : memref<10240xf32, #tpu.memory_space<vmem_shared>> -> memref<640xf32, #tpu.memory_space<vmem_shared>>
      tpu.enqueue_dma source(%arg10 : memref<640xf32, #tpu.memory_space<vmem>>) target(%dma_start3A_1621 : memref<640xf32, #tpu.memory_space<vmem_shared>>) target_semaphore(%run_scoped3A : memref<!tpu.dma_semaphore, #tpu.memory_space<semaphore_mem>>)
      %dma_wait3A_1622 = tpu.memref_slice %arg16[%mul3A_9] : memref<10240xf32, #tpu.memory_space<vmem_shared>> -> memref<640xf32, #tpu.memory_space<vmem_shared>>
      %dma_wait3A_1623 = tpu.memref_slice %arg16[%mul3A_9] : memref<10240xf32, #tpu.memory_space<vmem_shared>> -> memref<640xf32, #tpu.memory_space<vmem_shared>>
      tpu.wait_dma2 semaphore(%run_scoped3A : memref<!tpu.dma_semaphore, #tpu.memory_space<semaphore_mem>>) src(%arg10 : memref<640xf32, #tpu.memory_space<vmem>>) dst(%dma_wait3A_1623 : memref<640xf32, #tpu.memory_space<vmem_shared>>)
      tpu.yield
    }) : () -> ()
    %mul3A_514 = arith.constant 10240 : i32
    %mul3A_515 = arith.muli %arg1, %mul3A_514 : i32
    "tpu.region"() ({
      %run_scoped3A = tpu.sem_alloc : memref<!tpu.dma_semaphore, #tpu.memory_space<semaphore_mem>>
      %dma_start3A_1620 = tpu.memref_slice %arg17[%mul3A_515] : memref<163840xf32, #tpu.memory_space<vmem_shared>> -> memref<10240xf32, #tpu.memory_space<vmem_shared>>
      %dma_start3A_1621 = tpu.memref_slice %arg17[%mul3A_515] : memref<163840xf32, #tpu.memory_space<vmem_shared>> -> memref<10240xf32, #tpu.memory_space<vmem_shared>>
      tpu.enqueue_dma source(%arg15 : memref<10240xf32, #tpu.memory_space<vmem>>) target(%dma_start3A_1621 : memref<10240xf32, #tpu.memory_space<vmem_shared>>) target_semaphore(%run_scoped3A : memref<!tpu.dma_semaphore, #tpu.memory_space<semaphore_mem>>)
      %dma_wait3A_1622 = tpu.memref_slice %arg17[%mul3A_515] : memref<163840xf32, #tpu.memory_space<vmem_shared>> -> memref<10240xf32, #tpu.memory_space<vmem_shared>>
      %dma_wait3A_1623 = tpu.memref_slice %arg17[%mul3A_515] : memref<163840xf32, #tpu.memory_space<vmem_shared>> -> memref<10240xf32, #tpu.memory_space<vmem_shared>>
      tpu.wait_dma2 semaphore(%run_scoped3A : memref<!tpu.dma_semaphore, #tpu.memory_space<semaphore_mem>>) src(%arg15 : memref<10240xf32, #tpu.memory_space<vmem>>) dst(%dma_wait3A_1623 : memref<10240xf32, #tpu.memory_space<vmem_shared>>)
      tpu.yield
    }) : () -> ()
    %barrier3A_516 = arith.constant 0 : index
    tpu.barrier barrier_id(%barrier3A_516)
    "tpu.region"() ({
      %run_scoped3A = tpu.sem_alloc : memref<!tpu.dma_semaphore, #tpu.memory_space<semaphore_mem>>
      tpu.enqueue_dma source(%arg16 : memref<10240xf32, #tpu.memory_space<vmem_shared>>) target(%arg11 : memref<10240xf32, #tpu.memory_space<vmem>>) target_semaphore(%run_scoped3A : memref<!tpu.dma_semaphore, #tpu.memory_space<semaphore_mem>>)
      tpu.wait_dma2 semaphore(%run_scoped3A : memref<!tpu.dma_semaphore, #tpu.memory_space<semaphore_mem>>) src(%arg16 : memref<10240xf32, #tpu.memory_space<vmem_shared>>) dst(%arg11 : memref<10240xf32, #tpu.memory_space<vmem>>)
      tpu.yield
    }) : () -> ()
    %scan3A_517 = arith.constant 0 : i32
    %scan3A_518 = arith.constant 0 : i32
    %scan3A_519 = arith.constant 78 : i32
    %scan3A_520 = arith.addi %scan3A_518, %scan3A_519 : i32
    %scan3A_521 = arith.constant 1 : i32
    scf.for %scan3A_1620 = %scan3A_518 to %scan3A_520 step %scan3A_521  : i32 {
      %mul3A_1621 = arith.constant 128 : i32
      %mul3A_1622 = arith.muli %scan3A_1620, %mul3A_1621 : i32
      %add3A_1623 = arith.constant 0 : i32
      %add3A_1624 = arith.addi %mul3A_1622, %add3A_1623 : i32
      %add3A_1625 = arith.addi %mul3A_11, %add3A_1624 : i32
      %get3A_1626 = arith.index_cast %add3A_1624 : i32 to index
      %get3A_1627 = tpu.vector_load %arg8[%get3A_1626] {strides = array<i32>} : memref<10112xi32, #tpu.memory_space<vmem>>, vector<16xi32>,
      %get3A_1628 = arith.index_cast %add3A_1625 : i32 to index
      %get3A_1629 = tpu.vector_load %arg6[%get3A_1628] {strides = array<i32>} : memref<20096xi32, #tpu.memory_space<vmem>>, vector<16xi32>,
      %get3A_1630 = arith.index_cast %add3A_1625 : i32 to index
      %get3A_1631 = tpu.vector_load %arg7[%get3A_1630] {strides = array<i32>} : memref<20096xf32, #tpu.memory_space<vmem>>, vector<16xf32>,
      %gather3A_1632 = tpu.vector_load_idx %arg11[%get3A_1627] : memref<10240xf32, #tpu.memory_space<vmem>>[vector<16xi32>], vector<16xf32>,
      %bitcast3A_1633 = vector.bitcast %gather3A_1632 : vector<16xf32> to vector<16xi32>
      %gather3A_1634 = tpu.vector_load_idx %arg11[%get3A_1629] : memref<10240xf32, #tpu.memory_space<vmem>>[vector<16xi32>], vector<16xf32>,
      %bitcast3A_1635 = vector.bitcast %gather3A_1634 : vector<16xf32> to vector<16xi32>
      %and3A_1636 = arith.constant -16 : i32
      %and3A_1637 = vector.broadcast %and3A_1636 : i32 to vector<16xi32>
      %and3A_1638 = arith.andi %bitcast3A_1633, %and3A_1637 : vector<16xi32>
      %bitcast3A_1639 = vector.bitcast %and3A_1638 : vector<16xi32> to vector<16xf32>
      %and3A_1640 = arith.constant -16 : i32
      %and3A_1641 = vector.broadcast %and3A_1640 : i32 to vector<16xi32>
      %and3A_1642 = arith.andi %bitcast3A_1635, %and3A_1641 : vector<16xi32>
      %bitcast3A_1643 = vector.bitcast %and3A_1642 : vector<16xi32> to vector<16xf32>
      %and3A_1644 = arith.constant 15 : i32
      %and3A_1645 = vector.broadcast %and3A_1644 : i32 to vector<16xi32>
      %and3A_1646 = arith.andi %bitcast3A_1635, %and3A_1645 : vector<16xi32>
      %mul3A_1647 = arith.constant 10240 : i32
      %mul3A_1648 = vector.broadcast %mul3A_1647 : i32 to vector<16xi32>
      %mul3A_1649 = arith.muli %and3A_1646, %mul3A_1648 : vector<16xi32>
      %add3A_1650 = arith.addi %mul3A_1649, %get3A_1627 : vector<16xi32>
      %swap3A_1651 = arith.index_cast %scan3A_1620 : i32 to index
      %swap3A_1652 = arith.constant 0 : index
      %swap3A_1653 = tpu.vector_load %arg13[%swap3A_1651, %swap3A_1652] {strides = array<i32>} : memref<81x128xi32, #tpu.memory_space<vmem>>, vector<16xi32>,
      tpu.vector_store %arg13[%swap3A_1651, %swap3A_1652], %add3A_1650 {strides = array<i32>} : memref<81x128xi32, #tpu.memory_space<vmem>>, vector<16xi32>,
      %mul3A_1654 = arith.mulf %bitcast3A_1639, %get3A_1631 : vector<16xf32>
      %mul3A_1655 = arith.mulf %mul3A_1654, %bitcast3A_1643 : vector<16xf32>
      %swap3A_1656 = arith.index_cast %scan3A_1620 : i32 to index
      %swap3A_1657 = arith.constant 0 : index
      %swap3A_1658 = tpu.vector_load %arg14[%swap3A_1656, %swap3A_1657] {strides = array<i32>} : memref<81x128xf32, #tpu.memory_space<vmem>>, vector<16xf32>,
      tpu.vector_store %arg14[%swap3A_1656, %swap3A_1657], %mul3A_1655 {strides = array<i32>} : memref<81x128xf32, #tpu.memory_space<vmem>>, vector<16xf32>,
      %mul3A_1659 = arith.constant 128 : i32
      %mul3A_1660 = arith.muli %scan3A_1620, %mul3A_1659 : i32
      %add3A_1661 = arith.constant 16 : i32
      %add3A_1662 = arith.addi %mul3A_1660, %add3A_1661 : i32
      %add3A_1663 = arith.addi %mul3A_11, %add3A_1662 : i32
      %get3A_1664 = arith.index_cast %add3A_1662 : i32 to index
      %get3A_1665 = tpu.vector_load %arg8[%get3A_1664] {strides = array<i32>} : memref<10112xi32, #tpu.memory_space<vmem>>, vector<16xi32>,
      %get3A_1666 = arith.index_cast %add3A_1663 : i32 to index
      %get3A_1667 = tpu.vector_load %arg6[%get3A_1666] {strides = array<i32>} : memref<20096xi32, #tpu.memory_space<vmem>>, vector<16xi32>,
      %get3A_1668 = arith.index_cast %add3A_1663 : i32 to index
      %get3A_1669 = tpu.vector_load %arg7[%get3A_1668] {strides = array<i32>} : memref<20096xf32, #tpu.memory_space<vmem>>, vector<16xf32>,
      %gather3A_1670 = tpu.vector_load_idx %arg11[%get3A_1665] : memref<10240xf32, #tpu.memory_space<vmem>>[vector<16xi32>], vector<16xf32>,
      %bitcast3A_1671 = vector.bitcast %gather3A_1670 : vector<16xf32> to vector<16xi32>
      %gather3A_1672 = tpu.vector_load_idx %arg11[%get3A_1667] : memref<10240xf32, #tpu.memory_space<vmem>>[vector<16xi32>], vector<16xf32>,
      %bitcast3A_1673 = vector.bitcast %gather3A_1672 : vector<16xf32> to vector<16xi32>
      %and3A_1674 = arith.constant -16 : i32
      %and3A_1675 = vector.broadcast %and3A_1674 : i32 to vector<16xi32>
      %and3A_1676 = arith.andi %bitcast3A_1671, %and3A_1675 : vector<16xi32>
      %bitcast3A_1677 = vector.bitcast %and3A_1676 : vector<16xi32> to vector<16xf32>
      %and3A_1678 = arith.constant -16 : i32
      %and3A_1679 = vector.broadcast %and3A_1678 : i32 to vector<16xi32>
      %and3A_1680 = arith.andi %bitcast3A_1673, %and3A_1679 : vector<16xi32>
      %bitcast3A_1681 = vector.bitcast %and3A_1680 : vector<16xi32> to vector<16xf32>
      %and3A_1682 = arith.constant 15 : i32
      %and3A_1683 = vector.broadcast %and3A_1682 : i32 to vector<16xi32>
      %and3A_1684 = arith.andi %bitcast3A_1673, %and3A_1683 : vector<16xi32>
      %mul3A_1685 = arith.constant 10240 : i32
      %mul3A_1686 = vector.broadcast %mul3A_1685 : i32 to vector<16xi32>
      %mul3A_1687 = arith.muli %and3A_1684, %mul3A_1686 : vector<16xi32>
      %add3A_1688 = arith.addi %mul3A_1687, %get3A_1665 : vector<16xi32>
      %swap3A_1689 = arith.index_cast %scan3A_1620 : i32 to index
      %swap3A_1690 = arith.constant 16 : index
      %swap3A_1691 = tpu.vector_load %arg13[%swap3A_1689, %swap3A_1690] {strides = array<i32>} : memref<81x128xi32, #tpu.memory_space<vmem>>, vector<16xi32>,
      tpu.vector_store %arg13[%swap3A_1689, %swap3A_1690], %add3A_1688 {strides = array<i32>} : memref<81x128xi32, #tpu.memory_space<vmem>>, vector<16xi32>,
      %mul3A_1692 = arith.mulf %bitcast3A_1677, %get3A_1669 : vector<16xf32>
      %mul3A_1693 = arith.mulf %mul3A_1692, %bitcast3A_1681 : vector<16xf32>
      %swap3A_1694 = arith.index_cast %scan3A_1620 : i32 to index
      %swap3A_1695 = arith.constant 16 : index
      %swap3A_1696 = tpu.vector_load %arg14[%swap3A_1694, %swap3A_1695] {strides = array<i32>} : memref<81x128xf32, #tpu.memory_space<vmem>>, vector<16xf32>,
      tpu.vector_store %arg14[%swap3A_1694, %swap3A_1695], %mul3A_1693 {strides = array<i32>} : memref<81x128xf32, #tpu.memory_space<vmem>>, vector<16xf32>,
      %mul3A_1697 = arith.constant 128 : i32
      %mul3A_1698 = arith.muli %scan3A_1620, %mul3A_1697 : i32
      %add3A_1699 = arith.constant 32 : i32
      %add3A_1700 = arith.addi %mul3A_1698, %add3A_1699 : i32
      %add3A_1701 = arith.addi %mul3A_11, %add3A_1700 : i32
      %get3A_1702 = arith.index_cast %add3A_1700 : i32 to index
      %get3A_1703 = tpu.vector_load %arg8[%get3A_1702] {strides = array<i32>} : memref<10112xi32, #tpu.memory_space<vmem>>, vector<16xi32>,
      %get3A_1704 = arith.index_cast %add3A_1701 : i32 to index
      %get3A_1705 = tpu.vector_load %arg6[%get3A_1704] {strides = array<i32>} : memref<20096xi32, #tpu.memory_space<vmem>>, vector<16xi32>,
      %get3A_1706 = arith.index_cast %add3A_1701 : i32 to index
      %get3A_1707 = tpu.vector_load %arg7[%get3A_1706] {strides = array<i32>} : memref<20096xf32, #tpu.memory_space<vmem>>, vector<16xf32>,
      %gather3A_1708 = tpu.vector_load_idx %arg11[%get3A_1703] : memref<10240xf32, #tpu.memory_space<vmem>>[vector<16xi32>], vector<16xf32>,
      %bitcast3A_1709 = vector.bitcast %gather3A_1708 : vector<16xf32> to vector<16xi32>
      %gather3A_1710 = tpu.vector_load_idx %arg11[%get3A_1705] : memref<10240xf32, #tpu.memory_space<vmem>>[vector<16xi32>], vector<16xf32>,
      %bitcast3A_1711 = vector.bitcast %gather3A_1710 : vector<16xf32> to vector<16xi32>
      %and3A_1712 = arith.constant -16 : i32
      %and3A_1713 = vector.broadcast %and3A_1712 : i32 to vector<16xi32>
      %and3A_1714 = arith.andi %bitcast3A_1709, %and3A_1713 : vector<16xi32>
      %bitcast3A_1715 = vector.bitcast %and3A_1714 : vector<16xi32> to vector<16xf32>
      %and3A_1716 = arith.constant -16 : i32
      %and3A_1717 = vector.broadcast %and3A_1716 : i32 to vector<16xi32>
      %and3A_1718 = arith.andi %bitcast3A_1711, %and3A_1717 : vector<16xi32>
      %bitcast3A_1719 = vector.bitcast %and3A_1718 : vector<16xi32> to vector<16xf32>
      %and3A_1720 = arith.constant 15 : i32
      %and3A_1721 = vector.broadcast %and3A_1720 : i32 to vector<16xi32>
      %and3A_1722 = arith.andi %bitcast3A_1711, %and3A_1721 : vector<16xi32>
      %mul3A_1723 = arith.constant 10240 : i32
      %mul3A_1724 = vector.broadcast %mul3A_1723 : i32 to vector<16xi32>
      %mul3A_1725 = arith.muli %and3A_1722, %mul3A_1724 : vector<16xi32>
      %add3A_1726 = arith.addi %mul3A_1725, %get3A_1703 : vector<16xi32>
      %swap3A_1727 = arith.index_cast %scan3A_1620 : i32 to index
      %swap3A_1728 = arith.constant 32 : index
      %swap3A_1729 = tpu.vector_load %arg13[%swap3A_1727, %swap3A_1728] {strides = array<i32>} : memref<81x128xi32, #tpu.memory_space<vmem>>, vector<16xi32>,
      tpu.vector_store %arg13[%swap3A_1727, %swap3A_1728], %add3A_1726 {strides = array<i32>} : memref<81x128xi32, #tpu.memory_space<vmem>>, vector<16xi32>,
      %mul3A_1730 = arith.mulf %bitcast3A_1715, %get3A_1707 : vector<16xf32>
      %mul3A_1731 = arith.mulf %mul3A_1730, %bitcast3A_1719 : vector<16xf32>
      %swap3A_1732 = arith.index_cast %scan3A_1620 : i32 to index
      %swap3A_1733 = arith.constant 32 : index
      %swap3A_1734 = tpu.vector_load %arg14[%swap3A_1732, %swap3A_1733] {strides = array<i32>} : memref<81x128xf32, #tpu.memory_space<vmem>>, vector<16xf32>,
      tpu.vector_store %arg14[%swap3A_1732, %swap3A_1733], %mul3A_1731 {strides = array<i32>} : memref<81x128xf32, #tpu.memory_space<vmem>>, vector<16xf32>,
      %mul3A_1735 = arith.constant 128 : i32
      %mul3A_1736 = arith.muli %scan3A_1620, %mul3A_1735 : i32
      %add3A_1737 = arith.constant 48 : i32
      %add3A_1738 = arith.addi %mul3A_1736, %add3A_1737 : i32
      %add3A_1739 = arith.addi %mul3A_11, %add3A_1738 : i32
      %get3A_1740 = arith.index_cast %add3A_1738 : i32 to index
      %get3A_1741 = tpu.vector_load %arg8[%get3A_1740] {strides = array<i32>} : memref<10112xi32, #tpu.memory_space<vmem>>, vector<16xi32>,
      %get3A_1742 = arith.index_cast %add3A_1739 : i32 to index
      %get3A_1743 = tpu.vector_load %arg6[%get3A_1742] {strides = array<i32>} : memref<20096xi32, #tpu.memory_space<vmem>>, vector<16xi32>,
      %get3A_1744 = arith.index_cast %add3A_1739 : i32 to index
      %get3A_1745 = tpu.vector_load %arg7[%get3A_1744] {strides = array<i32>} : memref<20096xf32, #tpu.memory_space<vmem>>, vector<16xf32>,
      %gather3A_1746 = tpu.vector_load_idx %arg11[%get3A_1741] : memref<10240xf32, #tpu.memory_space<vmem>>[vector<16xi32>], vector<16xf32>,
      %bitcast3A_1747 = vector.bitcast %gather3A_1746 : vector<16xf32> to vector<16xi32>
      %gather3A_1748 = tpu.vector_load_idx %arg11[%get3A_1743] : memref<10240xf32, #tpu.memory_space<vmem>>[vector<16xi32>], vector<16xf32>,
      %bitcast3A_1749 = vector.bitcast %gather3A_1748 : vector<16xf32> to vector<16xi32>
      %and3A_1750 = arith.constant -16 : i32
      %and3A_1751 = vector.broadcast %and3A_1750 : i32 to vector<16xi32>
      %and3A_1752 = arith.andi %bitcast3A_1747, %and3A_1751 : vector<16xi32>
      %bitcast3A_1753 = vector.bitcast %and3A_1752 : vector<16xi32> to vector<16xf32>
      %and3A_1754 = arith.constant -16 : i32
      %and3A_1755 = vector.broadcast %and3A_1754 : i32 to vector<16xi32>
      %and3A_1756 = arith.andi %bitcast3A_1749, %and3A_1755 : vector<16xi32>
      %bitcast3A_1757 = vector.bitcast %and3A_1756 : vector<16xi32> to vector<16xf32>
      %and3A_1758 = arith.constant 15 : i32
      %and3A_1759 = vector.broadcast %and3A_1758 : i32 to vector<16xi32>
      %and3A_1760 = arith.andi %bitcast3A_1749, %and3A_1759 : vector<16xi32>
      %mul3A_1761 = arith.constant 10240 : i32
      %mul3A_1762 = vector.broadcast %mul3A_1761 : i32 to vector<16xi32>
      %mul3A_1763 = arith.muli %and3A_1760, %mul3A_1762 : vector<16xi32>
      %add3A_1764 = arith.addi %mul3A_1763, %get3A_1741 : vector<16xi32>
      %swap3A_1765 = arith.index_cast %scan3A_1620 : i32 to index
      %swap3A_1766 = arith.constant 48 : index
      %swap3A_1767 = tpu.vector_load %arg13[%swap3A_1765, %swap3A_1766] {strides = array<i32>} : memref<81x128xi32, #tpu.memory_space<vmem>>, vector<16xi32>,
      tpu.vector_store %arg13[%swap3A_1765, %swap3A_1766], %add3A_1764 {strides = array<i32>} : memref<81x128xi32, #tpu.memory_space<vmem>>, vector<16xi32>,
      %mul3A_1768 = arith.mulf %bitcast3A_1753, %get3A_1745 : vector<16xf32>
      %mul3A_1769 = arith.mulf %mul3A_1768, %bitcast3A_1757 : vector<16xf32>
      %swap3A_1770 = arith.index_cast %scan3A_1620 : i32 to index
      %swap3A_1771 = arith.constant 48 : index
      %swap3A_1772 = tpu.vector_load %arg14[%swap3A_1770, %swap3A_1771] {strides = array<i32>} : memref<81x128xf32, #tpu.memory_space<vmem>>, vector<16xf32>,
      tpu.vector_store %arg14[%swap3A_1770, %swap3A_1771], %mul3A_1769 {strides = array<i32>} : memref<81x128xf32, #tpu.memory_space<vmem>>, vector<16xf32>,
      %mul3A_1773 = arith.constant 128 : i32
      %mul3A_1774 = arith.muli %scan3A_1620, %mul3A_1773 : i32
      %add3A_1775 = arith.constant 64 : i32
      %add3A_1776 = arith.addi %mul3A_1774, %add3A_1775 : i32
      %add3A_1777 = arith.addi %mul3A_11, %add3A_1776 : i32
      %get3A_1778 = arith.index_cast %add3A_1776 : i32 to index
      %get3A_1779 = tpu.vector_load %arg8[%get3A_1778] {strides = array<i32>} : memref<10112xi32, #tpu.memory_space<vmem>>, vector<16xi32>,
      %get3A_1780 = arith.index_cast %add3A_1777 : i32 to index
      %get3A_1781 = tpu.vector_load %arg6[%get3A_1780] {strides = array<i32>} : memref<20096xi32, #tpu.memory_space<vmem>>, vector<16xi32>,
      %get3A_1782 = arith.index_cast %add3A_1777 : i32 to index
      %get3A_1783 = tpu.vector_load %arg7[%get3A_1782] {strides = array<i32>} : memref<20096xf32, #tpu.memory_space<vmem>>, vector<16xf32>,
      %gather3A_1784 = tpu.vector_load_idx %arg11[%get3A_1779] : memref<10240xf32, #tpu.memory_space<vmem>>[vector<16xi32>], vector<16xf32>,
      %bitcast3A_1785 = vector.bitcast %gather3A_1784 : vector<16xf32> to vector<16xi32>
      %gather3A_1786 = tpu.vector_load_idx %arg11[%get3A_1781] : memref<10240xf32, #tpu.memory_space<vmem>>[vector<16xi32>], vector<16xf32>,
      %bitcast3A_1787 = vector.bitcast %gather3A_1786 : vector<16xf32> to vector<16xi32>
      %and3A_1788 = arith.constant -16 : i32
      %and3A_1789 = vector.broadcast %and3A_1788 : i32 to vector<16xi32>
      %and3A_1790 = arith.andi %bitcast3A_1785, %and3A_1789 : vector<16xi32>
      %bitcast3A_1791 = vector.bitcast %and3A_1790 : vector<16xi32> to vector<16xf32>
      %and3A_1792 = arith.constant -16 : i32
      %and3A_1793 = vector.broadcast %and3A_1792 : i32 to vector<16xi32>
      %and3A_1794 = arith.andi %bitcast3A_1787, %and3A_1793 : vector<16xi32>
      %bitcast3A_1795 = vector.bitcast %and3A_1794 : vector<16xi32> to vector<16xf32>
      %and3A_1796 = arith.constant 15 : i32
      %and3A_1797 = vector.broadcast %and3A_1796 : i32 to vector<16xi32>
      %and3A_1798 = arith.andi %bitcast3A_1787, %and3A_1797 : vector<16xi32>
      %mul3A_1799 = arith.constant 10240 : i32
      %mul3A_1800 = vector.broadcast %mul3A_1799 : i32 to vector<16xi32>
      %mul3A_1801 = arith.muli %and3A_1798, %mul3A_1800 : vector<16xi32>
      %add3A_1802 = arith.addi %mul3A_1801, %get3A_1779 : vector<16xi32>
      %swap3A_1803 = arith.index_cast %scan3A_1620 : i32 to index
      %swap3A_1804 = arith.constant 64 : index
      %swap3A_1805 = tpu.vector_load %arg13[%swap3A_1803, %swap3A_1804] {strides = array<i32>} : memref<81x128xi32, #tpu.memory_space<vmem>>, vector<16xi32>,
      tpu.vector_store %arg13[%swap3A_1803, %swap3A_1804], %add3A_1802 {strides = array<i32>} : memref<81x128xi32, #tpu.memory_space<vmem>>, vector<16xi32>,
      %mul3A_1806 = arith.mulf %bitcast3A_1791, %get3A_1783 : vector<16xf32>
      %mul3A_1807 = arith.mulf %mul3A_1806, %bitcast3A_1795 : vector<16xf32>
      %swap3A_1808 = arith.index_cast %scan3A_1620 : i32 to index
      %swap3A_1809 = arith.constant 64 : index
      %swap3A_1810 = tpu.vector_load %arg14[%swap3A_1808, %swap3A_1809] {strides = array<i32>} : memref<81x128xf32, #tpu.memory_space<vmem>>, vector<16xf32>,
      tpu.vector_store %arg14[%swap3A_1808, %swap3A_1809], %mul3A_1807 {strides = array<i32>} : memref<81x128xf32, #tpu.memory_space<vmem>>, vector<16xf32>,
      %mul3A_1811 = arith.constant 128 : i32
      %mul3A_1812 = arith.muli %scan3A_1620, %mul3A_1811 : i32
      %add3A_1813 = arith.constant 80 : i32
      %add3A_1814 = arith.addi %mul3A_1812, %add3A_1813 : i32
      %add3A_1815 = arith.addi %mul3A_11, %add3A_1814 : i32
      %get3A_1816 = arith.index_cast %add3A_1814 : i32 to index
      %get3A_1817 = tpu.vector_load %arg8[%get3A_1816] {strides = array<i32>} : memref<10112xi32, #tpu.memory_space<vmem>>, vector<16xi32>,
      %get3A_1818 = arith.index_cast %add3A_1815 : i32 to index
      %get3A_1819 = tpu.vector_load %arg6[%get3A_1818] {strides = array<i32>} : memref<20096xi32, #tpu.memory_space<vmem>>, vector<16xi32>,
      %get3A_1820 = arith.index_cast %add3A_1815 : i32 to index
      %get3A_1821 = tpu.vector_load %arg7[%get3A_1820] {strides = array<i32>} : memref<20096xf32, #tpu.memory_space<vmem>>, vector<16xf32>,
      %gather3A_1822 = tpu.vector_load_idx %arg11[%get3A_1817] : memref<10240xf32, #tpu.memory_space<vmem>>[vector<16xi32>], vector<16xf32>,
      %bitcast3A_1823 = vector.bitcast %gather3A_1822 : vector<16xf32> to vector<16xi32>
      %gather3A_1824 = tpu.vector_load_idx %arg11[%get3A_1819] : memref<10240xf32, #tpu.memory_space<vmem>>[vector<16xi32>], vector<16xf32>,
      %bitcast3A_1825 = vector.bitcast %gather3A_1824 : vector<16xf32> to vector<16xi32>
      %and3A_1826 = arith.constant -16 : i32
      %and3A_1827 = vector.broadcast %and3A_1826 : i32 to vector<16xi32>
      %and3A_1828 = arith.andi %bitcast3A_1823, %and3A_1827 : vector<16xi32>
      %bitcast3A_1829 = vector.bitcast %and3A_1828 : vector<16xi32> to vector<16xf32>
      %and3A_1830 = arith.constant -16 : i32
      %and3A_1831 = vector.broadcast %and3A_1830 : i32 to vector<16xi32>
      %and3A_1832 = arith.andi %bitcast3A_1825, %and3A_1831 : vector<16xi32>
      %bitcast3A_1833 = vector.bitcast %and3A_1832 : vector<16xi32> to vector<16xf32>
      %and3A_1834 = arith.constant 15 : i32
      %and3A_1835 = vector.broadcast %and3A_1834 : i32 to vector<16xi32>
      %and3A_1836 = arith.andi %bitcast3A_1825, %and3A_1835 : vector<16xi32>
      %mul3A_1837 = arith.constant 10240 : i32
      %mul3A_1838 = vector.broadcast %mul3A_1837 : i32 to vector<16xi32>
      %mul3A_1839 = arith.muli %and3A_1836, %mul3A_1838 : vector<16xi32>
      %add3A_1840 = arith.addi %mul3A_1839, %get3A_1817 : vector<16xi32>
      %swap3A_1841 = arith.index_cast %scan3A_1620 : i32 to index
      %swap3A_1842 = arith.constant 80 : index
      %swap3A_1843 = tpu.vector_load %arg13[%swap3A_1841, %swap3A_1842] {strides = array<i32>} : memref<81x128xi32, #tpu.memory_space<vmem>>, vector<16xi32>,
      tpu.vector_store %arg13[%swap3A_1841, %swap3A_1842], %add3A_1840 {strides = array<i32>} : memref<81x128xi32, #tpu.memory_space<vmem>>, vector<16xi32>,
      %mul3A_1844 = arith.mulf %bitcast3A_1829, %get3A_1821 : vector<16xf32>
      %mul3A_1845 = arith.mulf %mul3A_1844, %bitcast3A_1833 : vector<16xf32>
      %swap3A_1846 = arith.index_cast %scan3A_1620 : i32 to index
      %swap3A_1847 = arith.constant 80 : index
      %swap3A_1848 = tpu.vector_load %arg14[%swap3A_1846, %swap3A_1847] {strides = array<i32>} : memref<81x128xf32, #tpu.memory_space<vmem>>, vector<16xf32>,
      tpu.vector_store %arg14[%swap3A_1846, %swap3A_1847], %mul3A_1845 {strides = array<i32>} : memref<81x128xf32, #tpu.memory_space<vmem>>, vector<16xf32>,
      %mul3A_1849 = arith.constant 128 : i32
      %mul3A_1850 = arith.muli %scan3A_1620, %mul3A_1849 : i32
      %add3A_1851 = arith.constant 96 : i32
      %add3A_1852 = arith.addi %mul3A_1850, %add3A_1851 : i32
      %add3A_1853 = arith.addi %mul3A_11, %add3A_1852 : i32
      %get3A_1854 = arith.index_cast %add3A_1852 : i32 to index
      %get3A_1855 = tpu.vector_load %arg8[%get3A_1854] {strides = array<i32>} : memref<10112xi32, #tpu.memory_space<vmem>>, vector<16xi32>,
      %get3A_1856 = arith.index_cast %add3A_1853 : i32 to index
      %get3A_1857 = tpu.vector_load %arg6[%get3A_1856] {strides = array<i32>} : memref<20096xi32, #tpu.memory_space<vmem>>, vector<16xi32>,
      %get3A_1858 = arith.index_cast %add3A_1853 : i32 to index
      %get3A_1859 = tpu.vector_load %arg7[%get3A_1858] {strides = array<i32>} : memref<20096xf32, #tpu.memory_space<vmem>>, vector<16xf32>,
      %gather3A_1860 = tpu.vector_load_idx %arg11[%get3A_1855] : memref<10240xf32, #tpu.memory_space<vmem>>[vector<16xi32>], vector<16xf32>,
      %bitcast3A_1861 = vector.bitcast %gather3A_1860 : vector<16xf32> to vector<16xi32>
      %gather3A_1862 = tpu.vector_load_idx %arg11[%get3A_1857] : memref<10240xf32, #tpu.memory_space<vmem>>[vector<16xi32>], vector<16xf32>,
      %bitcast3A_1863 = vector.bitcast %gather3A_1862 : vector<16xf32> to vector<16xi32>
      %and3A_1864 = arith.constant -16 : i32
      %and3A_1865 = vector.broadcast %and3A_1864 : i32 to vector<16xi32>
      %and3A_1866 = arith.andi %bitcast3A_1861, %and3A_1865 : vector<16xi32>
      %bitcast3A_1867 = vector.bitcast %and3A_1866 : vector<16xi32> to vector<16xf32>
      %and3A_1868 = arith.constant -16 : i32
      %and3A_1869 = vector.broadcast %and3A_1868 : i32 to vector<16xi32>
      %and3A_1870 = arith.andi %bitcast3A_1863, %and3A_1869 : vector<16xi32>
      %bitcast3A_1871 = vector.bitcast %and3A_1870 : vector<16xi32> to vector<16xf32>
      %and3A_1872 = arith.constant 15 : i32
      %and3A_1873 = vector.broadcast %and3A_1872 : i32 to vector<16xi32>
      %and3A_1874 = arith.andi %bitcast3A_1863, %and3A_1873 : vector<16xi32>
      %mul3A_1875 = arith.constant 10240 : i32
      %mul3A_1876 = vector.broadcast %mul3A_1875 : i32 to vector<16xi32>
      %mul3A_1877 = arith.muli %and3A_1874, %mul3A_1876 : vector<16xi32>
      %add3A_1878 = arith.addi %mul3A_1877, %get3A_1855 : vector<16xi32>
      %swap3A_1879 = arith.index_cast %scan3A_1620 : i32 to index
      %swap3A_1880 = arith.constant 96 : index
      %swap3A_1881 = tpu.vector_load %arg13[%swap3A_1879, %swap3A_1880] {strides = array<i32>} : memref<81x128xi32, #tpu.memory_space<vmem>>, vector<16xi32>,
      tpu.vector_store %arg13[%swap3A_1879, %swap3A_1880], %add3A_1878 {strides = array<i32>} : memref<81x128xi32, #tpu.memory_space<vmem>>, vector<16xi32>,
      %mul3A_1882 = arith.mulf %bitcast3A_1867, %get3A_1859 : vector<16xf32>
      %mul3A_1883 = arith.mulf %mul3A_1882, %bitcast3A_1871 : vector<16xf32>
      %swap3A_1884 = arith.index_cast %scan3A_1620 : i32 to index
      %swap3A_1885 = arith.constant 96 : index
      %swap3A_1886 = tpu.vector_load %arg14[%swap3A_1884, %swap3A_1885] {strides = array<i32>} : memref<81x128xf32, #tpu.memory_space<vmem>>, vector<16xf32>,
      tpu.vector_store %arg14[%swap3A_1884, %swap3A_1885], %mul3A_1883 {strides = array<i32>} : memref<81x128xf32, #tpu.memory_space<vmem>>, vector<16xf32>,
      %mul3A_1887 = arith.constant 128 : i32
      %mul3A_1888 = arith.muli %scan3A_1620, %mul3A_1887 : i32
      %add3A_1889 = arith.constant 112 : i32
      %add3A_1890 = arith.addi %mul3A_1888, %add3A_1889 : i32
      %add3A_1891 = arith.addi %mul3A_11, %add3A_1890 : i32
      %get3A_1892 = arith.index_cast %add3A_1890 : i32 to index
      %get3A_1893 = tpu.vector_load %arg8[%get3A_1892] {strides = array<i32>} : memref<10112xi32, #tpu.memory_space<vmem>>, vector<16xi32>,
      %get3A_1894 = arith.index_cast %add3A_1891 : i32 to index
      %get3A_1895 = tpu.vector_load %arg6[%get3A_1894] {strides = array<i32>} : memref<20096xi32, #tpu.memory_space<vmem>>, vector<16xi32>,
      %get3A_1896 = arith.index_cast %add3A_1891 : i32 to index
      %get3A_1897 = tpu.vector_load %arg7[%get3A_1896] {strides = array<i32>} : memref<20096xf32, #tpu.memory_space<vmem>>, vector<16xf32>,
      %gather3A_1898 = tpu.vector_load_idx %arg11[%get3A_1893] : memref<10240xf32, #tpu.memory_space<vmem>>[vector<16xi32>], vector<16xf32>,
      %bitcast3A_1899 = vector.bitcast %gather3A_1898 : vector<16xf32> to vector<16xi32>
      %gather3A_1900 = tpu.vector_load_idx %arg11[%get3A_1895] : memref<10240xf32, #tpu.memory_space<vmem>>[vector<16xi32>], vector<16xf32>,
      %bitcast3A_1901 = vector.bitcast %gather3A_1900 : vector<16xf32> to vector<16xi32>
      %and3A_1902 = arith.constant -16 : i32
      %and3A_1903 = vector.broadcast %and3A_1902 : i32 to vector<16xi32>
      %and3A_1904 = arith.andi %bitcast3A_1899, %and3A_1903 : vector<16xi32>
      %bitcast3A_1905 = vector.bitcast %and3A_1904 : vector<16xi32> to vector<16xf32>
      %and3A_1906 = arith.constant -16 : i32
      %and3A_1907 = vector.broadcast %and3A_1906 : i32 to vector<16xi32>
      %and3A_1908 = arith.andi %bitcast3A_1901, %and3A_1907 : vector<16xi32>
      %bitcast3A_1909 = vector.bitcast %and3A_1908 : vector<16xi32> to vector<16xf32>
      %and3A_1910 = arith.constant 15 : i32
      %and3A_1911 = vector.broadcast %and3A_1910 : i32 to vector<16xi32>
      %and3A_1912 = arith.andi %bitcast3A_1901, %and3A_1911 : vector<16xi32>
      %mul3A_1913 = arith.constant 10240 : i32
      %mul3A_1914 = vector.broadcast %mul3A_1913 : i32 to vector<16xi32>
      %mul3A_1915 = arith.muli %and3A_1912, %mul3A_1914 : vector<16xi32>
      %add3A_1916 = arith.addi %mul3A_1915, %get3A_1893 : vector<16xi32>
      %swap3A_1917 = arith.index_cast %scan3A_1620 : i32 to index
      %swap3A_1918 = arith.constant 112 : index
      %swap3A_1919 = tpu.vector_load %arg13[%swap3A_1917, %swap3A_1918] {strides = array<i32>} : memref<81x128xi32, #tpu.memory_space<vmem>>, vector<16xi32>,
      tpu.vector_store %arg13[%swap3A_1917, %swap3A_1918], %add3A_1916 {strides = array<i32>} : memref<81x128xi32, #tpu.memory_space<vmem>>, vector<16xi32>,
      %mul3A_1920 = arith.mulf %bitcast3A_1905, %get3A_1897 : vector<16xf32>
      %mul3A_1921 = arith.mulf %mul3A_1920, %bitcast3A_1909 : vector<16xf32>
      %swap3A_1922 = arith.index_cast %scan3A_1620 : i32 to index
      %swap3A_1923 = arith.constant 112 : index
      %swap3A_1924 = tpu.vector_load %arg14[%swap3A_1922, %swap3A_1923] {strides = array<i32>} : memref<81x128xf32, #tpu.memory_space<vmem>>, vector<16xf32>,
      tpu.vector_store %arg14[%swap3A_1922, %swap3A_1923], %mul3A_1921 {strides = array<i32>} : memref<81x128xf32, #tpu.memory_space<vmem>>, vector<16xf32>,
      %dma_start3A_1925 = arith.constant 0 : i32
      %dma_start3A_1926 = tpu.memref_slice %arg14[%scan3A_1620, %dma_start3A_1925] : memref<81x128xf32, #tpu.memory_space<vmem>> -> memref<1x128xf32, #tpu.memory_space<vmem>>
      %dma_start3A_1927 = tpu.memref_squeeze %dma_start3A_1926 : memref<1x128xf32, #tpu.memory_space<vmem>> -> memref<128xf32, #tpu.memory_space<vmem>>
      %dma_start3A_1928 = arith.constant 0 : i32
      %dma_start3A_1929 = tpu.memref_slice %arg13[%scan3A_1620, %dma_start3A_1928] : memref<81x128xi32, #tpu.memory_space<vmem>> -> memref<1x128xi32, #tpu.memory_space<vmem>>
      %dma_start3A_1930 = tpu.memref_squeeze %dma_start3A_1929 : memref<1x128xi32, #tpu.memory_space<vmem>> -> memref<128xi32, #tpu.memory_space<vmem>>
      %dma_start3A_1931 = arith.constant 0 : i32
      %dma_start3A_1932 = tpu.memref_slice %arg17[%dma_start3A_1931] : memref<163840xf32, #tpu.memory_space<vmem_shared>> -> memref<163840xf32, #tpu.memory_space<vmem_shared>>
      tpu.enqueue_indirect_dma source(%dma_start3A_1927 : memref<128xf32, #tpu.memory_space<vmem>>) target(%dma_start3A_1932 : memref<163840xf32, #tpu.memory_space<vmem_shared>>) offsets(%dma_start3A_1930 : memref<128xi32, #tpu.memory_space<vmem>>) semaphore(%arg19 : memref<!tpu.dma_semaphore, #tpu.memory_space<semaphore_mem>>) {add = true}
      %ge3A = arith.constant 8 : i32
      %ge3A_1933 = arith.cmpi sge, %scan3A_1620, %ge3A : i32
      %convert_element_type3A = arith.extui %ge3A_1933 : i1 to i32
      %cond3A = arith.constant 0 : i32
      %cond3A_1934 = arith.cmpi ne, %convert_element_type3A, %cond3A : i32
      scf.if %cond3A_1934 {
        %sub3A_1935 = arith.constant 8 : i32
        %sub3A_1936 = arith.subi %scan3A_1620, %sub3A_1935 : i32
        %dma_wait3A_1937 = arith.constant 0 : i32
        %dma_wait3A_1938 = tpu.memref_slice %arg14[%sub3A_1936, %dma_wait3A_1937] : memref<81x128xf32, #tpu.memory_space<vmem>> -> memref<1x128xf32, #tpu.memory_space<vmem>>
        %dma_wait3A_1939 = tpu.memref_squeeze %dma_wait3A_1938 : memref<1x128xf32, #tpu.memory_space<vmem>> -> memref<128xf32, #tpu.memory_space<vmem>>
        %dma_wait3A_1940 = arith.constant 0 : i32
        %dma_wait3A_1941 = tpu.memref_slice %arg13[%sub3A_1936, %dma_wait3A_1940] : memref<81x128xi32, #tpu.memory_space<vmem>> -> memref<1x128xi32, #tpu.memory_space<vmem>>
        %dma_wait3A_1942 = tpu.memref_squeeze %dma_wait3A_1941 : memref<1x128xi32, #tpu.memory_space<vmem>> -> memref<128xi32, #tpu.memory_space<vmem>>
        %dma_wait3A_1943 = arith.constant 0 : i32
        %dma_wait3A_1944 = tpu.memref_slice %arg17[%dma_wait3A_1943] : memref<163840xf32, #tpu.memory_space<vmem_shared>> -> memref<163840xf32, #tpu.memory_space<vmem_shared>>
        tpu.wait_indirect_dma semaphore(%arg19 : memref<!tpu.dma_semaphore, #tpu.memory_space<semaphore_mem>>) src(%dma_wait3A_1939 : memref<128xf32, #tpu.memory_space<vmem>>) dst(%dma_wait3A_1944 : memref<163840xf32, #tpu.memory_space<vmem_shared>>)
      } else {
      }
    }
    %scan3A_522 = arith.constant 78 : i32
    %mul3A_523 = arith.constant 64 : i32
    %mul3A_524 = arith.muli %arg0, %mul3A_523 : i32
    %add3A_525 = arith.constant 9984 : i32
    %add3A_526 = arith.addi %add3A_525, %mul3A_524 : i32
    %add3A_527 = arith.constant 0 : i32
    %add3A_528 = arith.addi %add3A_526, %add3A_527 : i32
    %add3A_529 = arith.constant 0 : i32
    %add3A_530 = arith.addi %add3A_15, %add3A_529 : i32
    %get3A_531 = arith.index_cast %add3A_528 : i32 to index
    %get3A_532 = tpu.vector_load %arg8[%get3A_531] {strides = array<i32>} : memref<10112xi32, #tpu.memory_space<vmem>>, vector<16xi32>,
    %get3A_533 = arith.index_cast %add3A_530 : i32 to index
    %get3A_534 = tpu.vector_load %arg6[%get3A_533] {strides = array<i32>} : memref<20096xi32, #tpu.memory_space<vmem>>, vector<16xi32>,
    %get3A_535 = arith.index_cast %add3A_530 : i32 to index
    %get3A_536 = tpu.vector_load %arg7[%get3A_535] {strides = array<i32>} : memref<20096xf32, #tpu.memory_space<vmem>>, vector<16xf32>,
    %gather3A = tpu.vector_load_idx %arg11[%get3A_532] : memref<10240xf32, #tpu.memory_space<vmem>>[vector<16xi32>], vector<16xf32>,
    %bitcast3A = vector.bitcast %gather3A : vector<16xf32> to vector<16xi32>
    %gather3A_537 = tpu.vector_load_idx %arg11[%get3A_534] : memref<10240xf32, #tpu.memory_space<vmem>>[vector<16xi32>], vector<16xf32>,
    %bitcast3A_538 = vector.bitcast %gather3A_537 : vector<16xf32> to vector<16xi32>
    %and3A = arith.constant -16 : i32
    %and3A_539 = vector.broadcast %and3A : i32 to vector<16xi32>
    %and3A_540 = arith.andi %bitcast3A, %and3A_539 : vector<16xi32>
    %bitcast3A_541 = vector.bitcast %and3A_540 : vector<16xi32> to vector<16xf32>
    %and3A_542 = arith.constant -16 : i32
    %and3A_543 = vector.broadcast %and3A_542 : i32 to vector<16xi32>
    %and3A_544 = arith.andi %bitcast3A_538, %and3A_543 : vector<16xi32>
    %bitcast3A_545 = vector.bitcast %and3A_544 : vector<16xi32> to vector<16xf32>
    %and3A_546 = arith.constant 15 : i32
    %and3A_547 = vector.broadcast %and3A_546 : i32 to vector<16xi32>
    %and3A_548 = arith.andi %bitcast3A_538, %and3A_547 : vector<16xi32>
    %mul3A_549 = arith.constant 10240 : i32
    %mul3A_550 = vector.broadcast %mul3A_549 : i32 to vector<16xi32>
    %mul3A_551 = arith.muli %and3A_548, %mul3A_550 : vector<16xi32>
    %add3A_552 = arith.addi %mul3A_551, %get3A_532 : vector<16xi32>
    %swap3A_553 = arith.constant 78 : i32
    %swap3A_554 = arith.index_cast %swap3A_553 : i32 to index
    %swap3A_555 = arith.constant 0 : index
    %swap3A_556 = tpu.vector_load %arg13[%swap3A_554, %swap3A_555] {strides = array<i32>} : memref<81x128xi32, #tpu.memory_space<vmem>>, vector<16xi32>,
    tpu.vector_store %arg13[%swap3A_554, %swap3A_555], %add3A_552 {strides = array<i32>} : memref<81x128xi32, #tpu.memory_space<vmem>>, vector<16xi32>,
    %mul3A_557 = arith.mulf %bitcast3A_541, %get3A_536 : vector<16xf32>
    %mul3A_558 = arith.mulf %mul3A_557, %bitcast3A_545 : vector<16xf32>
    %swap3A_559 = arith.constant 78 : i32
    %swap3A_560 = arith.index_cast %swap3A_559 : i32 to index
    %swap3A_561 = arith.constant 0 : index
    %swap3A_562 = tpu.vector_load %arg14[%swap3A_560, %swap3A_561] {strides = array<i32>} : memref<81x128xf32, #tpu.memory_space<vmem>>, vector<16xf32>,
    tpu.vector_store %arg14[%swap3A_560, %swap3A_561], %mul3A_558 {strides = array<i32>} : memref<81x128xf32, #tpu.memory_space<vmem>>, vector<16xf32>,
    %mul3A_563 = arith.constant 64 : i32
    %mul3A_564 = arith.muli %arg0, %mul3A_563 : i32
    %add3A_565 = arith.constant 9984 : i32
    %add3A_566 = arith.addi %add3A_565, %mul3A_564 : i32
    %add3A_567 = arith.constant 16 : i32
    %add3A_568 = arith.addi %add3A_566, %add3A_567 : i32
    %add3A_569 = arith.constant 16 : i32
    %add3A_570 = arith.addi %add3A_15, %add3A_569 : i32
    %get3A_571 = arith.index_cast %add3A_568 : i32 to index
    %get3A_572 = tpu.vector_load %arg8[%get3A_571] {strides = array<i32>} : memref<10112xi32, #tpu.memory_space<vmem>>, vector<16xi32>,
    %get3A_573 = arith.index_cast %add3A_570 : i32 to index
    %get3A_574 = tpu.vector_load %arg6[%get3A_573] {strides = array<i32>} : memref<20096xi32, #tpu.memory_space<vmem>>, vector<16xi32>,
    %get3A_575 = arith.index_cast %add3A_570 : i32 to index
    %get3A_576 = tpu.vector_load %arg7[%get3A_575] {strides = array<i32>} : memref<20096xf32, #tpu.memory_space<vmem>>, vector<16xf32>,
    %gather3A_577 = tpu.vector_load_idx %arg11[%get3A_572] : memref<10240xf32, #tpu.memory_space<vmem>>[vector<16xi32>], vector<16xf32>,
    %bitcast3A_578 = vector.bitcast %gather3A_577 : vector<16xf32> to vector<16xi32>
    %gather3A_579 = tpu.vector_load_idx %arg11[%get3A_574] : memref<10240xf32, #tpu.memory_space<vmem>>[vector<16xi32>], vector<16xf32>,
    %bitcast3A_580 = vector.bitcast %gather3A_579 : vector<16xf32> to vector<16xi32>
    %and3A_581 = arith.constant -16 : i32
    %and3A_582 = vector.broadcast %and3A_581 : i32 to vector<16xi32>
    %and3A_583 = arith.andi %bitcast3A_578, %and3A_582 : vector<16xi32>
    %bitcast3A_584 = vector.bitcast %and3A_583 : vector<16xi32> to vector<16xf32>
    %and3A_585 = arith.constant -16 : i32
    %and3A_586 = vector.broadcast %and3A_585 : i32 to vector<16xi32>
    %and3A_587 = arith.andi %bitcast3A_580, %and3A_586 : vector<16xi32>
    %bitcast3A_588 = vector.bitcast %and3A_587 : vector<16xi32> to vector<16xf32>
    %and3A_589 = arith.constant 15 : i32
    %and3A_590 = vector.broadcast %and3A_589 : i32 to vector<16xi32>
    %and3A_591 = arith.andi %bitcast3A_580, %and3A_590 : vector<16xi32>
    %mul3A_592 = arith.constant 10240 : i32
    %mul3A_593 = vector.broadcast %mul3A_592 : i32 to vector<16xi32>
    %mul3A_594 = arith.muli %and3A_591, %mul3A_593 : vector<16xi32>
    %add3A_595 = arith.addi %mul3A_594, %get3A_572 : vector<16xi32>
    %swap3A_596 = arith.constant 78 : i32
    %swap3A_597 = arith.index_cast %swap3A_596 : i32 to index
    %swap3A_598 = arith.constant 16 : index
    %swap3A_599 = tpu.vector_load %arg13[%swap3A_597, %swap3A_598] {strides = array<i32>} : memref<81x128xi32, #tpu.memory_space<vmem>>, vector<16xi32>,
    tpu.vector_store %arg13[%swap3A_597, %swap3A_598], %add3A_595 {strides = array<i32>} : memref<81x128xi32, #tpu.memory_space<vmem>>, vector<16xi32>,
    %mul3A_600 = arith.mulf %bitcast3A_584, %get3A_576 : vector<16xf32>
    %mul3A_601 = arith.mulf %mul3A_600, %bitcast3A_588 : vector<16xf32>
    %swap3A_602 = arith.constant 78 : i32
    %swap3A_603 = arith.index_cast %swap3A_602 : i32 to index
    %swap3A_604 = arith.constant 16 : index
    %swap3A_605 = tpu.vector_load %arg14[%swap3A_603, %swap3A_604] {strides = array<i32>} : memref<81x128xf32, #tpu.memory_space<vmem>>, vector<16xf32>,
    tpu.vector_store %arg14[%swap3A_603, %swap3A_604], %mul3A_601 {strides = array<i32>} : memref<81x128xf32, #tpu.memory_space<vmem>>, vector<16xf32>,
    %mul3A_606 = arith.constant 64 : i32
    %mul3A_607 = arith.muli %arg0, %mul3A_606 : i32
    %add3A_608 = arith.constant 9984 : i32
    %add3A_609 = arith.addi %add3A_608, %mul3A_607 : i32
    %add3A_610 = arith.constant 32 : i32
    %add3A_611 = arith.addi %add3A_609, %add3A_610 : i32
    %add3A_612 = arith.constant 32 : i32
    %add3A_613 = arith.addi %add3A_15, %add3A_612 : i32
    %get3A_614 = arith.index_cast %add3A_611 : i32 to index
    %get3A_615 = tpu.vector_load %arg8[%get3A_614] {strides = array<i32>} : memref<10112xi32, #tpu.memory_space<vmem>>, vector<16xi32>,
    %get3A_616 = arith.index_cast %add3A_613 : i32 to index
    %get3A_617 = tpu.vector_load %arg6[%get3A_616] {strides = array<i32>} : memref<20096xi32, #tpu.memory_space<vmem>>, vector<16xi32>,
    %get3A_618 = arith.index_cast %add3A_613 : i32 to index
    %get3A_619 = tpu.vector_load %arg7[%get3A_618] {strides = array<i32>} : memref<20096xf32, #tpu.memory_space<vmem>>, vector<16xf32>,
    %gather3A_620 = tpu.vector_load_idx %arg11[%get3A_615] : memref<10240xf32, #tpu.memory_space<vmem>>[vector<16xi32>], vector<16xf32>,
    %bitcast3A_621 = vector.bitcast %gather3A_620 : vector<16xf32> to vector<16xi32>
    %gather3A_622 = tpu.vector_load_idx %arg11[%get3A_617] : memref<10240xf32, #tpu.memory_space<vmem>>[vector<16xi32>], vector<16xf32>,
    %bitcast3A_623 = vector.bitcast %gather3A_622 : vector<16xf32> to vector<16xi32>
    %and3A_624 = arith.constant -16 : i32
    %and3A_625 = vector.broadcast %and3A_624 : i32 to vector<16xi32>
    %and3A_626 = arith.andi %bitcast3A_621, %and3A_625 : vector<16xi32>
    %bitcast3A_627 = vector.bitcast %and3A_626 : vector<16xi32> to vector<16xf32>
    %and3A_628 = arith.constant -16 : i32
    %and3A_629 = vector.broadcast %and3A_628 : i32 to vector<16xi32>
    %and3A_630 = arith.andi %bitcast3A_623, %and3A_629 : vector<16xi32>
    %bitcast3A_631 = vector.bitcast %and3A_630 : vector<16xi32> to vector<16xf32>
    %and3A_632 = arith.constant 15 : i32
    %and3A_633 = vector.broadcast %and3A_632 : i32 to vector<16xi32>
    %and3A_634 = arith.andi %bitcast3A_623, %and3A_633 : vector<16xi32>
    %mul3A_635 = arith.constant 10240 : i32
    %mul3A_636 = vector.broadcast %mul3A_635 : i32 to vector<16xi32>
    %mul3A_637 = arith.muli %and3A_634, %mul3A_636 : vector<16xi32>
    %add3A_638 = arith.addi %mul3A_637, %get3A_615 : vector<16xi32>
    %swap3A_639 = arith.constant 78 : i32
    %swap3A_640 = arith.index_cast %swap3A_639 : i32 to index
    %swap3A_641 = arith.constant 32 : index
    %swap3A_642 = tpu.vector_load %arg13[%swap3A_640, %swap3A_641] {strides = array<i32>} : memref<81x128xi32, #tpu.memory_space<vmem>>, vector<16xi32>,
    tpu.vector_store %arg13[%swap3A_640, %swap3A_641], %add3A_638 {strides = array<i32>} : memref<81x128xi32, #tpu.memory_space<vmem>>, vector<16xi32>,
    %mul3A_643 = arith.mulf %bitcast3A_627, %get3A_619 : vector<16xf32>
    %mul3A_644 = arith.mulf %mul3A_643, %bitcast3A_631 : vector<16xf32>
    %swap3A_645 = arith.constant 78 : i32
    %swap3A_646 = arith.index_cast %swap3A_645 : i32 to index
    %swap3A_647 = arith.constant 32 : index
    %swap3A_648 = tpu.vector_load %arg14[%swap3A_646, %swap3A_647] {strides = array<i32>} : memref<81x128xf32, #tpu.memory_space<vmem>>, vector<16xf32>,
    tpu.vector_store %arg14[%swap3A_646, %swap3A_647], %mul3A_644 {strides = array<i32>} : memref<81x128xf32, #tpu.memory_space<vmem>>, vector<16xf32>,
    %mul3A_649 = arith.constant 64 : i32
    %mul3A_650 = arith.muli %arg0, %mul3A_649 : i32
    %add3A_651 = arith.constant 9984 : i32
    %add3A_652 = arith.addi %add3A_651, %mul3A_650 : i32
    %add3A_653 = arith.constant 48 : i32
    %add3A_654 = arith.addi %add3A_652, %add3A_653 : i32
    %add3A_655 = arith.constant 48 : i32
    %add3A_656 = arith.addi %add3A_15, %add3A_655 : i32
    %get3A_657 = arith.index_cast %add3A_654 : i32 to index
    %get3A_658 = tpu.vector_load %arg8[%get3A_657] {strides = array<i32>} : memref<10112xi32, #tpu.memory_space<vmem>>, vector<16xi32>,
    %get3A_659 = arith.index_cast %add3A_656 : i32 to index
    %get3A_660 = tpu.vector_load %arg6[%get3A_659] {strides = array<i32>} : memref<20096xi32, #tpu.memory_space<vmem>>, vector<16xi32>,
    %get3A_661 = arith.index_cast %add3A_656 : i32 to index
    %get3A_662 = tpu.vector_load %arg7[%get3A_661] {strides = array<i32>} : memref<20096xf32, #tpu.memory_space<vmem>>, vector<16xf32>,
    %gather3A_663 = tpu.vector_load_idx %arg11[%get3A_658] : memref<10240xf32, #tpu.memory_space<vmem>>[vector<16xi32>], vector<16xf32>,
    %bitcast3A_664 = vector.bitcast %gather3A_663 : vector<16xf32> to vector<16xi32>
    %gather3A_665 = tpu.vector_load_idx %arg11[%get3A_660] : memref<10240xf32, #tpu.memory_space<vmem>>[vector<16xi32>], vector<16xf32>,
    %bitcast3A_666 = vector.bitcast %gather3A_665 : vector<16xf32> to vector<16xi32>
    %and3A_667 = arith.constant -16 : i32
    %and3A_668 = vector.broadcast %and3A_667 : i32 to vector<16xi32>
    %and3A_669 = arith.andi %bitcast3A_664, %and3A_668 : vector<16xi32>
    %bitcast3A_670 = vector.bitcast %and3A_669 : vector<16xi32> to vector<16xf32>
    %and3A_671 = arith.constant -16 : i32
    %and3A_672 = vector.broadcast %and3A_671 : i32 to vector<16xi32>
    %and3A_673 = arith.andi %bitcast3A_666, %and3A_672 : vector<16xi32>
    %bitcast3A_674 = vector.bitcast %and3A_673 : vector<16xi32> to vector<16xf32>
    %and3A_675 = arith.constant 15 : i32
    %and3A_676 = vector.broadcast %and3A_675 : i32 to vector<16xi32>
    %and3A_677 = arith.andi %bitcast3A_666, %and3A_676 : vector<16xi32>
    %mul3A_678 = arith.constant 10240 : i32
    %mul3A_679 = vector.broadcast %mul3A_678 : i32 to vector<16xi32>
    %mul3A_680 = arith.muli %and3A_677, %mul3A_679 : vector<16xi32>
    %add3A_681 = arith.addi %mul3A_680, %get3A_658 : vector<16xi32>
    %swap3A_682 = arith.constant 78 : i32
    %swap3A_683 = arith.index_cast %swap3A_682 : i32 to index
    %swap3A_684 = arith.constant 48 : index
    %swap3A_685 = tpu.vector_load %arg13[%swap3A_683, %swap3A_684] {strides = array<i32>} : memref<81x128xi32, #tpu.memory_space<vmem>>, vector<16xi32>,
    tpu.vector_store %arg13[%swap3A_683, %swap3A_684], %add3A_681 {strides = array<i32>} : memref<81x128xi32, #tpu.memory_space<vmem>>, vector<16xi32>,
    %mul3A_686 = arith.mulf %bitcast3A_670, %get3A_662 : vector<16xf32>
    %mul3A_687 = arith.mulf %mul3A_686, %bitcast3A_674 : vector<16xf32>
    %swap3A_688 = arith.constant 78 : i32
    %swap3A_689 = arith.index_cast %swap3A_688 : i32 to index
    %swap3A_690 = arith.constant 48 : index
    %swap3A_691 = tpu.vector_load %arg14[%swap3A_689, %swap3A_690] {strides = array<i32>} : memref<81x128xf32, #tpu.memory_space<vmem>>, vector<16xf32>,
    tpu.vector_store %arg14[%swap3A_689, %swap3A_690], %mul3A_687 {strides = array<i32>} : memref<81x128xf32, #tpu.memory_space<vmem>>, vector<16xf32>,
    %iota3A = tpu.iota {dimensions = array<i32: 0>} : vector<16xi32>
    %add3A_692 = arith.constant 0 : i32
    %add3A_693 = arith.addi %add3A, %add3A_692 : i32
    %min3A_694 = arith.constant 624 : i32
    %min3A_695 = arith.minsi %add3A_693, %min3A_694 : i32
    %mul3A_696 = arith.constant 16 : i32
    %mul3A_697 = arith.muli %min3A_695, %mul3A_696 : i32
    %get3A_698 = arith.index_cast %mul3A_697 : i32 to index
    %get3A_699 = tpu.vector_load %arg11[%get3A_698] {strides = array<i32>} : memref<10240xf32, #tpu.memory_space<vmem>>, vector<16xf32>,
    %bitcast3A_700 = vector.bitcast %get3A_699 : vector<16xf32> to vector<16xi32>
    %and3A_701 = arith.constant -16 : i32
    %and3A_702 = vector.broadcast %and3A_701 : i32 to vector<16xi32>
    %and3A_703 = arith.andi %bitcast3A_700, %and3A_702 : vector<16xi32>
    %bitcast3A_704 = vector.bitcast %and3A_703 : vector<16xi32> to vector<16xf32>
    %mul3A_705 = arith.mulf %bitcast3A_704, %bitcast3A_704 : vector<16xf32>
    %and3A_706 = arith.constant 15 : i32
    %and3A_707 = vector.broadcast %and3A_706 : i32 to vector<16xi32>
    %and3A_708 = arith.andi %bitcast3A_700, %and3A_707 : vector<16xi32>
    %mul3A_709 = arith.constant 10240 : i32
    %mul3A_710 = vector.broadcast %mul3A_709 : i32 to vector<16xi32>
    %mul3A_711 = arith.muli %and3A_708, %mul3A_710 : vector<16xi32>
    %add3A_712 = vector.broadcast %mul3A_697 : i32 to vector<16xi32>
    %add3A_713 = arith.addi %mul3A_711, %add3A_712 : vector<16xi32>
    %add3A_714 = arith.addi %add3A_713, %iota3A : vector<16xi32>
    %swap3A_715 = arith.constant 78 : i32
    %swap3A_716 = arith.index_cast %swap3A_715 : i32 to index
    %swap3A_717 = arith.constant 64 : index
    %swap3A_718 = tpu.vector_load %arg13[%swap3A_716, %swap3A_717] {strides = array<i32>} : memref<81x128xi32, #tpu.memory_space<vmem>>, vector<16xi32>,
    tpu.vector_store %arg13[%swap3A_716, %swap3A_717], %add3A_714 {strides = array<i32>} : memref<81x128xi32, #tpu.memory_space<vmem>>, vector<16xi32>,
    %swap3A_719 = arith.constant 78 : i32
    %swap3A_720 = arith.index_cast %swap3A_719 : i32 to index
    %swap3A_721 = arith.constant 64 : index
    %swap3A_722 = tpu.vector_load %arg14[%swap3A_720, %swap3A_721] {strides = array<i32>} : memref<81x128xf32, #tpu.memory_space<vmem>>, vector<16xf32>,
    tpu.vector_store %arg14[%swap3A_720, %swap3A_721], %mul3A_705 {strides = array<i32>} : memref<81x128xf32, #tpu.memory_space<vmem>>, vector<16xf32>,
    %add3A_723 = arith.constant 32 : i32
    %add3A_724 = arith.addi %add3A, %add3A_723 : i32
    %min3A_725 = arith.constant 624 : i32
    %min3A_726 = arith.minsi %add3A_724, %min3A_725 : i32
    %mul3A_727 = arith.constant 16 : i32
    %mul3A_728 = arith.muli %min3A_726, %mul3A_727 : i32
    %get3A_729 = arith.index_cast %mul3A_728 : i32 to index
    %get3A_730 = tpu.vector_load %arg11[%get3A_729] {strides = array<i32>} : memref<10240xf32, #tpu.memory_space<vmem>>, vector<16xf32>,
    %bitcast3A_731 = vector.bitcast %get3A_730 : vector<16xf32> to vector<16xi32>
    %and3A_732 = arith.constant -16 : i32
    %and3A_733 = vector.broadcast %and3A_732 : i32 to vector<16xi32>
    %and3A_734 = arith.andi %bitcast3A_731, %and3A_733 : vector<16xi32>
    %bitcast3A_735 = vector.bitcast %and3A_734 : vector<16xi32> to vector<16xf32>
    %mul3A_736 = arith.mulf %bitcast3A_735, %bitcast3A_735 : vector<16xf32>
    %and3A_737 = arith.constant 15 : i32
    %and3A_738 = vector.broadcast %and3A_737 : i32 to vector<16xi32>
    %and3A_739 = arith.andi %bitcast3A_731, %and3A_738 : vector<16xi32>
    %mul3A_740 = arith.constant 10240 : i32
    %mul3A_741 = vector.broadcast %mul3A_740 : i32 to vector<16xi32>
    %mul3A_742 = arith.muli %and3A_739, %mul3A_741 : vector<16xi32>
    %add3A_743 = vector.broadcast %mul3A_728 : i32 to vector<16xi32>
    %add3A_744 = arith.addi %mul3A_742, %add3A_743 : vector<16xi32>
    %add3A_745 = arith.addi %add3A_744, %iota3A : vector<16xi32>
    %swap3A_746 = arith.constant 78 : i32
    %swap3A_747 = arith.index_cast %swap3A_746 : i32 to index
    %swap3A_748 = arith.constant 80 : index
    %swap3A_749 = tpu.vector_load %arg13[%swap3A_747, %swap3A_748] {strides = array<i32>} : memref<81x128xi32, #tpu.memory_space<vmem>>, vector<16xi32>,
    tpu.vector_store %arg13[%swap3A_747, %swap3A_748], %add3A_745 {strides = array<i32>} : memref<81x128xi32, #tpu.memory_space<vmem>>, vector<16xi32>,
    %swap3A_750 = arith.constant 78 : i32
    %swap3A_751 = arith.index_cast %swap3A_750 : i32 to index
    %swap3A_752 = arith.constant 80 : index
    %swap3A_753 = tpu.vector_load %arg14[%swap3A_751, %swap3A_752] {strides = array<i32>} : memref<81x128xf32, #tpu.memory_space<vmem>>, vector<16xf32>,
    tpu.vector_store %arg14[%swap3A_751, %swap3A_752], %mul3A_736 {strides = array<i32>} : memref<81x128xf32, #tpu.memory_space<vmem>>, vector<16xf32>,
    %add3A_754 = arith.constant 64 : i32
    %add3A_755 = arith.addi %add3A, %add3A_754 : i32
    %min3A_756 = arith.constant 624 : i32
    %min3A_757 = arith.minsi %add3A_755, %min3A_756 : i32
    %mul3A_758 = arith.constant 16 : i32
    %mul3A_759 = arith.muli %min3A_757, %mul3A_758 : i32
    %get3A_760 = arith.index_cast %mul3A_759 : i32 to index
    %get3A_761 = tpu.vector_load %arg11[%get3A_760] {strides = array<i32>} : memref<10240xf32, #tpu.memory_space<vmem>>, vector<16xf32>,
    %bitcast3A_762 = vector.bitcast %get3A_761 : vector<16xf32> to vector<16xi32>
    %and3A_763 = arith.constant -16 : i32
    %and3A_764 = vector.broadcast %and3A_763 : i32 to vector<16xi32>
    %and3A_765 = arith.andi %bitcast3A_762, %and3A_764 : vector<16xi32>
    %bitcast3A_766 = vector.bitcast %and3A_765 : vector<16xi32> to vector<16xf32>
    %mul3A_767 = arith.mulf %bitcast3A_766, %bitcast3A_766 : vector<16xf32>
    %and3A_768 = arith.constant 15 : i32
    %and3A_769 = vector.broadcast %and3A_768 : i32 to vector<16xi32>
    %and3A_770 = arith.andi %bitcast3A_762, %and3A_769 : vector<16xi32>
    %mul3A_771 = arith.constant 10240 : i32
    %mul3A_772 = vector.broadcast %mul3A_771 : i32 to vector<16xi32>
    %mul3A_773 = arith.muli %and3A_770, %mul3A_772 : vector<16xi32>
    %add3A_774 = vector.broadcast %mul3A_759 : i32 to vector<16xi32>
    %add3A_775 = arith.addi %mul3A_773, %add3A_774 : vector<16xi32>
    %add3A_776 = arith.addi %add3A_775, %iota3A : vector<16xi32>
    %swap3A_777 = arith.constant 78 : i32
    %swap3A_778 = arith.index_cast %swap3A_777 : i32 to index
    %swap3A_779 = arith.constant 96 : index
    %swap3A_780 = tpu.vector_load %arg13[%swap3A_778, %swap3A_779] {strides = array<i32>} : memref<81x128xi32, #tpu.memory_space<vmem>>, vector<16xi32>,
    tpu.vector_store %arg13[%swap3A_778, %swap3A_779], %add3A_776 {strides = array<i32>} : memref<81x128xi32, #tpu.memory_space<vmem>>, vector<16xi32>,
    %swap3A_781 = arith.constant 78 : i32
    %swap3A_782 = arith.index_cast %swap3A_781 : i32 to index
    %swap3A_783 = arith.constant 96 : index
    %swap3A_784 = tpu.vector_load %arg14[%swap3A_782, %swap3A_783] {strides = array<i32>} : memref<81x128xf32, #tpu.memory_space<vmem>>, vector<16xf32>,
    tpu.vector_store %arg14[%swap3A_782, %swap3A_783], %mul3A_767 {strides = array<i32>} : memref<81x128xf32, #tpu.memory_space<vmem>>, vector<16xf32>,
    %add3A_785 = arith.constant 96 : i32
    %add3A_786 = arith.addi %add3A, %add3A_785 : i32
    %min3A_787 = arith.constant 624 : i32
    %min3A_788 = arith.minsi %add3A_786, %min3A_787 : i32
    %mul3A_789 = arith.constant 16 : i32
    %mul3A_790 = arith.muli %min3A_788, %mul3A_789 : i32
    %get3A_791 = arith.index_cast %mul3A_790 : i32 to index
    %get3A_792 = tpu.vector_load %arg11[%get3A_791] {strides = array<i32>} : memref<10240xf32, #tpu.memory_space<vmem>>, vector<16xf32>,
    %bitcast3A_793 = vector.bitcast %get3A_792 : vector<16xf32> to vector<16xi32>
    %and3A_794 = arith.constant -16 : i32
    %and3A_795 = vector.broadcast %and3A_794 : i32 to vector<16xi32>
    %and3A_796 = arith.andi %bitcast3A_793, %and3A_795 : vector<16xi32>
    %bitcast3A_797 = vector.bitcast %and3A_796 : vector<16xi32> to vector<16xf32>
    %mul3A_798 = arith.mulf %bitcast3A_797, %bitcast3A_797 : vector<16xf32>
    %and3A_799 = arith.constant 15 : i32
    %and3A_800 = vector.broadcast %and3A_799 : i32 to vector<16xi32>
    %and3A_801 = arith.andi %bitcast3A_793, %and3A_800 : vector<16xi32>
    %mul3A_802 = arith.constant 10240 : i32
    %mul3A_803 = vector.broadcast %mul3A_802 : i32 to vector<16xi32>
    %mul3A_804 = arith.muli %and3A_801, %mul3A_803 : vector<16xi32>
    %add3A_805 = vector.broadcast %mul3A_790 : i32 to vector<16xi32>
    %add3A_806 = arith.addi %mul3A_804, %add3A_805 : vector<16xi32>
    %add3A_807 = arith.addi %add3A_806, %iota3A : vector<16xi32>
    %swap3A_808 = arith.constant 78 : i32
    %swap3A_809 = arith.index_cast %swap3A_808 : i32 to index
    %swap3A_810 = arith.constant 112 : index
    %swap3A_811 = tpu.vector_load %arg13[%swap3A_809, %swap3A_810] {strides = array<i32>} : memref<81x128xi32, #tpu.memory_space<vmem>>, vector<16xi32>,
    tpu.vector_store %arg13[%swap3A_809, %swap3A_810], %add3A_807 {strides = array<i32>} : memref<81x128xi32, #tpu.memory_space<vmem>>, vector<16xi32>,
    %swap3A_812 = arith.constant 78 : i32
    %swap3A_813 = arith.index_cast %swap3A_812 : i32 to index
    %swap3A_814 = arith.constant 112 : index
    %swap3A_815 = tpu.vector_load %arg14[%swap3A_813, %swap3A_814] {strides = array<i32>} : memref<81x128xf32, #tpu.memory_space<vmem>>, vector<16xf32>,
    tpu.vector_store %arg14[%swap3A_813, %swap3A_814], %mul3A_798 {strides = array<i32>} : memref<81x128xf32, #tpu.memory_space<vmem>>, vector<16xf32>,
    %add3A_816 = arith.constant 128 : i32
    %add3A_817 = arith.addi %add3A, %add3A_816 : i32
    %min3A_818 = arith.constant 624 : i32
    %min3A_819 = arith.minsi %add3A_817, %min3A_818 : i32
    %mul3A_820 = arith.constant 16 : i32
    %mul3A_821 = arith.muli %min3A_819, %mul3A_820 : i32
    %get3A_822 = arith.index_cast %mul3A_821 : i32 to index
    %get3A_823 = tpu.vector_load %arg11[%get3A_822] {strides = array<i32>} : memref<10240xf32, #tpu.memory_space<vmem>>, vector<16xf32>,
    %bitcast3A_824 = vector.bitcast %get3A_823 : vector<16xf32> to vector<16xi32>
    %and3A_825 = arith.constant -16 : i32
    %and3A_826 = vector.broadcast %and3A_825 : i32 to vector<16xi32>
    %and3A_827 = arith.andi %bitcast3A_824, %and3A_826 : vector<16xi32>
    %bitcast3A_828 = vector.bitcast %and3A_827 : vector<16xi32> to vector<16xf32>
    %mul3A_829 = arith.mulf %bitcast3A_828, %bitcast3A_828 : vector<16xf32>
    %and3A_830 = arith.constant 15 : i32
    %and3A_831 = vector.broadcast %and3A_830 : i32 to vector<16xi32>
    %and3A_832 = arith.andi %bitcast3A_824, %and3A_831 : vector<16xi32>
    %mul3A_833 = arith.constant 10240 : i32
    %mul3A_834 = vector.broadcast %mul3A_833 : i32 to vector<16xi32>
    %mul3A_835 = arith.muli %and3A_832, %mul3A_834 : vector<16xi32>
    %add3A_836 = vector.broadcast %mul3A_821 : i32 to vector<16xi32>
    %add3A_837 = arith.addi %mul3A_835, %add3A_836 : vector<16xi32>
    %add3A_838 = arith.addi %add3A_837, %iota3A : vector<16xi32>
    %swap3A_839 = arith.constant 79 : i32
    %swap3A_840 = arith.index_cast %swap3A_839 : i32 to index
    %swap3A_841 = arith.constant 0 : index
    %swap3A_842 = tpu.vector_load %arg13[%swap3A_840, %swap3A_841] {strides = array<i32>} : memref<81x128xi32, #tpu.memory_space<vmem>>, vector<16xi32>,
    tpu.vector_store %arg13[%swap3A_840, %swap3A_841], %add3A_838 {strides = array<i32>} : memref<81x128xi32, #tpu.memory_space<vmem>>, vector<16xi32>,
    %swap3A_843 = arith.constant 79 : i32
    %swap3A_844 = arith.index_cast %swap3A_843 : i32 to index
    %swap3A_845 = arith.constant 0 : index
    %swap3A_846 = tpu.vector_load %arg14[%swap3A_844, %swap3A_845] {strides = array<i32>} : memref<81x128xf32, #tpu.memory_space<vmem>>, vector<16xf32>,
    tpu.vector_store %arg14[%swap3A_844, %swap3A_845], %mul3A_829 {strides = array<i32>} : memref<81x128xf32, #tpu.memory_space<vmem>>, vector<16xf32>,
    %add3A_847 = arith.constant 160 : i32
    %add3A_848 = arith.addi %add3A, %add3A_847 : i32
    %min3A_849 = arith.constant 624 : i32
    %min3A_850 = arith.minsi %add3A_848, %min3A_849 : i32
    %mul3A_851 = arith.constant 16 : i32
    %mul3A_852 = arith.muli %min3A_850, %mul3A_851 : i32
    %get3A_853 = arith.index_cast %mul3A_852 : i32 to index
    %get3A_854 = tpu.vector_load %arg11[%get3A_853] {strides = array<i32>} : memref<10240xf32, #tpu.memory_space<vmem>>, vector<16xf32>,
    %bitcast3A_855 = vector.bitcast %get3A_854 : vector<16xf32> to vector<16xi32>
    %and3A_856 = arith.constant -16 : i32
    %and3A_857 = vector.broadcast %and3A_856 : i32 to vector<16xi32>
    %and3A_858 = arith.andi %bitcast3A_855, %and3A_857 : vector<16xi32>
    %bitcast3A_859 = vector.bitcast %and3A_858 : vector<16xi32> to vector<16xf32>
    %mul3A_860 = arith.mulf %bitcast3A_859, %bitcast3A_859 : vector<16xf32>
    %and3A_861 = arith.constant 15 : i32
    %and3A_862 = vector.broadcast %and3A_861 : i32 to vector<16xi32>
    %and3A_863 = arith.andi %bitcast3A_855, %and3A_862 : vector<16xi32>
    %mul3A_864 = arith.constant 10240 : i32
    %mul3A_865 = vector.broadcast %mul3A_864 : i32 to vector<16xi32>
    %mul3A_866 = arith.muli %and3A_863, %mul3A_865 : vector<16xi32>
    %add3A_867 = vector.broadcast %mul3A_852 : i32 to vector<16xi32>
    %add3A_868 = arith.addi %mul3A_866, %add3A_867 : vector<16xi32>
    %add3A_869 = arith.addi %add3A_868, %iota3A : vector<16xi32>
    %swap3A_870 = arith.constant 79 : i32
    %swap3A_871 = arith.index_cast %swap3A_870 : i32 to index
    %swap3A_872 = arith.constant 16 : index
    %swap3A_873 = tpu.vector_load %arg13[%swap3A_871, %swap3A_872] {strides = array<i32>} : memref<81x128xi32, #tpu.memory_space<vmem>>, vector<16xi32>,
    tpu.vector_store %arg13[%swap3A_871, %swap3A_872], %add3A_869 {strides = array<i32>} : memref<81x128xi32, #tpu.memory_space<vmem>>, vector<16xi32>,
    %swap3A_874 = arith.constant 79 : i32
    %swap3A_875 = arith.index_cast %swap3A_874 : i32 to index
    %swap3A_876 = arith.constant 16 : index
    %swap3A_877 = tpu.vector_load %arg14[%swap3A_875, %swap3A_876] {strides = array<i32>} : memref<81x128xf32, #tpu.memory_space<vmem>>, vector<16xf32>,
    tpu.vector_store %arg14[%swap3A_875, %swap3A_876], %mul3A_860 {strides = array<i32>} : memref<81x128xf32, #tpu.memory_space<vmem>>, vector<16xf32>,
    %add3A_878 = arith.constant 192 : i32
    %add3A_879 = arith.addi %add3A, %add3A_878 : i32
    %min3A_880 = arith.constant 624 : i32
    %min3A_881 = arith.minsi %add3A_879, %min3A_880 : i32
    %mul3A_882 = arith.constant 16 : i32
    %mul3A_883 = arith.muli %min3A_881, %mul3A_882 : i32
    %get3A_884 = arith.index_cast %mul3A_883 : i32 to index
    %get3A_885 = tpu.vector_load %arg11[%get3A_884] {strides = array<i32>} : memref<10240xf32, #tpu.memory_space<vmem>>, vector<16xf32>,
    %bitcast3A_886 = vector.bitcast %get3A_885 : vector<16xf32> to vector<16xi32>
    %and3A_887 = arith.constant -16 : i32
    %and3A_888 = vector.broadcast %and3A_887 : i32 to vector<16xi32>
    %and3A_889 = arith.andi %bitcast3A_886, %and3A_888 : vector<16xi32>
    %bitcast3A_890 = vector.bitcast %and3A_889 : vector<16xi32> to vector<16xf32>
    %mul3A_891 = arith.mulf %bitcast3A_890, %bitcast3A_890 : vector<16xf32>
    %and3A_892 = arith.constant 15 : i32
    %and3A_893 = vector.broadcast %and3A_892 : i32 to vector<16xi32>
    %and3A_894 = arith.andi %bitcast3A_886, %and3A_893 : vector<16xi32>
    %mul3A_895 = arith.constant 10240 : i32
    %mul3A_896 = vector.broadcast %mul3A_895 : i32 to vector<16xi32>
    %mul3A_897 = arith.muli %and3A_894, %mul3A_896 : vector<16xi32>
    %add3A_898 = vector.broadcast %mul3A_883 : i32 to vector<16xi32>
    %add3A_899 = arith.addi %mul3A_897, %add3A_898 : vector<16xi32>
    %add3A_900 = arith.addi %add3A_899, %iota3A : vector<16xi32>
    %swap3A_901 = arith.constant 79 : i32
    %swap3A_902 = arith.index_cast %swap3A_901 : i32 to index
    %swap3A_903 = arith.constant 32 : index
    %swap3A_904 = tpu.vector_load %arg13[%swap3A_902, %swap3A_903] {strides = array<i32>} : memref<81x128xi32, #tpu.memory_space<vmem>>, vector<16xi32>,
    tpu.vector_store %arg13[%swap3A_902, %swap3A_903], %add3A_900 {strides = array<i32>} : memref<81x128xi32, #tpu.memory_space<vmem>>, vector<16xi32>,
    %swap3A_905 = arith.constant 79 : i32
    %swap3A_906 = arith.index_cast %swap3A_905 : i32 to index
    %swap3A_907 = arith.constant 32 : index
    %swap3A_908 = tpu.vector_load %arg14[%swap3A_906, %swap3A_907] {strides = array<i32>} : memref<81x128xf32, #tpu.memory_space<vmem>>, vector<16xf32>,
    tpu.vector_store %arg14[%swap3A_906, %swap3A_907], %mul3A_891 {strides = array<i32>} : memref<81x128xf32, #tpu.memory_space<vmem>>, vector<16xf32>,
    %add3A_909 = arith.constant 224 : i32
    %add3A_910 = arith.addi %add3A, %add3A_909 : i32
    %min3A_911 = arith.constant 624 : i32
    %min3A_912 = arith.minsi %add3A_910, %min3A_911 : i32
    %mul3A_913 = arith.constant 16 : i32
    %mul3A_914 = arith.muli %min3A_912, %mul3A_913 : i32
    %get3A_915 = arith.index_cast %mul3A_914 : i32 to index
    %get3A_916 = tpu.vector_load %arg11[%get3A_915] {strides = array<i32>} : memref<10240xf32, #tpu.memory_space<vmem>>, vector<16xf32>,
    %bitcast3A_917 = vector.bitcast %get3A_916 : vector<16xf32> to vector<16xi32>
    %and3A_918 = arith.constant -16 : i32
    %and3A_919 = vector.broadcast %and3A_918 : i32 to vector<16xi32>
    %and3A_920 = arith.andi %bitcast3A_917, %and3A_919 : vector<16xi32>
    %bitcast3A_921 = vector.bitcast %and3A_920 : vector<16xi32> to vector<16xf32>
    %mul3A_922 = arith.mulf %bitcast3A_921, %bitcast3A_921 : vector<16xf32>
    %and3A_923 = arith.constant 15 : i32
    %and3A_924 = vector.broadcast %and3A_923 : i32 to vector<16xi32>
    %and3A_925 = arith.andi %bitcast3A_917, %and3A_924 : vector<16xi32>
    %mul3A_926 = arith.constant 10240 : i32
    %mul3A_927 = vector.broadcast %mul3A_926 : i32 to vector<16xi32>
    %mul3A_928 = arith.muli %and3A_925, %mul3A_927 : vector<16xi32>
    %add3A_929 = vector.broadcast %mul3A_914 : i32 to vector<16xi32>
    %add3A_930 = arith.addi %mul3A_928, %add3A_929 : vector<16xi32>
    %add3A_931 = arith.addi %add3A_930, %iota3A : vector<16xi32>
    %swap3A_932 = arith.constant 79 : i32
    %swap3A_933 = arith.index_cast %swap3A_932 : i32 to index
    %swap3A_934 = arith.constant 48 : index
    %swap3A_935 = tpu.vector_load %arg13[%swap3A_933, %swap3A_934] {strides = array<i32>} : memref<81x128xi32, #tpu.memory_space<vmem>>, vector<16xi32>,
    tpu.vector_store %arg13[%swap3A_933, %swap3A_934], %add3A_931 {strides = array<i32>} : memref<81x128xi32, #tpu.memory_space<vmem>>, vector<16xi32>,
    %swap3A_936 = arith.constant 79 : i32
    %swap3A_937 = arith.index_cast %swap3A_936 : i32 to index
    %swap3A_938 = arith.constant 48 : index
    %swap3A_939 = tpu.vector_load %arg14[%swap3A_937, %swap3A_938] {strides = array<i32>} : memref<81x128xf32, #tpu.memory_space<vmem>>, vector<16xf32>,
    tpu.vector_store %arg14[%swap3A_937, %swap3A_938], %mul3A_922 {strides = array<i32>} : memref<81x128xf32, #tpu.memory_space<vmem>>, vector<16xf32>,
    %add3A_940 = arith.constant 256 : i32
    %add3A_941 = arith.addi %add3A, %add3A_940 : i32
    %min3A_942 = arith.constant 624 : i32
    %min3A_943 = arith.minsi %add3A_941, %min3A_942 : i32
    %mul3A_944 = arith.constant 16 : i32
    %mul3A_945 = arith.muli %min3A_943, %mul3A_944 : i32
    %get3A_946 = arith.index_cast %mul3A_945 : i32 to index
    %get3A_947 = tpu.vector_load %arg11[%get3A_946] {strides = array<i32>} : memref<10240xf32, #tpu.memory_space<vmem>>, vector<16xf32>,
    %bitcast3A_948 = vector.bitcast %get3A_947 : vector<16xf32> to vector<16xi32>
    %and3A_949 = arith.constant -16 : i32
    %and3A_950 = vector.broadcast %and3A_949 : i32 to vector<16xi32>
    %and3A_951 = arith.andi %bitcast3A_948, %and3A_950 : vector<16xi32>
    %bitcast3A_952 = vector.bitcast %and3A_951 : vector<16xi32> to vector<16xf32>
    %mul3A_953 = arith.mulf %bitcast3A_952, %bitcast3A_952 : vector<16xf32>
    %and3A_954 = arith.constant 15 : i32
    %and3A_955 = vector.broadcast %and3A_954 : i32 to vector<16xi32>
    %and3A_956 = arith.andi %bitcast3A_948, %and3A_955 : vector<16xi32>
    %mul3A_957 = arith.constant 10240 : i32
    %mul3A_958 = vector.broadcast %mul3A_957 : i32 to vector<16xi32>
    %mul3A_959 = arith.muli %and3A_956, %mul3A_958 : vector<16xi32>
    %add3A_960 = vector.broadcast %mul3A_945 : i32 to vector<16xi32>
    %add3A_961 = arith.addi %mul3A_959, %add3A_960 : vector<16xi32>
    %add3A_962 = arith.addi %add3A_961, %iota3A : vector<16xi32>
    %swap3A_963 = arith.constant 79 : i32
    %swap3A_964 = arith.index_cast %swap3A_963 : i32 to index
    %swap3A_965 = arith.constant 64 : index
    %swap3A_966 = tpu.vector_load %arg13[%swap3A_964, %swap3A_965] {strides = array<i32>} : memref<81x128xi32, #tpu.memory_space<vmem>>, vector<16xi32>,
    tpu.vector_store %arg13[%swap3A_964, %swap3A_965], %add3A_962 {strides = array<i32>} : memref<81x128xi32, #tpu.memory_space<vmem>>, vector<16xi32>,
    %swap3A_967 = arith.constant 79 : i32
    %swap3A_968 = arith.index_cast %swap3A_967 : i32 to index
    %swap3A_969 = arith.constant 64 : index
    %swap3A_970 = tpu.vector_load %arg14[%swap3A_968, %swap3A_969] {strides = array<i32>} : memref<81x128xf32, #tpu.memory_space<vmem>>, vector<16xf32>,
    tpu.vector_store %arg14[%swap3A_968, %swap3A_969], %mul3A_953 {strides = array<i32>} : memref<81x128xf32, #tpu.memory_space<vmem>>, vector<16xf32>,
    %add3A_971 = arith.constant 288 : i32
    %add3A_972 = arith.addi %add3A, %add3A_971 : i32
    %min3A_973 = arith.constant 624 : i32
    %min3A_974 = arith.minsi %add3A_972, %min3A_973 : i32
    %mul3A_975 = arith.constant 16 : i32
    %mul3A_976 = arith.muli %min3A_974, %mul3A_975 : i32
    %get3A_977 = arith.index_cast %mul3A_976 : i32 to index
    %get3A_978 = tpu.vector_load %arg11[%get3A_977] {strides = array<i32>} : memref<10240xf32, #tpu.memory_space<vmem>>, vector<16xf32>,
    %bitcast3A_979 = vector.bitcast %get3A_978 : vector<16xf32> to vector<16xi32>
    %and3A_980 = arith.constant -16 : i32
    %and3A_981 = vector.broadcast %and3A_980 : i32 to vector<16xi32>
    %and3A_982 = arith.andi %bitcast3A_979, %and3A_981 : vector<16xi32>
    %bitcast3A_983 = vector.bitcast %and3A_982 : vector<16xi32> to vector<16xf32>
    %mul3A_984 = arith.mulf %bitcast3A_983, %bitcast3A_983 : vector<16xf32>
    %and3A_985 = arith.constant 15 : i32
    %and3A_986 = vector.broadcast %and3A_985 : i32 to vector<16xi32>
    %and3A_987 = arith.andi %bitcast3A_979, %and3A_986 : vector<16xi32>
    %mul3A_988 = arith.constant 10240 : i32
    %mul3A_989 = vector.broadcast %mul3A_988 : i32 to vector<16xi32>
    %mul3A_990 = arith.muli %and3A_987, %mul3A_989 : vector<16xi32>
    %add3A_991 = vector.broadcast %mul3A_976 : i32 to vector<16xi32>
    %add3A_992 = arith.addi %mul3A_990, %add3A_991 : vector<16xi32>
    %add3A_993 = arith.addi %add3A_992, %iota3A : vector<16xi32>
    %swap3A_994 = arith.constant 79 : i32
    %swap3A_995 = arith.index_cast %swap3A_994 : i32 to index
    %swap3A_996 = arith.constant 80 : index
    %swap3A_997 = tpu.vector_load %arg13[%swap3A_995, %swap3A_996] {strides = array<i32>} : memref<81x128xi32, #tpu.memory_space<vmem>>, vector<16xi32>,
    tpu.vector_store %arg13[%swap3A_995, %swap3A_996], %add3A_993 {strides = array<i32>} : memref<81x128xi32, #tpu.memory_space<vmem>>, vector<16xi32>,
    %swap3A_998 = arith.constant 79 : i32
    %swap3A_999 = arith.index_cast %swap3A_998 : i32 to index
    %swap3A_1000 = arith.constant 80 : index
    %swap3A_1001 = tpu.vector_load %arg14[%swap3A_999, %swap3A_1000] {strides = array<i32>} : memref<81x128xf32, #tpu.memory_space<vmem>>, vector<16xf32>,
    tpu.vector_store %arg14[%swap3A_999, %swap3A_1000], %mul3A_984 {strides = array<i32>} : memref<81x128xf32, #tpu.memory_space<vmem>>, vector<16xf32>,
    %add3A_1002 = arith.constant 320 : i32
    %add3A_1003 = arith.addi %add3A, %add3A_1002 : i32
    %min3A_1004 = arith.constant 624 : i32
    %min3A_1005 = arith.minsi %add3A_1003, %min3A_1004 : i32
    %mul3A_1006 = arith.constant 16 : i32
    %mul3A_1007 = arith.muli %min3A_1005, %mul3A_1006 : i32
    %get3A_1008 = arith.index_cast %mul3A_1007 : i32 to index
    %get3A_1009 = tpu.vector_load %arg11[%get3A_1008] {strides = array<i32>} : memref<10240xf32, #tpu.memory_space<vmem>>, vector<16xf32>,
    %bitcast3A_1010 = vector.bitcast %get3A_1009 : vector<16xf32> to vector<16xi32>
    %and3A_1011 = arith.constant -16 : i32
    %and3A_1012 = vector.broadcast %and3A_1011 : i32 to vector<16xi32>
    %and3A_1013 = arith.andi %bitcast3A_1010, %and3A_1012 : vector<16xi32>
    %bitcast3A_1014 = vector.bitcast %and3A_1013 : vector<16xi32> to vector<16xf32>
    %mul3A_1015 = arith.mulf %bitcast3A_1014, %bitcast3A_1014 : vector<16xf32>
    %and3A_1016 = arith.constant 15 : i32
    %and3A_1017 = vector.broadcast %and3A_1016 : i32 to vector<16xi32>
    %and3A_1018 = arith.andi %bitcast3A_1010, %and3A_1017 : vector<16xi32>
    %mul3A_1019 = arith.constant 10240 : i32
    %mul3A_1020 = vector.broadcast %mul3A_1019 : i32 to vector<16xi32>
    %mul3A_1021 = arith.muli %and3A_1018, %mul3A_1020 : vector<16xi32>
    %add3A_1022 = vector.broadcast %mul3A_1007 : i32 to vector<16xi32>
    %add3A_1023 = arith.addi %mul3A_1021, %add3A_1022 : vector<16xi32>
    %add3A_1024 = arith.addi %add3A_1023, %iota3A : vector<16xi32>
    %swap3A_1025 = arith.constant 79 : i32
    %swap3A_1026 = arith.index_cast %swap3A_1025 : i32 to index
    %swap3A_1027 = arith.constant 96 : index
    %swap3A_1028 = tpu.vector_load %arg13[%swap3A_1026, %swap3A_1027] {strides = array<i32>} : memref<81x128xi32, #tpu.memory_space<vmem>>, vector<16xi32>,
    tpu.vector_store %arg13[%swap3A_1026, %swap3A_1027], %add3A_1024 {strides = array<i32>} : memref<81x128xi32, #tpu.memory_space<vmem>>, vector<16xi32>,
    %swap3A_1029 = arith.constant 79 : i32
    %swap3A_1030 = arith.index_cast %swap3A_1029 : i32 to index
    %swap3A_1031 = arith.constant 96 : index
    %swap3A_1032 = tpu.vector_load %arg14[%swap3A_1030, %swap3A_1031] {strides = array<i32>} : memref<81x128xf32, #tpu.memory_space<vmem>>, vector<16xf32>,
    tpu.vector_store %arg14[%swap3A_1030, %swap3A_1031], %mul3A_1015 {strides = array<i32>} : memref<81x128xf32, #tpu.memory_space<vmem>>, vector<16xf32>,
    %add3A_1033 = arith.constant 352 : i32
    %add3A_1034 = arith.addi %add3A, %add3A_1033 : i32
    %min3A_1035 = arith.constant 624 : i32
    %min3A_1036 = arith.minsi %add3A_1034, %min3A_1035 : i32
    %mul3A_1037 = arith.constant 16 : i32
    %mul3A_1038 = arith.muli %min3A_1036, %mul3A_1037 : i32
    %get3A_1039 = arith.index_cast %mul3A_1038 : i32 to index
    %get3A_1040 = tpu.vector_load %arg11[%get3A_1039] {strides = array<i32>} : memref<10240xf32, #tpu.memory_space<vmem>>, vector<16xf32>,
    %bitcast3A_1041 = vector.bitcast %get3A_1040 : vector<16xf32> to vector<16xi32>
    %and3A_1042 = arith.constant -16 : i32
    %and3A_1043 = vector.broadcast %and3A_1042 : i32 to vector<16xi32>
    %and3A_1044 = arith.andi %bitcast3A_1041, %and3A_1043 : vector<16xi32>
    %bitcast3A_1045 = vector.bitcast %and3A_1044 : vector<16xi32> to vector<16xf32>
    %mul3A_1046 = arith.mulf %bitcast3A_1045, %bitcast3A_1045 : vector<16xf32>
    %and3A_1047 = arith.constant 15 : i32
    %and3A_1048 = vector.broadcast %and3A_1047 : i32 to vector<16xi32>
    %and3A_1049 = arith.andi %bitcast3A_1041, %and3A_1048 : vector<16xi32>
    %mul3A_1050 = arith.constant 10240 : i32
    %mul3A_1051 = vector.broadcast %mul3A_1050 : i32 to vector<16xi32>
    %mul3A_1052 = arith.muli %and3A_1049, %mul3A_1051 : vector<16xi32>
    %add3A_1053 = vector.broadcast %mul3A_1038 : i32 to vector<16xi32>
    %add3A_1054 = arith.addi %mul3A_1052, %add3A_1053 : vector<16xi32>
    %add3A_1055 = arith.addi %add3A_1054, %iota3A : vector<16xi32>
    %swap3A_1056 = arith.constant 79 : i32
    %swap3A_1057 = arith.index_cast %swap3A_1056 : i32 to index
    %swap3A_1058 = arith.constant 112 : index
    %swap3A_1059 = tpu.vector_load %arg13[%swap3A_1057, %swap3A_1058] {strides = array<i32>} : memref<81x128xi32, #tpu.memory_space<vmem>>, vector<16xi32>,
    tpu.vector_store %arg13[%swap3A_1057, %swap3A_1058], %add3A_1055 {strides = array<i32>} : memref<81x128xi32, #tpu.memory_space<vmem>>, vector<16xi32>,
    %swap3A_1060 = arith.constant 79 : i32
    %swap3A_1061 = arith.index_cast %swap3A_1060 : i32 to index
    %swap3A_1062 = arith.constant 112 : index
    %swap3A_1063 = tpu.vector_load %arg14[%swap3A_1061, %swap3A_1062] {strides = array<i32>} : memref<81x128xf32, #tpu.memory_space<vmem>>, vector<16xf32>,
    tpu.vector_store %arg14[%swap3A_1061, %swap3A_1062], %mul3A_1046 {strides = array<i32>} : memref<81x128xf32, #tpu.memory_space<vmem>>, vector<16xf32>,
    %add3A_1064 = arith.constant 384 : i32
    %add3A_1065 = arith.addi %add3A, %add3A_1064 : i32
    %min3A_1066 = arith.constant 624 : i32
    %min3A_1067 = arith.minsi %add3A_1065, %min3A_1066 : i32
    %mul3A_1068 = arith.constant 16 : i32
    %mul3A_1069 = arith.muli %min3A_1067, %mul3A_1068 : i32
    %get3A_1070 = arith.index_cast %mul3A_1069 : i32 to index
    %get3A_1071 = tpu.vector_load %arg11[%get3A_1070] {strides = array<i32>} : memref<10240xf32, #tpu.memory_space<vmem>>, vector<16xf32>,
    %bitcast3A_1072 = vector.bitcast %get3A_1071 : vector<16xf32> to vector<16xi32>
    %and3A_1073 = arith.constant -16 : i32
    %and3A_1074 = vector.broadcast %and3A_1073 : i32 to vector<16xi32>
    %and3A_1075 = arith.andi %bitcast3A_1072, %and3A_1074 : vector<16xi32>
    %bitcast3A_1076 = vector.bitcast %and3A_1075 : vector<16xi32> to vector<16xf32>
    %mul3A_1077 = arith.mulf %bitcast3A_1076, %bitcast3A_1076 : vector<16xf32>
    %and3A_1078 = arith.constant 15 : i32
    %and3A_1079 = vector.broadcast %and3A_1078 : i32 to vector<16xi32>
    %and3A_1080 = arith.andi %bitcast3A_1072, %and3A_1079 : vector<16xi32>
    %mul3A_1081 = arith.constant 10240 : i32
    %mul3A_1082 = vector.broadcast %mul3A_1081 : i32 to vector<16xi32>
    %mul3A_1083 = arith.muli %and3A_1080, %mul3A_1082 : vector<16xi32>
    %add3A_1084 = vector.broadcast %mul3A_1069 : i32 to vector<16xi32>
    %add3A_1085 = arith.addi %mul3A_1083, %add3A_1084 : vector<16xi32>
    %add3A_1086 = arith.addi %add3A_1085, %iota3A : vector<16xi32>
    %swap3A_1087 = arith.constant 80 : i32
    %swap3A_1088 = arith.index_cast %swap3A_1087 : i32 to index
    %swap3A_1089 = arith.constant 0 : index
    %swap3A_1090 = tpu.vector_load %arg13[%swap3A_1088, %swap3A_1089] {strides = array<i32>} : memref<81x128xi32, #tpu.memory_space<vmem>>, vector<16xi32>,
    tpu.vector_store %arg13[%swap3A_1088, %swap3A_1089], %add3A_1086 {strides = array<i32>} : memref<81x128xi32, #tpu.memory_space<vmem>>, vector<16xi32>,
    %swap3A_1091 = arith.constant 80 : i32
    %swap3A_1092 = arith.index_cast %swap3A_1091 : i32 to index
    %swap3A_1093 = arith.constant 0 : index
    %swap3A_1094 = tpu.vector_load %arg14[%swap3A_1092, %swap3A_1093] {strides = array<i32>} : memref<81x128xf32, #tpu.memory_space<vmem>>, vector<16xf32>,
    tpu.vector_store %arg14[%swap3A_1092, %swap3A_1093], %mul3A_1077 {strides = array<i32>} : memref<81x128xf32, #tpu.memory_space<vmem>>, vector<16xf32>,
    %add3A_1095 = arith.constant 416 : i32
    %add3A_1096 = arith.addi %add3A, %add3A_1095 : i32
    %min3A_1097 = arith.constant 624 : i32
    %min3A_1098 = arith.minsi %add3A_1096, %min3A_1097 : i32
    %mul3A_1099 = arith.constant 16 : i32
    %mul3A_1100 = arith.muli %min3A_1098, %mul3A_1099 : i32
    %get3A_1101 = arith.index_cast %mul3A_1100 : i32 to index
    %get3A_1102 = tpu.vector_load %arg11[%get3A_1101] {strides = array<i32>} : memref<10240xf32, #tpu.memory_space<vmem>>, vector<16xf32>,
    %bitcast3A_1103 = vector.bitcast %get3A_1102 : vector<16xf32> to vector<16xi32>
    %and3A_1104 = arith.constant -16 : i32
    %and3A_1105 = vector.broadcast %and3A_1104 : i32 to vector<16xi32>
    %and3A_1106 = arith.andi %bitcast3A_1103, %and3A_1105 : vector<16xi32>
    %bitcast3A_1107 = vector.bitcast %and3A_1106 : vector<16xi32> to vector<16xf32>
    %mul3A_1108 = arith.mulf %bitcast3A_1107, %bitcast3A_1107 : vector<16xf32>
    %and3A_1109 = arith.constant 15 : i32
    %and3A_1110 = vector.broadcast %and3A_1109 : i32 to vector<16xi32>
    %and3A_1111 = arith.andi %bitcast3A_1103, %and3A_1110 : vector<16xi32>
    %mul3A_1112 = arith.constant 10240 : i32
    %mul3A_1113 = vector.broadcast %mul3A_1112 : i32 to vector<16xi32>
    %mul3A_1114 = arith.muli %and3A_1111, %mul3A_1113 : vector<16xi32>
    %add3A_1115 = vector.broadcast %mul3A_1100 : i32 to vector<16xi32>
    %add3A_1116 = arith.addi %mul3A_1114, %add3A_1115 : vector<16xi32>
    %add3A_1117 = arith.addi %add3A_1116, %iota3A : vector<16xi32>
    %swap3A_1118 = arith.constant 80 : i32
    %swap3A_1119 = arith.index_cast %swap3A_1118 : i32 to index
    %swap3A_1120 = arith.constant 16 : index
    %swap3A_1121 = tpu.vector_load %arg13[%swap3A_1119, %swap3A_1120] {strides = array<i32>} : memref<81x128xi32, #tpu.memory_space<vmem>>, vector<16xi32>,
    tpu.vector_store %arg13[%swap3A_1119, %swap3A_1120], %add3A_1117 {strides = array<i32>} : memref<81x128xi32, #tpu.memory_space<vmem>>, vector<16xi32>,
    %swap3A_1122 = arith.constant 80 : i32
    %swap3A_1123 = arith.index_cast %swap3A_1122 : i32 to index
    %swap3A_1124 = arith.constant 16 : index
    %swap3A_1125 = tpu.vector_load %arg14[%swap3A_1123, %swap3A_1124] {strides = array<i32>} : memref<81x128xf32, #tpu.memory_space<vmem>>, vector<16xf32>,
    tpu.vector_store %arg14[%swap3A_1123, %swap3A_1124], %mul3A_1108 {strides = array<i32>} : memref<81x128xf32, #tpu.memory_space<vmem>>, vector<16xf32>,
    %add3A_1126 = arith.constant 448 : i32
    %add3A_1127 = arith.addi %add3A, %add3A_1126 : i32
    %min3A_1128 = arith.constant 624 : i32
    %min3A_1129 = arith.minsi %add3A_1127, %min3A_1128 : i32
    %mul3A_1130 = arith.constant 16 : i32
    %mul3A_1131 = arith.muli %min3A_1129, %mul3A_1130 : i32
    %get3A_1132 = arith.index_cast %mul3A_1131 : i32 to index
    %get3A_1133 = tpu.vector_load %arg11[%get3A_1132] {strides = array<i32>} : memref<10240xf32, #tpu.memory_space<vmem>>, vector<16xf32>,
    %bitcast3A_1134 = vector.bitcast %get3A_1133 : vector<16xf32> to vector<16xi32>
    %and3A_1135 = arith.constant -16 : i32
    %and3A_1136 = vector.broadcast %and3A_1135 : i32 to vector<16xi32>
    %and3A_1137 = arith.andi %bitcast3A_1134, %and3A_1136 : vector<16xi32>
    %bitcast3A_1138 = vector.bitcast %and3A_1137 : vector<16xi32> to vector<16xf32>
    %mul3A_1139 = arith.mulf %bitcast3A_1138, %bitcast3A_1138 : vector<16xf32>
    %and3A_1140 = arith.constant 15 : i32
    %and3A_1141 = vector.broadcast %and3A_1140 : i32 to vector<16xi32>
    %and3A_1142 = arith.andi %bitcast3A_1134, %and3A_1141 : vector<16xi32>
    %mul3A_1143 = arith.constant 10240 : i32
    %mul3A_1144 = vector.broadcast %mul3A_1143 : i32 to vector<16xi32>
    %mul3A_1145 = arith.muli %and3A_1142, %mul3A_1144 : vector<16xi32>
    %add3A_1146 = vector.broadcast %mul3A_1131 : i32 to vector<16xi32>
    %add3A_1147 = arith.addi %mul3A_1145, %add3A_1146 : vector<16xi32>
    %add3A_1148 = arith.addi %add3A_1147, %iota3A : vector<16xi32>
    %swap3A_1149 = arith.constant 80 : i32
    %swap3A_1150 = arith.index_cast %swap3A_1149 : i32 to index
    %swap3A_1151 = arith.constant 32 : index
    %swap3A_1152 = tpu.vector_load %arg13[%swap3A_1150, %swap3A_1151] {strides = array<i32>} : memref<81x128xi32, #tpu.memory_space<vmem>>, vector<16xi32>,
    tpu.vector_store %arg13[%swap3A_1150, %swap3A_1151], %add3A_1148 {strides = array<i32>} : memref<81x128xi32, #tpu.memory_space<vmem>>, vector<16xi32>,
    %swap3A_1153 = arith.constant 80 : i32
    %swap3A_1154 = arith.index_cast %swap3A_1153 : i32 to index
    %swap3A_1155 = arith.constant 32 : index
    %swap3A_1156 = tpu.vector_load %arg14[%swap3A_1154, %swap3A_1155] {strides = array<i32>} : memref<81x128xf32, #tpu.memory_space<vmem>>, vector<16xf32>,
    tpu.vector_store %arg14[%swap3A_1154, %swap3A_1155], %mul3A_1139 {strides = array<i32>} : memref<81x128xf32, #tpu.memory_space<vmem>>, vector<16xf32>,
    %add3A_1157 = arith.constant 480 : i32
    %add3A_1158 = arith.addi %add3A, %add3A_1157 : i32
    %min3A_1159 = arith.constant 624 : i32
    %min3A_1160 = arith.minsi %add3A_1158, %min3A_1159 : i32
    %mul3A_1161 = arith.constant 16 : i32
    %mul3A_1162 = arith.muli %min3A_1160, %mul3A_1161 : i32
    %get3A_1163 = arith.index_cast %mul3A_1162 : i32 to index
    %get3A_1164 = tpu.vector_load %arg11[%get3A_1163] {strides = array<i32>} : memref<10240xf32, #tpu.memory_space<vmem>>, vector<16xf32>,
    %bitcast3A_1165 = vector.bitcast %get3A_1164 : vector<16xf32> to vector<16xi32>
    %and3A_1166 = arith.constant -16 : i32
    %and3A_1167 = vector.broadcast %and3A_1166 : i32 to vector<16xi32>
    %and3A_1168 = arith.andi %bitcast3A_1165, %and3A_1167 : vector<16xi32>
    %bitcast3A_1169 = vector.bitcast %and3A_1168 : vector<16xi32> to vector<16xf32>
    %mul3A_1170 = arith.mulf %bitcast3A_1169, %bitcast3A_1169 : vector<16xf32>
    %and3A_1171 = arith.constant 15 : i32
    %and3A_1172 = vector.broadcast %and3A_1171 : i32 to vector<16xi32>
    %and3A_1173 = arith.andi %bitcast3A_1165, %and3A_1172 : vector<16xi32>
    %mul3A_1174 = arith.constant 10240 : i32
    %mul3A_1175 = vector.broadcast %mul3A_1174 : i32 to vector<16xi32>
    %mul3A_1176 = arith.muli %and3A_1173, %mul3A_1175 : vector<16xi32>
    %add3A_1177 = vector.broadcast %mul3A_1162 : i32 to vector<16xi32>
    %add3A_1178 = arith.addi %mul3A_1176, %add3A_1177 : vector<16xi32>
    %add3A_1179 = arith.addi %add3A_1178, %iota3A : vector<16xi32>
    %swap3A_1180 = arith.constant 80 : i32
    %swap3A_1181 = arith.index_cast %swap3A_1180 : i32 to index
    %swap3A_1182 = arith.constant 48 : index
    %swap3A_1183 = tpu.vector_load %arg13[%swap3A_1181, %swap3A_1182] {strides = array<i32>} : memref<81x128xi32, #tpu.memory_space<vmem>>, vector<16xi32>,
    tpu.vector_store %arg13[%swap3A_1181, %swap3A_1182], %add3A_1179 {strides = array<i32>} : memref<81x128xi32, #tpu.memory_space<vmem>>, vector<16xi32>,
    %swap3A_1184 = arith.constant 80 : i32
    %swap3A_1185 = arith.index_cast %swap3A_1184 : i32 to index
    %swap3A_1186 = arith.constant 48 : index
    %swap3A_1187 = tpu.vector_load %arg14[%swap3A_1185, %swap3A_1186] {strides = array<i32>} : memref<81x128xf32, #tpu.memory_space<vmem>>, vector<16xf32>,
    tpu.vector_store %arg14[%swap3A_1185, %swap3A_1186], %mul3A_1170 {strides = array<i32>} : memref<81x128xf32, #tpu.memory_space<vmem>>, vector<16xf32>,
    %add3A_1188 = arith.constant 512 : i32
    %add3A_1189 = arith.addi %add3A, %add3A_1188 : i32
    %min3A_1190 = arith.constant 624 : i32
    %min3A_1191 = arith.minsi %add3A_1189, %min3A_1190 : i32
    %mul3A_1192 = arith.constant 16 : i32
    %mul3A_1193 = arith.muli %min3A_1191, %mul3A_1192 : i32
    %get3A_1194 = arith.index_cast %mul3A_1193 : i32 to index
    %get3A_1195 = tpu.vector_load %arg11[%get3A_1194] {strides = array<i32>} : memref<10240xf32, #tpu.memory_space<vmem>>, vector<16xf32>,
    %bitcast3A_1196 = vector.bitcast %get3A_1195 : vector<16xf32> to vector<16xi32>
    %and3A_1197 = arith.constant -16 : i32
    %and3A_1198 = vector.broadcast %and3A_1197 : i32 to vector<16xi32>
    %and3A_1199 = arith.andi %bitcast3A_1196, %and3A_1198 : vector<16xi32>
    %bitcast3A_1200 = vector.bitcast %and3A_1199 : vector<16xi32> to vector<16xf32>
    %mul3A_1201 = arith.mulf %bitcast3A_1200, %bitcast3A_1200 : vector<16xf32>
    %and3A_1202 = arith.constant 15 : i32
    %and3A_1203 = vector.broadcast %and3A_1202 : i32 to vector<16xi32>
    %and3A_1204 = arith.andi %bitcast3A_1196, %and3A_1203 : vector<16xi32>
    %mul3A_1205 = arith.constant 10240 : i32
    %mul3A_1206 = vector.broadcast %mul3A_1205 : i32 to vector<16xi32>
    %mul3A_1207 = arith.muli %and3A_1204, %mul3A_1206 : vector<16xi32>
    %add3A_1208 = vector.broadcast %mul3A_1193 : i32 to vector<16xi32>
    %add3A_1209 = arith.addi %mul3A_1207, %add3A_1208 : vector<16xi32>
    %add3A_1210 = arith.addi %add3A_1209, %iota3A : vector<16xi32>
    %swap3A_1211 = arith.constant 80 : i32
    %swap3A_1212 = arith.index_cast %swap3A_1211 : i32 to index
    %swap3A_1213 = arith.constant 64 : index
    %swap3A_1214 = tpu.vector_load %arg13[%swap3A_1212, %swap3A_1213] {strides = array<i32>} : memref<81x128xi32, #tpu.memory_space<vmem>>, vector<16xi32>,
    tpu.vector_store %arg13[%swap3A_1212, %swap3A_1213], %add3A_1210 {strides = array<i32>} : memref<81x128xi32, #tpu.memory_space<vmem>>, vector<16xi32>,
    %swap3A_1215 = arith.constant 80 : i32
    %swap3A_1216 = arith.index_cast %swap3A_1215 : i32 to index
    %swap3A_1217 = arith.constant 64 : index
    %swap3A_1218 = tpu.vector_load %arg14[%swap3A_1216, %swap3A_1217] {strides = array<i32>} : memref<81x128xf32, #tpu.memory_space<vmem>>, vector<16xf32>,
    tpu.vector_store %arg14[%swap3A_1216, %swap3A_1217], %mul3A_1201 {strides = array<i32>} : memref<81x128xf32, #tpu.memory_space<vmem>>, vector<16xf32>,
    %add3A_1219 = arith.constant 544 : i32
    %add3A_1220 = arith.addi %add3A, %add3A_1219 : i32
    %min3A_1221 = arith.constant 624 : i32
    %min3A_1222 = arith.minsi %add3A_1220, %min3A_1221 : i32
    %mul3A_1223 = arith.constant 16 : i32
    %mul3A_1224 = arith.muli %min3A_1222, %mul3A_1223 : i32
    %get3A_1225 = arith.index_cast %mul3A_1224 : i32 to index
    %get3A_1226 = tpu.vector_load %arg11[%get3A_1225] {strides = array<i32>} : memref<10240xf32, #tpu.memory_space<vmem>>, vector<16xf32>,
    %bitcast3A_1227 = vector.bitcast %get3A_1226 : vector<16xf32> to vector<16xi32>
    %and3A_1228 = arith.constant -16 : i32
    %and3A_1229 = vector.broadcast %and3A_1228 : i32 to vector<16xi32>
    %and3A_1230 = arith.andi %bitcast3A_1227, %and3A_1229 : vector<16xi32>
    %bitcast3A_1231 = vector.bitcast %and3A_1230 : vector<16xi32> to vector<16xf32>
    %mul3A_1232 = arith.mulf %bitcast3A_1231, %bitcast3A_1231 : vector<16xf32>
    %and3A_1233 = arith.constant 15 : i32
    %and3A_1234 = vector.broadcast %and3A_1233 : i32 to vector<16xi32>
    %and3A_1235 = arith.andi %bitcast3A_1227, %and3A_1234 : vector<16xi32>
    %mul3A_1236 = arith.constant 10240 : i32
    %mul3A_1237 = vector.broadcast %mul3A_1236 : i32 to vector<16xi32>
    %mul3A_1238 = arith.muli %and3A_1235, %mul3A_1237 : vector<16xi32>
    %add3A_1239 = vector.broadcast %mul3A_1224 : i32 to vector<16xi32>
    %add3A_1240 = arith.addi %mul3A_1238, %add3A_1239 : vector<16xi32>
    %add3A_1241 = arith.addi %add3A_1240, %iota3A : vector<16xi32>
    %swap3A_1242 = arith.constant 80 : i32
    %swap3A_1243 = arith.index_cast %swap3A_1242 : i32 to index
    %swap3A_1244 = arith.constant 80 : index
    %swap3A_1245 = tpu.vector_load %arg13[%swap3A_1243, %swap3A_1244] {strides = array<i32>} : memref<81x128xi32, #tpu.memory_space<vmem>>, vector<16xi32>,
    tpu.vector_store %arg13[%swap3A_1243, %swap3A_1244], %add3A_1241 {strides = array<i32>} : memref<81x128xi32, #tpu.memory_space<vmem>>, vector<16xi32>,
    %swap3A_1246 = arith.constant 80 : i32
    %swap3A_1247 = arith.index_cast %swap3A_1246 : i32 to index
    %swap3A_1248 = arith.constant 80 : index
    %swap3A_1249 = tpu.vector_load %arg14[%swap3A_1247, %swap3A_1248] {strides = array<i32>} : memref<81x128xf32, #tpu.memory_space<vmem>>, vector<16xf32>,
    tpu.vector_store %arg14[%swap3A_1247, %swap3A_1248], %mul3A_1232 {strides = array<i32>} : memref<81x128xf32, #tpu.memory_space<vmem>>, vector<16xf32>,
    %add3A_1250 = arith.constant 576 : i32
    %add3A_1251 = arith.addi %add3A, %add3A_1250 : i32
    %min3A_1252 = arith.constant 624 : i32
    %min3A_1253 = arith.minsi %add3A_1251, %min3A_1252 : i32
    %mul3A_1254 = arith.constant 16 : i32
    %mul3A_1255 = arith.muli %min3A_1253, %mul3A_1254 : i32
    %get3A_1256 = arith.index_cast %mul3A_1255 : i32 to index
    %get3A_1257 = tpu.vector_load %arg11[%get3A_1256] {strides = array<i32>} : memref<10240xf32, #tpu.memory_space<vmem>>, vector<16xf32>,
    %bitcast3A_1258 = vector.bitcast %get3A_1257 : vector<16xf32> to vector<16xi32>
    %and3A_1259 = arith.constant -16 : i32
    %and3A_1260 = vector.broadcast %and3A_1259 : i32 to vector<16xi32>
    %and3A_1261 = arith.andi %bitcast3A_1258, %and3A_1260 : vector<16xi32>
    %bitcast3A_1262 = vector.bitcast %and3A_1261 : vector<16xi32> to vector<16xf32>
    %mul3A_1263 = arith.mulf %bitcast3A_1262, %bitcast3A_1262 : vector<16xf32>
    %and3A_1264 = arith.constant 15 : i32
    %and3A_1265 = vector.broadcast %and3A_1264 : i32 to vector<16xi32>
    %and3A_1266 = arith.andi %bitcast3A_1258, %and3A_1265 : vector<16xi32>
    %mul3A_1267 = arith.constant 10240 : i32
    %mul3A_1268 = vector.broadcast %mul3A_1267 : i32 to vector<16xi32>
    %mul3A_1269 = arith.muli %and3A_1266, %mul3A_1268 : vector<16xi32>
    %add3A_1270 = vector.broadcast %mul3A_1255 : i32 to vector<16xi32>
    %add3A_1271 = arith.addi %mul3A_1269, %add3A_1270 : vector<16xi32>
    %add3A_1272 = arith.addi %add3A_1271, %iota3A : vector<16xi32>
    %swap3A_1273 = arith.constant 80 : i32
    %swap3A_1274 = arith.index_cast %swap3A_1273 : i32 to index
    %swap3A_1275 = arith.constant 96 : index
    %swap3A_1276 = tpu.vector_load %arg13[%swap3A_1274, %swap3A_1275] {strides = array<i32>} : memref<81x128xi32, #tpu.memory_space<vmem>>, vector<16xi32>,
    tpu.vector_store %arg13[%swap3A_1274, %swap3A_1275], %add3A_1272 {strides = array<i32>} : memref<81x128xi32, #tpu.memory_space<vmem>>, vector<16xi32>,
    %swap3A_1277 = arith.constant 80 : i32
    %swap3A_1278 = arith.index_cast %swap3A_1277 : i32 to index
    %swap3A_1279 = arith.constant 96 : index
    %swap3A_1280 = tpu.vector_load %arg14[%swap3A_1278, %swap3A_1279] {strides = array<i32>} : memref<81x128xf32, #tpu.memory_space<vmem>>, vector<16xf32>,
    tpu.vector_store %arg14[%swap3A_1278, %swap3A_1279], %mul3A_1263 {strides = array<i32>} : memref<81x128xf32, #tpu.memory_space<vmem>>, vector<16xf32>,
    %add3A_1281 = arith.constant 608 : i32
    %add3A_1282 = arith.addi %add3A, %add3A_1281 : i32
    %min3A_1283 = arith.constant 624 : i32
    %min3A_1284 = arith.minsi %add3A_1282, %min3A_1283 : i32
    %mul3A_1285 = arith.constant 16 : i32
    %mul3A_1286 = arith.muli %min3A_1284, %mul3A_1285 : i32
    %get3A_1287 = arith.index_cast %mul3A_1286 : i32 to index
    %get3A_1288 = tpu.vector_load %arg11[%get3A_1287] {strides = array<i32>} : memref<10240xf32, #tpu.memory_space<vmem>>, vector<16xf32>,
    %bitcast3A_1289 = vector.bitcast %get3A_1288 : vector<16xf32> to vector<16xi32>
    %and3A_1290 = arith.constant -16 : i32
    %and3A_1291 = vector.broadcast %and3A_1290 : i32 to vector<16xi32>
    %and3A_1292 = arith.andi %bitcast3A_1289, %and3A_1291 : vector<16xi32>
    %bitcast3A_1293 = vector.bitcast %and3A_1292 : vector<16xi32> to vector<16xf32>
    %mul3A_1294 = arith.mulf %bitcast3A_1293, %bitcast3A_1293 : vector<16xf32>
    %lt3A_1295 = arith.constant 625 : i32
    %lt3A_1296 = arith.cmpi slt, %add3A_1282, %lt3A_1295 : i32
    %jit3A_1297 = arith.constant 1.000000e+00 : f32
    %jit3A_1298 = arith.constant 0.000000e+00 : f32
    %select_n3A_1299 = arith.select %lt3A_1296, %jit3A_1297, %jit3A_1298 : f32
    %mul3A_1300 = vector.broadcast %select_n3A_1299 : f32 to vector<16xf32>
    %mul3A_1301 = arith.mulf %mul3A_1294, %mul3A_1300 : vector<16xf32>
    %and3A_1302 = arith.constant 15 : i32
    %and3A_1303 = vector.broadcast %and3A_1302 : i32 to vector<16xi32>
    %and3A_1304 = arith.andi %bitcast3A_1289, %and3A_1303 : vector<16xi32>
    %mul3A_1305 = arith.constant 10240 : i32
    %mul3A_1306 = vector.broadcast %mul3A_1305 : i32 to vector<16xi32>
    %mul3A_1307 = arith.muli %and3A_1304, %mul3A_1306 : vector<16xi32>
    %add3A_1308 = vector.broadcast %mul3A_1286 : i32 to vector<16xi32>
    %add3A_1309 = arith.addi %mul3A_1307, %add3A_1308 : vector<16xi32>
    %add3A_1310 = arith.addi %add3A_1309, %iota3A : vector<16xi32>
    %swap3A_1311 = arith.constant 80 : i32
    %swap3A_1312 = arith.index_cast %swap3A_1311 : i32 to index
    %swap3A_1313 = arith.constant 112 : index
    %swap3A_1314 = tpu.vector_load %arg13[%swap3A_1312, %swap3A_1313] {strides = array<i32>} : memref<81x128xi32, #tpu.memory_space<vmem>>, vector<16xi32>,
    tpu.vector_store %arg13[%swap3A_1312, %swap3A_1313], %add3A_1310 {strides = array<i32>} : memref<81x128xi32, #tpu.memory_space<vmem>>, vector<16xi32>,
    %swap3A_1315 = arith.constant 80 : i32
    %swap3A_1316 = arith.index_cast %swap3A_1315 : i32 to index
    %swap3A_1317 = arith.constant 112 : index
    %swap3A_1318 = tpu.vector_load %arg14[%swap3A_1316, %swap3A_1317] {strides = array<i32>} : memref<81x128xf32, #tpu.memory_space<vmem>>, vector<16xf32>,
    tpu.vector_store %arg14[%swap3A_1316, %swap3A_1317], %mul3A_1301 {strides = array<i32>} : memref<81x128xf32, #tpu.memory_space<vmem>>, vector<16xf32>,
    %dma_start3A_1319 = arith.constant 78 : i32
    %dma_start3A_1320 = arith.constant 78 : i32
    %dma_start3A_1321 = arith.constant 0 : i32
    %dma_start3A_1322 = tpu.memref_slice %arg14[%dma_start3A_1319, %dma_start3A_1321] : memref<81x128xf32, #tpu.memory_space<vmem>> -> memref<1x128xf32, #tpu.memory_space<vmem>>
    %dma_start3A_1323 = tpu.memref_squeeze %dma_start3A_1322 : memref<1x128xf32, #tpu.memory_space<vmem>> -> memref<128xf32, #tpu.memory_space<vmem>>
    %dma_start3A_1324 = arith.constant 0 : i32
    %dma_start3A_1325 = tpu.memref_slice %arg13[%dma_start3A_1320, %dma_start3A_1324] : memref<81x128xi32, #tpu.memory_space<vmem>> -> memref<1x128xi32, #tpu.memory_space<vmem>>
    %dma_start3A_1326 = tpu.memref_squeeze %dma_start3A_1325 : memref<1x128xi32, #tpu.memory_space<vmem>> -> memref<128xi32, #tpu.memory_space<vmem>>
    %dma_start3A_1327 = arith.constant 0 : i32
    %dma_start3A_1328 = tpu.memref_slice %arg17[%dma_start3A_1327] : memref<163840xf32, #tpu.memory_space<vmem_shared>> -> memref<163840xf32, #tpu.memory_space<vmem_shared>>
    tpu.enqueue_indirect_dma source(%dma_start3A_1323 : memref<128xf32, #tpu.memory_space<vmem>>) target(%dma_start3A_1328 : memref<163840xf32, #tpu.memory_space<vmem_shared>>) offsets(%dma_start3A_1326 : memref<128xi32, #tpu.memory_space<vmem>>) semaphore(%arg19 : memref<!tpu.dma_semaphore, #tpu.memory_space<semaphore_mem>>) {add = true}
    %dma_start3A_1329 = arith.constant 79 : i32
    %dma_start3A_1330 = arith.constant 79 : i32
    %dma_start3A_1331 = arith.constant 0 : i32
    %dma_start3A_1332 = tpu.memref_slice %arg14[%dma_start3A_1329, %dma_start3A_1331] : memref<81x128xf32, #tpu.memory_space<vmem>> -> memref<1x128xf32, #tpu.memory_space<vmem>>
    %dma_start3A_1333 = tpu.memref_squeeze %dma_start3A_1332 : memref<1x128xf32, #tpu.memory_space<vmem>> -> memref<128xf32, #tpu.memory_space<vmem>>
    %dma_start3A_1334 = arith.constant 0 : i32
    %dma_start3A_1335 = tpu.memref_slice %arg13[%dma_start3A_1330, %dma_start3A_1334] : memref<81x128xi32, #tpu.memory_space<vmem>> -> memref<1x128xi32, #tpu.memory_space<vmem>>
    %dma_start3A_1336 = tpu.memref_squeeze %dma_start3A_1335 : memref<1x128xi32, #tpu.memory_space<vmem>> -> memref<128xi32, #tpu.memory_space<vmem>>
    %dma_start3A_1337 = arith.constant 0 : i32
    %dma_start3A_1338 = tpu.memref_slice %arg17[%dma_start3A_1337] : memref<163840xf32, #tpu.memory_space<vmem_shared>> -> memref<163840xf32, #tpu.memory_space<vmem_shared>>
    tpu.enqueue_indirect_dma source(%dma_start3A_1333 : memref<128xf32, #tpu.memory_space<vmem>>) target(%dma_start3A_1338 : memref<163840xf32, #tpu.memory_space<vmem_shared>>) offsets(%dma_start3A_1336 : memref<128xi32, #tpu.memory_space<vmem>>) semaphore(%arg19 : memref<!tpu.dma_semaphore, #tpu.memory_space<semaphore_mem>>) {add = true}
    %dma_start3A_1339 = arith.constant 80 : i32
    %dma_start3A_1340 = arith.constant 80 : i32
    %dma_start3A_1341 = arith.constant 0 : i32
    %dma_start3A_1342 = tpu.memref_slice %arg14[%dma_start3A_1339, %dma_start3A_1341] : memref<81x128xf32, #tpu.memory_space<vmem>> -> memref<1x128xf32, #tpu.memory_space<vmem>>
    %dma_start3A_1343 = tpu.memref_squeeze %dma_start3A_1342 : memref<1x128xf32, #tpu.memory_space<vmem>> -> memref<128xf32, #tpu.memory_space<vmem>>
    %dma_start3A_1344 = arith.constant 0 : i32
    %dma_start3A_1345 = tpu.memref_slice %arg13[%dma_start3A_1340, %dma_start3A_1344] : memref<81x128xi32, #tpu.memory_space<vmem>> -> memref<1x128xi32, #tpu.memory_space<vmem>>
    %dma_start3A_1346 = tpu.memref_squeeze %dma_start3A_1345 : memref<1x128xi32, #tpu.memory_space<vmem>> -> memref<128xi32, #tpu.memory_space<vmem>>
    %dma_start3A_1347 = arith.constant 0 : i32
    %dma_start3A_1348 = tpu.memref_slice %arg17[%dma_start3A_1347] : memref<163840xf32, #tpu.memory_space<vmem_shared>> -> memref<163840xf32, #tpu.memory_space<vmem_shared>>
    tpu.enqueue_indirect_dma source(%dma_start3A_1343 : memref<128xf32, #tpu.memory_space<vmem>>) target(%dma_start3A_1348 : memref<163840xf32, #tpu.memory_space<vmem_shared>>) offsets(%dma_start3A_1346 : memref<128xi32, #tpu.memory_space<vmem>>) semaphore(%arg19 : memref<!tpu.dma_semaphore, #tpu.memory_space<semaphore_mem>>) {add = true}
    %dma_wait3A_1349 = arith.constant 70 : i32
    %dma_wait3A_1350 = arith.constant 70 : i32
    %dma_wait3A_1351 = arith.constant 0 : i32
    %dma_wait3A_1352 = tpu.memref_slice %arg14[%dma_wait3A_1349, %dma_wait3A_1351] : memref<81x128xf32, #tpu.memory_space<vmem>> -> memref<1x128xf32, #tpu.memory_space<vmem>>
    %dma_wait3A_1353 = tpu.memref_squeeze %dma_wait3A_1352 : memref<1x128xf32, #tpu.memory_space<vmem>> -> memref<128xf32, #tpu.memory_space<vmem>>
    %dma_wait3A_1354 = arith.constant 0 : i32
    %dma_wait3A_1355 = tpu.memref_slice %arg13[%dma_wait3A_1350, %dma_wait3A_1354] : memref<81x128xi32, #tpu.memory_space<vmem>> -> memref<1x128xi32, #tpu.memory_space<vmem>>
    %dma_wait3A_1356 = tpu.memref_squeeze %dma_wait3A_1355 : memref<1x128xi32, #tpu.memory_space<vmem>> -> memref<128xi32, #tpu.memory_space<vmem>>
    %dma_wait3A_1357 = arith.constant 0 : i32
    %dma_wait3A_1358 = tpu.memref_slice %arg17[%dma_wait3A_1357] : memref<163840xf32, #tpu.memory_space<vmem_shared>> -> memref<163840xf32, #tpu.memory_space<vmem_shared>>
    tpu.wait_indirect_dma semaphore(%arg19 : memref<!tpu.dma_semaphore, #tpu.memory_space<semaphore_mem>>) src(%dma_wait3A_1353 : memref<128xf32, #tpu.memory_space<vmem>>) dst(%dma_wait3A_1358 : memref<163840xf32, #tpu.memory_space<vmem_shared>>)
    %dma_wait3A_1359 = arith.constant 71 : i32
    %dma_wait3A_1360 = arith.constant 71 : i32
    %dma_wait3A_1361 = arith.constant 0 : i32
    %dma_wait3A_1362 = tpu.memref_slice %arg14[%dma_wait3A_1359, %dma_wait3A_1361] : memref<81x128xf32, #tpu.memory_space<vmem>> -> memref<1x128xf32, #tpu.memory_space<vmem>>
    %dma_wait3A_1363 = tpu.memref_squeeze %dma_wait3A_1362 : memref<1x128xf32, #tpu.memory_space<vmem>> -> memref<128xf32, #tpu.memory_space<vmem>>
    %dma_wait3A_1364 = arith.constant 0 : i32
    %dma_wait3A_1365 = tpu.memref_slice %arg13[%dma_wait3A_1360, %dma_wait3A_1364] : memref<81x128xi32, #tpu.memory_space<vmem>> -> memref<1x128xi32, #tpu.memory_space<vmem>>
    %dma_wait3A_1366 = tpu.memref_squeeze %dma_wait3A_1365 : memref<1x128xi32, #tpu.memory_space<vmem>> -> memref<128xi32, #tpu.memory_space<vmem>>
    %dma_wait3A_1367 = arith.constant 0 : i32
    %dma_wait3A_1368 = tpu.memref_slice %arg17[%dma_wait3A_1367] : memref<163840xf32, #tpu.memory_space<vmem_shared>> -> memref<163840xf32, #tpu.memory_space<vmem_shared>>
    tpu.wait_indirect_dma semaphore(%arg19 : memref<!tpu.dma_semaphore, #tpu.memory_space<semaphore_mem>>) src(%dma_wait3A_1363 : memref<128xf32, #tpu.memory_space<vmem>>) dst(%dma_wait3A_1368 : memref<163840xf32, #tpu.memory_space<vmem_shared>>)
    %dma_wait3A_1369 = arith.constant 72 : i32
    %dma_wait3A_1370 = arith.constant 72 : i32
    %dma_wait3A_1371 = arith.constant 0 : i32
    %dma_wait3A_1372 = tpu.memref_slice %arg14[%dma_wait3A_1369, %dma_wait3A_1371] : memref<81x128xf32, #tpu.memory_space<vmem>> -> memref<1x128xf32, #tpu.memory_space<vmem>>
    %dma_wait3A_1373 = tpu.memref_squeeze %dma_wait3A_1372 : memref<1x128xf32, #tpu.memory_space<vmem>> -> memref<128xf32, #tpu.memory_space<vmem>>
    %dma_wait3A_1374 = arith.constant 0 : i32
    %dma_wait3A_1375 = tpu.memref_slice %arg13[%dma_wait3A_1370, %dma_wait3A_1374] : memref<81x128xi32, #tpu.memory_space<vmem>> -> memref<1x128xi32, #tpu.memory_space<vmem>>
    %dma_wait3A_1376 = tpu.memref_squeeze %dma_wait3A_1375 : memref<1x128xi32, #tpu.memory_space<vmem>> -> memref<128xi32, #tpu.memory_space<vmem>>
    %dma_wait3A_1377 = arith.constant 0 : i32
    %dma_wait3A_1378 = tpu.memref_slice %arg17[%dma_wait3A_1377] : memref<163840xf32, #tpu.memory_space<vmem_shared>> -> memref<163840xf32, #tpu.memory_space<vmem_shared>>
    tpu.wait_indirect_dma semaphore(%arg19 : memref<!tpu.dma_semaphore, #tpu.memory_space<semaphore_mem>>) src(%dma_wait3A_1373 : memref<128xf32, #tpu.memory_space<vmem>>) dst(%dma_wait3A_1378 : memref<163840xf32, #tpu.memory_space<vmem_shared>>)
    %dma_wait3A_1379 = arith.constant 73 : i32
    %dma_wait3A_1380 = arith.constant 73 : i32
    %dma_wait3A_1381 = arith.constant 0 : i32
    %dma_wait3A_1382 = tpu.memref_slice %arg14[%dma_wait3A_1379, %dma_wait3A_1381] : memref<81x128xf32, #tpu.memory_space<vmem>> -> memref<1x128xf32, #tpu.memory_space<vmem>>
    %dma_wait3A_1383 = tpu.memref_squeeze %dma_wait3A_1382 : memref<1x128xf32, #tpu.memory_space<vmem>> -> memref<128xf32, #tpu.memory_space<vmem>>
    %dma_wait3A_1384 = arith.constant 0 : i32
    %dma_wait3A_1385 = tpu.memref_slice %arg13[%dma_wait3A_1380, %dma_wait3A_1384] : memref<81x128xi32, #tpu.memory_space<vmem>> -> memref<1x128xi32, #tpu.memory_space<vmem>>
    %dma_wait3A_1386 = tpu.memref_squeeze %dma_wait3A_1385 : memref<1x128xi32, #tpu.memory_space<vmem>> -> memref<128xi32, #tpu.memory_space<vmem>>
    %dma_wait3A_1387 = arith.constant 0 : i32
    %dma_wait3A_1388 = tpu.memref_slice %arg17[%dma_wait3A_1387] : memref<163840xf32, #tpu.memory_space<vmem_shared>> -> memref<163840xf32, #tpu.memory_space<vmem_shared>>
    tpu.wait_indirect_dma semaphore(%arg19 : memref<!tpu.dma_semaphore, #tpu.memory_space<semaphore_mem>>) src(%dma_wait3A_1383 : memref<128xf32, #tpu.memory_space<vmem>>) dst(%dma_wait3A_1388 : memref<163840xf32, #tpu.memory_space<vmem_shared>>)
    %dma_wait3A_1389 = arith.constant 74 : i32
    %dma_wait3A_1390 = arith.constant 74 : i32
    %dma_wait3A_1391 = arith.constant 0 : i32
    %dma_wait3A_1392 = tpu.memref_slice %arg14[%dma_wait3A_1389, %dma_wait3A_1391] : memref<81x128xf32, #tpu.memory_space<vmem>> -> memref<1x128xf32, #tpu.memory_space<vmem>>
    %dma_wait3A_1393 = tpu.memref_squeeze %dma_wait3A_1392 : memref<1x128xf32, #tpu.memory_space<vmem>> -> memref<128xf32, #tpu.memory_space<vmem>>
    %dma_wait3A_1394 = arith.constant 0 : i32
    %dma_wait3A_1395 = tpu.memref_slice %arg13[%dma_wait3A_1390, %dma_wait3A_1394] : memref<81x128xi32, #tpu.memory_space<vmem>> -> memref<1x128xi32, #tpu.memory_space<vmem>>
    %dma_wait3A_1396 = tpu.memref_squeeze %dma_wait3A_1395 : memref<1x128xi32, #tpu.memory_space<vmem>> -> memref<128xi32, #tpu.memory_space<vmem>>
    %dma_wait3A_1397 = arith.constant 0 : i32
    %dma_wait3A_1398 = tpu.memref_slice %arg17[%dma_wait3A_1397] : memref<163840xf32, #tpu.memory_space<vmem_shared>> -> memref<163840xf32, #tpu.memory_space<vmem_shared>>
    tpu.wait_indirect_dma semaphore(%arg19 : memref<!tpu.dma_semaphore, #tpu.memory_space<semaphore_mem>>) src(%dma_wait3A_1393 : memref<128xf32, #tpu.memory_space<vmem>>) dst(%dma_wait3A_1398 : memref<163840xf32, #tpu.memory_space<vmem_shared>>)
    %dma_wait3A_1399 = arith.constant 75 : i32
    %dma_wait3A_1400 = arith.constant 75 : i32
    %dma_wait3A_1401 = arith.constant 0 : i32
    %dma_wait3A_1402 = tpu.memref_slice %arg14[%dma_wait3A_1399, %dma_wait3A_1401] : memref<81x128xf32, #tpu.memory_space<vmem>> -> memref<1x128xf32, #tpu.memory_space<vmem>>
    %dma_wait3A_1403 = tpu.memref_squeeze %dma_wait3A_1402 : memref<1x128xf32, #tpu.memory_space<vmem>> -> memref<128xf32, #tpu.memory_space<vmem>>
    %dma_wait3A_1404 = arith.constant 0 : i32
    %dma_wait3A_1405 = tpu.memref_slice %arg13[%dma_wait3A_1400, %dma_wait3A_1404] : memref<81x128xi32, #tpu.memory_space<vmem>> -> memref<1x128xi32, #tpu.memory_space<vmem>>
    %dma_wait3A_1406 = tpu.memref_squeeze %dma_wait3A_1405 : memref<1x128xi32, #tpu.memory_space<vmem>> -> memref<128xi32, #tpu.memory_space<vmem>>
    %dma_wait3A_1407 = arith.constant 0 : i32
    %dma_wait3A_1408 = tpu.memref_slice %arg17[%dma_wait3A_1407] : memref<163840xf32, #tpu.memory_space<vmem_shared>> -> memref<163840xf32, #tpu.memory_space<vmem_shared>>
    tpu.wait_indirect_dma semaphore(%arg19 : memref<!tpu.dma_semaphore, #tpu.memory_space<semaphore_mem>>) src(%dma_wait3A_1403 : memref<128xf32, #tpu.memory_space<vmem>>) dst(%dma_wait3A_1408 : memref<163840xf32, #tpu.memory_space<vmem_shared>>)
    %dma_wait3A_1409 = arith.constant 76 : i32
    %dma_wait3A_1410 = arith.constant 76 : i32
    %dma_wait3A_1411 = arith.constant 0 : i32
    %dma_wait3A_1412 = tpu.memref_slice %arg14[%dma_wait3A_1409, %dma_wait3A_1411] : memref<81x128xf32, #tpu.memory_space<vmem>> -> memref<1x128xf32, #tpu.memory_space<vmem>>
    %dma_wait3A_1413 = tpu.memref_squeeze %dma_wait3A_1412 : memref<1x128xf32, #tpu.memory_space<vmem>> -> memref<128xf32, #tpu.memory_space<vmem>>
    %dma_wait3A_1414 = arith.constant 0 : i32
    %dma_wait3A_1415 = tpu.memref_slice %arg13[%dma_wait3A_1410, %dma_wait3A_1414] : memref<81x128xi32, #tpu.memory_space<vmem>> -> memref<1x128xi32, #tpu.memory_space<vmem>>
    %dma_wait3A_1416 = tpu.memref_squeeze %dma_wait3A_1415 : memref<1x128xi32, #tpu.memory_space<vmem>> -> memref<128xi32, #tpu.memory_space<vmem>>
    %dma_wait3A_1417 = arith.constant 0 : i32
    %dma_wait3A_1418 = tpu.memref_slice %arg17[%dma_wait3A_1417] : memref<163840xf32, #tpu.memory_space<vmem_shared>> -> memref<163840xf32, #tpu.memory_space<vmem_shared>>
    tpu.wait_indirect_dma semaphore(%arg19 : memref<!tpu.dma_semaphore, #tpu.memory_space<semaphore_mem>>) src(%dma_wait3A_1413 : memref<128xf32, #tpu.memory_space<vmem>>) dst(%dma_wait3A_1418 : memref<163840xf32, #tpu.memory_space<vmem_shared>>)
    %dma_wait3A_1419 = arith.constant 77 : i32
    %dma_wait3A_1420 = arith.constant 77 : i32
    %dma_wait3A_1421 = arith.constant 0 : i32
    %dma_wait3A_1422 = tpu.memref_slice %arg14[%dma_wait3A_1419, %dma_wait3A_1421] : memref<81x128xf32, #tpu.memory_space<vmem>> -> memref<1x128xf32, #tpu.memory_space<vmem>>
    %dma_wait3A_1423 = tpu.memref_squeeze %dma_wait3A_1422 : memref<1x128xf32, #tpu.memory_space<vmem>> -> memref<128xf32, #tpu.memory_space<vmem>>
    %dma_wait3A_1424 = arith.constant 0 : i32
    %dma_wait3A_1425 = tpu.memref_slice %arg13[%dma_wait3A_1420, %dma_wait3A_1424] : memref<81x128xi32, #tpu.memory_space<vmem>> -> memref<1x128xi32, #tpu.memory_space<vmem>>
    %dma_wait3A_1426 = tpu.memref_squeeze %dma_wait3A_1425 : memref<1x128xi32, #tpu.memory_space<vmem>> -> memref<128xi32, #tpu.memory_space<vmem>>
    %dma_wait3A_1427 = arith.constant 0 : i32
    %dma_wait3A_1428 = tpu.memref_slice %arg17[%dma_wait3A_1427] : memref<163840xf32, #tpu.memory_space<vmem_shared>> -> memref<163840xf32, #tpu.memory_space<vmem_shared>>
    tpu.wait_indirect_dma semaphore(%arg19 : memref<!tpu.dma_semaphore, #tpu.memory_space<semaphore_mem>>) src(%dma_wait3A_1423 : memref<128xf32, #tpu.memory_space<vmem>>) dst(%dma_wait3A_1428 : memref<163840xf32, #tpu.memory_space<vmem_shared>>)
    %dma_wait3A_1429 = arith.constant 78 : i32
    %dma_wait3A_1430 = arith.constant 78 : i32
    %dma_wait3A_1431 = arith.constant 0 : i32
    %dma_wait3A_1432 = tpu.memref_slice %arg14[%dma_wait3A_1429, %dma_wait3A_1431] : memref<81x128xf32, #tpu.memory_space<vmem>> -> memref<1x128xf32, #tpu.memory_space<vmem>>
    %dma_wait3A_1433 = tpu.memref_squeeze %dma_wait3A_1432 : memref<1x128xf32, #tpu.memory_space<vmem>> -> memref<128xf32, #tpu.memory_space<vmem>>
    %dma_wait3A_1434 = arith.constant 0 : i32
    %dma_wait3A_1435 = tpu.memref_slice %arg13[%dma_wait3A_1430, %dma_wait3A_1434] : memref<81x128xi32, #tpu.memory_space<vmem>> -> memref<1x128xi32, #tpu.memory_space<vmem>>
    %dma_wait3A_1436 = tpu.memref_squeeze %dma_wait3A_1435 : memref<1x128xi32, #tpu.memory_space<vmem>> -> memref<128xi32, #tpu.memory_space<vmem>>
    %dma_wait3A_1437 = arith.constant 0 : i32
    %dma_wait3A_1438 = tpu.memref_slice %arg17[%dma_wait3A_1437] : memref<163840xf32, #tpu.memory_space<vmem_shared>> -> memref<163840xf32, #tpu.memory_space<vmem_shared>>
    tpu.wait_indirect_dma semaphore(%arg19 : memref<!tpu.dma_semaphore, #tpu.memory_space<semaphore_mem>>) src(%dma_wait3A_1433 : memref<128xf32, #tpu.memory_space<vmem>>) dst(%dma_wait3A_1438 : memref<163840xf32, #tpu.memory_space<vmem_shared>>)
    %dma_wait3A_1439 = arith.constant 79 : i32
    %dma_wait3A_1440 = arith.constant 79 : i32
    %dma_wait3A_1441 = arith.constant 0 : i32
    %dma_wait3A_1442 = tpu.memref_slice %arg14[%dma_wait3A_1439, %dma_wait3A_1441] : memref<81x128xf32, #tpu.memory_space<vmem>> -> memref<1x128xf32, #tpu.memory_space<vmem>>
    %dma_wait3A_1443 = tpu.memref_squeeze %dma_wait3A_1442 : memref<1x128xf32, #tpu.memory_space<vmem>> -> memref<128xf32, #tpu.memory_space<vmem>>
    %dma_wait3A_1444 = arith.constant 0 : i32
    %dma_wait3A_1445 = tpu.memref_slice %arg13[%dma_wait3A_1440, %dma_wait3A_1444] : memref<81x128xi32, #tpu.memory_space<vmem>> -> memref<1x128xi32, #tpu.memory_space<vmem>>
    %dma_wait3A_1446 = tpu.memref_squeeze %dma_wait3A_1445 : memref<1x128xi32, #tpu.memory_space<vmem>> -> memref<128xi32, #tpu.memory_space<vmem>>
    %dma_wait3A_1447 = arith.constant 0 : i32
    %dma_wait3A_1448 = tpu.memref_slice %arg17[%dma_wait3A_1447] : memref<163840xf32, #tpu.memory_space<vmem_shared>> -> memref<163840xf32, #tpu.memory_space<vmem_shared>>
    tpu.wait_indirect_dma semaphore(%arg19 : memref<!tpu.dma_semaphore, #tpu.memory_space<semaphore_mem>>) src(%dma_wait3A_1443 : memref<128xf32, #tpu.memory_space<vmem>>) dst(%dma_wait3A_1448 : memref<163840xf32, #tpu.memory_space<vmem_shared>>)
    %dma_wait3A_1449 = arith.constant 80 : i32
    %dma_wait3A_1450 = arith.constant 80 : i32
    %dma_wait3A_1451 = arith.constant 0 : i32
    %dma_wait3A_1452 = tpu.memref_slice %arg14[%dma_wait3A_1449, %dma_wait3A_1451] : memref<81x128xf32, #tpu.memory_space<vmem>> -> memref<1x128xf32, #tpu.memory_space<vmem>>
    %dma_wait3A_1453 = tpu.memref_squeeze %dma_wait3A_1452 : memref<1x128xf32, #tpu.memory_space<vmem>> -> memref<128xf32, #tpu.memory_space<vmem>>
    %dma_wait3A_1454 = arith.constant 0 : i32
    %dma_wait3A_1455 = tpu.memref_slice %arg13[%dma_wait3A_1450, %dma_wait3A_1454] : memref<81x128xi32, #tpu.memory_space<vmem>> -> memref<1x128xi32, #tpu.memory_space<vmem>>
    %dma_wait3A_1456 = tpu.memref_squeeze %dma_wait3A_1455 : memref<1x128xi32, #tpu.memory_space<vmem>> -> memref<128xi32, #tpu.memory_space<vmem>>
    %dma_wait3A_1457 = arith.constant 0 : i32
    %dma_wait3A_1458 = tpu.memref_slice %arg17[%dma_wait3A_1457] : memref<163840xf32, #tpu.memory_space<vmem_shared>> -> memref<163840xf32, #tpu.memory_space<vmem_shared>>
    tpu.wait_indirect_dma semaphore(%arg19 : memref<!tpu.dma_semaphore, #tpu.memory_space<semaphore_mem>>) src(%dma_wait3A_1453 : memref<128xf32, #tpu.memory_space<vmem>>) dst(%dma_wait3A_1458 : memref<163840xf32, #tpu.memory_space<vmem_shared>>)
    %barrier3A_1459 = arith.constant 0 : index
    tpu.barrier barrier_id(%barrier3A_1459)
    %add3A_1460 = arith.constant 0 : i32
    %add3A_1461 = arith.addi %add3A_1460, %mul3A_9 : i32
    %dma_start3A_1462 = arith.constant 0 : i32
    %dma_start3A_1463 = tpu.memref_slice %arg5[%arg0, %dma_start3A_1462, %mul3A_9] : memref<2x16x10240xf32, #tpu.memory_space<hbm>> -> memref<1x1x640xf32, #tpu.memory_space<hbm>>
    %dma_start3A_1464 = tpu.memref_squeeze %dma_start3A_1463 : memref<1x1x640xf32, #tpu.memory_space<hbm>> -> memref<640xf32, #tpu.memory_space<hbm>>
    %dma_start3A_1465 = tpu.memref_slice %arg17[%add3A_1461] : memref<163840xf32, #tpu.memory_space<vmem_shared>> -> memref<640xf32, #tpu.memory_space<vmem_shared>>
    tpu.enqueue_dma source(%dma_start3A_1465 : memref<640xf32, #tpu.memory_space<vmem_shared>>) target(%dma_start3A_1464 : memref<640xf32, #tpu.memory_space<hbm>>) target_semaphore(%arg18 : memref<!tpu.dma_semaphore, #tpu.memory_space<semaphore_mem>>)
    %add3A_1466 = arith.constant 10240 : i32
    %add3A_1467 = arith.addi %add3A_1466, %mul3A_9 : i32
    %dma_start3A_1468 = arith.constant 1 : i32
    %dma_start3A_1469 = tpu.memref_slice %arg5[%arg0, %dma_start3A_1468, %mul3A_9] : memref<2x16x10240xf32, #tpu.memory_space<hbm>> -> memref<1x1x640xf32, #tpu.memory_space<hbm>>
    %dma_start3A_1470 = tpu.memref_squeeze %dma_start3A_1469 : memref<1x1x640xf32, #tpu.memory_space<hbm>> -> memref<640xf32, #tpu.memory_space<hbm>>
    %dma_start3A_1471 = tpu.memref_slice %arg17[%add3A_1467] : memref<163840xf32, #tpu.memory_space<vmem_shared>> -> memref<640xf32, #tpu.memory_space<vmem_shared>>
    tpu.enqueue_dma source(%dma_start3A_1471 : memref<640xf32, #tpu.memory_space<vmem_shared>>) target(%dma_start3A_1470 : memref<640xf32, #tpu.memory_space<hbm>>) target_semaphore(%arg18 : memref<!tpu.dma_semaphore, #tpu.memory_space<semaphore_mem>>)
    %add3A_1472 = arith.constant 20480 : i32
    %add3A_1473 = arith.addi %add3A_1472, %mul3A_9 : i32
    %dma_start3A_1474 = arith.constant 2 : i32
    %dma_start3A_1475 = tpu.memref_slice %arg5[%arg0, %dma_start3A_1474, %mul3A_9] : memref<2x16x10240xf32, #tpu.memory_space<hbm>> -> memref<1x1x640xf32, #tpu.memory_space<hbm>>
    %dma_start3A_1476 = tpu.memref_squeeze %dma_start3A_1475 : memref<1x1x640xf32, #tpu.memory_space<hbm>> -> memref<640xf32, #tpu.memory_space<hbm>>
    %dma_start3A_1477 = tpu.memref_slice %arg17[%add3A_1473] : memref<163840xf32, #tpu.memory_space<vmem_shared>> -> memref<640xf32, #tpu.memory_space<vmem_shared>>
    tpu.enqueue_dma source(%dma_start3A_1477 : memref<640xf32, #tpu.memory_space<vmem_shared>>) target(%dma_start3A_1476 : memref<640xf32, #tpu.memory_space<hbm>>) target_semaphore(%arg18 : memref<!tpu.dma_semaphore, #tpu.memory_space<semaphore_mem>>)
    %add3A_1478 = arith.constant 30720 : i32
    %add3A_1479 = arith.addi %add3A_1478, %mul3A_9 : i32
    %dma_start3A_1480 = arith.constant 3 : i32
    %dma_start3A_1481 = tpu.memref_slice %arg5[%arg0, %dma_start3A_1480, %mul3A_9] : memref<2x16x10240xf32, #tpu.memory_space<hbm>> -> memref<1x1x640xf32, #tpu.memory_space<hbm>>
    %dma_start3A_1482 = tpu.memref_squeeze %dma_start3A_1481 : memref<1x1x640xf32, #tpu.memory_space<hbm>> -> memref<640xf32, #tpu.memory_space<hbm>>
    %dma_start3A_1483 = tpu.memref_slice %arg17[%add3A_1479] : memref<163840xf32, #tpu.memory_space<vmem_shared>> -> memref<640xf32, #tpu.memory_space<vmem_shared>>
    tpu.enqueue_dma source(%dma_start3A_1483 : memref<640xf32, #tpu.memory_space<vmem_shared>>) target(%dma_start3A_1482 : memref<640xf32, #tpu.memory_space<hbm>>) target_semaphore(%arg18 : memref<!tpu.dma_semaphore, #tpu.memory_space<semaphore_mem>>)
    %add3A_1484 = arith.constant 40960 : i32
    %add3A_1485 = arith.addi %add3A_1484, %mul3A_9 : i32
    %dma_start3A_1486 = arith.constant 4 : i32
    %dma_start3A_1487 = tpu.memref_slice %arg5[%arg0, %dma_start3A_1486, %mul3A_9] : memref<2x16x10240xf32, #tpu.memory_space<hbm>> -> memref<1x1x640xf32, #tpu.memory_space<hbm>>
    %dma_start3A_1488 = tpu.memref_squeeze %dma_start3A_1487 : memref<1x1x640xf32, #tpu.memory_space<hbm>> -> memref<640xf32, #tpu.memory_space<hbm>>
    %dma_start3A_1489 = tpu.memref_slice %arg17[%add3A_1485] : memref<163840xf32, #tpu.memory_space<vmem_shared>> -> memref<640xf32, #tpu.memory_space<vmem_shared>>
    tpu.enqueue_dma source(%dma_start3A_1489 : memref<640xf32, #tpu.memory_space<vmem_shared>>) target(%dma_start3A_1488 : memref<640xf32, #tpu.memory_space<hbm>>) target_semaphore(%arg18 : memref<!tpu.dma_semaphore, #tpu.memory_space<semaphore_mem>>)
    %add3A_1490 = arith.constant 51200 : i32
    %add3A_1491 = arith.addi %add3A_1490, %mul3A_9 : i32
    %dma_start3A_1492 = arith.constant 5 : i32
    %dma_start3A_1493 = tpu.memref_slice %arg5[%arg0, %dma_start3A_1492, %mul3A_9] : memref<2x16x10240xf32, #tpu.memory_space<hbm>> -> memref<1x1x640xf32, #tpu.memory_space<hbm>>
    %dma_start3A_1494 = tpu.memref_squeeze %dma_start3A_1493 : memref<1x1x640xf32, #tpu.memory_space<hbm>> -> memref<640xf32, #tpu.memory_space<hbm>>
    %dma_start3A_1495 = tpu.memref_slice %arg17[%add3A_1491] : memref<163840xf32, #tpu.memory_space<vmem_shared>> -> memref<640xf32, #tpu.memory_space<vmem_shared>>
    tpu.enqueue_dma source(%dma_start3A_1495 : memref<640xf32, #tpu.memory_space<vmem_shared>>) target(%dma_start3A_1494 : memref<640xf32, #tpu.memory_space<hbm>>) target_semaphore(%arg18 : memref<!tpu.dma_semaphore, #tpu.memory_space<semaphore_mem>>)
    %add3A_1496 = arith.constant 61440 : i32
    %add3A_1497 = arith.addi %add3A_1496, %mul3A_9 : i32
    %dma_start3A_1498 = arith.constant 6 : i32
    %dma_start3A_1499 = tpu.memref_slice %arg5[%arg0, %dma_start3A_1498, %mul3A_9] : memref<2x16x10240xf32, #tpu.memory_space<hbm>> -> memref<1x1x640xf32, #tpu.memory_space<hbm>>
    %dma_start3A_1500 = tpu.memref_squeeze %dma_start3A_1499 : memref<1x1x640xf32, #tpu.memory_space<hbm>> -> memref<640xf32, #tpu.memory_space<hbm>>
    %dma_start3A_1501 = tpu.memref_slice %arg17[%add3A_1497] : memref<163840xf32, #tpu.memory_space<vmem_shared>> -> memref<640xf32, #tpu.memory_space<vmem_shared>>
    tpu.enqueue_dma source(%dma_start3A_1501 : memref<640xf32, #tpu.memory_space<vmem_shared>>) target(%dma_start3A_1500 : memref<640xf32, #tpu.memory_space<hbm>>) target_semaphore(%arg18 : memref<!tpu.dma_semaphore, #tpu.memory_space<semaphore_mem>>)
    %add3A_1502 = arith.constant 71680 : i32
    %add3A_1503 = arith.addi %add3A_1502, %mul3A_9 : i32
    %dma_start3A_1504 = arith.constant 7 : i32
    %dma_start3A_1505 = tpu.memref_slice %arg5[%arg0, %dma_start3A_1504, %mul3A_9] : memref<2x16x10240xf32, #tpu.memory_space<hbm>> -> memref<1x1x640xf32, #tpu.memory_space<hbm>>
    %dma_start3A_1506 = tpu.memref_squeeze %dma_start3A_1505 : memref<1x1x640xf32, #tpu.memory_space<hbm>> -> memref<640xf32, #tpu.memory_space<hbm>>
    %dma_start3A_1507 = tpu.memref_slice %arg17[%add3A_1503] : memref<163840xf32, #tpu.memory_space<vmem_shared>> -> memref<640xf32, #tpu.memory_space<vmem_shared>>
    tpu.enqueue_dma source(%dma_start3A_1507 : memref<640xf32, #tpu.memory_space<vmem_shared>>) target(%dma_start3A_1506 : memref<640xf32, #tpu.memory_space<hbm>>) target_semaphore(%arg18 : memref<!tpu.dma_semaphore, #tpu.memory_space<semaphore_mem>>)
    %add3A_1508 = arith.constant 81920 : i32
    %add3A_1509 = arith.addi %add3A_1508, %mul3A_9 : i32
    %dma_start3A_1510 = arith.constant 8 : i32
    %dma_start3A_1511 = tpu.memref_slice %arg5[%arg0, %dma_start3A_1510, %mul3A_9] : memref<2x16x10240xf32, #tpu.memory_space<hbm>> -> memref<1x1x640xf32, #tpu.memory_space<hbm>>
    %dma_start3A_1512 = tpu.memref_squeeze %dma_start3A_1511 : memref<1x1x640xf32, #tpu.memory_space<hbm>> -> memref<640xf32, #tpu.memory_space<hbm>>
    %dma_start3A_1513 = tpu.memref_slice %arg17[%add3A_1509] : memref<163840xf32, #tpu.memory_space<vmem_shared>> -> memref<640xf32, #tpu.memory_space<vmem_shared>>
    tpu.enqueue_dma source(%dma_start3A_1513 : memref<640xf32, #tpu.memory_space<vmem_shared>>) target(%dma_start3A_1512 : memref<640xf32, #tpu.memory_space<hbm>>) target_semaphore(%arg18 : memref<!tpu.dma_semaphore, #tpu.memory_space<semaphore_mem>>)
    %add3A_1514 = arith.constant 92160 : i32
    %add3A_1515 = arith.addi %add3A_1514, %mul3A_9 : i32
    %dma_start3A_1516 = arith.constant 9 : i32
    %dma_start3A_1517 = tpu.memref_slice %arg5[%arg0, %dma_start3A_1516, %mul3A_9] : memref<2x16x10240xf32, #tpu.memory_space<hbm>> -> memref<1x1x640xf32, #tpu.memory_space<hbm>>
    %dma_start3A_1518 = tpu.memref_squeeze %dma_start3A_1517 : memref<1x1x640xf32, #tpu.memory_space<hbm>> -> memref<640xf32, #tpu.memory_space<hbm>>
    %dma_start3A_1519 = tpu.memref_slice %arg17[%add3A_1515] : memref<163840xf32, #tpu.memory_space<vmem_shared>> -> memref<640xf32, #tpu.memory_space<vmem_shared>>
    tpu.enqueue_dma source(%dma_start3A_1519 : memref<640xf32, #tpu.memory_space<vmem_shared>>) target(%dma_start3A_1518 : memref<640xf32, #tpu.memory_space<hbm>>) target_semaphore(%arg18 : memref<!tpu.dma_semaphore, #tpu.memory_space<semaphore_mem>>)
    %add3A_1520 = arith.constant 102400 : i32
    %add3A_1521 = arith.addi %add3A_1520, %mul3A_9 : i32
    %dma_start3A_1522 = arith.constant 10 : i32
    %dma_start3A_1523 = tpu.memref_slice %arg5[%arg0, %dma_start3A_1522, %mul3A_9] : memref<2x16x10240xf32, #tpu.memory_space<hbm>> -> memref<1x1x640xf32, #tpu.memory_space<hbm>>
    %dma_start3A_1524 = tpu.memref_squeeze %dma_start3A_1523 : memref<1x1x640xf32, #tpu.memory_space<hbm>> -> memref<640xf32, #tpu.memory_space<hbm>>
    %dma_start3A_1525 = tpu.memref_slice %arg17[%add3A_1521] : memref<163840xf32, #tpu.memory_space<vmem_shared>> -> memref<640xf32, #tpu.memory_space<vmem_shared>>
    tpu.enqueue_dma source(%dma_start3A_1525 : memref<640xf32, #tpu.memory_space<vmem_shared>>) target(%dma_start3A_1524 : memref<640xf32, #tpu.memory_space<hbm>>) target_semaphore(%arg18 : memref<!tpu.dma_semaphore, #tpu.memory_space<semaphore_mem>>)
    %add3A_1526 = arith.constant 112640 : i32
    %add3A_1527 = arith.addi %add3A_1526, %mul3A_9 : i32
    %dma_start3A_1528 = arith.constant 11 : i32
    %dma_start3A_1529 = tpu.memref_slice %arg5[%arg0, %dma_start3A_1528, %mul3A_9] : memref<2x16x10240xf32, #tpu.memory_space<hbm>> -> memref<1x1x640xf32, #tpu.memory_space<hbm>>
    %dma_start3A_1530 = tpu.memref_squeeze %dma_start3A_1529 : memref<1x1x640xf32, #tpu.memory_space<hbm>> -> memref<640xf32, #tpu.memory_space<hbm>>
    %dma_start3A_1531 = tpu.memref_slice %arg17[%add3A_1527] : memref<163840xf32, #tpu.memory_space<vmem_shared>> -> memref<640xf32, #tpu.memory_space<vmem_shared>>
    tpu.enqueue_dma source(%dma_start3A_1531 : memref<640xf32, #tpu.memory_space<vmem_shared>>) target(%dma_start3A_1530 : memref<640xf32, #tpu.memory_space<hbm>>) target_semaphore(%arg18 : memref<!tpu.dma_semaphore, #tpu.memory_space<semaphore_mem>>)
    %add3A_1532 = arith.constant 122880 : i32
    %add3A_1533 = arith.addi %add3A_1532, %mul3A_9 : i32
    %dma_start3A_1534 = arith.constant 12 : i32
    %dma_start3A_1535 = tpu.memref_slice %arg5[%arg0, %dma_start3A_1534, %mul3A_9] : memref<2x16x10240xf32, #tpu.memory_space<hbm>> -> memref<1x1x640xf32, #tpu.memory_space<hbm>>
    %dma_start3A_1536 = tpu.memref_squeeze %dma_start3A_1535 : memref<1x1x640xf32, #tpu.memory_space<hbm>> -> memref<640xf32, #tpu.memory_space<hbm>>
    %dma_start3A_1537 = tpu.memref_slice %arg17[%add3A_1533] : memref<163840xf32, #tpu.memory_space<vmem_shared>> -> memref<640xf32, #tpu.memory_space<vmem_shared>>
    tpu.enqueue_dma source(%dma_start3A_1537 : memref<640xf32, #tpu.memory_space<vmem_shared>>) target(%dma_start3A_1536 : memref<640xf32, #tpu.memory_space<hbm>>) target_semaphore(%arg18 : memref<!tpu.dma_semaphore, #tpu.memory_space<semaphore_mem>>)
    %add3A_1538 = arith.constant 133120 : i32
    %add3A_1539 = arith.addi %add3A_1538, %mul3A_9 : i32
    %dma_start3A_1540 = arith.constant 13 : i32
    %dma_start3A_1541 = tpu.memref_slice %arg5[%arg0, %dma_start3A_1540, %mul3A_9] : memref<2x16x10240xf32, #tpu.memory_space<hbm>> -> memref<1x1x640xf32, #tpu.memory_space<hbm>>
    %dma_start3A_1542 = tpu.memref_squeeze %dma_start3A_1541 : memref<1x1x640xf32, #tpu.memory_space<hbm>> -> memref<640xf32, #tpu.memory_space<hbm>>
    %dma_start3A_1543 = tpu.memref_slice %arg17[%add3A_1539] : memref<163840xf32, #tpu.memory_space<vmem_shared>> -> memref<640xf32, #tpu.memory_space<vmem_shared>>
    tpu.enqueue_dma source(%dma_start3A_1543 : memref<640xf32, #tpu.memory_space<vmem_shared>>) target(%dma_start3A_1542 : memref<640xf32, #tpu.memory_space<hbm>>) target_semaphore(%arg18 : memref<!tpu.dma_semaphore, #tpu.memory_space<semaphore_mem>>)
    %add3A_1544 = arith.constant 143360 : i32
    %add3A_1545 = arith.addi %add3A_1544, %mul3A_9 : i32
    %dma_start3A_1546 = arith.constant 14 : i32
    %dma_start3A_1547 = tpu.memref_slice %arg5[%arg0, %dma_start3A_1546, %mul3A_9] : memref<2x16x10240xf32, #tpu.memory_space<hbm>> -> memref<1x1x640xf32, #tpu.memory_space<hbm>>
    %dma_start3A_1548 = tpu.memref_squeeze %dma_start3A_1547 : memref<1x1x640xf32, #tpu.memory_space<hbm>> -> memref<640xf32, #tpu.memory_space<hbm>>
    %dma_start3A_1549 = tpu.memref_slice %arg17[%add3A_1545] : memref<163840xf32, #tpu.memory_space<vmem_shared>> -> memref<640xf32, #tpu.memory_space<vmem_shared>>
    tpu.enqueue_dma source(%dma_start3A_1549 : memref<640xf32, #tpu.memory_space<vmem_shared>>) target(%dma_start3A_1548 : memref<640xf32, #tpu.memory_space<hbm>>) target_semaphore(%arg18 : memref<!tpu.dma_semaphore, #tpu.memory_space<semaphore_mem>>)
    %add3A_1550 = arith.constant 153600 : i32
    %add3A_1551 = arith.addi %add3A_1550, %mul3A_9 : i32
    %dma_start3A_1552 = arith.constant 15 : i32
    %dma_start3A_1553 = tpu.memref_slice %arg5[%arg0, %dma_start3A_1552, %mul3A_9] : memref<2x16x10240xf32, #tpu.memory_space<hbm>> -> memref<1x1x640xf32, #tpu.memory_space<hbm>>
    %dma_start3A_1554 = tpu.memref_squeeze %dma_start3A_1553 : memref<1x1x640xf32, #tpu.memory_space<hbm>> -> memref<640xf32, #tpu.memory_space<hbm>>
    %dma_start3A_1555 = tpu.memref_slice %arg17[%add3A_1551] : memref<163840xf32, #tpu.memory_space<vmem_shared>> -> memref<640xf32, #tpu.memory_space<vmem_shared>>
    tpu.enqueue_dma source(%dma_start3A_1555 : memref<640xf32, #tpu.memory_space<vmem_shared>>) target(%dma_start3A_1554 : memref<640xf32, #tpu.memory_space<hbm>>) target_semaphore(%arg18 : memref<!tpu.dma_semaphore, #tpu.memory_space<semaphore_mem>>)
    %dma_wait3A_1556 = arith.constant 0 : i32
    %dma_wait3A_1557 = tpu.memref_slice %arg5[%arg0, %dma_wait3A_1556, %mul3A_9] : memref<2x16x10240xf32, #tpu.memory_space<hbm>> -> memref<1x1x640xf32, #tpu.memory_space<hbm>>
    %dma_wait3A_1558 = tpu.memref_squeeze %dma_wait3A_1557 : memref<1x1x640xf32, #tpu.memory_space<hbm>> -> memref<640xf32, #tpu.memory_space<hbm>>
    %dma_wait3A_1559 = tpu.memref_slice %arg17[%add3A_1461] : memref<163840xf32, #tpu.memory_space<vmem_shared>> -> memref<640xf32, #tpu.memory_space<vmem_shared>>
    tpu.wait_dma2 semaphore(%arg18 : memref<!tpu.dma_semaphore, #tpu.memory_space<semaphore_mem>>) src(%dma_wait3A_1559 : memref<640xf32, #tpu.memory_space<vmem_shared>>) dst(%dma_wait3A_1558 : memref<640xf32, #tpu.memory_space<hbm>>)
    %dma_wait3A_1560 = arith.constant 1 : i32
    %dma_wait3A_1561 = tpu.memref_slice %arg5[%arg0, %dma_wait3A_1560, %mul3A_9] : memref<2x16x10240xf32, #tpu.memory_space<hbm>> -> memref<1x1x640xf32, #tpu.memory_space<hbm>>
    %dma_wait3A_1562 = tpu.memref_squeeze %dma_wait3A_1561 : memref<1x1x640xf32, #tpu.memory_space<hbm>> -> memref<640xf32, #tpu.memory_space<hbm>>
    %dma_wait3A_1563 = tpu.memref_slice %arg17[%add3A_1467] : memref<163840xf32, #tpu.memory_space<vmem_shared>> -> memref<640xf32, #tpu.memory_space<vmem_shared>>
    tpu.wait_dma2 semaphore(%arg18 : memref<!tpu.dma_semaphore, #tpu.memory_space<semaphore_mem>>) src(%dma_wait3A_1563 : memref<640xf32, #tpu.memory_space<vmem_shared>>) dst(%dma_wait3A_1562 : memref<640xf32, #tpu.memory_space<hbm>>)
    %dma_wait3A_1564 = arith.constant 2 : i32
    %dma_wait3A_1565 = tpu.memref_slice %arg5[%arg0, %dma_wait3A_1564, %mul3A_9] : memref<2x16x10240xf32, #tpu.memory_space<hbm>> -> memref<1x1x640xf32, #tpu.memory_space<hbm>>
    %dma_wait3A_1566 = tpu.memref_squeeze %dma_wait3A_1565 : memref<1x1x640xf32, #tpu.memory_space<hbm>> -> memref<640xf32, #tpu.memory_space<hbm>>
    %dma_wait3A_1567 = tpu.memref_slice %arg17[%add3A_1473] : memref<163840xf32, #tpu.memory_space<vmem_shared>> -> memref<640xf32, #tpu.memory_space<vmem_shared>>
    tpu.wait_dma2 semaphore(%arg18 : memref<!tpu.dma_semaphore, #tpu.memory_space<semaphore_mem>>) src(%dma_wait3A_1567 : memref<640xf32, #tpu.memory_space<vmem_shared>>) dst(%dma_wait3A_1566 : memref<640xf32, #tpu.memory_space<hbm>>)
    %dma_wait3A_1568 = arith.constant 3 : i32
    %dma_wait3A_1569 = tpu.memref_slice %arg5[%arg0, %dma_wait3A_1568, %mul3A_9] : memref<2x16x10240xf32, #tpu.memory_space<hbm>> -> memref<1x1x640xf32, #tpu.memory_space<hbm>>
    %dma_wait3A_1570 = tpu.memref_squeeze %dma_wait3A_1569 : memref<1x1x640xf32, #tpu.memory_space<hbm>> -> memref<640xf32, #tpu.memory_space<hbm>>
    %dma_wait3A_1571 = tpu.memref_slice %arg17[%add3A_1479] : memref<163840xf32, #tpu.memory_space<vmem_shared>> -> memref<640xf32, #tpu.memory_space<vmem_shared>>
    tpu.wait_dma2 semaphore(%arg18 : memref<!tpu.dma_semaphore, #tpu.memory_space<semaphore_mem>>) src(%dma_wait3A_1571 : memref<640xf32, #tpu.memory_space<vmem_shared>>) dst(%dma_wait3A_1570 : memref<640xf32, #tpu.memory_space<hbm>>)
    %dma_wait3A_1572 = arith.constant 4 : i32
    %dma_wait3A_1573 = tpu.memref_slice %arg5[%arg0, %dma_wait3A_1572, %mul3A_9] : memref<2x16x10240xf32, #tpu.memory_space<hbm>> -> memref<1x1x640xf32, #tpu.memory_space<hbm>>
    %dma_wait3A_1574 = tpu.memref_squeeze %dma_wait3A_1573 : memref<1x1x640xf32, #tpu.memory_space<hbm>> -> memref<640xf32, #tpu.memory_space<hbm>>
    %dma_wait3A_1575 = tpu.memref_slice %arg17[%add3A_1485] : memref<163840xf32, #tpu.memory_space<vmem_shared>> -> memref<640xf32, #tpu.memory_space<vmem_shared>>
    tpu.wait_dma2 semaphore(%arg18 : memref<!tpu.dma_semaphore, #tpu.memory_space<semaphore_mem>>) src(%dma_wait3A_1575 : memref<640xf32, #tpu.memory_space<vmem_shared>>) dst(%dma_wait3A_1574 : memref<640xf32, #tpu.memory_space<hbm>>)
    %dma_wait3A_1576 = arith.constant 5 : i32
    %dma_wait3A_1577 = tpu.memref_slice %arg5[%arg0, %dma_wait3A_1576, %mul3A_9] : memref<2x16x10240xf32, #tpu.memory_space<hbm>> -> memref<1x1x640xf32, #tpu.memory_space<hbm>>
    %dma_wait3A_1578 = tpu.memref_squeeze %dma_wait3A_1577 : memref<1x1x640xf32, #tpu.memory_space<hbm>> -> memref<640xf32, #tpu.memory_space<hbm>>
    %dma_wait3A_1579 = tpu.memref_slice %arg17[%add3A_1491] : memref<163840xf32, #tpu.memory_space<vmem_shared>> -> memref<640xf32, #tpu.memory_space<vmem_shared>>
    tpu.wait_dma2 semaphore(%arg18 : memref<!tpu.dma_semaphore, #tpu.memory_space<semaphore_mem>>) src(%dma_wait3A_1579 : memref<640xf32, #tpu.memory_space<vmem_shared>>) dst(%dma_wait3A_1578 : memref<640xf32, #tpu.memory_space<hbm>>)
    %dma_wait3A_1580 = arith.constant 6 : i32
    %dma_wait3A_1581 = tpu.memref_slice %arg5[%arg0, %dma_wait3A_1580, %mul3A_9] : memref<2x16x10240xf32, #tpu.memory_space<hbm>> -> memref<1x1x640xf32, #tpu.memory_space<hbm>>
    %dma_wait3A_1582 = tpu.memref_squeeze %dma_wait3A_1581 : memref<1x1x640xf32, #tpu.memory_space<hbm>> -> memref<640xf32, #tpu.memory_space<hbm>>
    %dma_wait3A_1583 = tpu.memref_slice %arg17[%add3A_1497] : memref<163840xf32, #tpu.memory_space<vmem_shared>> -> memref<640xf32, #tpu.memory_space<vmem_shared>>
    tpu.wait_dma2 semaphore(%arg18 : memref<!tpu.dma_semaphore, #tpu.memory_space<semaphore_mem>>) src(%dma_wait3A_1583 : memref<640xf32, #tpu.memory_space<vmem_shared>>) dst(%dma_wait3A_1582 : memref<640xf32, #tpu.memory_space<hbm>>)
    %dma_wait3A_1584 = arith.constant 7 : i32
    %dma_wait3A_1585 = tpu.memref_slice %arg5[%arg0, %dma_wait3A_1584, %mul3A_9] : memref<2x16x10240xf32, #tpu.memory_space<hbm>> -> memref<1x1x640xf32, #tpu.memory_space<hbm>>
    %dma_wait3A_1586 = tpu.memref_squeeze %dma_wait3A_1585 : memref<1x1x640xf32, #tpu.memory_space<hbm>> -> memref<640xf32, #tpu.memory_space<hbm>>
    %dma_wait3A_1587 = tpu.memref_slice %arg17[%add3A_1503] : memref<163840xf32, #tpu.memory_space<vmem_shared>> -> memref<640xf32, #tpu.memory_space<vmem_shared>>
    tpu.wait_dma2 semaphore(%arg18 : memref<!tpu.dma_semaphore, #tpu.memory_space<semaphore_mem>>) src(%dma_wait3A_1587 : memref<640xf32, #tpu.memory_space<vmem_shared>>) dst(%dma_wait3A_1586 : memref<640xf32, #tpu.memory_space<hbm>>)
    %dma_wait3A_1588 = arith.constant 8 : i32
    %dma_wait3A_1589 = tpu.memref_slice %arg5[%arg0, %dma_wait3A_1588, %mul3A_9] : memref<2x16x10240xf32, #tpu.memory_space<hbm>> -> memref<1x1x640xf32, #tpu.memory_space<hbm>>
    %dma_wait3A_1590 = tpu.memref_squeeze %dma_wait3A_1589 : memref<1x1x640xf32, #tpu.memory_space<hbm>> -> memref<640xf32, #tpu.memory_space<hbm>>
    %dma_wait3A_1591 = tpu.memref_slice %arg17[%add3A_1509] : memref<163840xf32, #tpu.memory_space<vmem_shared>> -> memref<640xf32, #tpu.memory_space<vmem_shared>>
    tpu.wait_dma2 semaphore(%arg18 : memref<!tpu.dma_semaphore, #tpu.memory_space<semaphore_mem>>) src(%dma_wait3A_1591 : memref<640xf32, #tpu.memory_space<vmem_shared>>) dst(%dma_wait3A_1590 : memref<640xf32, #tpu.memory_space<hbm>>)
    %dma_wait3A_1592 = arith.constant 9 : i32
    %dma_wait3A_1593 = tpu.memref_slice %arg5[%arg0, %dma_wait3A_1592, %mul3A_9] : memref<2x16x10240xf32, #tpu.memory_space<hbm>> -> memref<1x1x640xf32, #tpu.memory_space<hbm>>
    %dma_wait3A_1594 = tpu.memref_squeeze %dma_wait3A_1593 : memref<1x1x640xf32, #tpu.memory_space<hbm>> -> memref<640xf32, #tpu.memory_space<hbm>>
    %dma_wait3A_1595 = tpu.memref_slice %arg17[%add3A_1515] : memref<163840xf32, #tpu.memory_space<vmem_shared>> -> memref<640xf32, #tpu.memory_space<vmem_shared>>
    tpu.wait_dma2 semaphore(%arg18 : memref<!tpu.dma_semaphore, #tpu.memory_space<semaphore_mem>>) src(%dma_wait3A_1595 : memref<640xf32, #tpu.memory_space<vmem_shared>>) dst(%dma_wait3A_1594 : memref<640xf32, #tpu.memory_space<hbm>>)
    %dma_wait3A_1596 = arith.constant 10 : i32
    %dma_wait3A_1597 = tpu.memref_slice %arg5[%arg0, %dma_wait3A_1596, %mul3A_9] : memref<2x16x10240xf32, #tpu.memory_space<hbm>> -> memref<1x1x640xf32, #tpu.memory_space<hbm>>
    %dma_wait3A_1598 = tpu.memref_squeeze %dma_wait3A_1597 : memref<1x1x640xf32, #tpu.memory_space<hbm>> -> memref<640xf32, #tpu.memory_space<hbm>>
    %dma_wait3A_1599 = tpu.memref_slice %arg17[%add3A_1521] : memref<163840xf32, #tpu.memory_space<vmem_shared>> -> memref<640xf32, #tpu.memory_space<vmem_shared>>
    tpu.wait_dma2 semaphore(%arg18 : memref<!tpu.dma_semaphore, #tpu.memory_space<semaphore_mem>>) src(%dma_wait3A_1599 : memref<640xf32, #tpu.memory_space<vmem_shared>>) dst(%dma_wait3A_1598 : memref<640xf32, #tpu.memory_space<hbm>>)
    %dma_wait3A_1600 = arith.constant 11 : i32
    %dma_wait3A_1601 = tpu.memref_slice %arg5[%arg0, %dma_wait3A_1600, %mul3A_9] : memref<2x16x10240xf32, #tpu.memory_space<hbm>> -> memref<1x1x640xf32, #tpu.memory_space<hbm>>
    %dma_wait3A_1602 = tpu.memref_squeeze %dma_wait3A_1601 : memref<1x1x640xf32, #tpu.memory_space<hbm>> -> memref<640xf32, #tpu.memory_space<hbm>>
    %dma_wait3A_1603 = tpu.memref_slice %arg17[%add3A_1527] : memref<163840xf32, #tpu.memory_space<vmem_shared>> -> memref<640xf32, #tpu.memory_space<vmem_shared>>
    tpu.wait_dma2 semaphore(%arg18 : memref<!tpu.dma_semaphore, #tpu.memory_space<semaphore_mem>>) src(%dma_wait3A_1603 : memref<640xf32, #tpu.memory_space<vmem_shared>>) dst(%dma_wait3A_1602 : memref<640xf32, #tpu.memory_space<hbm>>)
    %dma_wait3A_1604 = arith.constant 12 : i32
    %dma_wait3A_1605 = tpu.memref_slice %arg5[%arg0, %dma_wait3A_1604, %mul3A_9] : memref<2x16x10240xf32, #tpu.memory_space<hbm>> -> memref<1x1x640xf32, #tpu.memory_space<hbm>>
    %dma_wait3A_1606 = tpu.memref_squeeze %dma_wait3A_1605 : memref<1x1x640xf32, #tpu.memory_space<hbm>> -> memref<640xf32, #tpu.memory_space<hbm>>
    %dma_wait3A_1607 = tpu.memref_slice %arg17[%add3A_1533] : memref<163840xf32, #tpu.memory_space<vmem_shared>> -> memref<640xf32, #tpu.memory_space<vmem_shared>>
    tpu.wait_dma2 semaphore(%arg18 : memref<!tpu.dma_semaphore, #tpu.memory_space<semaphore_mem>>) src(%dma_wait3A_1607 : memref<640xf32, #tpu.memory_space<vmem_shared>>) dst(%dma_wait3A_1606 : memref<640xf32, #tpu.memory_space<hbm>>)
    %dma_wait3A_1608 = arith.constant 13 : i32
    %dma_wait3A_1609 = tpu.memref_slice %arg5[%arg0, %dma_wait3A_1608, %mul3A_9] : memref<2x16x10240xf32, #tpu.memory_space<hbm>> -> memref<1x1x640xf32, #tpu.memory_space<hbm>>
    %dma_wait3A_1610 = tpu.memref_squeeze %dma_wait3A_1609 : memref<1x1x640xf32, #tpu.memory_space<hbm>> -> memref<640xf32, #tpu.memory_space<hbm>>
    %dma_wait3A_1611 = tpu.memref_slice %arg17[%add3A_1539] : memref<163840xf32, #tpu.memory_space<vmem_shared>> -> memref<640xf32, #tpu.memory_space<vmem_shared>>
    tpu.wait_dma2 semaphore(%arg18 : memref<!tpu.dma_semaphore, #tpu.memory_space<semaphore_mem>>) src(%dma_wait3A_1611 : memref<640xf32, #tpu.memory_space<vmem_shared>>) dst(%dma_wait3A_1610 : memref<640xf32, #tpu.memory_space<hbm>>)
    %dma_wait3A_1612 = arith.constant 14 : i32
    %dma_wait3A_1613 = tpu.memref_slice %arg5[%arg0, %dma_wait3A_1612, %mul3A_9] : memref<2x16x10240xf32, #tpu.memory_space<hbm>> -> memref<1x1x640xf32, #tpu.memory_space<hbm>>
    %dma_wait3A_1614 = tpu.memref_squeeze %dma_wait3A_1613 : memref<1x1x640xf32, #tpu.memory_space<hbm>> -> memref<640xf32, #tpu.memory_space<hbm>>
    %dma_wait3A_1615 = tpu.memref_slice %arg17[%add3A_1545] : memref<163840xf32, #tpu.memory_space<vmem_shared>> -> memref<640xf32, #tpu.memory_space<vmem_shared>>
    tpu.wait_dma2 semaphore(%arg18 : memref<!tpu.dma_semaphore, #tpu.memory_space<semaphore_mem>>) src(%dma_wait3A_1615 : memref<640xf32, #tpu.memory_space<vmem_shared>>) dst(%dma_wait3A_1614 : memref<640xf32, #tpu.memory_space<hbm>>)
    %dma_wait3A_1616 = arith.constant 15 : i32
    %dma_wait3A_1617 = tpu.memref_slice %arg5[%arg0, %dma_wait3A_1616, %mul3A_9] : memref<2x16x10240xf32, #tpu.memory_space<hbm>> -> memref<1x1x640xf32, #tpu.memory_space<hbm>>
    %dma_wait3A_1618 = tpu.memref_squeeze %dma_wait3A_1617 : memref<1x1x640xf32, #tpu.memory_space<hbm>> -> memref<640xf32, #tpu.memory_space<hbm>>
    %dma_wait3A_1619 = tpu.memref_slice %arg17[%add3A_1551] : memref<163840xf32, #tpu.memory_space<vmem_shared>> -> memref<640xf32, #tpu.memory_space<vmem_shared>>
    tpu.wait_dma2 semaphore(%arg18 : memref<!tpu.dma_semaphore, #tpu.memory_space<semaphore_mem>>) src(%dma_wait3A_1619 : memref<640xf32, #tpu.memory_space<vmem_shared>>) dst(%dma_wait3A_1618 : memref<640xf32, #tpu.memory_space<hbm>>)
    return
  }
}

module attributes {stable_mosaic.version = 14 : i64} {
  func.func @_pool_body(%arg0: memref<2x16x10240xf32, #tpu.memory_space<vmem>>, %arg1: memref<10000x128xf32, #tpu.memory_space<vmem>>, %arg2: memref<128x16xf32, #tpu.memory_space<vmem>>, %arg3: memref<16xf32, #tpu.memory_space<vmem>>, %arg4: memref<10000xi32, #tpu.memory_space<vmem>>, %arg5: memref<16x16xf32, #tpu.memory_space<vmem>>) attributes {dimension_semantics = [], scalar_prefetch = 0 : i64, scratch_operands = 0 : i64, tpu.core_type = #tpu.core_type<tc>} {
    %get3A = arith.constant 0 : index
    %get3A_0 = vector.load %arg3[%get3A] : memref<16xf32, #tpu.memory_space<vmem>>, vector<16xf32>
    %reshape3A = vector.shape_cast %get3A_0 : vector<16xf32> to vector<1x16xf32>
    %get3A_1 = arith.constant 0 : index
    %get3A_2 = vector.load %arg4[%get3A_1] : memref<10000xi32, #tpu.memory_space<vmem>>, vector<10000xi32>
    %reshape3A_3 = vector.shape_cast %get3A_2 : vector<10000xi32> to vector<1x10000xi32>
    %broadcast_in_dim3A = vector.shape_cast %reshape3A_3 : vector<1x10000xi32> to vector<1x10000xi32>
    %broadcast_in_dim3A_4 = vector.broadcast %broadcast_in_dim3A : vector<1x10000xi32> to vector<16x10000xi32>
    %iota3A = tpu.iota {dimensions = array<i32: 0>} : vector<16x10000xi32>
    %eq3A = arith.cmpi eq, %broadcast_in_dim3A_4, %iota3A : vector<16x10000xi32>
    %convert_element_type3A = arith.extui %eq3A : vector<16x10000xi1> to vector<16x10000xi32>
    %convert_element_type3A_5 = arith.sitofp %convert_element_type3A : vector<16x10000xi32> to vector<16x10000xf32>
    %reduce_sum3A = arith.constant dense<0.000000e+00> : vector<16xf32>
    %reduce_sum3A_6 = vector.multi_reduction <add>, %convert_element_type3A_5, %reduce_sum3A [1] : vector<16x10000xf32> to vector<16xf32>
    %broadcast_in_dim3A_7 = vector.shape_cast %reduce_sum3A_6 : vector<16xf32> to vector<16x1xf32>
    %gt3A = arith.constant 0.000000e+00 : f32
    %gt3A_8 = vector.broadcast %gt3A : f32 to vector<16x1xf32>
    %gt3A_9 = arith.cmpf ogt, %broadcast_in_dim3A_7, %gt3A_8 : vector<16x1xf32>
    %max3A = arith.constant 1.000000e+00 : f32
    %max3A_10 = vector.broadcast %max3A : f32 to vector<16x1xf32>
    %max3A_11 = arith.maximumf %broadcast_in_dim3A_7, %max3A_10 : vector<16x1xf32>
    %div3A = arith.constant 1.000000e+00 : f32
    %div3A_12 = vector.broadcast %div3A : f32 to vector<16x1xf32>
    %div3A_13 = arith.divf %div3A_12, %max3A_11 : vector<16x1xf32>
    %jit3A = arith.constant 0.000000e+00 : f32
    %broadcast_in_dim3A_14 = vector.broadcast %jit3A : f32 to vector<16x1xf32>
    %select_n3A = arith.select %gt3A_9, %div3A_13, %broadcast_in_dim3A_14 : vector<16x1xi1>, vector<16x1xf32>
    %jit3A_15 = arith.constant 1.000000e+00 : f32
    %jit3A_16 = arith.constant 0.000000e+00 : f32
    %broadcast_in_dim3A_17 = vector.broadcast %jit3A_15 : f32 to vector<16x1xf32>
    %broadcast_in_dim3A_18 = vector.broadcast %jit3A_16 : f32 to vector<16x1xf32>
    %select_n3A_19 = arith.select %gt3A_9, %broadcast_in_dim3A_17, %broadcast_in_dim3A_18 : vector<16x1xi1>, vector<16x1xf32>
    %get3A_20 = arith.constant 0 : index
    %get3A_21 = arith.constant 0 : index
    %get3A_22 = arith.constant 0 : index
    %get3A_23 = vector.load %arg0[%get3A_20, %get3A_21, %get3A_22] : memref<2x16x10240xf32, #tpu.memory_space<vmem>>, vector<1x16x10240xf32>
    %get3A_24 = vector.shape_cast %get3A_23 : vector<1x16x10240xf32> to vector<16x10240xf32>
    %get3A_25 = arith.constant 1 : index
    %get3A_26 = arith.constant 0 : index
    %get3A_27 = arith.constant 0 : index
    %get3A_28 = vector.load %arg0[%get3A_25, %get3A_26, %get3A_27] : memref<2x16x10240xf32, #tpu.memory_space<vmem>>, vector<1x16x10240xf32>
    %get3A_29 = vector.shape_cast %get3A_28 : vector<1x16x10240xf32> to vector<16x10240xf32>
    %add3A = arith.addf %get3A_24, %get3A_29 : vector<16x10240xf32>
    %slice3A = vector.extract_strided_slice %add3A {offsets = [0, 0], sizes = [16, 10000], strides = [1, 1]} : vector<16x10240xf32> to vector<16x10000xf32>
    %get3A_30 = arith.constant 0 : index
    %get3A_31 = arith.constant 0 : index
    %get3A_32 = vector.load %arg1[%get3A_30, %get3A_31] : memref<10000x128xf32, #tpu.memory_space<vmem>>, vector<10000x128xf32>
    %dot_general3A = arith.constant dense<0.000000e+00> : vector<16x128xf32>
    %dot_general3A_33 = tpu.matmul %slice3A, %get3A_32, %dot_general3A {dimension_numbers = #tpu.dot_dimension_numbers<[1], [0], [0], [1], [0, 0, 1, 1], [], []>, transpose_lhs_hint = false} : vector<16x10000xf32>, vector<10000x128xf32>, vector<16x128xf32> -> vector<16x128xf32>
    %get3A_34 = arith.constant 0 : index
    %get3A_35 = arith.constant 0 : index
    %get3A_36 = vector.load %arg2[%get3A_34, %get3A_35] : memref<128x16xf32, #tpu.memory_space<vmem>>, vector<128x16xf32>
    %dot_general3A_37 = arith.constant dense<0.000000e+00> : vector<16x16xf32>
    %dot_general3A_38 = tpu.matmul %dot_general3A_33, %get3A_36, %dot_general3A_37 {dimension_numbers = #tpu.dot_dimension_numbers<[1], [0], [0], [1], [0, 0, 1, 1], [], []>, transpose_lhs_hint = false} : vector<16x128xf32>, vector<128x16xf32>, vector<16x16xf32> -> vector<16x16xf32>
    %mul3A = vector.broadcast %select_n3A : vector<16x1xf32> to vector<16x16xf32>
    %mul3A_39 = arith.mulf %dot_general3A_38, %mul3A : vector<16x16xf32>
    %mul3A_40 = vector.broadcast %reshape3A : vector<1x16xf32> to vector<16x16xf32>
    %mul3A_41 = vector.broadcast %select_n3A_19 : vector<16x1xf32> to vector<16x16xf32>
    %mul3A_42 = arith.mulf %mul3A_40, %mul3A_41 : vector<16x16xf32>
    %add3A_43 = arith.addf %mul3A_39, %mul3A_42 : vector<16x16xf32>
    %swap3A = arith.constant 0 : index
    %swap3A_44 = arith.constant 0 : index
    %swap3A_45 = vector.load %arg5[%swap3A, %swap3A_44] : memref<16x16xf32, #tpu.memory_space<vmem>>, vector<16x16xf32>
    tpu.vector_store %arg5[%swap3A, %swap3A_44], %add3A_43 {strides = array<i32>} : memref<16x16xf32, #tpu.memory_space<vmem>>, vector<16x16xf32>,
    return
  }
}

</mosaic_0001>

<sc_bundles>
// kernel: kernel.4.cloned.1.call-start
scs
__scs_entry_jumppad:
0x0: {  	(pc) =	sbr.rel $0x88, $3  }
0x1: {  	(tag) =	ssettag $0x0;
	lr =	simm.s32 $0x1  }
0x2: {  	[smem:$0x3F9B] =	sst lr;
	_ =	strace $0xD0000000  }
0x3: {  	_ = 	snop  }
0x4: {  	_ = 	snop  }
0x5: {  	_ = 	snop  }
0x6: {  	_ = 	snop  }
0x7: {  	_ = 	snop  }
__scs_overlays_trampoline_lowered:
0x8: {  	[smem:$0x3FAA] =	sst s0  }
0x9: {  	[smem:$0x3FAB] =	sst s1  }
0xa: {  	[smem:$0x3FAC] =	sst s2  }
0xb: {  	[smem:$0x3FAD] =	sst s3  }
0xc: {  	[smem:$0x3FAE] =	sst s4  }
0xd: {  	[smem:$0x3FAF] =	sst s5  }
0xe: {  	[smem:$0x3FB0] =	sst s6  }
0xf: {  	[smem:$0x3FB1] =	sst s7  }
0x10: {  	[smem:$0x3FB2] =	sst s8  }
0x11: {  	[smem:$0x3FB3] =	sst s9;
	s0 =	simm.s32 @!p0 $0x0  }
0x12: {  	s1 =	sld [smem:$0x3F99];
	s0 =	simm.s32 @p0 $0x1  }
0x13: {  	[smem:$0x3FB4] =	sst s0;
	s0 =	simm.s32 @!p1 $0x0  }
0x14: {  	s2 =	sld [smem:$0x3F98];
	s0 =	simm.s32 @p1 $0x1  }
0x15: {  	[smem:$0x3FB5] =	sst s0;
	s0 =	simm.s32 @!p2 $0x0  }
0x16: {  	s3 =	sld [smem:$0x3FDB];
	s0 =	simm.s32 @p2 $0x1  }
0x17: {  	s4 =	simm.s32 $0x1BF5;
	[smem:$0x3FB7] =	sst s0  }
0x18: {  	s0 =	sld [smem:$0x3F9A];
	_ =	swait.ge [sflag:s4], $0x0  }
0x19: {  	s7 =	sld [smem:$0x3F9B]  }
0x1a: {  	s8 =	sadd.s32 $0xFFFFE003, lr  }
0x1b: {  	s9 =	sadd.s32 $0xFFFFFEF7, lr;
	s5 =	simm.s32 $0xFFFFFFFF;
	p2 =	slt.u32 s8, $0xFFFFF086  }
0x1c: {  	p1 =	slt.u32 s9, $0xF7A;
	s5 =	simm.s32 @!p2 $0x0  }
0x1d: {  	s5 =	simm.s32 @p1 $0x1;
	p0 =	seq.s32 s7, s2  }
0x1e: {  	s7 =	smul.u32 @!p0 $0xF7A, s2;
	p2 =	seq.s32 @!p0 s5, $0x0  }
0x1f: {  	s9 =	smul.u32 $0xF7A, s1;
	s8 =	simm.s32 @!p0 $0x1BF5;
	p2 =	por !p2, p0  }
0x20: {  	[sflag:s8] =	ssyncset.s32 @!p0 $0xFFFFF086;
	s6 =	sadd.s32 @!p0 s3, s7;
	s7 =	simm.s32 @!p0 $0x108  }
0x21: {  	s3 =	sadd.s32 s3, s9;
	s6 =	sadd.s32 @!p0 $0x88, s6;
	s7 =	simm.s32 @p2 $0x1082  }
0x22: {  	[simem:s7], [sflag:s8] =	dma.local @!p0 [hbm:s6], $0xF7A  }
0x23: {  	s9 =	sor.u32 $0xD0000000, s2;
	s6 =	simm.s32 $0x108;
	_ =	swait.ge @!p0 [sflag:s8], $0x0  }
0x24: {  	s3 =	sadd.s32 $0x88, s3;
	s6 =	simm.s32 @!p1 $0x1082;
	[sflag:s4] =	ssyncset.s32 $0xFFFFF086  }
0x25: {  	[simem:s6], [sflag:s4] =	dma.local [hbm:s3], $0xF7A  }
0x26: {  	[smem:$0x3F9B] =	sst s1;
	(tag) =	ssettag s2;
	_ =	strace s9  }
0x27: {  	s1 =	sld [smem:$0x3FAB]  }
0x28: {  	s2 =	sld [smem:$0x3FAC]  }
0x29: {  	s4 =	sld [smem:$0x3FAE]  }
0x2a: {  	p0 =	seq.s32 s5, $0x0;
	s5 =	sld [smem:$0x3FAF]  }
0x2b: {  	s6 =	sld [smem:$0x3FB0]  }
0x2c: {  	s7 =	sld [smem:$0x3FB1]  }
0x2d: {  	s3 =	simm.s32 $0x108;
	s8 =	sld [smem:$0x3FB2]  }
0x2e: {  	s3 =	simm.s32 @!p0 $0x1082;
	s9 =	sld [smem:$0x3FB3]  }
0x2f: {  	lr =	sadd.s32 s0, s3;
	s0 =	sld [smem:$0x3FAA]  }
0x30: {  	s3 =	sld [smem:$0x3FAD]  }
0x31: {  	[smem:$0x3FB6] =	sst s10  }
0x32: {  	s10 =	sld [smem:$0x3FB4];
	_ =	sdelay $0x3  }
0x33: {  	p0 =	seq.s32 s10, $0x1;
	s10 =	sld [smem:$0x3FB6];
	_ =	sdelay $0x3  }
0x34: {  	[smem:$0x3FB6] =	sst s10  }
0x35: {  	s10 =	sld [smem:$0x3FB5];
	_ =	sdelay $0x3  }
0x36: {  	p1 =	seq.s32 s10, $0x1;
	s10 =	sld [smem:$0x3FB6];
	_ =	sdelay $0x3  }
0x37: {  	[smem:$0x3FB6] =	sst s10  }
0x38: {  	s10 =	sld [smem:$0x3FB7]  }
0x39: {  	_ = 	snop;
	(pc) =	sbr.ind lr, $3  }
0x3a: {  	_ = 	snop  }
0x3b: {  	_ = 	snop  }
0x3c: {  	p2 =	seq.s32 s10, $0x1;
	s10 =	sld [smem:$0x3FB6]  }
0x3d: {  	_ =	shalt  }
0x3e: {  	_ =	shalt  }
0x3f: {  	_ =	shalt  }
0x40: {  	_ =	shalt  }
0x41: {  	_ =	shalt  }
0x42: {  	_ =	shalt  }
0x43: {  	_ =	shalt  }
0x44: {  	_ =	shalt  }
0x45: {  	_ =	shalt  }
0x46: {  	_ =	shalt  }
0x47: {  	_ =	shalt  }
0x48: {  	_ =	shalt  }
0x49: {  	_ =	shalt  }
0x4a: {  	_ =	shalt  }
0x4b: {  	_ =	shalt  }
0x4c: {  	_ =	shalt  }
0x4d: {  	_ =	shalt  }
0x4e: {  	_ =	shalt  }
0x4f: {  	_ =	shalt  }
0x50: {  	_ =	shalt  }
0x51: {  	_ =	shalt  }
0x52: {  	_ =	shalt  }
0x53: {  	_ =	shalt  }
0x54: {  	_ =	shalt  }
0x55: {  	_ =	shalt  }
0x56: {  	_ =	shalt  }
0x57: {  	_ =	shalt  }
0x58: {  	_ =	shalt  }
0x59: {  	_ =	shalt  }
0x5a: {  	_ =	shalt  }
0x5b: {  	_ =	shalt  }
0x5c: {  	_ =	shalt  }
0x5d: {  	_ =	shalt  }
0x5e: {  	_ =	shalt  }
0x5f: {  	_ =	shalt  }
0x60: {  	_ =	shalt  }
0x61: {  	_ =	shalt  }
0x62: {  	_ =	shalt  }
0x63: {  	_ =	shalt  }
0x64: {  	_ =	shalt  }
0x65: {  	_ =	shalt  }
0x66: {  	_ =	shalt  }
0x67: {  	_ =	shalt  }
0x68: {  	_ =	shalt  }
0x69: {  	_ =	shalt  }
0x6a: {  	_ =	shalt  }
0x6b: {  	_ =	shalt  }
0x6c: {  	_ =	shalt  }
0x6d: {  	_ =	shalt  }
0x6e: {  	_ =	shalt  }
0x6f: {  	_ =	shalt  }
0x70: {  	_ =	shalt  }
0x71: {  	_ =	shalt  }
0x72: {  	_ =	shalt  }
0x73: {  	_ =	shalt  }
0x74: {  	_ =	shalt  }
0x75: {  	_ =	shalt  }
0x76: {  	_ =	shalt  }
0x77: {  	_ =	shalt  }
0x78: {  	_ =	shalt  }
0x79: {  	_ =	shalt  }
0x7a: {  	_ =	shalt  }
0x7b: {  	_ =	shalt  }
0x7c: {  	_ =	shalt  }
0x7d: {  	_ =	shalt  }
0x7e: {  	_ =	shalt  }
0x7f: {  	_ =	shalt  }
0x80: {  	_ =	shalt  }
0x81: {  	_ =	shalt  }
0x82: {  	_ =	shalt  }
0x83: {  	_ =	shalt  }
0x84: {  	_ =	shalt  }
0x85: {  	_ =	shalt  }
0x86: {  	_ =	shalt  }
0x87: {  	_ =	shalt  }
.Lfunc_end0:
.L_simem_size_0:
called_computation_lowered:
.L_overlay_start_0:
0x88: {  	s2 =	sld [smem:$0x3FD9]  }
0x89: {  	s3 =	sld [smem:$0x3FFE];
	_ =	sdelay $0x1  }
0x8a: {  	s1 =	srdreg.scid  }
0x8b: {  	s0 =	sand.u32 $0x1, s1  }
0x8c: {  	s17 =	sshll.u32 s0, $0xA;
	s2 =	sadd.s32 s3, s2  }
0x8d: {  	s2 =	sadd.s32 s2, s17  }
0x8e: {  	[smem:$0x3FC2] =	sst s2  }
0x8f: {  	_ = 	snop  }
0x90: {  	s2 =	sld [smem:$0x3FC8]  }
0x91: {  	s18 =	sld [smem:$0x3FC7]  }
0x92: {  	s4 =	sld [smem:$0x3FC6];
	(tm) =	ssettm $0x1  }
0x93: {  	s5 =	sld [smem:$0x3FFB];
	_ =	sdelay $0x3  }
0x94: {  	_ =	strace s5  }
0x95: {  	s5 =	sld [smem:$0x3FFC];
	_ =	sdelay $0x3  }
0x96: {  	_ =	strace s5  }
0x97: {  	s5 =	sld [smem:$0x3FFD];
	_ =	sdelay $0x3  }
0x98: {  	_ =	strace s5  }
0x99: {  	_ =	strace $0x8FFFFFFF  }
0x9a: {  	s19 =	sld [smem:$0x3FDB];
	_ =	sdelay $0x1  }
0x9b: {  	s6 =	simm.s32 $_scs_section_size  }
0x9c: {  	s7 =	simm.s32 $_size__tile_overlayer_lowered;
	s8 =	simm.s32 $_tile_overlayer_lowered  }
0x9d: {  	s22 =	simm.s32 $0x1BFF;
	s21 =	sshll.u32 s8, $0x1;
	s5 =	sadd.s32 s6, s19  }
0x9e: {  	s9 =	simm.s32 $0x0;
	s20 =	sshll.u32 s7, $0x1;
	s7 =	sadd.s32 s21, s5  }
0x9f: {  	[timem:s9], [sflag:s22] =	dma.local [hbm:s7], s20  }
0xa0: {  	_ =	swait.ge [sflag:s22], s20  }
0xa1: {  	s6 =	ssub.s32 $0x0, s20;
	[sflag:s22] =	ssyncset.done $0x0  }
0xa2: {  	[sflag:s22] =	ssyncadd.s32 s6;
	_ =	sdelay $0x1  }
0xa3: {  	s23 =	simm.s32 $0x1B8B  }
0xa4: {  	_ =	swait.ge [sflag:s23], $0x1  }
0xa5: {  	[sflag:s23] =	ssyncset.done $0x0  }
0xa6: {  	s25 =	simm.s32 $0x1B8E;
	s24 =	sld [smem:$0x3FFE];
	[sflag:s23] =	ssyncadd.s32 $0xFFFFFFFF  }
0xa7: {  	s26 =	simm.s32 $execute0_lowered;
	[smem:$0x3FD2] =	sst s25  }
0xa8: {  	s7 =	sshll.u32 s26, $0x1;
	_ =	strace $0x80000046;
	[dreg:$0x1] =	wrdreg $0xFFFFFFFF  }
0xa9: {  	s28 =	simm.s32 $_size_execute0_lowered;
	s5 =	sadd.s32 s5, s7;
	[dreg:$0x0] =	wrdreg $0x0  }
0xaa: {  	s7 =	sshll.u32 s28, $0x1;
	[dreg:$0x2] =	wrdreg s5  }
0xab: {  	[dreg:$0x3] =	wrdreg s7  }
0xac: {  	[dreg:$0x4] =	wrdreg $0xC0  }
0xad: {  	_ =	task [dreg:s9], $0x5FFFF  }
0xae: {  	[dreg:$0x1] =	wrdreg $0xFFFFFFFF  }
0xaf: {  	[dreg:$0x0] =	wrdreg $0x60  }
0xb0: {  	[dreg:$0x2] =	wrdreg s2  }
0xb1: {  	[dreg:$0x3] =	wrdreg s18  }
0xb2: {  	[dreg:$0x4] =	wrdreg s4  }
0xb3: {  	[dreg:$0x5] =	wrdreg s24  }
0xb4: {  	[dreg:$0x6] =	wrdreg $0x19C000  }
0xb5: {  	[dreg:$0x7] =	wrdreg $0x199800  }
0xb6: {  	[dreg:$0x8] =	wrdreg $0x9  }
0xb7: {  	_ =	task.clear_ibuf [dreg:s9], $0x9FFFF;
	_ =	strace $0x90000046  }
0xb8: {  	s29 =	simm.s32 $0x9;
	_ =	strace $0x80000048  }
0xb9: {  	_ =	swait.ge [sflag:s29], $0x1  }
0xba: {  	[sflag:s29] =	ssyncadd.s32 $0xFFFFFFFF  }
0xbb: {  	_ =	strace $0x90000048  }
0xbc: {  	_ =	sfence  }
0xbd: {  	s30 =	sld [smem:$0x0];
	_ =	sdelay $0x2  }
0xbe: {  	s31 =	sshll.u32 s1, $0xD;
	s1 =	sshrl.u32 s1, $0x2  }
0xbf: {  	s3 =	sand.u32 $0x4000, s31;
	s1 =	sadd.s32 s1, s30  }
0xc0: {  	s0 =	sor.u32 s3, s0;
	s1 =	sshll.u32 s1, $0x11  }
0xc1: {  	s0 =	sor.u32 s1, s0  }
0xc2: {  	s0 =	sadd.s32 $0x8F2B, s0  }
0xc3: {  	[sflag:s0] =	ssyncadd.remote.s32 $0x1  }
0xc4: {  	_ =	sfence.sel $0xFFFF  }
0xc5: {  	[dreg:$0x0] =	wrdreg $0xFFFFFFFF;
	(pc) =	sbr.abs _section_cstart, $3  }
0xc6: {  	[dreg:$0x1] =	wrdreg $0xFFFFFFFF  }
0xc7: {  	_ =	task.clear_ibuf [dreg:s9], $0x2FFFF;
	_ =	strace $0x9FFFFFFF  }
0xc8: {  	(tm) =	ssettm $0x7FFFFFFF  }
0xc9: {  	_ =	shalt  }
tec
execute0_lowered:
.L_overlay_start_1:
0x0: {  	(tag) =	ssettag $0x1  }
0x1: {  	s0 =	rddreg [dreg:$0x0]  }
0x2: {  	s5 =	rddreg [dreg:$0x1]  }
0x3: {  	s6 =	rddreg [dreg:$0x2];
	s15 =	stileid.u32  }
0x4: {  	s7 =	rddreg [dreg:$0x3];
	s8 =	smul.u32 $0x4E00, s15  }
0x5: {  	s2 =	srdreg.scid;
	s4 =	smul.u32 $0x280, s15  }
0x6: {  	s1 =	simm.s32 $0x0;
	s3 =	sand.u32 $0x1, s2;
	s11 =	smul.u32 $0x1380, s15  }
0x7: {  	[smem:$0x7FF] =	sst s1;
	s9 =	sadd.s32 $0x1400, s7;
	s25 =	smul.u32 $0x1400, s15  }
0x8: {  	s21 =	smin.u32 s15, $0x3;
	s2 =	ssub.s32 $0x2, s3;
	s12 =	smul.u32 $0x2700, s3  }
0x9: {  	s13 =	sadd.s32 $0x10, s0;
	s24 =	smul.u32 $0x28000, s3;
	s10 =	sshrl.u32 s2, $0x1  }
0xa: {  	s11 =	sadd.s32 s11, s13;
	s22 =	sshrl.u32 s8, $0x3;
	s2 =	ssub.s32 s2, s10  }
0xb: {  	s10 =	sor.u32 $0x9C0, s21;
	[dreg:$0x7] =	wrdreg s11;
	s11 =	sadd.s32 s5, s22  }
0xc: {  	s8 =	sadd.s32 s12, s8;
	s14 =	sshll.u32 s10, $0x5;
	[dreg:$0x8] =	wrdreg s11  }
0xd: {  	s10 =	sshll.u32 s10, $0x4;
	s26 =	sshrl.u32 s8, $0x2;
	s23 =	sadd.s32 s14, s13  }
0xe: {  	s8 =	smin.u32 s4, $0x2490;
	s5 =	sadd.s32 s5, s10;
	[dreg:$0x9] =	wrdreg s23  }
0xf: {  	s10 =	sshrl.u32 s8, $0x3;
	[dreg:$0xa] =	wrdreg s5;
	s5 =	sadd.s32 s0, s26  }
0x10: {  	s13 =	sadd.s32 s25, s24;
	s0 =	sadd.s32 s0, s14;
	[dreg:$0xb] =	wrdreg s5  }
0x11: {  	s16 =	sadd.s32 s6, s10;
	s17 =	sshrl.u32 s13, $0x3;
	[dreg:$0xc] =	wrdreg s0  }
0x12: {  	s19 =	sadd.s32 $0x1410, s7;
	[dreg:$0xd] =	wrdreg s16;
	s18 =	sadd.s32 s9, s17  }
0x13: {  	s22 =	sadd.s32 $0x1420, s7;
	s10 =	sadd.s32 s17, s19;
	[dreg:$0xe] =	wrdreg s18  }
0x14: {  	s12 =	sadd.s32 $0x1430, s7;
	s11 =	sadd.s32 s17, s22;
	[dreg:$0xf] =	wrdreg s10  }
0x15: {  	s21 =	sadd.s32 $0x1440, s7;
	s20 =	sadd.s32 s17, s12;
	[dreg:$0x10] =	wrdreg s11  }
0x16: {  	s23 =	sadd.s32 $0x1450, s7;
	s24 =	sadd.s32 s17, s21;
	[dreg:$0x11] =	wrdreg s20  }
0x17: {  	s13 =	sadd.s32 $0x1460, s7;
	s25 =	sadd.s32 s17, s23;
	[dreg:$0x12] =	wrdreg s24  }
0x18: {  	s7 =	sadd.s32 $0x1470, s7;
	s26 =	sadd.s32 s17, s13;
	[dreg:$0x13] =	wrdreg s25  }
0x19: {  	s0 =	sadd.s32 s17, s7;
	[dreg:$0x14] =	wrdreg s26  }
0x1a: {  	s16 =	sadd.s32 $0x2800, s17;
	[dreg:$0x15] =	wrdreg s0  }
0x1b: {  	s18 =	sadd.s32 s16, s19;
	s19 =	sadd.s32 s16, s22;
	s22 =	rddreg [dreg:$0x4]  }
0x1c: {  	s17 =	sadd.s32 s9, s16;
	s24 =	rddreg [dreg:$0x5]  }
0x1d: {  	[dreg:$0x16] =	wrdreg s17  }
0x1e: {  	[dreg:$0x17] =	wrdreg s18  }
0x1f: {  	s20 =	sadd.s32 s16, s12;
	[dreg:$0x18] =	wrdreg s19  }
0x20: {  	p0 =	slt.u32 s15, $0x4;
	s21 =	sadd.s32 s16, s21;
	[dreg:$0x19] =	wrdreg s20  }
0x21: {  	s2 =	smax.u32 s2, $0x1;
	s23 =	sadd.s32 s16, s23;
	[dreg:$0x1a] =	wrdreg s21  }
0x22: {  	s29 =	ssub.s32 s4, s8;
	s25 =	sadd.s32 s16, s13;
	[dreg:$0x1b] =	wrdreg s23  }
0x23: {  	s5 =	sshll.u32 s3, $0x4;
	s26 =	sadd.s32 s16, s7;
	[dreg:$0x1c] =	wrdreg s25  }
0x24: {  	s7 =	sor.u32 s15, s5;
	s0 =	simm.f32 $1.000000000e+00;
	[dreg:$0x1d] =	wrdreg s26  }
0x25: {  	s0 =	simm.s32 @!p0 $0x0;
	s31 =	sadd.s32 s4, s22;
	s4 =	sadd.s32 s4, s24  }
0x26: {  	s9 =	smin.u32 s7, $0x10;
	_ =	strace $0x80000047;
	[dreg:$0x1e] =	wrdreg s4  }
0x27: {  	p0 =	slt.u32 s7, $0x11;
	s7 =	sshll.u32 s7, $0x4;
	[smem:$0x7A0] =	sst s2  }
0x28: {  	s13 =	sadd.s32 $0x5000, s31;
	[dreg:$0x1f] =	wrdreg s7  }
0x29: {  	s14 =	sadd.s32 $0x7800, s31;
	[smem:$0x7A1] =	sst s13  }
0x2a: {  	s6 =	smul.u32 $0xA000, s15;
	s15 =	sadd.s32 $0xA000, s31;
	[smem:$0x7A2] =	sst s14  }
0x2b: {  	s16 =	sadd.s32 $0xC800, s31;
	[smem:$0x7A3] =	sst s15  }
0x2c: {  	s17 =	sadd.s32 $0xF000, s31;
	[smem:$0x7A4] =	sst s16  }
0x2d: {  	s18 =	sadd.s32 $0x11800, s31;
	[smem:$0x7A5] =	sst s17  }
0x2e: {  	s19 =	sadd.s32 $0x14000, s31;
	[smem:$0x7A6] =	sst s18  }
0x2f: {  	s20 =	sadd.s32 $0x16800, s31;
	[smem:$0x7A7] =	sst s19  }
0x30: {  	s21 =	sor.u32 $0x1000, s7;
	[smem:$0x7A8] =	sst s20  }
0x31: {  	s26 =	sor.u32 $0x1200, s7;
	[smem:$0x7F2] =	sst s21  }
0x32: {  	s5 =	sshrl.u32 s6, $0x2;
	s28 =	sor.u32 $0x600, s7;
	[smem:$0x7F3] =	sst s26  }
0x33: {  	s10 =	sadd.s32 s5, s22;
	s30 =	sor.u32 $0x800, s7;
	[smem:$0x7ED] =	sst s28  }
0x34: {  	s25 =	sshll.u32 s3, $0x6;
	s5 =	sor.u32 $0xC00, s7;
	[smem:$0x7EE] =	sst s30  }
0x35: {  	s4 =	sshll.u32 s9, $0x4;
	s8 =	sor.u32 $0xE00, s7;
	[smem:$0x7F0] =	sst s5  }
0x36: {  	s3 =	smul.u32 $0x9C00, s3;
	s4 =	sor.u32 $0x2600, s4;
	[smem:$0x7F1] =	sst s8  }
0x37: {  	s21 =	sor.u32 $0x1600, s7;
	[smem:$0x7FD] =	sst s4  }
0x38: {  	s3 =	sshrl.u32 s3, $0x2;
	s26 =	sor.u32 $0x1800, s7;
	[smem:$0x7F5] =	sst s21  }
0x39: {  	s11 =	sor.u32 $0x70, s3;
	[smem:$0x7F6] =	sst s26  }
0x3a: {  	s12 =	sadd.s32 $0x4EF0, s3;
	[smem:$0x7E9] =	sst s11  }
0x3b: {  	s3 =	sor.u32 $0x1400, s7;
	[smem:$0x7EA] =	sst s12  }
0x3c: {  	s21 =	sor.u32 $0x1C00, s7;
	[smem:$0x7F4] =	sst s3  }
0x3d: {  	s26 =	sor.u32 $0x1E00, s7;
	[smem:$0x7F8] =	sst s21  }
0x3e: {  	s4 =	sor.u32 $0xA00, s7;
	[smem:$0x7F9] =	sst s26  }
0x3f: {  	s3 =	sor.u32 $0x1A00, s7;
	[smem:$0x7EF] =	sst s4  }
0x40: {  	s21 =	sor.u32 $0x2200, s7;
	[smem:$0x7F7] =	sst s3  }
0x41: {  	s6 =	simm.f32 $1.000000000e+00;
	s26 =	sor.u32 $0x2400, s7;
	[smem:$0x7FB] =	sst s21  }
0x42: {  	s6 =	simm.s32 @!p0 $0x0;
	[smem:$0x7FC] =	sst s26  }
0x43: {  	v1 =	vmov s6;
	s11 =	sor.u32 $0x200, s7;
	s6 =	sld [smem:$0x7E9]  }
0x44: {  	s12 =	sor.u32 $0x400, s7;
	[smem:$0x7EB] =	sst s11  }
0x45: {  	v23 =	vlaneseq.u32;
	[smem:$0x7EC] =	sst s12  }
0x46: {  	v4 =	vor.u32 s7, v23;
	s3 =	sor.u32 $0x2000, s7;
	s7 =	sld [smem:$0x7F3]  }
0x47: {  	v11 =	vor.u32 s8, v23;
	s8 =	sld [smem:$0x7F4]  }
0x48: {  	v5 =	vor.u32 s11, v23;
	s11 =	sld [smem:$0x7F5]  }
0x49: {  	v6 =	vor.u32 s12, v23;
	s12 =	sld [smem:$0x7F6]  }
0x4a: {  	v10 =	vor.u32 s5, v23;
	s5 =	sld [smem:$0x7F8]  }
0x4b: {  	s21 =	sadd.s32 $0x100, s31;
	[smem:$0x7FA] =	sst s3  }
0x4c: {  	s26 =	sadd.s32 $0x180, s31;
	[smem:$0x7AA] =	sst s21  }
0x4d: {  	[smem:$0x7AB] =	sst s26  }
0x4e: {  	v9 =	vor.u32 s4, v23;
	s3 =	sadd.s32 $0x80, s31;
	s4 =	sld [smem:$0x7F7]  }
0x4f: {  	s21 =	sadd.s32 $0x2880, s31;
	[smem:$0x7A9] =	sst s3  }
0x50: {  	s26 =	sadd.s32 $0x2900, s31;
	[smem:$0x7AD] =	sst s21  }
0x51: {  	s3 =	sadd.s32 $0x200, s31;
	[smem:$0x7AE] =	sst s26  }
0x52: {  	s21 =	sadd.s32 $0x2A00, s31;
	[smem:$0x7AC] =	sst s3  }
0x53: {  	s26 =	sadd.s32 $0x5080, s31;
	[smem:$0x7B0] =	sst s21  }
0x54: {  	[smem:$0x7B1] =	sst s26  }
0x55: {  	v2 =	vmov s6;
	s6 =	sld [smem:$0x7EA]  }
0x56: {  	v13 =	vor.u32 s7, v23;
	s7 =	sld [smem:$0x7FA]  }
0x57: {  	v14 =	vor.u32 s8, v23;
	s8 =	sld [smem:$0x7FB]  }
0x58: {  	v15 =	vor.u32 s11, v23;
	s11 =	sld [smem:$0x7FC]  }
0x59: {  	s3 =	sadd.s32 $0x2980, s31;
	v16 =	vor.u32 s12, v23;
	s12 =	sld [smem:$0x7FD]  }
0x5a: {  	s21 =	sadd.s32 $0x5180, s31;
	[smem:$0x7AF] =	sst s3  }
0x5b: {  	s26 =	sadd.s32 $0x5200, s31;
	[smem:$0x7B3] =	sst s21  }
0x5c: {  	s3 =	sadd.s32 $0x5100, s31;
	[smem:$0x7B4] =	sst s26  }
0x5d: {  	s21 =	sadd.s32 $0x7900, s31;
	[smem:$0x7B2] =	sst s3  }
0x5e: {  	s26 =	sadd.s32 $0x7980, s31;
	[smem:$0x7B6] =	sst s21  }
0x5f: {  	s3 =	sadd.s32 $0x7880, s31;
	[smem:$0x7B7] =	sst s26  }
0x60: {  	s21 =	sadd.s32 $0xA080, s31;
	[smem:$0x7B5] =	sst s3  }
0x61: {  	s26 =	sadd.s32 $0xA100, s31;
	[smem:$0x7B9] =	sst s21  }
0x62: {  	[smem:$0x7BA] =	sst s26  }
0x63: {  	s3 =	sadd.s32 $0x7A00, s31;
	v3 =	vmov s6;
	s6 =	sld [smem:$0x7F2]  }
0x64: {  	s21 =	sadd.s32 $0xA200, s31;
	[smem:$0x7B8] =	sst s3  }
0x65: {  	s26 =	sadd.s32 $0xC880, s31;
	[smem:$0x7BC] =	sst s21  }
0x66: {  	s3 =	sadd.s32 $0xA180, s31;
	[smem:$0x7BD] =	sst s26  }
0x67: {  	s21 =	sadd.s32 $0xC980, s31;
	[smem:$0x7BB] =	sst s3  }
0x68: {  	s26 =	sadd.s32 $0xCA00, s31;
	[smem:$0x7BF] =	sst s21  }
0x69: {  	s3 =	sadd.s32 $0xC900, s31;
	[smem:$0x7C0] =	sst s26  }
0x6a: {  	s21 =	sadd.s32 $0xF100, s31;
	[smem:$0x7BE] =	sst s3  }
0x6b: {  	s26 =	sadd.s32 $0xF180, s31;
	[smem:$0x7C2] =	sst s21  }
0x6c: {  	[smem:$0x7C3] =	sst s26  }
0x6d: {  	s3 =	sadd.s32 $0xF080, s31;
	v12 =	vor.u32 s6, v23;
	s6 =	sld [smem:$0x7F9]  }
0x6e: {  	s21 =	sadd.s32 $0x11880, s31;
	[smem:$0x7C1] =	sst s3  }
0x6f: {  	s26 =	sadd.s32 $0x11900, s31;
	[smem:$0x7C5] =	sst s21  }
0x70: {  	s3 =	sadd.s32 $0xF200, s31;
	[smem:$0x7C6] =	sst s26  }
0x71: {  	s21 =	sadd.s32 $0x11A00, s31;
	[smem:$0x7C4] =	sst s3  }
0x72: {  	s26 =	sadd.s32 $0x14080, s31;
	[smem:$0x7C8] =	sst s21  }
0x73: {  	s3 =	sadd.s32 $0x11980, s31;
	[smem:$0x7C9] =	sst s26  }
0x74: {  	s21 =	sadd.s32 $0x14180, s31;
	[smem:$0x7C7] =	sst s3  }
0x75: {  	s26 =	sadd.s32 $0x14200, s31;
	[smem:$0x7CB] =	sst s21  }
0x76: {  	s3 =	sadd.s32 $0x14100, s31;
	[smem:$0x7CC] =	sst s26  }
0x77: {  	s21 =	sadd.s32 $0x16900, s31;
	[smem:$0x7CA] =	sst s3  }
0x78: {  	s26 =	sadd.s32 $0x16980, s31;
	[smem:$0x7CE] =	sst s21  }
0x79: {  	s3 =	sadd.s32 $0x16880, s31;
	[smem:$0x7CF] =	sst s26  }
0x7a: {  	s21 =	sadd.s32 $0x19080, s31;
	[smem:$0x7CD] =	sst s3  }
0x7b: {  	s26 =	sadd.s32 $0x19100, s31;
	[smem:$0x7D1] =	sst s21  }
0x7c: {  	s3 =	sadd.s32 $0x16A00, s31;
	[smem:$0x7D2] =	sst s26  }
0x7d: {  	s21 =	sadd.s32 $0x19200, s31;
	[smem:$0x7D0] =	sst s3  }
0x7e: {  	s26 =	sadd.s32 $0x1B880, s31;
	[smem:$0x7D4] =	sst s21  }
0x7f: {  	s3 =	sadd.s32 $0x19180, s31;
	[smem:$0x7D5] =	sst s26  }
0x80: {  	s21 =	sadd.s32 $0x1B980, s31;
	[smem:$0x7D3] =	sst s3  }
0x81: {  	s26 =	sadd.s32 $0x1BA00, s31;
	[smem:$0x7D7] =	sst s21  }
0x82: {  	s9 =	sadd.s32 $0x2800, s31;
	s3 =	sadd.s32 $0x1B900, s31;
	[smem:$0x7D8] =	sst s26  }
0x83: {  	s23 =	sor.u32 $0x4E20, s25;
	s21 =	sadd.s32 $0x1E100, s31;
	[smem:$0x7D6] =	sst s3  }
0x84: {  	s24 =	sor.u32 $0x4E30, s25;
	s26 =	sadd.s32 $0x1E180, s31;
	[smem:$0x7DA] =	sst s21  }
0x85: {  	s2 =	simm.s32 $0x3;
	s3 =	sadd.s32 $0x1E080, s31;
	[smem:$0x7DB] =	sst s26  }
0x86: {  	v0 =	vmov s0;
	s0 =	simm.s32 $0x2;
	s21 =	sadd.s32 $0x20880, s31;
	[smem:$0x7D9] =	sst s3  }
0x87: {  	s13 =	sadd.s32 $0x19000, s31;
	s26 =	sadd.s32 $0x20900, s31;
	[smem:$0x7DD] =	sst s21  }
0x88: {  	s14 =	sadd.s32 $0x1B800, s31;
	s3 =	sadd.s32 $0x1E200, s31;
	[smem:$0x7DE] =	sst s26  }
0x89: {  	s15 =	sadd.s32 $0x1E000, s31;
	s21 =	sadd.s32 $0x20A00, s31;
	[smem:$0x7DC] =	sst s3  }
0x8a: {  	s16 =	sadd.s32 $0x20800, s31;
	s26 =	sadd.s32 $0x23080, s31;
	[smem:$0x7E0] =	sst s21  }
0x8b: {  	s17 =	sadd.s32 $0x23000, s31;
	s3 =	sadd.s32 $0x20980, s31;
	[smem:$0x7E1] =	sst s26  }
0x8c: {  	s18 =	sadd.s32 $0x25800, s31;
	s21 =	sadd.s32 $0x23180, s31;
	[smem:$0x7DF] =	sst s3  }
0x8d: {  	s19 =	sor.u32 $0x4E00, s25;
	s26 =	sadd.s32 $0x23200, s31;
	[smem:$0x7E3] =	sst s21  }
0x8e: {  	s20 =	sor.u32 $0x4E10, s25;
	s3 =	sadd.s32 $0x23100, s31;
	[smem:$0x7E4] =	sst s26  }
0x8f: {  	v7 =	vor.u32 s28, v23;
	s28 =	simm.s32 $0xEF00;
	s21 =	sadd.s32 $0x25900, s31;
	[smem:$0x7E2] =	sst s3  }
0x90: {  	v8 =	vor.u32 s30, v23;
	s30 =	simm.s32 $0x10;
	s26 =	sadd.s32 $0x25980, s31;
	[smem:$0x7E6] =	sst s21  }
0x91: {  	v24 =	vimm.f32 $0.0e+00;
	v17 =	vor.u32 s4, v23;
	s4 =	simm.s32 $0x0;
	s3 =	sadd.s32 $0x25880, s31;
	[smem:$0x7E7] =	sst s26  }
0x92: {  	v18 =	vor.u32 s5, v23;
	v20 =	vor.u32 s7, v23;
	v21 =	vor.u32 s8, v23;
	s21 =	simm.s32 $0x1;
	[smem:$0x7E5] =	sst s3;
	s3 =	sadd.s32 $0x25A00, s31  }
0x93: {  	v22 =	vor.u32 s11, v23;
	v19 =	vor.u32 s6, v23;
	v23 =	vor.u32 s12, v23;
	s26 =	simm.s32 $0x17180;
	[smem:$0x7E8] =	sst s3;
	s3 =	simm.s32 $0x80  }
.LBB2_1:
0x94: {  	s5 =	rddreg [dreg:$0x7];
	s6 =	simm.s32 $0x100  }
0x95: {  	[tilespmem:s1], [sflag:$0x1] =	stream.strided.gather [hbm4b:s5+s3], $0x4E00, s6, s3, $0x38;
	[tilespmem:$0x1C400] =	vst v63  }
0x96: {  	s8 =	rddreg [dreg:$0x8];
	s7 =	simm.s32 $0x4E80  }
0x97: {  	[tilespmem:s7], [sflag:$0x1] =	stream.linear.gather [hbm4b:s8+s1], $0x4E00, $0x38;
	[tilespmem:$0x1C400] =	vst v63  }
0x98: {  	s11 =	rddreg [dreg:$0x9];
	s12 =	simm.s32 $0x4E00  }
0x99: {  	[tilespmem:s12], [sflag:$0x1] =	stream.linear.gather [hbm4b:s11+s1], $0x80, $0x38;
	[tilespmem:$0x1C400] =	vst v63  }
0x9a: {  	s7 =	rddreg [dreg:$0xa];
	s8 =	simm.s32 $0x9C80  }
0x9b: {  	[tilespmem:s8], [sflag:$0x1] =	stream.linear.gather [hbm4b:s7+s1], $0x80, $0x38;
	[tilespmem:$0x1C400] =	vst v63  }
0x9c: {  	s11 =	rddreg [dreg:$0xb];
	s12 =	simm.s32 $0x9D00  }
0x9d: {  	[tilespmem:s12], [sflag:$0x1] =	stream.strided.gather [hbm4b:s11+s3], $0x2700, s6, s3, $0x38;
	[tilespmem:$0x1C400] =	vst v63  }
0x9e: {  	s5 =	simm.s32 $0x0;
	s7 =	rddreg [dreg:$0xc];
	s8 =	simm.s32 $0xC400  }
0x9f: {  	[tilespmem:s8], [sflag:$0x1] =	stream.linear.gather [hbm4b:s7+s1], $0x80, $0x38;
	[tilespmem:$0x1C400] =	vst v63  }
0xa0: {  	s11 =	rddreg [dreg:$0xd];
	s12 =	simm.s32 $0x11700;
	s6 =	simm.s32 $0x200  }
0xa1: {  	[tilespmem:s12], [sflag:$0x1] =	stream.linear.gather [hbm4b:s11+s1], $0x280, $0x38;
	[tilespmem:$0x1C400] =	vst v63  }
.LBB2_2:
0xa2: {  	p0 =	sne.s32 s6, $0x9E00;
	[tilespmem:s5+$0x171F0] =	vst v24  }
0xa3: {  	[tilespmem:s5+$0x17180] =	vst v24  }
0xa4: {  	[tilespmem:s5+$0x17190] =	vst v24  }
.Ltmp0:
0xa5: {  	[tilespmem:s5+$0x171A0] =	vst v24;
	(pc) =	sbr.rel @p0 .LBB2_2-.Ltmp0, $4  }
0xa6: {  	[tilespmem:s5+$0x171B0] =	vst v24  }
0xa7: {  	[tilespmem:s5+$0x171C0] =	vst v24  }
0xa8: {  	[tilespmem:s5+$0x171D0] =	vst v24  }
0xa9: {  	[tilespmem:s5+$0x171E0] =	vst v24;
	s5 =	sshra.s32 s6, $0x2;
	s6 =	sadd.s32 $0x200, s6  }
0xaa: {  	[tilespmem:s5+$0x171F0] =	vst v24  }
0xab: {  	[tilespmem:s5+$0x17180] =	vst v24  }
0xac: {  	[tilespmem:s5+$0x17190] =	vst v24  }
0xad: {  	[tilespmem:s5+$0x171A0] =	vst v24  }
0xae: {  	[tilespmem:s5+$0x171B0] =	vst v24  }
0xaf: {  	[tilespmem:s5+$0x171C0] =	vst v24  }
0xb0: {  	[tilespmem:s5+$0x171D0] =	vst v24  }
0xb1: {  	[tilespmem:s5+$0x171E0] =	vst v24  }
0xb2: {  	_ =	swait.ge [sflag:s21], $0x4E00  }
0xb3: {  	[sflag:s21] =	ssyncset.done $0x0  }
0xb4: {  	[sflag:s21] =	ssyncadd.s32 $0xFFFFB200  }
0xb5: {  	_ =	swait.ge [sflag:s21], $0x4E00  }
0xb6: {  	[sflag:s21] =	ssyncset.done $0x0  }
0xb7: {  	[sflag:s21] =	ssyncadd.s32 $0xFFFFB200  }
0xb8: {  	_ =	swait.ge [sflag:s21], $0x80  }
0xb9: {  	[sflag:s21] =	ssyncset.done $0x0  }
0xba: {  	[sflag:s21] =	ssyncadd.s32 $0xFFFFFF80  }
0xbb: {  	_ =	swait.ge [sflag:s21], $0x80  }
0xbc: {  	[sflag:s21] =	ssyncset.done $0x0  }
0xbd: {  	[sflag:s21] =	ssyncadd.s32 $0xFFFFFF80  }
0xbe: {  	v25 =	vld [tilespmem:$0x9C80]  }
0xbf: {  	v26 =	vld [tilespmem:$0x9C90]  }
0xc0: {  	v27 =	vld [tilespmem:$0x9CA0]  }
0xc1: {  	v28 =	vld [tilespmem:$0x9CB0]  }
0xc2: {  	v29 =	vld [tilespmem:$0x9CC0]  }
0xc3: {  	v30 =	vld [tilespmem:$0x9CD0];
	v25 =	vmul.f32 v25, v0  }
0xc4: {  	v31 =	vld [tilespmem:$0x9CE0];
	v26 =	vmul.f32 v26, v0  }
0xc5: {  	[tilespmem:$0x9C80] =	vst v25;
	v25 =	vmul.f32 v27, v0;
	v27 =	vld [tilespmem:$0x9CF0]  }
0xc6: {  	[tilespmem:$0x9C90] =	vst v26;
	v26 =	vmul.f32 v28, v0  }
0xc7: {  	[tilespmem:$0x9CA0] =	vst v25;
	v25 =	vmul.f32 v29, v0  }
0xc8: {  	[tilespmem:$0x9CB0] =	vst v26;
	v26 =	vmul.f32 v30, v0  }
0xc9: {  	[tilespmem:$0x9CC0] =	vst v25;
	v25 =	vmul.f32 v31, v0  }
0xca: {  	[tilespmem:$0x9CD0] =	vst v26;
	v26 =	vmul.f32 v27, v0  }
0xcb: {  	[tilespmem:$0x9CE0] =	vst v25  }
0xcc: {  	s5 =	simm.s32 $0x0;
	[tilespmem:$0x9CF0] =	vst v26  }
.LBB2_4:
0xcd: {  	s6 =	sshra.s32 s5, $0x2  }
0xce: {  	v25 =	vld [tilespmem:s6+$0x0];
	_ =	sdelay $0x2  }
0xcf: {  	v26 =	vld [tilespmem:s6+$0x4E80];
	_ =	sdelay $0x4  }
0xd0: {  	[tilespmem:v25+s26+$0x0] =	vst.idx.add.f32.msk $0xffff, v26  }
0xd1: {  	v25 =	vld [tilespmem:s6+$0x10];
	_ =	sdelay $0x2  }
0xd2: {  	v26 =	vld [tilespmem:s6+$0x4E90];
	_ =	sdelay $0x4  }
0xd3: {  	[tilespmem:v25+s26+$0x0] =	vst.idx.add.f32.msk $0xffff, v26  }
0xd4: {  	v25 =	vld [tilespmem:s6+$0x20];
	_ =	sdelay $0x2  }
0xd5: {  	v26 =	vld [tilespmem:s6+$0x4EA0];
	_ =	sdelay $0x4  }
0xd6: {  	[tilespmem:v25+s26+$0x0] =	vst.idx.add.f32.msk $0xffff, v26  }
0xd7: {  	v25 =	vld [tilespmem:s6+$0x30];
	_ =	sdelay $0x2  }
0xd8: {  	v26 =	vld [tilespmem:s6+$0x4EB0];
	_ =	sdelay $0x4  }
0xd9: {  	[tilespmem:v25+s26+$0x0] =	vst.idx.add.f32.msk $0xffff, v26  }
0xda: {  	v25 =	vld [tilespmem:s6+$0x40];
	_ =	sdelay $0x2  }
0xdb: {  	v26 =	vld [tilespmem:s6+$0x4EC0];
	_ =	sdelay $0x4  }
0xdc: {  	[tilespmem:v25+s26+$0x0] =	vst.idx.add.f32.msk $0xffff, v26  }
0xdd: {  	v25 =	vld [tilespmem:s6+$0x50];
	_ =	sdelay $0x2  }
0xde: {  	v26 =	vld [tilespmem:s6+$0x4ED0];
	_ =	sdelay $0x4  }
0xdf: {  	[tilespmem:v25+s26+$0x0] =	vst.idx.add.f32.msk $0xffff, v26  }
0xe0: {  	v25 =	vld [tilespmem:s6+$0x60];
	_ =	sdelay $0x2  }
0xe1: {  	v26 =	vld [tilespmem:s6+$0x4EE0];
	_ =	sdelay $0x4  }
0xe2: {  	[tilespmem:v25+s26+$0x0] =	vst.idx.add.f32.msk $0xffff, v26  }
0xe3: {  	v25 =	vld [tilespmem:s6+$0x70];
	_ =	sdelay $0x2  }
0xe4: {  	p0 =	sne.s32 s5, $0x13800;
	v26 =	vld [tilespmem:s6+$0x4EF0]  }
.Ltmp1:
0xe5: {  	_ = 	snop;
	(pc) =	sbr.rel @p0 .LBB2_4-.Ltmp1, $2  }
0xe6: {  	_ =	sdelay $0x2  }
0xe7: {  	s5 =	sadd.s32 $0x200, s5;
	[tilespmem:v25+s26+$0x0] =	vst.idx.add.f32.msk $0xffff, v26  }
0xe8: {  	[spmem:s10] =	stream.linear.scatter [tilespmem:s26], [sflag:$0x3], $0x2800, $0x38;
	[tilespmem:$0x1C400] =	vst v63  }
0xe9: {  	_ =	swait.ge [sflag:s2], $0x2800  }
0xea: {  	s11 =	smov.u32 s10;
	[sflag:s2] =	ssyncset.done $0x0  }
0xeb: {  	s5 =	simm.s32 $0x0;
	s6 =	simm.s32 $0x200;
	[sflag:s2] =	ssyncadd.s32 $0xFFFFD800  }
.LBB2_6:
0xec: {  	p0 =	sne.s32 s6, $0x9E00;
	[tilespmem:s5+$0x171F0] =	vst v24  }
0xed: {  	[tilespmem:s5+$0x17180] =	vst v24  }
0xee: {  	[tilespmem:s5+$0x17190] =	vst v24  }
.Ltmp2:
0xef: {  	[tilespmem:s5+$0x171A0] =	vst v24;
	(pc) =	sbr.rel @p0 .LBB2_6-.Ltmp2, $4  }
0xf0: {  	[tilespmem:s5+$0x171B0] =	vst v24  }
0xf1: {  	[tilespmem:s5+$0x171C0] =	vst v24  }
0xf2: {  	[tilespmem:s5+$0x171D0] =	vst v24  }
0xf3: {  	[tilespmem:s5+$0x171E0] =	vst v24;
	s5 =	sshra.s32 s6, $0x2;
	s6 =	sadd.s32 $0x200, s6  }
0xf4: {  	[tilespmem:s5+$0x171F0] =	vst v24  }
0xf5: {  	[tilespmem:s5+$0x17180] =	vst v24  }
0xf6: {  	[tilespmem:s5+$0x17190] =	vst v24  }
0xf7: {  	[tilespmem:s5+$0x171A0] =	vst v24  }
0xf8: {  	[tilespmem:s5+$0x171B0] =	vst v24  }
0xf9: {  	[tilespmem:s5+$0x171C0] =	vst v24  }
0xfa: {  	[tilespmem:s5+$0x171D0] =	vst v24  }
0xfb: {  	[tilespmem:s5+$0x171E0] =	vst v24  }
0xfc: {  	[bflag:$0x0] =	sbarrier.arrive $0xFFFF  }
0xfd: {  	s10 =	simm.s32 $0xC480;
	s12 =	sld [smem:$0x7A9]  }
0xfe: {  	[tilespmem:s10], [sflag:$0x1] =	stream.linear.gather [spmem:s31], $0x80, $0x38;
	[tilespmem:$0x1C400] =	vst v63  }
0xff: {  	s6 =	simm.s32 $0xC880;
	s7 =	sld [smem:$0x7AA]  }
0x100: {  	[tilespmem:s6], [sflag:$0x1] =	stream.linear.gather [spmem:s12], $0x80, $0x38;
	[tilespmem:$0x1C400] =	vst v63  }
0x101: {  	s8 =	simm.s32 $0xCC80;
	s10 =	sld [smem:$0x7AB]  }
0x102: {  	[tilespmem:s8], [sflag:$0x1] =	stream.linear.gather [spmem:s7], $0x80, $0x38;
	[tilespmem:$0x1C400] =	vst v63  }
0x103: {  	s12 =	simm.s32 $0xD080;
	s6 =	sld [smem:$0x7AC]  }
0x104: {  	[tilespmem:s12], [sflag:$0x1] =	stream.linear.gather [spmem:s10], $0x80, $0x38;
	[tilespmem:$0x1C400] =	vst v63  }
0x105: {  	s7 =	simm.s32 $0xD480  }
0x106: {  	[tilespmem:s7], [sflag:$0x1] =	stream.linear.gather [spmem:s6], $0x80, $0x38;
	[tilespmem:$0x1C400] =	vst v63  }
0x107: {  	s8 =	simm.s32 $0xC500  }
0x108: {  	[tilespmem:s8], [sflag:$0x1] =	stream.linear.gather [spmem:s9], $0x80, $0x38;
	[tilespmem:$0x1C400] =	vst v63  }
0x109: {  	s12 =	smov.u32 s9;
	s9 =	sld [smem:$0x7AD];
	_ =	sdelay $0x1  }
0x10a: {  	s10 =	simm.s32 $0xC900;
	s7 =	sld [smem:$0x7AE]  }
0x10b: {  	[tilespmem:s10], [sflag:$0x1] =	stream.linear.gather [spmem:s9], $0x80, $0x38;
	[tilespmem:$0x1C400] =	vst v63  }
0x10c: {  	s8 =	simm.s32 $0xCD00;
	s9 =	sld [smem:$0x7AF]  }
0x10d: {  	[tilespmem:s8], [sflag:$0x1] =	stream.linear.gather [spmem:s7], $0x80, $0x38;
	[tilespmem:$0x1C400] =	vst v63  }
0x10e: {  	s10 =	simm.s32 $0xD100;
	s7 =	sld [smem:$0x7B0]  }
0x10f: {  	[tilespmem:s10], [sflag:$0x1] =	stream.linear.gather [spmem:s9], $0x80, $0x38;
	[tilespmem:$0x1C400] =	vst v63  }
0x110: {  	s8 =	simm.s32 $0xD500;
	s9 =	sld [smem:$0x7A1]  }
0x111: {  	[tilespmem:s8], [sflag:$0x1] =	stream.linear.gather [spmem:s7], $0x80, $0x38;
	[tilespmem:$0x1C400] =	vst v63  }
0x112: {  	s10 =	simm.s32 $0xC580;
	s7 =	sld [smem:$0x7B1]  }
0x113: {  	[tilespmem:s10], [sflag:$0x1] =	stream.linear.gather [spmem:s9], $0x80, $0x38;
	[tilespmem:$0x1C400] =	vst v63  }
0x114: {  	s8 =	simm.s32 $0xC980;
	s9 =	sld [smem:$0x7B2]  }
0x115: {  	[tilespmem:s8], [sflag:$0x1] =	stream.linear.gather [spmem:s7], $0x80, $0x38;
	[tilespmem:$0x1C400] =	vst v63  }
0x116: {  	s10 =	simm.s32 $0xCD80;
	s7 =	sld [smem:$0x7B3]  }
0x117: {  	[tilespmem:s10], [sflag:$0x1] =	stream.linear.gather [spmem:s9], $0x80, $0x38;
	[tilespmem:$0x1C400] =	vst v63  }
0x118: {  	s8 =	simm.s32 $0xD180;
	s9 =	sld [smem:$0x7B4]  }
0x119: {  	[tilespmem:s8], [sflag:$0x1] =	stream.linear.gather [spmem:s7], $0x80, $0x38;
	[tilespmem:$0x1C400] =	vst v63  }
0x11a: {  	s10 =	simm.s32 $0xD580;
	s7 =	sld [smem:$0x7A2]  }
0x11b: {  	[tilespmem:s10], [sflag:$0x1] =	stream.linear.gather [spmem:s9], $0x80, $0x38;
	[tilespmem:$0x1C400] =	vst v63  }
0x11c: {  	s8 =	simm.s32 $0xC600;
	s9 =	sld [smem:$0x7B5]  }
0x11d: {  	[tilespmem:s8], [sflag:$0x1] =	stream.linear.gather [spmem:s7], $0x80, $0x38;
	[tilespmem:$0x1C400] =	vst v63  }
0x11e: {  	s10 =	simm.s32 $0xCA00;
	s7 =	sld [smem:$0x7B6]  }
0x11f: {  	[tilespmem:s10], [sflag:$0x1] =	stream.linear.gather [spmem:s9], $0x80, $0x38;
	[tilespmem:$0x1C400] =	vst v63  }
0x120: {  	s8 =	simm.s32 $0xCE00;
	s9 =	sld [smem:$0x7B7]  }
0x121: {  	[tilespmem:s8], [sflag:$0x1] =	stream.linear.gather [spmem:s7], $0x80, $0x38;
	[tilespmem:$0x1C400] =	vst v63  }
0x122: {  	s10 =	simm.s32 $0xD200;
	s7 =	sld [smem:$0x7B8]  }
0x123: {  	[tilespmem:s10], [sflag:$0x1] =	stream.linear.gather [spmem:s9], $0x80, $0x38;
	[tilespmem:$0x1C400] =	vst v63  }
0x124: {  	s8 =	simm.s32 $0xD600;
	s9 =	sld [smem:$0x7A3]  }
0x125: {  	[tilespmem:s8], [sflag:$0x1] =	stream.linear.gather [spmem:s7], $0x80, $0x38;
	[tilespmem:$0x1C400] =	vst v63  }
0x126: {  	s10 =	simm.s32 $0xC680;
	s7 =	sld [smem:$0x7B9]  }
0x127: {  	[tilespmem:s10], [sflag:$0x1] =	stream.linear.gather [spmem:s9], $0x80, $0x38;
	[tilespmem:$0x1C400] =	vst v63  }
0x128: {  	s8 =	simm.s32 $0xCA80;
	s9 =	sld [smem:$0x7BA]  }
0x129: {  	[tilespmem:s8], [sflag:$0x1] =	stream.linear.gather [spmem:s7], $0x80, $0x38;
	[tilespmem:$0x1C400] =	vst v63  }
0x12a: {  	s10 =	simm.s32 $0xCE80;
	s7 =	sld [smem:$0x7BB]  }
0x12b: {  	[tilespmem:s10], [sflag:$0x1] =	stream.linear.gather [spmem:s9], $0x80, $0x38;
	[tilespmem:$0x1C400] =	vst v63  }
0x12c: {  	s8 =	simm.s32 $0xD280;
	s9 =	sld [smem:$0x7BC]  }
0x12d: {  	[tilespmem:s8], [sflag:$0x1] =	stream.linear.gather [spmem:s7], $0x80, $0x38;
	[tilespmem:$0x1C400] =	vst v63  }
0x12e: {  	s10 =	simm.s32 $0xD680;
	s7 =	sld [smem:$0x7A4]  }
0x12f: {  	[tilespmem:s10], [sflag:$0x1] =	stream.linear.gather [spmem:s9], $0x80, $0x38;
	[tilespmem:$0x1C400] =	vst v63  }
0x130: {  	s8 =	simm.s32 $0xC700;
	s9 =	sld [smem:$0x7BD]  }
0x131: {  	[tilespmem:s8], [sflag:$0x1] =	stream.linear.gather [spmem:s7], $0x80, $0x38;
	[tilespmem:$0x1C400] =	vst v63  }
0x132: {  	s10 =	simm.s32 $0xCB00;
	s7 =	sld [smem:$0x7BE]  }
0x133: {  	[tilespmem:s10], [sflag:$0x1] =	stream.linear.gather [spmem:s9], $0x80, $0x38;
	[tilespmem:$0x1C400] =	vst v63  }
0x134: {  	s8 =	simm.s32 $0xCF00;
	s9 =	sld [smem:$0x7BF]  }
0x135: {  	[tilespmem:s8], [sflag:$0x1] =	stream.linear.gather [spmem:s7], $0x80, $0x38;
	[tilespmem:$0x1C400] =	vst v63  }
0x136: {  	s10 =	simm.s32 $0xD300;
	s7 =	sld [smem:$0x7C0]  }
0x137: {  	[tilespmem:s10], [sflag:$0x1] =	stream.linear.gather [spmem:s9], $0x80, $0x38;
	[tilespmem:$0x1C400] =	vst v63  }
0x138: {  	s8 =	simm.s32 $0xD700;
	s9 =	sld [smem:$0x7A5]  }
0x139: {  	[tilespmem:s8], [sflag:$0x1] =	stream.linear.gather [spmem:s7], $0x80, $0x38;
	[tilespmem:$0x1C400] =	vst v63  }
0x13a: {  	s10 =	simm.s32 $0xC780;
	s7 =	sld [smem:$0x7C1]  }
0x13b: {  	[tilespmem:s10], [sflag:$0x1] =	stream.linear.gather [spmem:s9], $0x80, $0x38;
	[tilespmem:$0x1C400] =	vst v63  }
0x13c: {  	s8 =	simm.s32 $0xCB80;
	s9 =	sld [smem:$0x7C2]  }
0x13d: {  	[tilespmem:s8], [sflag:$0x1] =	stream.linear.gather [spmem:s7], $0x80, $0x38;
	[tilespmem:$0x1C400] =	vst v63  }
0x13e: {  	s10 =	simm.s32 $0xCF80;
	s7 =	sld [smem:$0x7C3]  }
0x13f: {  	[tilespmem:s10], [sflag:$0x1] =	stream.linear.gather [spmem:s9], $0x80, $0x38;
	[tilespmem:$0x1C400] =	vst v63  }
0x140: {  	s8 =	simm.s32 $0xD380;
	s9 =	sld [smem:$0x7C4]  }
0x141: {  	[tilespmem:s8], [sflag:$0x1] =	stream.linear.gather [spmem:s7], $0x80, $0x38;
	[tilespmem:$0x1C400] =	vst v63  }
0x142: {  	s10 =	simm.s32 $0xD780;
	s7 =	sld [smem:$0x7A6]  }
0x143: {  	[tilespmem:s10], [sflag:$0x1] =	stream.linear.gather [spmem:s9], $0x80, $0x38;
	[tilespmem:$0x1C400] =	vst v63  }
0x144: {  	s8 =	simm.s32 $0xC800;
	s9 =	sld [smem:$0x7C5]  }
0x145: {  	[tilespmem:s8], [sflag:$0x1] =	stream.linear.gather [spmem:s7], $0x80, $0x38;
	[tilespmem:$0x1C400] =	vst v63  }
0x146: {  	s10 =	simm.s32 $0xCC00;
	s7 =	sld [smem:$0x7C6]  }
0x147: {  	[tilespmem:s10], [sflag:$0x1] =	stream.linear.gather [spmem:s9], $0x80, $0x38;
	[tilespmem:$0x1C400] =	vst v63  }
0x148: {  	s8 =	simm.s32 $0xD000;
	s9 =	sld [smem:$0x7C7]  }
0x149: {  	[tilespmem:s8], [sflag:$0x1] =	stream.linear.gather [spmem:s7], $0x80, $0x38;
	[tilespmem:$0x1C400] =	vst v63  }
0x14a: {  	s10 =	simm.s32 $0xD400;
	s7 =	sld [smem:$0x7C8]  }
0x14b: {  	[tilespmem:s10], [sflag:$0x1] =	stream.linear.gather [spmem:s9], $0x80, $0x38;
	[tilespmem:$0x1C400] =	vst v63  }
0x14c: {  	s8 =	simm.s32 $0xD800;
	s9 =	sld [smem:$0x7A7]  }
0x14d: {  	[tilespmem:s8], [sflag:$0x1] =	stream.linear.gather [spmem:s7], $0x80, $0x38;
	[tilespmem:$0x1C400] =	vst v63  }
0x14e: {  	s10 =	simm.s32 $0xD880;
	s7 =	sld [smem:$0x7C9]  }
0x14f: {  	[tilespmem:s10], [sflag:$0x1] =	stream.linear.gather [spmem:s9], $0x80, $0x38;
	[tilespmem:$0x1C400] =	vst v63  }
0x150: {  	s8 =	simm.s32 $0xDC80;
	s9 =	sld [smem:$0x7CA]  }
0x151: {  	[tilespmem:s8], [sflag:$0x1] =	stream.linear.gather [spmem:s7], $0x80, $0x38;
	[tilespmem:$0x1C400] =	vst v63  }
0x152: {  	s10 =	simm.s32 $0xE080;
	s7 =	sld [smem:$0x7CB]  }
0x153: {  	[tilespmem:s10], [sflag:$0x1] =	stream.linear.gather [spmem:s9], $0x80, $0x38;
	[tilespmem:$0x1C400] =	vst v63  }
0x154: {  	s8 =	simm.s32 $0xE480;
	s9 =	sld [smem:$0x7CC]  }
0x155: {  	[tilespmem:s8], [sflag:$0x1] =	stream.linear.gather [spmem:s7], $0x80, $0x38;
	[tilespmem:$0x1C400] =	vst v63  }
0x156: {  	s10 =	simm.s32 $0xE880;
	s7 =	sld [smem:$0x7A8]  }
0x157: {  	[tilespmem:s10], [sflag:$0x1] =	stream.linear.gather [spmem:s9], $0x80, $0x38;
	[tilespmem:$0x1C400] =	vst v63  }
0x158: {  	s8 =	simm.s32 $0xD900;
	s9 =	sld [smem:$0x7CD]  }
0x159: {  	[tilespmem:s8], [sflag:$0x1] =	stream.linear.gather [spmem:s7], $0x80, $0x38;
	[tilespmem:$0x1C400] =	vst v63  }
0x15a: {  	s10 =	simm.s32 $0xDD00;
	s7 =	sld [smem:$0x7CE]  }
0x15b: {  	[tilespmem:s10], [sflag:$0x1] =	stream.linear.gather [spmem:s9], $0x80, $0x38;
	[tilespmem:$0x1C400] =	vst v63  }
0x15c: {  	s8 =	simm.s32 $0xE100;
	s9 =	sld [smem:$0x7CF]  }
0x15d: {  	[tilespmem:s8], [sflag:$0x1] =	stream.linear.gather [spmem:s7], $0x80, $0x38;
	[tilespmem:$0x1C400] =	vst v63  }
0x15e: {  	s6 =	sld [smem:$0x7D0];
	s10 =	simm.s32 $0xE500  }
0x15f: {  	[tilespmem:s10], [sflag:$0x1] =	stream.linear.gather [spmem:s9], $0x80, $0x38;
	[tilespmem:$0x1C400] =	vst v63  }
0x160: {  	s7 =	simm.s32 $0xE900  }
0x161: {  	[tilespmem:s7], [sflag:$0x1] =	stream.linear.gather [spmem:s6], $0x80, $0x38;
	[tilespmem:$0x1C400] =	vst v63  }
0x162: {  	s8 =	simm.s32 $0xD980;
	s9 =	sld [smem:$0x7D1]  }
0x163: {  	[tilespmem:s8], [sflag:$0x1] =	stream.linear.gather [spmem:s13], $0x80, $0x38;
	[tilespmem:$0x1C400] =	vst v63  }
0x164: {  	s10 =	simm.s32 $0xDD80;
	s7 =	sld [smem:$0x7D2]  }
0x165: {  	[tilespmem:s10], [sflag:$0x1] =	stream.linear.gather [spmem:s9], $0x80, $0x38;
	[tilespmem:$0x1C400] =	vst v63  }
0x166: {  	s8 =	simm.s32 $0xE180;
	s9 =	sld [smem:$0x7D3]  }
0x167: {  	[tilespmem:s8], [sflag:$0x1] =	stream.linear.gather [spmem:s7], $0x80, $0x38;
	[tilespmem:$0x1C400] =	vst v63  }
0x168: {  	s6 =	sld [smem:$0x7D4];
	s10 =	simm.s32 $0xE580  }
0x169: {  	[tilespmem:s10], [sflag:$0x1] =	stream.linear.gather [spmem:s9], $0x80, $0x38;
	[tilespmem:$0x1C400] =	vst v63  }
0x16a: {  	s7 =	simm.s32 $0xE980  }
0x16b: {  	[tilespmem:s7], [sflag:$0x1] =	stream.linear.gather [spmem:s6], $0x80, $0x38;
	[tilespmem:$0x1C400] =	vst v63  }
0x16c: {  	s8 =	simm.s32 $0xDA00;
	s9 =	sld [smem:$0x7D5]  }
0x16d: {  	[tilespmem:s8], [sflag:$0x1] =	stream.linear.gather [spmem:s14], $0x80, $0x38;
	[tilespmem:$0x1C400] =	vst v63  }
0x16e: {  	s10 =	simm.s32 $0xDE00;
	s7 =	sld [smem:$0x7D6]  }
0x16f: {  	[tilespmem:s10], [sflag:$0x1] =	stream.linear.gather [spmem:s9], $0x80, $0x38;
	[tilespmem:$0x1C400] =	vst v63  }
0x170: {  	s8 =	simm.s32 $0xE200;
	s9 =	sld [smem:$0x7D7]  }
0x171: {  	[tilespmem:s8], [sflag:$0x1] =	stream.linear.gather [spmem:s7], $0x80, $0x38;
	[tilespmem:$0x1C400] =	vst v63  }
0x172: {  	s6 =	sld [smem:$0x7D8];
	s10 =	simm.s32 $0xE600  }
0x173: {  	[tilespmem:s10], [sflag:$0x1] =	stream.linear.gather [spmem:s9], $0x80, $0x38;
	[tilespmem:$0x1C400] =	vst v63  }
0x174: {  	s7 =	simm.s32 $0xEA00  }
0x175: {  	[tilespmem:s7], [sflag:$0x1] =	stream.linear.gather [spmem:s6], $0x80, $0x38;
	[tilespmem:$0x1C400] =	vst v63  }
0x176: {  	s8 =	simm.s32 $0xDA80;
	s9 =	sld [smem:$0x7D9]  }
0x177: {  	[tilespmem:s8], [sflag:$0x1] =	stream.linear.gather [spmem:s15], $0x80, $0x38;
	[tilespmem:$0x1C400] =	vst v63  }
0x178: {  	s10 =	simm.s32 $0xDE80;
	s7 =	sld [smem:$0x7DA]  }
0x179: {  	[tilespmem:s10], [sflag:$0x1] =	stream.linear.gather [spmem:s9], $0x80, $0x38;
	[tilespmem:$0x1C400] =	vst v63  }
0x17a: {  	s8 =	simm.s32 $0xE280;
	s9 =	sld [smem:$0x7DB]  }
0x17b: {  	[tilespmem:s8], [sflag:$0x1] =	stream.linear.gather [spmem:s7], $0x80, $0x38;
	[tilespmem:$0x1C400] =	vst v63  }
0x17c: {  	s6 =	sld [smem:$0x7DC];
	s10 =	simm.s32 $0xE680  }
0x17d: {  	[tilespmem:s10], [sflag:$0x1] =	stream.linear.gather [spmem:s9], $0x80, $0x38;
	[tilespmem:$0x1C400] =	vst v63  }
0x17e: {  	s7 =	simm.s32 $0xEA80  }
0x17f: {  	[tilespmem:s7], [sflag:$0x1] =	stream.linear.gather [spmem:s6], $0x80, $0x38;
	[tilespmem:$0x1C400] =	vst v63  }
0x180: {  	s8 =	simm.s32 $0xDB00;
	s9 =	sld [smem:$0x7DD]  }
0x181: {  	[tilespmem:s8], [sflag:$0x1] =	stream.linear.gather [spmem:s16], $0x80, $0x38;
	[tilespmem:$0x1C400] =	vst v63  }
0x182: {  	s10 =	simm.s32 $0xDF00;
	s7 =	sld [smem:$0x7DE]  }
0x183: {  	[tilespmem:s10], [sflag:$0x1] =	stream.linear.gather [spmem:s9], $0x80, $0x38;
	[tilespmem:$0x1C400] =	vst v63  }
0x184: {  	s8 =	simm.s32 $0xE300;
	s9 =	sld [smem:$0x7DF]  }
0x185: {  	[tilespmem:s8], [sflag:$0x1] =	stream.linear.gather [spmem:s7], $0x80, $0x38;
	[tilespmem:$0x1C400] =	vst v63  }
0x186: {  	s6 =	sld [smem:$0x7E0];
	s10 =	simm.s32 $0xE700  }
0x187: {  	[tilespmem:s10], [sflag:$0x1] =	stream.linear.gather [spmem:s9], $0x80, $0x38;
	[tilespmem:$0x1C400] =	vst v63  }
0x188: {  	s7 =	simm.s32 $0xEB00  }
0x189: {  	[tilespmem:s7], [sflag:$0x1] =	stream.linear.gather [spmem:s6], $0x80, $0x38;
	[tilespmem:$0x1C400] =	vst v63  }
0x18a: {  	s8 =	simm.s32 $0xDB80;
	s9 =	sld [smem:$0x7E1]  }
0x18b: {  	[tilespmem:s8], [sflag:$0x1] =	stream.linear.gather [spmem:s17], $0x80, $0x38;
	[tilespmem:$0x1C400] =	vst v63  }
0x18c: {  	s10 =	simm.s32 $0xDF80;
	s7 =	sld [smem:$0x7E2]  }
0x18d: {  	[tilespmem:s10], [sflag:$0x1] =	stream.linear.gather [spmem:s9], $0x80, $0x38;
	[tilespmem:$0x1C400] =	vst v63  }
0x18e: {  	s8 =	simm.s32 $0xE380;
	s9 =	sld [smem:$0x7E3]  }
0x18f: {  	[tilespmem:s8], [sflag:$0x1] =	stream.linear.gather [spmem:s7], $0x80, $0x38;
	[tilespmem:$0x1C400] =	vst v63  }
0x190: {  	s6 =	sld [smem:$0x7E4];
	s10 =	simm.s32 $0xE780  }
0x191: {  	[tilespmem:s10], [sflag:$0x1] =	stream.linear.gather [spmem:s9], $0x80, $0x38;
	[tilespmem:$0x1C400] =	vst v63  }
0x192: {  	s7 =	simm.s32 $0xEB80  }
0x193: {  	[tilespmem:s7], [sflag:$0x1] =	stream.linear.gather [spmem:s6], $0x80, $0x38;
	[tilespmem:$0x1C400] =	vst v63  }
0x194: {  	s8 =	simm.s32 $0xDC00;
	s9 =	sld [smem:$0x7E5]  }
0x195: {  	[tilespmem:s8], [sflag:$0x1] =	stream.linear.gather [spmem:s18], $0x80, $0x38;
	[tilespmem:$0x1C400] =	vst v63  }
0x196: {  	s10 =	simm.s32 $0xE000;
	s7 =	sld [smem:$0x7E6]  }
0x197: {  	[tilespmem:s10], [sflag:$0x1] =	stream.linear.gather [spmem:s9], $0x80, $0x38;
	[tilespmem:$0x1C400] =	vst v63  }
0x198: {  	s8 =	simm.s32 $0xE400;
	s9 =	sld [smem:$0x7E7]  }
0x199: {  	[tilespmem:s8], [sflag:$0x1] =	stream.linear.gather [spmem:s7], $0x80, $0x38;
	[tilespmem:$0x1C400] =	vst v63  }
0x19a: {  	s6 =	sld [smem:$0x7E8];
	s10 =	simm.s32 $0xE800  }
0x19b: {  	[tilespmem:s10], [sflag:$0x1] =	stream.linear.gather [spmem:s9], $0x80, $0x38;
	[tilespmem:$0x1C400] =	vst v63  }
0x19c: {  	s7 =	simm.s32 $0xEC00  }
0x19d: {  	[tilespmem:s7], [sflag:$0x1] =	stream.linear.gather [spmem:s6], $0x80, $0x38;
	[tilespmem:$0x1C400] =	vst v63  }
0x19e: {  	_ =	swait.ge [sflag:s21], $0x280  }
0x19f: {  	[sflag:s21] =	ssyncset.done $0x0  }
0x1a0: {  	[sflag:s21] =	ssyncadd.s32 $0xFFFFFD80  }
0x1a1: {  	_ =	swait.ge [sflag:s21], $0x280  }
0x1a2: {  	[sflag:s21] =	ssyncset.done $0x0  }
0x1a3: {  	[sflag:s21] =	ssyncadd.s32 $0xFFFFFD80  }
0x1a4: {  	_ =	swait.ge [sflag:s21], $0x280  }
0x1a5: {  	[sflag:s21] =	ssyncset.done $0x0  }
0x1a6: {  	[sflag:s21] =	ssyncadd.s32 $0xFFFFFD80  }
0x1a7: {  	_ =	swait.ge [sflag:s21], $0x280  }
0x1a8: {  	[sflag:s21] =	ssyncset.done $0x0  }
0x1a9: {  	[sflag:s21] =	ssyncadd.s32 $0xFFFFFD80  }
0x1aa: {  	_ =	swait.ge [sflag:s21], $0x280  }
0x1ab: {  	[sflag:s21] =	ssyncset.done $0x0  }
0x1ac: {  	[sflag:s21] =	ssyncadd.s32 $0xFFFFFD80  }
0x1ad: {  	_ =	swait.ge [sflag:s21], $0x280  }
0x1ae: {  	[sflag:s21] =	ssyncset.done $0x0  }
0x1af: {  	[sflag:s21] =	ssyncadd.s32 $0xFFFFFD80  }
0x1b0: {  	_ =	swait.ge [sflag:s21], $0x280  }
0x1b1: {  	[sflag:s21] =	ssyncset.done $0x0  }
0x1b2: {  	[sflag:s21] =	ssyncadd.s32 $0xFFFFFD80  }
0x1b3: {  	_ =	swait.ge [sflag:s21], $0x280  }
0x1b4: {  	[sflag:s21] =	ssyncset.done $0x0  }
0x1b5: {  	[sflag:s21] =	ssyncadd.s32 $0xFFFFFD80  }
0x1b6: {  	_ =	swait.ge [sflag:s21], $0x280  }
0x1b7: {  	[sflag:s21] =	ssyncset.done $0x0  }
0x1b8: {  	[sflag:s21] =	ssyncadd.s32 $0xFFFFFD80  }
0x1b9: {  	_ =	swait.ge [sflag:s21], $0x280  }
0x1ba: {  	[sflag:s21] =	ssyncset.done $0x0  }
0x1bb: {  	[sflag:s21] =	ssyncadd.s32 $0xFFFFFD80  }
0x1bc: {  	_ =	swait.ge [sflag:s21], $0x280  }
0x1bd: {  	[sflag:s21] =	ssyncset.done $0x0  }
0x1be: {  	[sflag:s21] =	ssyncadd.s32 $0xFFFFFD80  }
0x1bf: {  	_ =	swait.ge [sflag:s21], $0x280  }
0x1c0: {  	[sflag:s21] =	ssyncset.done $0x0  }
0x1c1: {  	[sflag:s21] =	ssyncadd.s32 $0xFFFFFD80  }
0x1c2: {  	_ =	swait.ge [sflag:s21], $0x280  }
0x1c3: {  	[sflag:s21] =	ssyncset.done $0x0  }
0x1c4: {  	[sflag:s21] =	ssyncadd.s32 $0xFFFFFD80  }
0x1c5: {  	_ =	swait.ge [sflag:s21], $0x280  }
0x1c6: {  	[sflag:s21] =	ssyncset.done $0x0  }
0x1c7: {  	[sflag:s21] =	ssyncadd.s32 $0xFFFFFD80  }
0x1c8: {  	_ =	swait.ge [sflag:s21], $0x280  }
0x1c9: {  	[sflag:s21] =	ssyncset.done $0x0  }
0x1ca: {  	[sflag:s21] =	ssyncadd.s32 $0xFFFFFD80  }
0x1cb: {  	_ =	swait.ge [sflag:s21], $0x280  }
0x1cc: {  	[sflag:s21] =	ssyncset.done $0x0  }
0x1cd: {  	[sflag:s21] =	ssyncadd.s32 $0xFFFFFD80  }
0x1ce: {  	_ =	swait.ge [sflag:s21], $0x2700  }
0x1cf: {  	[sflag:s21] =	ssyncset.done $0x0  }
0x1d0: {  	[sflag:s21] =	ssyncadd.s32 $0xFFFFD900  }
0x1d1: {  	_ =	swait.ge [sflag:s21], $0x80  }
0x1d2: {  	[sflag:s21] =	ssyncset.done $0x0  }
0x1d3: {  	[sflag:s21] =	ssyncadd.s32 $0xFFFFFF80  }
0x1d4: {  	_ =	swait.ge [sflag:s21], $0x280  }
0x1d5: {  	s8 =	simm.s32 $0x0;
	[sflag:s21] =	ssyncset.done $0x0  }
0x1d6: {  	s5 =	sand.u32 $0x1C00, s8;
	s9 =	sand.u32 $0x70, s8;
	[sflag:s21] =	ssyncadd.s32 $0xFFFFFD80  }
0x1d7: {  	s5 =	sor.u32 s9, s5;
	[bflag:$0x0] =	sbarrier.arrive $0xFFFF  }
0x1d8: {  	v25 =	vld [tilespmem:s5+$0xC500]  }
0x1d9: {  	v26 =	vld [tilespmem:s5+$0xC480];
	_ =	sdelay $0x1  }
0x1da: {  	v27 =	vld [tilespmem:s5+$0xC580];
	_ =	sdelay $0x1  }
0x1db: {  	v28 =	vld [tilespmem:s5+$0xC600]  }
0x1dc: {  	v25 =	vadd.f32 v25, v26  }
0x1dd: {  	v26 =	vld [tilespmem:s5+$0xC680]  }
0x1de: {  	v25 =	vadd.f32 v27, v25  }
0x1df: {  	v27 =	vld [tilespmem:s5+$0xC700]  }
0x1e0: {  	v25 =	vadd.f32 v28, v25  }
0x1e1: {  	v60 =	vld [tilespmem:s5+$0xC780]  }
0x1e2: {  	v25 =	vadd.f32 v26, v25  }
0x1e3: {  	v26 =	vld [tilespmem:s5+$0xC800]  }
0x1e4: {  	v25 =	vadd.f32 v27, v25  }
0x1e5: {  	v27 =	vld [tilespmem:s5+$0xD880]  }
0x1e6: {  	v25 =	vadd.f32 v60, v25  }
0x1e7: {  	v61 =	vld [tilespmem:s5+$0xD900]  }
0x1e8: {  	v25 =	vadd.f32 v26, v25  }
0x1e9: {  	v26 =	vld [tilespmem:s5+$0xD980]  }
0x1ea: {  	v25 =	vadd.f32 v27, v25  }
0x1eb: {  	v27 =	vld [tilespmem:s5+$0xDA00]  }
0x1ec: {  	v25 =	vadd.f32 v61, v25  }
0x1ed: {  	v62 =	vld [tilespmem:s5+$0xDA80]  }
0x1ee: {  	v25 =	vadd.f32 v26, v25  }
0x1ef: {  	v26 =	vld [tilespmem:s5+$0xDB00]  }
0x1f0: {  	v25 =	vadd.f32 v27, v25  }
0x1f1: {  	v27 =	vld [tilespmem:s5+$0xDB80]  }
0x1f2: {  	v25 =	vadd.f32 v62, v25  }
0x1f3: {  	v63 =	vld [tilespmem:s5+$0xDC00]  }
0x1f4: {  	v25 =	vadd.f32 v26, v25;
	_ =	sdelay $0x1  }
0x1f5: {  	v25 =	vadd.f32 v27, v25;
	_ =	sdelay $0x1  }
0x1f6: {  	v25 =	vadd.f32 v63, v25;
	_ =	sdelay $0x1  }
0x1f7: {  	v25 =	vadd.f32 $1.000000000e+00, v25;
	_ =	sdelay $0x1  }
0x1f8: {  	v26 =	vshra.s32 v25, $0x1;
	v25 =	vmul.f32 $5.000000000e-01, v25  }
0x1f9: {  	v26 =	vsub.s32 $0x5F3759DF, v26  }
0x1fa: {  	v27 =	vmul.f32 v26, v25;
	_ =	sdelay $0x1  }
0x1fb: {  	v27 =	vmul.f32 v26, v27;
	_ =	sdelay $0x1  }
0x1fc: {  	v27 =	vsub.f32 $1.500000000e+00, v27;
	_ =	sdelay $0x1  }
0x1fd: {  	v26 =	vmul.f32 v26, v27;
	_ =	sdelay $0x1  }
0x1fe: {  	v27 =	vmul.f32 v26, v25;
	_ =	sdelay $0x1  }
0x1ff: {  	v27 =	vmul.f32 v27, v26;
	_ =	sdelay $0x1  }
0x200: {  	v27 =	vsub.f32 $1.500000000e+00, v27;
	_ =	sdelay $0x1  }
0x201: {  	v26 =	vmul.f32 v27, v26;
	_ =	sdelay $0x1  }
0x202: {  	v25 =	vmul.f32 v26, v25  }
0x203: {  	s5 =	sadd.s32 $0x0, s29  }
0x204: {  	p0 =	slt.s32 s5, $0x270;
	v25 =	vmul.f32 v25, v26  }
0x205: {  	s5 =	simm.s32 @!p0 $0x270  }
0x206: {  	v27 =	vld [tilespmem:s5+$0x11700];
	v25 =	vsub.f32 $1.500000000e+00, v25;
	_ =	sdelay $0x1  }
0x207: {  	v25 =	vmul.f32 v25, v26;
	_ =	sdelay $0x1  }
0x208: {  	s6 =	simm.s32 $0x10;
	s7 =	simm.s32 $0x80;
	v25 =	vand.u32 $0xFFFFFFF0, v25  }
0x209: {  	s8 =	sand.u32 $0x70, s6;
	s10 =	sand.u32 $0x1C00, s7;
	s5 =	simm.s32 $0xEC80;
	v25 =	vor.u32 v27, v25  }
0x20a: {  	s9 =	sor.u32 s8, s10;
	s8 =	simm.s32 $0x20;
	[tilespmem:s5+$0x0] =	vst v25  }
.LBB2_8:
0x20b: {  	p0 =	sne.s32 s8, $0x270;
	v25 =	vld [tilespmem:s9+$0xC500]  }
0x20c: {  	v26 =	vld [tilespmem:s9+$0xC480];
	_ =	sdelay $0x1  }
0x20d: {  	v27 =	vld [tilespmem:s9+$0xC580];
	_ =	sdelay $0x1  }
0x20e: {  	v28 =	vld [tilespmem:s9+$0xC600]  }
0x20f: {  	v25 =	vadd.f32 v25, v26  }
0x210: {  	v26 =	vld [tilespmem:s9+$0xC680]  }
0x211: {  	v25 =	vadd.f32 v27, v25  }
0x212: {  	v27 =	vld [tilespmem:s9+$0xC700]  }
0x213: {  	v25 =	vadd.f32 v28, v25  }
0x214: {  	v28 =	vld [tilespmem:s9+$0xC780]  }
0x215: {  	v25 =	vadd.f32 v26, v25  }
0x216: {  	v26 =	vld [tilespmem:s9+$0xC800]  }
0x217: {  	v25 =	vadd.f32 v27, v25  }
0x218: {  	v27 =	vld [tilespmem:s9+$0xD880]  }
0x219: {  	v25 =	vadd.f32 v28, v25  }
0x21a: {  	v28 =	vld [tilespmem:s9+$0xD900]  }
0x21b: {  	v25 =	vadd.f32 v26, v25  }
0x21c: {  	v26 =	vld [tilespmem:s9+$0xD980]  }
0x21d: {  	v25 =	vadd.f32 v27, v25  }
0x21e: {  	v27 =	vld [tilespmem:s9+$0xDA00]  }
0x21f: {  	v25 =	vadd.f32 v28, v25  }
0x220: {  	v28 =	vld [tilespmem:s9+$0xDA80]  }
0x221: {  	v25 =	vadd.f32 v26, v25  }
0x222: {  	v26 =	vld [tilespmem:s9+$0xDB00]  }
0x223: {  	v25 =	vadd.f32 v27, v25  }
0x224: {  	v27 =	vld [tilespmem:s9+$0xDB80]  }
0x225: {  	v25 =	vadd.f32 v28, v25  }
0x226: {  	v28 =	vld [tilespmem:s9+$0xDC00]  }
0x227: {  	v25 =	vadd.f32 v26, v25;
	_ =	sdelay $0x1  }
0x228: {  	v25 =	vadd.f32 v27, v25;
	_ =	sdelay $0x1  }
0x229: {  	v25 =	vadd.f32 v28, v25;
	_ =	sdelay $0x1  }
0x22a: {  	v25 =	vadd.f32 $1.000000000e+00, v25;
	_ =	sdelay $0x1  }
0x22b: {  	v26 =	vshra.s32 v25, $0x1;
	v25 =	vmul.f32 $5.000000000e-01, v25  }
0x22c: {  	v26 =	vsub.s32 $0x5F3759DF, v26  }
0x22d: {  	v27 =	vmul.f32 v26, v25;
	_ =	sdelay $0x1  }
0x22e: {  	v27 =	vmul.f32 v26, v27;
	_ =	sdelay $0x1  }
0x22f: {  	v27 =	vsub.f32 $1.500000000e+00, v27;
	_ =	sdelay $0x1  }
0x230: {  	v26 =	vmul.f32 v26, v27;
	_ =	sdelay $0x1  }
0x231: {  	v27 =	vmul.f32 v26, v25;
	_ =	sdelay $0x1  }
0x232: {  	v27 =	vmul.f32 v27, v26;
	_ =	sdelay $0x1  }
0x233: {  	v27 =	vsub.f32 $1.500000000e+00, v27;
	_ =	sdelay $0x1  }
0x234: {  	v26 =	vmul.f32 v27, v26;
	_ =	sdelay $0x1  }
0x235: {  	v25 =	vmul.f32 v26, v25  }
0x236: {  	s9 =	sadd.s32 s6, s29;
	s6 =	smov.u32 s8  }
0x237: {  	p1 =	slt.s32 s9, $0x270;
	v25 =	vmul.f32 v25, v26  }
0x238: {  	s9 =	simm.s32 @!p1 $0x270  }
0x239: {  	v25 =	vsub.f32 $1.500000000e+00, v25;
	v27 =	vld [tilespmem:s9+$0x11700];
	_ =	sdelay $0x1  }
.Ltmp3:
0x23a: {  	v25 =	vmul.f32 v25, v26;
	(pc) =	sbr.rel @p0 .LBB2_8-.Ltmp3, $4  }
0x23b: {  	_ = 	snop  }
0x23c: {  	s7 =	sadd.s32 $0x80, s7;
	v25 =	vand.u32 $0xFFFFFFF0, v25  }
0x23d: {  	s5 =	sadd.s32 $0x10, s5;
	s10 =	sand.u32 $0x1C00, s7;
	s9 =	sand.u32 $0x70, s8;
	v25 =	vor.u32 v27, v25  }
0x23e: {  	s8 =	sadd.s32 $0x10, s8;
	s9 =	sor.u32 s9, s10;
	[tilespmem:s5+$0x0] =	vst v25  }
0x23f: {  	v25 =	vld [tilespmem:s9+$0xC500]  }
0x240: {  	v26 =	vld [tilespmem:s9+$0xC480];
	_ =	sdelay $0x1  }
0x241: {  	v27 =	vld [tilespmem:s9+$0xC580];
	_ =	sdelay $0x1  }
0x242: {  	v28 =	vld [tilespmem:s9+$0xC600]  }
0x243: {  	v25 =	vadd.f32 v25, v26  }
0x244: {  	v26 =	vld [tilespmem:s9+$0xC680]  }
0x245: {  	v25 =	vadd.f32 v27, v25  }
0x246: {  	v27 =	vld [tilespmem:s9+$0xC700]  }
0x247: {  	v25 =	vadd.f32 v28, v25  }
0x248: {  	v60 =	vld [tilespmem:s9+$0xC780]  }
0x249: {  	v25 =	vadd.f32 v26, v25  }
0x24a: {  	v26 =	vld [tilespmem:s9+$0xC800]  }
0x24b: {  	v25 =	vadd.f32 v27, v25  }
0x24c: {  	v27 =	vld [tilespmem:s9+$0xD880]  }
0x24d: {  	v25 =	vadd.f32 v60, v25  }
0x24e: {  	v61 =	vld [tilespmem:s9+$0xD900]  }
0x24f: {  	v25 =	vadd.f32 v26, v25  }
0x250: {  	v26 =	vld [tilespmem:s9+$0xD980]  }
0x251: {  	v25 =	vadd.f32 v27, v25  }
0x252: {  	v27 =	vld [tilespmem:s9+$0xDA00]  }
0x253: {  	v25 =	vadd.f32 v61, v25  }
0x254: {  	v62 =	vld [tilespmem:s9+$0xDA80]  }
0x255: {  	v25 =	vadd.f32 v26, v25  }
0x256: {  	v26 =	vld [tilespmem:s9+$0xDB00]  }
0x257: {  	v25 =	vadd.f32 v27, v25  }
0x258: {  	v27 =	vld [tilespmem:s9+$0xDB80]  }
0x259: {  	v25 =	vadd.f32 v62, v25  }
0x25a: {  	v63 =	vld [tilespmem:s9+$0xDC00]  }
0x25b: {  	v25 =	vadd.f32 v26, v25;
	_ =	sdelay $0x1  }
0x25c: {  	v25 =	vadd.f32 v27, v25;
	_ =	sdelay $0x1  }
0x25d: {  	v25 =	vadd.f32 v63, v25;
	_ =	sdelay $0x1  }
0x25e: {  	v25 =	vadd.f32 $1.000000000e+00, v25;
	_ =	sdelay $0x1  }
0x25f: {  	v26 =	vshra.s32 v25, $0x1;
	v25 =	vmul.f32 $5.000000000e-01, v25  }
0x260: {  	v26 =	vsub.s32 $0x5F3759DF, v26  }
0x261: {  	v27 =	vmul.f32 v26, v25;
	_ =	sdelay $0x1  }
0x262: {  	v27 =	vmul.f32 v26, v27;
	_ =	sdelay $0x1  }
0x263: {  	v27 =	vsub.f32 $1.500000000e+00, v27;
	_ =	sdelay $0x1  }
0x264: {  	v26 =	vmul.f32 v26, v27;
	_ =	sdelay $0x1  }
0x265: {  	v27 =	vmul.f32 v26, v25;
	_ =	sdelay $0x1  }
0x266: {  	v27 =	vmul.f32 v27, v26;
	_ =	sdelay $0x1  }
0x267: {  	v27 =	vsub.f32 $1.500000000e+00, v27;
	_ =	sdelay $0x1  }
0x268: {  	v26 =	vmul.f32 v27, v26;
	_ =	sdelay $0x1  }
0x269: {  	v25 =	vmul.f32 v26, v25  }
0x26a: {  	s6 =	sadd.s32 s6, s29  }
0x26b: {  	p0 =	slt.s32 s6, $0x270;
	v25 =	vmul.f32 v25, v26  }
0x26c: {  	s6 =	simm.s32 @!p0 $0x270  }
0x26d: {  	v27 =	vld [tilespmem:s6+$0x11700];
	v25 =	vsub.f32 $1.500000000e+00, v25;
	_ =	sdelay $0x1  }
0x26e: {  	v25 =	vmul.f32 v25, v26;
	_ =	sdelay $0x1  }
0x26f: {  	v25 =	vand.u32 $0xFFFFFFF0, v25  }
0x270: {  	s5 =	sadd.s32 $0x10, s5;
	v25 =	vor.u32 v27, v25  }
0x271: {  	s10 =	simm.s32 $0xEC80;
	s9 =	rddreg [dreg:$0x1e];
	[tilespmem:s5+$0x0] =	vst v25  }
0x272: {  	[spmem:s9] =	stream.linear.scatter [tilespmem:s10], [sflag:$0x3], $0x280, $0x38;
	[tilespmem:$0x1C400] =	vst v63  }
0x273: {  	_ =	swait.ge [sflag:s2], $0x280  }
0x274: {  	[sflag:s2] =	ssyncset.done $0x0  }
0x275: {  	[sflag:s2] =	ssyncadd.s32 $0xFFFFFD80  }
0x276: {  	[spmem:s11] =	stream.linear.scatter [tilespmem:s26], [sflag:$0x3], $0x2800, $0x38;
	[tilespmem:$0x1C400] =	vst v63  }
0x277: {  	_ =	swait.ge [sflag:s2], $0x2800  }
0x278: {  	[sflag:s2] =	ssyncset.done $0x0  }
0x279: {  	[sflag:s2] =	ssyncadd.s32 $0xFFFFD800  }
0x27a: {  	[bflag:$0x0] =	sbarrier.arrive $0xFFFF  }
0x27b: {  	s10 =	smov.u32 s11;
	s11 =	rddreg [dreg:$0x5]  }
0x27c: {  	[tilespmem:s28], [sflag:$0x3] =	stream.linear.gather [spmem:s11], $0x2800, $0x38;
	[tilespmem:$0x1C400] =	vst v63  }
0x27d: {  	_ =	swait.ge [sflag:s2], $0x2800  }
0x27e: {  	[sflag:s2] =	ssyncset.done $0x0  }
0x27f: {  	s6 =	simm.s32 $0x0;
	s5 =	simm.s32 $0x0;
	[sflag:s2] =	ssyncadd.s32 $0xFFFFD800  }
.LBB2_10:
0x280: {  	s7 =	sshra.s32 s5, $0x2  }
0x281: {  	v25 =	vld [tilespmem:s7+$0x9D00]  }
0x282: {  	v26 =	vld.idx.msk [tilespmem:v2+s7+$0xFFFFFF90 ss:$0x1], $0xffff;
	_ =	sdelay $0x6  }
0x283: {  	v27 =	vld.idx.msk [tilespmem:v25+s28+$0x0], $0xffff  }
0x284: {  	v26 =	vld.idx.msk [tilespmem:v26+s28+$0x0], $0xffff  }
0x285: {  	v28 =	vld.idx.msk [tilespmem:v3+s7+$0xFFFFFF90 ss:$0x1], $0xffff;
	_ =	sdelay $0x3  }
0x286: {  	v27 =	vand.u32 $0xFFFFFFF0, v27;
	v29 =	vand.u32 $0xF, v26  }
0x287: {  	v29 =	vmul.u32 $0x2800, v29;
	v27 =	vmul.f32 v27, v28  }
0x288: {  	v26 =	vand.u32 $0xFFFFFFF0, v26  }
0x289: {  	v25 =	vadd.s32 v25, v29;
	v26 =	vmul.f32 v26, v27  }
0x28a: {  	[tilespmem:s7+$0x11980] =	vst v25;
	v25 =	vld [tilespmem:s7+$0x9D10]  }
0x28b: {  	[tilespmem:s7+$0x14580] =	vst v26  }
0x28c: {  	v26 =	vld.idx.msk [tilespmem:v2+s7+$0xFFFFFFA0 ss:$0x1], $0xffff;
	_ =	sdelay $0x5  }
0x28d: {  	v27 =	vld.idx.msk [tilespmem:v25+s28+$0x0], $0xffff  }
0x28e: {  	v50 =	vld.idx.msk [tilespmem:v3+s7+$0xFFFFFFA0 ss:$0x1], $0xffff  }
0x28f: {  	v26 =	vld.idx.msk [tilespmem:v26+s28+$0x0], $0xffff;
	_ =	sdelay $0x2  }
0x290: {  	v27 =	vand.u32 $0xFFFFFFF0, v27  }
0x291: {  	v27 =	vmul.f32 v27, v50  }
0x292: {  	v51 =	vand.u32 $0xF, v26;
	v26 =	vand.u32 $0xFFFFFFF0, v26  }
0x293: {  	v29 =	vmul.u32 $0x2800, v51;
	v26 =	vmul.f32 v26, v27;
	_ =	sdelay $0x1  }
0x294: {  	v25 =	vadd.s32 v25, v29;
	[tilespmem:s7+$0x14590] =	vst v26  }
0x295: {  	[tilespmem:s7+$0x11990] =	vst v25;
	v25 =	vld [tilespmem:s7+$0x9D20]  }
0x296: {  	v26 =	vld.idx.msk [tilespmem:v2+s7+$0xFFFFFFB0 ss:$0x1], $0xffff;
	_ =	sdelay $0x6  }
0x297: {  	v27 =	vld.idx.msk [tilespmem:v25+s28+$0x0], $0xffff  }
0x298: {  	v26 =	vld.idx.msk [tilespmem:v26+s28+$0x0], $0xffff  }
0x299: {  	v52 =	vld.idx.msk [tilespmem:v3+s7+$0xFFFFFFB0 ss:$0x1], $0xffff;
	_ =	sdelay $0x3  }
0x29a: {  	v27 =	vand.u32 $0xFFFFFFF0, v27;
	v53 =	vand.u32 $0xF, v26  }
0x29b: {  	v27 =	vmul.f32 v27, v52;
	v29 =	vmul.u32 $0x2800, v53  }
0x29c: {  	v26 =	vand.u32 $0xFFFFFFF0, v26  }
0x29d: {  	v26 =	vmul.f32 v26, v27;
	v25 =	vadd.s32 v25, v29  }
0x29e: {  	[tilespmem:s7+$0x119A0] =	vst v25  }
0x29f: {  	[tilespmem:s7+$0x145A0] =	vst v26;
	v25 =	vld [tilespmem:s7+$0x9D30]  }
0x2a0: {  	v26 =	vld.idx.msk [tilespmem:v2+s7+$0xFFFFFFC0 ss:$0x1], $0xffff;
	_ =	sdelay $0x6  }
0x2a1: {  	v27 =	vld.idx.msk [tilespmem:v25+s28+$0x0], $0xffff  }
0x2a2: {  	v26 =	vld.idx.msk [tilespmem:v26+s28+$0x0], $0xffff  }
0x2a3: {  	v54 =	vld.idx.msk [tilespmem:v3+s7+$0xFFFFFFC0 ss:$0x1], $0xffff;
	_ =	sdelay $0x3  }
0x2a4: {  	v27 =	vand.u32 $0xFFFFFFF0, v27;
	v55 =	vand.u32 $0xF, v26  }
0x2a5: {  	v27 =	vmul.f32 v27, v54;
	v29 =	vmul.u32 $0x2800, v55  }
0x2a6: {  	v26 =	vand.u32 $0xFFFFFFF0, v26  }
0x2a7: {  	v26 =	vmul.f32 v26, v27;
	v25 =	vadd.s32 v25, v29  }
0x2a8: {  	[tilespmem:s7+$0x119B0] =	vst v25  }
0x2a9: {  	[tilespmem:s7+$0x145B0] =	vst v26;
	v25 =	vld [tilespmem:s7+$0x9D40]  }
0x2aa: {  	v26 =	vld.idx.msk [tilespmem:v2+s7+$0xFFFFFFD0 ss:$0x1], $0xffff;
	_ =	sdelay $0x6  }
0x2ab: {  	v27 =	vld.idx.msk [tilespmem:v25+s28+$0x0], $0xffff  }
0x2ac: {  	v26 =	vld.idx.msk [tilespmem:v26+s28+$0x0], $0xffff  }
0x2ad: {  	v56 =	vld.idx.msk [tilespmem:v3+s7+$0xFFFFFFD0 ss:$0x1], $0xffff;
	_ =	sdelay $0x3  }
0x2ae: {  	v27 =	vand.u32 $0xFFFFFFF0, v27;
	v57 =	vand.u32 $0xF, v26  }
0x2af: {  	v27 =	vmul.f32 v27, v56;
	v29 =	vmul.u32 $0x2800, v57  }
0x2b0: {  	v26 =	vand.u32 $0xFFFFFFF0, v26  }
0x2b1: {  	v26 =	vmul.f32 v26, v27;
	v25 =	vadd.s32 v25, v29  }
0x2b2: {  	[tilespmem:s7+$0x119C0] =	vst v25  }
0x2b3: {  	[tilespmem:s7+$0x145C0] =	vst v26;
	v25 =	vld [tilespmem:s7+$0x9D50]  }
0x2b4: {  	v26 =	vld.idx.msk [tilespmem:v2+s7+$0xFFFFFFE0 ss:$0x1], $0xffff;
	_ =	sdelay $0x6  }
0x2b5: {  	v27 =	vld.idx.msk [tilespmem:v25+s28+$0x0], $0xffff  }
0x2b6: {  	v26 =	vld.idx.msk [tilespmem:v26+s28+$0x0], $0xffff  }
0x2b7: {  	v58 =	vld.idx.msk [tilespmem:v3+s7+$0xFFFFFFE0 ss:$0x1], $0xffff;
	_ =	sdelay $0x3  }
0x2b8: {  	v27 =	vand.u32 $0xFFFFFFF0, v27;
	v59 =	vand.u32 $0xF, v26  }
0x2b9: {  	v27 =	vmul.f32 v27, v58;
	v29 =	vmul.u32 $0x2800, v59  }
0x2ba: {  	v26 =	vand.u32 $0xFFFFFFF0, v26  }
0x2bb: {  	v26 =	vmul.f32 v26, v27;
	v25 =	vadd.s32 v25, v29  }
0x2bc: {  	[tilespmem:s7+$0x119D0] =	vst v25  }
0x2bd: {  	[tilespmem:s7+$0x145D0] =	vst v26;
	v25 =	vld [tilespmem:s7+$0x9D60]  }
0x2be: {  	v26 =	vld.idx.msk [tilespmem:v2+s7+$0xFFFFFFF0 ss:$0x1], $0xffff;
	_ =	sdelay $0x6  }
0x2bf: {  	v27 =	vld.idx.msk [tilespmem:v25+s28+$0x0], $0xffff  }
0x2c0: {  	v26 =	vld.idx.msk [tilespmem:v26+s28+$0x0], $0xffff  }
0x2c1: {  	v60 =	vld.idx.msk [tilespmem:v3+s7+$0xFFFFFFF0 ss:$0x1], $0xffff;
	_ =	sdelay $0x3  }
0x2c2: {  	v27 =	vand.u32 $0xFFFFFFF0, v27;
	v61 =	vand.u32 $0xF, v26  }
0x2c3: {  	v27 =	vmul.f32 v27, v60;
	v29 =	vmul.u32 $0x2800, v61  }
0x2c4: {  	v26 =	vand.u32 $0xFFFFFFF0, v26  }
0x2c5: {  	v26 =	vmul.f32 v26, v27;
	v25 =	vadd.s32 v25, v29  }
0x2c6: {  	[tilespmem:s7+$0x119E0] =	vst v25  }
0x2c7: {  	[tilespmem:s7+$0x145E0] =	vst v26;
	v25 =	vld [tilespmem:s7+$0x9D70]  }
0x2c8: {  	v26 =	vld.idx.msk [tilespmem:v2+s7+$0x0 ss:$0x1], $0xffff;
	_ =	sdelay $0x6  }
0x2c9: {  	v27 =	vld.idx.msk [tilespmem:v25+s28+$0x0], $0xffff  }
0x2ca: {  	v26 =	vld.idx.msk [tilespmem:v26+s28+$0x0], $0xffff  }
0x2cb: {  	v62 =	vld.idx.msk [tilespmem:v3+s7+$0x0 ss:$0x1], $0xffff;
	_ =	sdelay $0x3  }
0x2cc: {  	v27 =	vand.u32 $0xFFFFFFF0, v27;
	v63 =	vand.u32 $0xF, v26  }
0x2cd: {  	v27 =	vmul.f32 v27, v62;
	v29 =	vmul.u32 $0x2800, v63  }
0x2ce: {  	v26 =	vand.u32 $0xFFFFFFF0, v26  }
0x2cf: {  	s5 =	sadd.s32 $0x200, s5;
	v26 =	vmul.f32 v26, v27;
	v25 =	vadd.s32 v25, v29  }
0x2d0: {  	p0 =	slt.u32 s6, $0x8;
	s8 =	sadd.s32 $0x11980, s7;
	p1 =	sne.s32 s5, $0x9C00;
	[tilespmem:s7+$0x119F0] =	vst v25  }
.Ltmp4:
0x2d1: {  	s9 =	sadd.s32 $0x14580, s7;
	[tilespmem:s7+$0x145F0] =	vst v26;
	s7 =	simm.s32 @!p0 $0x2;
	(pc) =	sbr.rel @p1 .LBB2_10-.Ltmp4, $4  }
0x2d2: {  	[spmem:s22] =	stream.indirect.scatter.add.f32 [tilespmem:s9], [sflag:$0x2], $0x1, s8, s3, $0xb8;
	[tilespmem:$0x1C400] =	vst v63  }
0x2d3: {  	_ =	swait.ge @!p0 [sflag:s7], $0x80  }
0x2d4: {  	[sflag:s7] =	ssyncset.done @!p0 $0x0  }
0x2d5: {  	s6 =	sadd.s32 $0x1, s6;
	[sflag:s7] =	ssyncadd.s32 @!p0 $0xFFFFFF80  }
0x2d6: {  	v25 =	vld [tilespmem:s25+$0xC400]  }
0x2d7: {  	v26 =	vld [tilespmem:s19+$0x0];
	_ =	sdelay $0x6  }
0x2d8: {  	v27 =	vld.idx.msk [tilespmem:v25+s28+$0x0], $0xffff  }
0x2d9: {  	v26 =	vld.idx.msk [tilespmem:v26+s28+$0x0], $0xffff  }
0x2da: {  	v28 =	vld [tilespmem:s19+$0x4E80];
	_ =	sdelay $0x3  }
0x2db: {  	v27 =	vand.u32 $0xFFFFFFF0, v27;
	v29 =	vand.u32 $0xF, v26  }
0x2dc: {  	v29 =	vmul.u32 $0x2800, v29;
	v27 =	vmul.f32 v27, v28  }
0x2dd: {  	v26 =	vand.u32 $0xFFFFFFF0, v26  }
0x2de: {  	v25 =	vadd.s32 v25, v29;
	v26 =	vmul.f32 v26, v27  }
0x2df: {  	[tilespmem:$0x14080] =	vst v25  }
0x2e0: {  	[tilespmem:$0x16C80] =	vst v26  }
0x2e1: {  	v25 =	vld [tilespmem:s25+$0xC410]  }
0x2e2: {  	v26 =	vld [tilespmem:s20+$0x0];
	_ =	sdelay $0x6  }
0x2e3: {  	v27 =	vld.idx.msk [tilespmem:v25+s28+$0x0], $0xffff  }
0x2e4: {  	v26 =	vld.idx.msk [tilespmem:v26+s28+$0x0], $0xffff  }
0x2e5: {  	v58 =	vld [tilespmem:s20+$0x4E80];
	_ =	sdelay $0x3  }
0x2e6: {  	v27 =	vand.u32 $0xFFFFFFF0, v27;
	v59 =	vand.u32 $0xF, v26  }
0x2e7: {  	v29 =	vmul.u32 $0x2800, v59;
	v27 =	vmul.f32 v27, v58  }
0x2e8: {  	v26 =	vand.u32 $0xFFFFFFF0, v26  }
0x2e9: {  	v25 =	vadd.s32 v25, v29;
	v26 =	vmul.f32 v26, v27  }
0x2ea: {  	[tilespmem:$0x14090] =	vst v25  }
0x2eb: {  	[tilespmem:$0x16C90] =	vst v26  }
0x2ec: {  	v25 =	vld [tilespmem:s25+$0xC420]  }
0x2ed: {  	v26 =	vld [tilespmem:s23+$0x0];
	_ =	sdelay $0x6  }
0x2ee: {  	v27 =	vld.idx.msk [tilespmem:v25+s28+$0x0], $0xffff  }
0x2ef: {  	v26 =	vld.idx.msk [tilespmem:v26+s28+$0x0], $0xffff  }
0x2f0: {  	v60 =	vld [tilespmem:s23+$0x4E80];
	_ =	sdelay $0x3  }
0x2f1: {  	v27 =	vand.u32 $0xFFFFFFF0, v27;
	v61 =	vand.u32 $0xF, v26  }
0x2f2: {  	v29 =	vmul.u32 $0x2800, v61;
	v27 =	vmul.f32 v27, v60  }
0x2f3: {  	v26 =	vand.u32 $0xFFFFFFF0, v26  }
0x2f4: {  	v25 =	vadd.s32 v25, v29;
	v26 =	vmul.f32 v26, v27  }
0x2f5: {  	[tilespmem:$0x140A0] =	vst v25  }
0x2f6: {  	[tilespmem:$0x16CA0] =	vst v26  }
0x2f7: {  	v25 =	vld [tilespmem:s25+$0xC430]  }
0x2f8: {  	v26 =	vld [tilespmem:s24+$0x0];
	_ =	sdelay $0x6  }
0x2f9: {  	v27 =	vld.idx.msk [tilespmem:v25+s28+$0x0], $0xffff  }
0x2fa: {  	v26 =	vld.idx.msk [tilespmem:v26+s28+$0x0], $0xffff  }
0x2fb: {  	v62 =	vld [tilespmem:s24+$0x4E80];
	_ =	sdelay $0x3  }
0x2fc: {  	v27 =	vand.u32 $0xFFFFFFF0, v27;
	v63 =	vand.u32 $0xF, v26  }
0x2fd: {  	v29 =	vmul.u32 $0x2800, v63;
	v27 =	vmul.f32 v27, v62  }
0x2fe: {  	v26 =	vand.u32 $0xFFFFFFF0, v26  }
0x2ff: {  	v25 =	vadd.s32 v25, v29;
	v26 =	vmul.f32 v26, v27  }
0x300: {  	[tilespmem:$0x140B0] =	vst v25  }
0x301: {  	s5 =	rddreg [dreg:$0x1f];
	[tilespmem:$0x16CB0] =	vst v26  }
0x302: {  	v25 =	vld [tilespmem:s5+$0xEF00];
	_ =	sdelay $0x4  }
0x303: {  	v26 =	vand.u32 $0xF, v25;
	v25 =	vand.u32 $0xFFFFFFF0, v25  }
0x304: {  	v26 =	vmul.u32 $0x2800, v26;
	v25 =	vmul.f32 v25, v25  }
0x305: {  	s9 =	sld [smem:$0x7EB]  }
0x306: {  	v26 =	vor.u32 v4, v26;
	[tilespmem:$0x16CC0] =	vst v25  }
0x307: {  	[tilespmem:$0x140C0] =	vst v26  }
0x308: {  	v25 =	vld [tilespmem:s9+$0xEF00];
	_ =	sdelay $0x4  }
0x309: {  	v26 =	vand.u32 $0xF, v25;
	v25 =	vand.u32 $0xFFFFFFF0, v25  }
0x30a: {  	v26 =	vmul.u32 $0x2800, v26;
	v25 =	vmul.f32 v25, v25  }
0x30b: {  	s11 =	sld [smem:$0x7EC]  }
0x30c: {  	v26 =	vadd.s32 v5, v26;
	[tilespmem:$0x16CD0] =	vst v25  }
0x30d: {  	[tilespmem:$0x140D0] =	vst v26  }
0x30e: {  	v25 =	vld [tilespmem:s11+$0xEF00];
	_ =	sdelay $0x4  }
0x30f: {  	v26 =	vand.u32 $0xF, v25;
	v25 =	vand.u32 $0xFFFFFFF0, v25  }
0x310: {  	v26 =	vmul.u32 $0x2800, v26;
	v25 =	vmul.f32 v25, v25  }
0x311: {  	s6 =	sld [smem:$0x7ED]  }
0x312: {  	v26 =	vadd.s32 v6, v26;
	[tilespmem:$0x16CE0] =	vst v25  }
0x313: {  	[tilespmem:$0x140E0] =	vst v26  }
0x314: {  	v25 =	vld [tilespmem:s6+$0xEF00];
	_ =	sdelay $0x4  }
0x315: {  	v26 =	vand.u32 $0xF, v25;
	v25 =	vand.u32 $0xFFFFFFF0, v25  }
0x316: {  	v26 =	vmul.u32 $0x2800, v26;
	v25 =	vmul.f32 v25, v25  }
0x317: {  	s7 =	sld [smem:$0x7EE]  }
0x318: {  	v26 =	vadd.s32 v7, v26;
	[tilespmem:$0x16CF0] =	vst v25  }
0x319: {  	[tilespmem:$0x140F0] =	vst v26  }
0x31a: {  	v25 =	vld [tilespmem:s7+$0xEF00];
	_ =	sdelay $0x4  }
0x31b: {  	v26 =	vand.u32 $0xF, v25;
	v25 =	vand.u32 $0xFFFFFFF0, v25  }
0x31c: {  	v26 =	vmul.u32 $0x2800, v26;
	v25 =	vmul.f32 v25, v25  }
0x31d: {  	s8 =	sld [smem:$0x7EF]  }
0x31e: {  	v26 =	vadd.s32 v8, v26;
	[tilespmem:$0x16D00] =	vst v25  }
0x31f: {  	[tilespmem:$0x14100] =	vst v26  }
0x320: {  	v25 =	vld [tilespmem:s8+$0xEF00];
	_ =	sdelay $0x4  }
0x321: {  	v26 =	vand.u32 $0xF, v25;
	v25 =	vand.u32 $0xFFFFFFF0, v25  }
0x322: {  	v26 =	vmul.u32 $0x2800, v26;
	v25 =	vmul.f32 v25, v25  }
0x323: {  	s9 =	sld [smem:$0x7F0]  }
0x324: {  	v26 =	vadd.s32 v9, v26;
	[tilespmem:$0x16D10] =	vst v25  }
0x325: {  	[tilespmem:$0x14110] =	vst v26  }
0x326: {  	v25 =	vld [tilespmem:s9+$0xEF00];
	_ =	sdelay $0x4  }
0x327: {  	v26 =	vand.u32 $0xF, v25;
	v25 =	vand.u32 $0xFFFFFFF0, v25  }
0x328: {  	v26 =	vmul.u32 $0x2800, v26;
	v25 =	vmul.f32 v25, v25  }
0x329: {  	s11 =	sld [smem:$0x7F1]  }
0x32a: {  	v26 =	vadd.s32 v10, v26;
	[tilespmem:$0x16D20] =	vst v25  }
0x32b: {  	[tilespmem:$0x14120] =	vst v26  }
0x32c: {  	v25 =	vld [tilespmem:s11+$0xEF00];
	_ =	sdelay $0x4  }
0x32d: {  	v26 =	vand.u32 $0xF, v25;
	v25 =	vand.u32 $0xFFFFFFF0, v25  }
0x32e: {  	v26 =	vmul.u32 $0x2800, v26;
	v25 =	vmul.f32 v25, v25  }
0x32f: {  	s6 =	sld [smem:$0x7F2]  }
0x330: {  	v26 =	vadd.s32 v11, v26;
	[tilespmem:$0x16D30] =	vst v25  }
0x331: {  	[tilespmem:$0x14130] =	vst v26  }
0x332: {  	v25 =	vld [tilespmem:s6+$0xEF00];
	_ =	sdelay $0x4  }
0x333: {  	v26 =	vand.u32 $0xF, v25;
	v25 =	vand.u32 $0xFFFFFFF0, v25  }
0x334: {  	v26 =	vmul.u32 $0x2800, v26;
	v25 =	vmul.f32 v25, v25  }
0x335: {  	s7 =	sld [smem:$0x7F3]  }
0x336: {  	v26 =	vadd.s32 v12, v26;
	[tilespmem:$0x16D40] =	vst v25  }
0x337: {  	[tilespmem:$0x14140] =	vst v26  }
0x338: {  	v25 =	vld [tilespmem:s7+$0xEF00];
	_ =	sdelay $0x4  }
0x339: {  	v26 =	vand.u32 $0xF, v25;
	v25 =	vand.u32 $0xFFFFFFF0, v25  }
0x33a: {  	v26 =	vmul.u32 $0x2800, v26;
	v25 =	vmul.f32 v25, v25  }
0x33b: {  	s8 =	sld [smem:$0x7F4]  }
0x33c: {  	v26 =	vadd.s32 v13, v26;
	[tilespmem:$0x16D50] =	vst v25  }
0x33d: {  	[tilespmem:$0x14150] =	vst v26  }
0x33e: {  	v25 =	vld [tilespmem:s8+$0xEF00];
	_ =	sdelay $0x4  }
0x33f: {  	v26 =	vand.u32 $0xF, v25;
	v25 =	vand.u32 $0xFFFFFFF0, v25  }
0x340: {  	v26 =	vmul.u32 $0x2800, v26;
	v25 =	vmul.f32 v25, v25  }
0x341: {  	s9 =	sld [smem:$0x7F5]  }
0x342: {  	v26 =	vadd.s32 v14, v26;
	[tilespmem:$0x16D60] =	vst v25  }
0x343: {  	[tilespmem:$0x14160] =	vst v26  }
0x344: {  	v25 =	vld [tilespmem:s9+$0xEF00];
	_ =	sdelay $0x4  }
0x345: {  	v26 =	vand.u32 $0xF, v25;
	v25 =	vand.u32 $0xFFFFFFF0, v25  }
0x346: {  	v26 =	vmul.u32 $0x2800, v26;
	v25 =	vmul.f32 v25, v25  }
0x347: {  	s11 =	sld [smem:$0x7F6]  }
0x348: {  	v26 =	vadd.s32 v15, v26;
	[tilespmem:$0x16D70] =	vst v25  }
0x349: {  	[tilespmem:$0x14170] =	vst v26  }
0x34a: {  	v25 =	vld [tilespmem:s11+$0xEF00];
	_ =	sdelay $0x4  }
0x34b: {  	v26 =	vand.u32 $0xF, v25;
	v25 =	vand.u32 $0xFFFFFFF0, v25  }
0x34c: {  	v26 =	vmul.u32 $0x2800, v26;
	v25 =	vmul.f32 v25, v25  }
0x34d: {  	s6 =	sld [smem:$0x7F7]  }
0x34e: {  	v26 =	vadd.s32 v16, v26;
	[tilespmem:$0x16D80] =	vst v25  }
0x34f: {  	[tilespmem:$0x14180] =	vst v26  }
0x350: {  	v25 =	vld [tilespmem:s6+$0xEF00];
	_ =	sdelay $0x4  }
0x351: {  	v26 =	vand.u32 $0xF, v25;
	v25 =	vand.u32 $0xFFFFFFF0, v25  }
0x352: {  	v26 =	vmul.u32 $0x2800, v26;
	v25 =	vmul.f32 v25, v25  }
0x353: {  	s7 =	sld [smem:$0x7F8]  }
0x354: {  	v26 =	vadd.s32 v17, v26;
	[tilespmem:$0x16D90] =	vst v25  }
0x355: {  	[tilespmem:$0x14190] =	vst v26  }
0x356: {  	v25 =	vld [tilespmem:s7+$0xEF00];
	_ =	sdelay $0x4  }
0x357: {  	v26 =	vand.u32 $0xF, v25;
	v25 =	vand.u32 $0xFFFFFFF0, v25  }
0x358: {  	v26 =	vmul.u32 $0x2800, v26;
	v25 =	vmul.f32 v25, v25  }
0x359: {  	s8 =	sld [smem:$0x7F9]  }
0x35a: {  	v26 =	vadd.s32 v18, v26;
	[tilespmem:$0x16DA0] =	vst v25  }
0x35b: {  	[tilespmem:$0x141A0] =	vst v26  }
0x35c: {  	v25 =	vld [tilespmem:s8+$0xEF00];
	_ =	sdelay $0x4  }
0x35d: {  	v26 =	vand.u32 $0xF, v25;
	v25 =	vand.u32 $0xFFFFFFF0, v25  }
0x35e: {  	v26 =	vmul.u32 $0x2800, v26;
	v25 =	vmul.f32 v25, v25  }
0x35f: {  	s9 =	sld [smem:$0x7FA]  }
0x360: {  	v26 =	vadd.s32 v19, v26;
	[tilespmem:$0x16DB0] =	vst v25  }
0x361: {  	[tilespmem:$0x141B0] =	vst v26  }
0x362: {  	v25 =	vld [tilespmem:s9+$0xEF00];
	_ =	sdelay $0x4  }
0x363: {  	v26 =	vand.u32 $0xF, v25;
	v25 =	vand.u32 $0xFFFFFFF0, v25  }
0x364: {  	v26 =	vmul.u32 $0x2800, v26;
	v25 =	vmul.f32 v25, v25  }
0x365: {  	s11 =	sld [smem:$0x7FB]  }
0x366: {  	v26 =	vadd.s32 v20, v26;
	[tilespmem:$0x16DC0] =	vst v25  }
0x367: {  	[tilespmem:$0x141C0] =	vst v26  }
0x368: {  	v25 =	vld [tilespmem:s11+$0xEF00];
	_ =	sdelay $0x4  }
0x369: {  	v26 =	vand.u32 $0xF, v25;
	v25 =	vand.u32 $0xFFFFFFF0, v25  }
0x36a: {  	v26 =	vmul.u32 $0x2800, v26;
	v25 =	vmul.f32 v25, v25  }
0x36b: {  	s6 =	sld [smem:$0x7FC]  }
0x36c: {  	v26 =	vadd.s32 v21, v26;
	[tilespmem:$0x16DD0] =	vst v25  }
0x36d: {  	[tilespmem:$0x141D0] =	vst v26  }
0x36e: {  	v25 =	vld [tilespmem:s6+$0xEF00];
	_ =	sdelay $0x4  }
0x36f: {  	v26 =	vand.u32 $0xF, v25;
	v25 =	vand.u32 $0xFFFFFFF0, v25  }
0x370: {  	v26 =	vmul.u32 $0x2800, v26;
	v25 =	vmul.f32 v25, v25  }
0x371: {  	s7 =	sld [smem:$0x7FD]  }
0x372: {  	v26 =	vadd.s32 v22, v26;
	[tilespmem:$0x16DE0] =	vst v25  }
0x373: {  	[tilespmem:$0x141E0] =	vst v26  }
0x374: {  	v25 =	vld [tilespmem:s7+$0xEF00];
	_ =	sdelay $0x4  }
0x375: {  	v26 =	vand.u32 $0xFFFFFFF0, v25;
	v25 =	vand.u32 $0xF, v25  }
0x376: {  	v26 =	vmul.f32 v26, v26;
	v25 =	vmul.u32 $0x2800, v25;
	_ =	sdelay $0x1  }
0x377: {  	v26 =	vmul.f32 v26, v1;
	v25 =	vadd.s32 v23, v25  }
0x378: {  	[tilespmem:$0x141F0] =	vst v25  }
0x379: {  	s8 =	simm.s32 $0x14080;
	s6 =	simm.s32 $0x16C80;
	[tilespmem:$0x16DF0] =	vst v26  }
0x37a: {  	[spmem:s22] =	stream.indirect.scatter.add.f32 [tilespmem:s6], [sflag:$0x2], $0x1, s8, s3, $0xb8;
	[tilespmem:$0x1C400] =	vst v63  }
0x37b: {  	s9 =	simm.s32 $0x14100;
	s11 =	simm.s32 $0x16D00  }
0x37c: {  	[spmem:s22] =	stream.indirect.scatter.add.f32 [tilespmem:s11], [sflag:$0x2], $0x1, s9, s3, $0xb8;
	[tilespmem:$0x1C400] =	vst v63  }
0x37d: {  	s7 =	simm.s32 $0x16D80;
	s6 =	simm.s32 $0x14180  }
0x37e: {  	[spmem:s22] =	stream.indirect.scatter.add.f32 [tilespmem:s7], [sflag:$0x2], $0x1, s6, s3, $0xb8;
	[tilespmem:$0x1C400] =	vst v63  }
0x37f: {  	_ =	swait.ge [sflag:s0], $0x80  }
0x380: {  	[sflag:s0] =	ssyncset.done $0x0  }
0x381: {  	[sflag:s0] =	ssyncadd.s32 $0xFFFFFF80  }
0x382: {  	_ =	swait.ge [sflag:s0], $0x80  }
0x383: {  	[sflag:s0] =	ssyncset.done $0x0  }
0x384: {  	[sflag:s0] =	ssyncadd.s32 $0xFFFFFF80  }
0x385: {  	_ =	swait.ge [sflag:s0], $0x80  }
0x386: {  	[sflag:s0] =	ssyncset.done $0x0  }
0x387: {  	[sflag:s0] =	ssyncadd.s32 $0xFFFFFF80  }
0x388: {  	_ =	swait.ge [sflag:s0], $0x80  }
0x389: {  	[sflag:s0] =	ssyncset.done $0x0  }
0x38a: {  	[sflag:s0] =	ssyncadd.s32 $0xFFFFFF80  }
0x38b: {  	_ =	swait.ge [sflag:s0], $0x80  }
0x38c: {  	[sflag:s0] =	ssyncset.done $0x0  }
0x38d: {  	[sflag:s0] =	ssyncadd.s32 $0xFFFFFF80  }
0x38e: {  	_ =	swait.ge [sflag:s0], $0x80  }
0x38f: {  	[sflag:s0] =	ssyncset.done $0x0  }
0x390: {  	[sflag:s0] =	ssyncadd.s32 $0xFFFFFF80  }
0x391: {  	_ =	swait.ge [sflag:s0], $0x80  }
0x392: {  	[sflag:s0] =	ssyncset.done $0x0  }
0x393: {  	[sflag:s0] =	ssyncadd.s32 $0xFFFFFF80  }
0x394: {  	_ =	swait.ge [sflag:s0], $0x80  }
0x395: {  	[sflag:s0] =	ssyncset.done $0x0  }
0x396: {  	[sflag:s0] =	ssyncadd.s32 $0xFFFFFF80  }
0x397: {  	_ =	swait.ge [sflag:s0], $0x80  }
0x398: {  	[sflag:s0] =	ssyncset.done $0x0  }
0x399: {  	[sflag:s0] =	ssyncadd.s32 $0xFFFFFF80  }
0x39a: {  	_ =	swait.ge [sflag:s0], $0x80  }
0x39b: {  	[sflag:s0] =	ssyncset.done $0x0  }
0x39c: {  	[sflag:s0] =	ssyncadd.s32 $0xFFFFFF80  }
0x39d: {  	_ =	swait.ge [sflag:s0], $0x80  }
0x39e: {  	[sflag:s0] =	ssyncset.done $0x0  }
0x39f: {  	s8 =	stileid.u32;
	[sflag:s0] =	ssyncadd.s32 $0xFFFFFF80  }
0x3a0: {  	s5 =	sshll.u32 s8, $0x6;
	[bflag:$0x0] =	sbarrier.arrive $0xFFFF  }
0x3a1: {  	s5 =	sor.u32 $0x1C01, s5;
	s9 =	sshrl.u32 s31, $0x3;
	s7 =	rddreg [dreg:$0xe]  }
0x3a2: {  	[hbm:s7@s3], [sflag:s5] =	dma.strided [spmem:s9@s30], $0x50, s21, $0x10   }
0x3a3: {  	s11 =	sshrl.u32 s12, $0x3;
	s7 =	rddreg [dreg:$0xf]  }
0x3a4: {  	[hbm:s7@s3], [sflag:s5] =	dma.strided [spmem:s11@s30], $0x50, s21, $0x10   }
0x3a5: {  	s6 =	sld [smem:$0x7A1];
	_ =	sdelay $0x2  }
0x3a6: {  	s7 =	rddreg [dreg:$0x10];
	s6 =	sshrl.u32 s6, $0x3  }
0x3a7: {  	[hbm:s7@s3], [sflag:s5] =	dma.strided [spmem:s6@s30], $0x50, s21, $0x10   }
0x3a8: {  	s6 =	sld [smem:$0x7A2];
	_ =	sdelay $0x2  }
0x3a9: {  	s7 =	rddreg [dreg:$0x11];
	s6 =	sshrl.u32 s6, $0x3  }
0x3aa: {  	[hbm:s7@s3], [sflag:s5] =	dma.strided [spmem:s6@s30], $0x50, s21, $0x10   }
0x3ab: {  	s6 =	sld [smem:$0x7A3];
	_ =	sdelay $0x2  }
0x3ac: {  	s7 =	rddreg [dreg:$0x12];
	s6 =	sshrl.u32 s6, $0x3  }
0x3ad: {  	[hbm:s7@s3], [sflag:s5] =	dma.strided [spmem:s6@s30], $0x50, s21, $0x10   }
0x3ae: {  	s6 =	sld [smem:$0x7A4];
	_ =	sdelay $0x2  }
0x3af: {  	s7 =	rddreg [dreg:$0x13];
	s6 =	sshrl.u32 s6, $0x3  }
0x3b0: {  	[hbm:s7@s3], [sflag:s5] =	dma.strided [spmem:s6@s30], $0x50, s21, $0x10   }
0x3b1: {  	s6 =	sld [smem:$0x7A5];
	_ =	sdelay $0x2  }
0x3b2: {  	s7 =	rddreg [dreg:$0x14];
	s6 =	sshrl.u32 s6, $0x3  }
0x3b3: {  	[hbm:s7@s3], [sflag:s5] =	dma.strided [spmem:s6@s30], $0x50, s21, $0x10   }
0x3b4: {  	s6 =	sld [smem:$0x7A6];
	_ =	sdelay $0x2  }
0x3b5: {  	s7 =	rddreg [dreg:$0x15];
	s6 =	sshrl.u32 s6, $0x3  }
0x3b6: {  	[hbm:s7@s3], [sflag:s5] =	dma.strided [spmem:s6@s30], $0x50, s21, $0x10   }
0x3b7: {  	s6 =	sld [smem:$0x7A7];
	_ =	sdelay $0x2  }
0x3b8: {  	s7 =	rddreg [dreg:$0x16];
	s6 =	sshrl.u32 s6, $0x3  }
0x3b9: {  	[hbm:s7@s3], [sflag:s5] =	dma.strided [spmem:s6@s30], $0x50, s21, $0x10   }
0x3ba: {  	s6 =	sld [smem:$0x7A8];
	_ =	sdelay $0x2  }
0x3bb: {  	s7 =	rddreg [dreg:$0x17];
	s6 =	sshrl.u32 s6, $0x3  }
0x3bc: {  	[hbm:s7@s3], [sflag:s5] =	dma.strided [spmem:s6@s30], $0x50, s21, $0x10   }
0x3bd: {  	s9 =	smov.u32 s12;
	s12 =	sshrl.u32 s13, $0x3;
	s7 =	rddreg [dreg:$0x18]  }
0x3be: {  	[hbm:s7@s3], [sflag:s5] =	dma.strided [spmem:s12@s30], $0x50, s21, $0x10   }
0x3bf: {  	s8 =	sshrl.u32 s14, $0x3;
	s7 =	rddreg [dreg:$0x19]  }
0x3c0: {  	[hbm:s7@s3], [sflag:s5] =	dma.strided [spmem:s8@s30], $0x50, s21, $0x10   }
0x3c1: {  	s11 =	sshrl.u32 s15, $0x3;
	s7 =	rddreg [dreg:$0x1a]  }
0x3c2: {  	[hbm:s7@s3], [sflag:s5] =	dma.strided [spmem:s11@s30], $0x50, s21, $0x10   }
0x3c3: {  	s12 =	sshrl.u32 s16, $0x3;
	s7 =	rddreg [dreg:$0x1b]  }
0x3c4: {  	[hbm:s7@s3], [sflag:s5] =	dma.strided [spmem:s12@s30], $0x50, s21, $0x10   }
0x3c5: {  	s8 =	sshrl.u32 s17, $0x3;
	s7 =	rddreg [dreg:$0x1c]  }
0x3c6: {  	[hbm:s7@s3], [sflag:s5] =	dma.strided [spmem:s8@s30], $0x50, s21, $0x10   }
0x3c7: {  	s11 =	sshrl.u32 s18, $0x3;
	s7 =	rddreg [dreg:$0x1d]  }
0x3c8: {  	[hbm:s7@s3], [sflag:s5] =	dma.strided [spmem:s11@s30], $0x50, s21, $0x10   }
0x3c9: {  	_ =	swait.ge [sflag:s21], $0x50  }
0x3ca: {  	[sflag:s21] =	ssyncset.done $0x0  }
0x3cb: {  	[sflag:s21] =	ssyncadd.s32 $0xFFFFFFB0  }
0x3cc: {  	_ =	swait.ge [sflag:s21], $0x50  }
0x3cd: {  	[sflag:s21] =	ssyncset.done $0x0  }
0x3ce: {  	[sflag:s21] =	ssyncadd.s32 $0xFFFFFFB0  }
0x3cf: {  	_ =	swait.ge [sflag:s21], $0x50  }
0x3d0: {  	[sflag:s21] =	ssyncset.done $0x0  }
0x3d1: {  	[sflag:s21] =	ssyncadd.s32 $0xFFFFFFB0  }
0x3d2: {  	_ =	swait.ge [sflag:s21], $0x50  }
0x3d3: {  	[sflag:s21] =	ssyncset.done $0x0  }
0x3d4: {  	[sflag:s21] =	ssyncadd.s32 $0xFFFFFFB0  }
0x3d5: {  	_ =	swait.ge [sflag:s21], $0x50  }
0x3d6: {  	[sflag:s21] =	ssyncset.done $0x0  }
0x3d7: {  	[sflag:s21] =	ssyncadd.s32 $0xFFFFFFB0  }
0x3d8: {  	_ =	swait.ge [sflag:s21], $0x50  }
0x3d9: {  	[sflag:s21] =	ssyncset.done $0x0  }
0x3da: {  	[sflag:s21] =	ssyncadd.s32 $0xFFFFFFB0  }
0x3db: {  	_ =	swait.ge [sflag:s21], $0x50  }
0x3dc: {  	[sflag:s21] =	ssyncset.done $0x0  }
0x3dd: {  	[sflag:s21] =	ssyncadd.s32 $0xFFFFFFB0  }
0x3de: {  	_ =	swait.ge [sflag:s21], $0x50  }
0x3df: {  	[sflag:s21] =	ssyncset.done $0x0  }
0x3e0: {  	[sflag:s21] =	ssyncadd.s32 $0xFFFFFFB0  }
0x3e1: {  	_ =	swait.ge [sflag:s21], $0x50  }
0x3e2: {  	[sflag:s21] =	ssyncset.done $0x0  }
0x3e3: {  	[sflag:s21] =	ssyncadd.s32 $0xFFFFFFB0  }
0x3e4: {  	_ =	swait.ge [sflag:s21], $0x50  }
0x3e5: {  	[sflag:s21] =	ssyncset.done $0x0  }
0x3e6: {  	[sflag:s21] =	ssyncadd.s32 $0xFFFFFFB0  }
0x3e7: {  	_ =	swait.ge [sflag:s21], $0x50  }
0x3e8: {  	[sflag:s21] =	ssyncset.done $0x0  }
0x3e9: {  	[sflag:s21] =	ssyncadd.s32 $0xFFFFFFB0  }
0x3ea: {  	_ =	swait.ge [sflag:s21], $0x50  }
0x3eb: {  	[sflag:s21] =	ssyncset.done $0x0  }
0x3ec: {  	[sflag:s21] =	ssyncadd.s32 $0xFFFFFFB0  }
0x3ed: {  	_ =	swait.ge [sflag:s21], $0x50  }
0x3ee: {  	[sflag:s21] =	ssyncset.done $0x0  }
0x3ef: {  	[sflag:s21] =	ssyncadd.s32 $0xFFFFFFB0  }
0x3f0: {  	_ =	swait.ge [sflag:s21], $0x50  }
0x3f1: {  	[sflag:s21] =	ssyncset.done $0x0  }
0x3f2: {  	[sflag:s21] =	ssyncadd.s32 $0xFFFFFFB0  }
0x3f3: {  	_ =	swait.ge [sflag:s21], $0x50  }
0x3f4: {  	[sflag:s21] =	ssyncset.done $0x0  }
0x3f5: {  	[sflag:s21] =	ssyncadd.s32 $0xFFFFFFB0  }
0x3f6: {  	_ =	swait.ge [sflag:s21], $0x50  }
0x3f7: {  	s12 =	sld [smem:$0x7A0];
	_ =	sdelay $0x1  }
0x3f8: {  	s4 =	sadd.s32 $0x1, s4  }
0x3f9: {  	p0 =	sne.s32 s4, s12  }
.Ltmp5:
0x3fa: {  	_ = 	snop;
	(pc) =	sbr.rel @p0 .LBB2_1-.Ltmp5, $3  }
0x3fb: {  	_ =	sdelay $0x1  }
0x3fc: {  	[sflag:s21] =	ssyncset.done $0x0  }
0x3fd: {  	[sflag:s21] =	ssyncadd.s32 $0xFFFFFFB0  }
0x3fe: {  	_ =	sfence.sel $0x180000  }
0x3ff: {  	[bflag:$0x0] =	sbarrier.arrive $0xFFFF  }
0x400: {  	_ =	strace $0x90000047  }
0x401: {  	s0 =	stileid.u32;
	[bflag:$0x2] =	sbarrier.arrive $0xFFFF  }
0x402: {  	p0 =	sne.s32 s0, $0x0;
	s0 =	rddreg [dreg:$0x6]  }
0x403: {  	s0 =	sadd.s32 @!p0 $0x100000, s0  }
0x404: {  	[sflag:s0] =	ssyncadd.tile.s32 @!p0 $0x1;
	_ =	shalt  }
.Lfunc_end2:
_tile_overlayer_lowered:
.L_overlay_start_2:
0x405: {  	(tag) =	ssettag $0x2  }
0x406: {  	s0 =	rddreg [dreg:$0x0];
	s2 =	stileid.u32  }
0x407: {  	s1 =	rddreg [dreg:$0x1];
	p0 =	sne.s32 s2, $0x0  }
0x408: {  	s3 =	rddreg [dreg:$0x2];
	[bflag:$0x3] =	sbarrier.arrive $0xFFFF;
	s2 =	simm.s32 @!p0 $0x1C03  }
0x409: {  	[timem:s3], [sflag:s2] =	dma.local @!p0 [hbm:s0], s1  }
0x40a: {  	s0 =	simm.s32 @!p0 $0x3  }
0x40b: {  	_ =	swait.ge @!p0 [sflag:s0], s1  }
0x40c: {  	s1 =	ssub.s32 @!p0 $0x0, s1;
	[sflag:s0] =	ssyncset.done @!p0 $0x0  }
0x40d: {  	[sflag:s0] =	ssyncadd.s32 @!p0 s1  }
0x40e: {  	[bflag:$0x3] =	sbarrier.arrive $0xFFFF  }
0x40f: {  	_ =	shalt  }

</sc_bundles>
